<compile_context>
chip_gen: v7x
topology: tpu7x:2x2x1
jax: 0.10.2.dev20260603
libtpu: 0.0.44.dev20260713+nightly
codegen_flags: <defaults>
</compile_context>

<pallas_src>
import jax
import jax.numpy as jnp
from jax import lax
from jax.experimental import pallas as pl
from jax.experimental.pallas import tpu as pltpu
from jax.experimental.pallas import tpu_sc as plsc

N = 10000
E = 320000
D = 128
NP = 10240

NC = 2
NS = 16
NW = NC * NS
EW = E // NW
C = 40
NCHUNK = EW // C
L = 16

BN = 1000
BE = 2000



def _tc_weights_body(we_ref, wp0_ref, wa0_ref, wc_ref, wae_ref):
    we = we_ref[...]
    wc_ref[...] = jnp.dot(we, wp0_ref[...], preferred_element_type=jnp.float32)
    wae_ref[...] = lax.dot_general(
        wa0_ref[...].T, we, (((1,), (1,)), ((), ())),
        preferred_element_type=jnp.float32)


def _tc_nodes_body(h_ref, wh_ref, wp1_ref, wp2_ref, wa1_ref, wa2_ref,
                   zh_ref, ps_ref, pd_ref, as_ref, ad_ref):
    zh = jnp.dot(h_ref[...], wh_ref[...], preferred_element_type=jnp.float32)
    zh_ref[...] = zh
    ps_ref[...] = jnp.dot(zh, wp1_ref[...], preferred_element_type=jnp.float32)
    pd_ref[...] = jnp.dot(zh, wp2_ref[...], preferred_element_type=jnp.float32)
    as_ref[...] = jnp.sum(zh * wa1_ref[...], axis=1)[None, None, :]
    ad_ref[...] = jnp.sum(zh * wa2_ref[...], axis=1)[None, None, :]


def _tc_edges_body(e_ref, wc_ref, wae_ref, b_ref, ep_ref, ae_ref):
    eb = e_ref[...]
    ep_ref[...] = (
        jnp.dot(eb, wc_ref[...], preferred_element_type=jnp.float32)
        + b_ref[...])
    ae_ref[...] = jnp.sum(eb * wae_ref[...], axis=1)[None, None, :]



def _vec_loop(n, body):
    lax.fori_loop(0, n, lambda i, c: (body(i), c)[1], 0)



NPAIR = NCHUNK // 2


def _sc_edge_body(src_hbm, dst_hbm, ep0_hbm, ps_hbm, pd_hbm, zh_hbm,
                  ae_hbm, asrc_hbm, adst_hbm,
                  eproj_hbm, dden_hbm, hpart_hbm,
                  idx_s0, idx_d0, idx_w0, acc0, g10, g20, g30,
                  sae0, sas0, sad0, sex0,
                  idx_s1, idx_d1, idx_w1, acc1, g11, g21, g31,
                  sae1, sas1, sad1, sex1,
                  zb1, zb2, denom_sh, hacc_sh,
                  isem0, gsem0, ssem0, isem1, gsem1, ssem1):
    cid = lax.axis_index("c")
    sid = lax.axis_index("s")
    wid = sid * NC + cid
    strip = NP // NS

    def zero1(i):
        zb1[pl.ds(i * L, L)] = jnp.zeros((L,), jnp.float32)
    _vec_loop(strip // L, zero1)
    pltpu.sync_copy(zb1, denom_sh.at[pl.ds(sid * strip, strip)])

    def zero2(i):
        zb2[i // (D // L), pl.ds((i % (D // L)) * L, L)] = (
            jnp.zeros((L,), jnp.float32))
    _vec_loop((40 * D) // L, zero2)

    def zcopy(i):
        pltpu.sync_copy(zb2, hacc_sh.at[pl.ds(sid * strip + i * 40, 40)])
    _vec_loop(strip // 40, zcopy)
    plsc.subcore_barrier()

    S0 = (idx_s0, idx_d0, acc0, g10, g20, g30, sae0, sas0, sad0, sex0,
          isem0, gsem0, ssem0, idx_w0)
    S1 = (idx_s1, idx_d1, acc1, g11, g21, g31, sae1, sas1, sad1, sex1,
          isem1, gsem1, ssem1, idx_w1)

    def cbase(k):
        return wid * EW + k * C

    def issue_idx(S, k):
        b = cbase(k)
        pltpu.async_copy(src_hbm.at[pl.ds(b, C)], S[0], S[10])
        pltpu.async_copy(dst_hbm.at[pl.ds(b, C)], S[1], S[10])

    def wait_idx(S):
        pltpu.make_async_copy(src_hbm.at[pl.ds(0, C)], S[0], S[10]).wait()
        pltpu.make_async_copy(dst_hbm.at[pl.ds(0, C)], S[1], S[10]).wait()

    def issue_g(S, k):
        b = cbase(k)
        pltpu.async_copy(ps_hbm.at[S[0]], S[3], S[11])
        pltpu.async_copy(pd_hbm.at[S[1]], S[4], S[11])
        pltpu.async_copy(zh_hbm.at[S[0]], S[5], S[11])
        pltpu.async_copy(asrc_hbm.at[S[0]], S[7].at[pl.ds(0, C)], S[11])
        pltpu.async_copy(adst_hbm.at[S[1]], S[8].at[pl.ds(0, C)], S[11])
        pltpu.async_copy(ep0_hbm.at[pl.ds(b, C)], S[2], S[11])
        pltpu.async_copy(ae_hbm.at[pl.ds(b, C)], S[6].at[pl.ds(0, C)], S[11])

    def wait_g(S):
        for dst in (S[3], S[4], S[5]):
            pltpu.make_async_copy(ps_hbm.at[pl.ds(0, C)], dst, S[11]).wait()
        for dst in (S[7], S[8]):
            pltpu.make_async_copy(asrc_hbm.at[pl.ds(0, C)],
                                  dst.at[pl.ds(0, C)], S[11]).wait()
        pltpu.make_async_copy(ep0_hbm.at[pl.ds(0, C)], S[2], S[11]).wait()
        pltpu.make_async_copy(ae_hbm.at[pl.ds(0, C)],
                              S[6].at[pl.ds(0, C)], S[11]).wait()

    def compute(S):
        acc, g1, g2, g3 = S[2], S[3], S[4], S[5]
        sae, sas, sad, sex = S[6], S[7], S[8], S[9]

        def exp_vec(i):
            sl = pl.ds(i * L, L)
            sex[sl] = jnp.exp(sae[sl] + sas[sl] + sad[sl])
        _vec_loop((C + L - 1) // L, exp_vec)

        def row_work(r):
            a = sex[pl.ds(r, L)][0]
            for j in range(D // L):
                sl = pl.ds(j * L, L)
                acc[r, sl] = acc[r, sl] + g1[r, sl] + g2[r, sl]
                g3[r, sl] = g3[r, sl] * a
        _vec_loop(C, row_work)

    def emit(S, k):
        pltpu.async_copy(S[2], eproj_hbm.at[pl.ds(cbase(k), C)], S[12])
        pltpu.sync_copy(S[9].at[pl.ds(0, C)], denom_sh.at[S[1]], add=True)
        pltpu.sync_copy(S[5], hacc_sh.at[S[1]], add=True)

    def drain_emit(S):
        pltpu.make_async_copy(S[2], eproj_hbm.at[pl.ds(0, C)], S[12]).wait()

    pltpu.sync_copy(src_hbm.at[pl.ds(cbase(0), C)], idx_s0)
    pltpu.sync_copy(dst_hbm.at[pl.ds(cbase(0), C)], idx_d0)
    issue_g(S0, 0)
    pltpu.sync_copy(src_hbm.at[pl.ds(cbase(1), C)], idx_s1)
    pltpu.sync_copy(dst_hbm.at[pl.ds(cbase(1), C)], idx_d1)
    issue_g(S1, 1)

    def pair(t, carry):
        a = 2 * t
        b = 2 * t + 1
        wait_g(S0)
        compute(S0)
        emit(S0, a)

        @pl.when(t < NPAIR - 1)
        def _():
            issue_idx(S0, a + 2)
        wait_g(S1)

        @pl.when(t < NPAIR - 1)
        def _():
            drain_emit(S0)
            wait_idx(S0)
            issue_g(S0, a + 2)
        compute(S1)
        emit(S1, b)

        @pl.when(t < NPAIR - 1)
        def _():
            issue_idx(S1, b + 2)
            drain_emit(S1)
            wait_idx(S1)
            issue_g(S1, b + 2)
        return carry

    lax.fori_loop(0, NPAIR, pair, 0)
    drain_emit(S0)
    drain_emit(S1)

    plsc.subcore_barrier()
    pltpu.sync_copy(denom_sh.at[pl.ds(sid * strip, strip)],
                    dden_hbm.at[pl.ds(cid * NP + sid * strip, strip)])
    pltpu.sync_copy(hacc_sh.at[pl.ds(sid * strip, strip)],
                    hpart_hbm.at[pl.ds(cid * NP + sid * strip, strip)])



_RW = NP // NW
_SB = 80


def _sc_final_body(dden_hbm, hpart_hbm, hout_hbm,
                   a0, a1, d0, d1, dv, sem):
    cid = lax.axis_index("c")
    sid = lax.axis_index("s")
    wid = sid * NC + cid

    for j in range(_RW // _SB):
        rbase = wid * _RW + j * _SB

        @pl.when(rbase < N)
        def _():
            cp1 = pltpu.async_copy(hpart_hbm.at[pl.ds(rbase, _SB)], a0, sem)
            cp2 = pltpu.async_copy(hpart_hbm.at[pl.ds(NP + rbase, _SB)], a1,
                                   sem)
            pltpu.sync_copy(dden_hbm.at[pl.ds(rbase, _SB)], d0)
            pltpu.sync_copy(dden_hbm.at[pl.ds(NP + rbase, _SB)], d1)
            cp1.wait()
            cp2.wait()

            def inv_vec(i):
                sl = pl.ds(i * L, L)
                s = d0[sl] + d1[sl]
                dv[sl] = jnp.where(s > 0.0, 1.0 / s, 1.0)
            _vec_loop(_SB // L, inv_vec)

            def row_div(r):
                w = dv[pl.ds(r, L)][0]
                for jj in range(D // L):
                    sl = pl.ds(jj * L, L)
                    a0[r, sl] = (a0[r, sl] + a1[r, sl]) * w
            _vec_loop(_SB, row_div)
            pltpu.sync_copy(a0, hout_hbm.at[pl.ds(rbase, _SB)])



@jax.jit
def kernel(h, e, edge_index, W_h, W_e, W_proj, b_proj, W_attn):
    f32 = jnp.float32
    src = edge_index[0].astype(jnp.int32)
    dst = edge_index[1].astype(jnp.int32)
    wp0, wp1, wp2 = W_proj[:D], W_proj[D:2 * D], W_proj[2 * D:]
    wa1_row = W_attn[D:2 * D, 0][None, :]
    wa2_row = W_attn[2 * D:, 0][None, :]
    b_row = b_proj[None, :]

    wc, wae_row = pl.pallas_call(
        _tc_weights_body,
        out_shape=(jax.ShapeDtypeStruct((D, D), f32),
                   jax.ShapeDtypeStruct((1, D), f32)),
    )(W_e, wp0, W_attn[:D])

    full = lambda s: pl.BlockSpec(s, lambda i: tuple(0 for _ in s))
    zh, p_src, p_dst, a_src2, a_dst2 = pl.pallas_call(
        _tc_nodes_body,
        grid=(N // BN,),
        in_specs=[pl.BlockSpec((BN, D), lambda i: (i, 0)),
                  full((D, D)), full((D, D)), full((D, D)),
                  full((1, D)), full((1, D))],
        out_specs=[pl.BlockSpec((BN, D), lambda i: (i, 0)),
                   pl.BlockSpec((BN, D), lambda i: (i, 0)),
                   pl.BlockSpec((BN, D), lambda i: (i, 0)),
                   pl.BlockSpec((1, 1, BN), lambda i: (i, 0, 0)),
                   pl.BlockSpec((1, 1, BN), lambda i: (i, 0, 0))],
        out_shape=(jax.ShapeDtypeStruct((N, D), f32),
                   jax.ShapeDtypeStruct((N, D), f32),
                   jax.ShapeDtypeStruct((N, D), f32),
                   jax.ShapeDtypeStruct((N // BN, 1, BN), f32),
                   jax.ShapeDtypeStruct((N // BN, 1, BN), f32)),
    )(h, W_h, wp1, wp2, wa1_row, wa2_row)
    a_src = a_src2.reshape(N)
    a_dst = a_dst2.reshape(N)

    ep0, ae2 = pl.pallas_call(
        _tc_edges_body,
        grid=(E // BE,),
        in_specs=[pl.BlockSpec((BE, D), lambda i: (i, 0)),
                  full((D, D)), full((1, D)), full((1, D))],
        out_specs=[pl.BlockSpec((BE, D), lambda i: (i, 0)),
                   pl.BlockSpec((1, 1, BE), lambda i: (i, 0, 0))],
        out_shape=(jax.ShapeDtypeStruct((E, D), f32),
                   jax.ShapeDtypeStruct((E // BE, 1, BE), f32)),
    )(e, wc, wae_row, b_row)
    ae = ae2.reshape(E)

    mesh = plsc.VectorSubcoreMesh(core_axis_name="c", subcore_axis_name="s")

    sc_edge = pl.kernel(
        _sc_edge_body,
        out_type=(jax.ShapeDtypeStruct((E, D), f32),
                  jax.ShapeDtypeStruct((NC * NP,), f32),
                  jax.ShapeDtypeStruct((NC * NP, D), f32)),
        mesh=mesh,
        scratch_types=(
            [pltpu.VMEM((C,), jnp.int32), pltpu.VMEM((C,), jnp.int32),
             pltpu.VMEM((C,), jnp.int32),
             pltpu.VMEM((C, D), f32), pltpu.VMEM((C, D), f32),
             pltpu.VMEM((C, D), f32), pltpu.VMEM((C, D), f32),
             pltpu.VMEM((C + 8,), f32), pltpu.VMEM((C + 8,), f32),
             pltpu.VMEM((C + 8,), f32), pltpu.VMEM((C + L,), f32)] * 2
            + [pltpu.VMEM((NP // NS,), f32), pltpu.VMEM((40, D), f32),
               pltpu.VMEM_SHARED((NP,), f32),
               pltpu.VMEM_SHARED((NP, D), f32)]
            + [pltpu.SemaphoreType.DMA] * 6
        ),
    )
    e_proj, dden, hpart = sc_edge(src, dst, ep0, p_src, p_dst, zh,
                                  ae, a_src, a_dst)

    sc_final = pl.kernel(
        _sc_final_body,
        out_type=jax.ShapeDtypeStruct((N, D), f32),
        mesh=mesh,
        scratch_types=[
            pltpu.VMEM((_SB, D), f32), pltpu.VMEM((_SB, D), f32),
            pltpu.VMEM((_SB,), f32), pltpu.VMEM((_SB,), f32),
            pltpu.VMEM((_SB + L,), f32),
            pltpu.SemaphoreType.DMA,
        ],
    )
    h_out = sc_final(dden, hpart)

    return (h_out, e_proj)

# --- scband reference (transcript-rebuilt; emitter-appended) ---
"""Pipeline reference for scband-simple-gatsingle-head-layer-edge-repr-feat-83476984365540 (READ-ONLY COPY).

The authoritative reference and input builder live on the scoring server;
editing this copy changes nothing except your own understanding.
"""

import jax, jax.numpy as jnp
import numpy as np

N_NODES = 10000
N_EDGES = 320000
D = 128

def setup_inputs(seed: int = 0) -> dict:
    key = jax.random.key(seed)
    ks = jax.random.split(key, 9)
    h = jax.random.normal(ks[0], (N_NODES, D), dtype=jnp.float32)
    e = jax.random.normal(ks[1], (N_EDGES, D), dtype=jnp.float32)
    edge_index = jax.random.randint(ks[2], (2, N_EDGES), 0, N_NODES, dtype=jnp.int64)
    # learned params (n_mlp_layer=1 => each MultiLinearLayer is a single Linear)
    W_h = jax.random.normal(ks[3], (D, D), dtype=jnp.float32) * 0.05   # linear_h, bias=False
    W_e = jax.random.normal(ks[4], (D, D), dtype=jnp.float32) * 0.05   # linear_e, bias=False
    W_proj = jax.random.normal(ks[5], (3 * D, D), dtype=jnp.float32) * 0.05  # proj, bias=True
    b_proj = jnp.zeros((D,), dtype=jnp.float32)
    W_attn = jax.random.normal(ks[6], (3 * D, 1), dtype=jnp.float32) * 0.05  # attn_linear, bias=False
    return {"h": h, "e": e, "edge_index": edge_index, "W_h": W_h, "W_e": W_e,
            "W_proj": W_proj, "b_proj": b_proj, "W_attn": W_attn}

def reference(h, e, edge_index, W_h, W_e, W_proj, b_proj, W_attn):
    # batch_norm=False, dropout=0.0 (eval) -> identity
    src = edge_index[0]
    dst = edge_index[1]
    n = h.shape[0]
    z_h = h @ W_h                       # [N, D]
    z_e = e @ W_e                       # [E, D]
    # apply_edges: edge_attention
    z = jnp.concatenate([z_e, z_h[src], z_h[dst]], axis=1)   # [E, 3D]
    e_proj = z @ W_proj + b_proj                              # [E, D]
    attn = (z @ W_attn)[:, 0]                                 # [E]
    # update_all: per-destination softmax over incoming edges, weighted sum of src z_h
    m = jax.ops.segment_max(attn, dst, num_segments=n)
    m = jnp.where(jnp.isfinite(m), m, 0.0)
    m = jax.lax.stop_gradient(m)
    ex = jnp.exp(attn - m[dst])
    denom = jax.ops.segment_sum(ex, dst, num_segments=n)
    alpha = ex / jnp.where(denom[dst] > 0, denom[dst], 1.0)
    h_out = jax.ops.segment_sum(alpha[:, None] * z_h[src], dst, num_segments=n)  # [N, D]
    return (h_out, e_proj)

if __name__ == "__main__":
    import jax
    _d = setup_inputs()
    print(jax.jit(kernel)(*tuple(_d.values())))

</pallas_src>

<mosaic_0001>
#map = affine_map<(d0, d1) -> (0)>
#map1 = affine_map<(d0, d1) -> (0, 0)>
module attributes {stable_mosaic.version = 14 : i64} {
  func.func @_sc_final_body(%arg0: i32, %arg1: i32, %arg2: memref<20480xf32, #tpu.memory_space<hbm>>, %arg3: memref<20480x128xf32, #tpu.memory_space<hbm>>, %arg4: memref<10000x128xf32, #tpu.memory_space<hbm>>, %arg5: memref<80x128xf32, #tpu.memory_space<vmem>>, %arg6: memref<80x128xf32, #tpu.memory_space<vmem>>, %arg7: memref<80xf32, #tpu.memory_space<vmem>>, %arg8: memref<80xf32, #tpu.memory_space<vmem>>, %arg9: memref<96xf32, #tpu.memory_space<vmem>>, %arg10: memref<!tpu.dma_semaphore, #tpu.memory_space<semaphore_mem>>) attributes {dimension_semantics = [#tpu.dimension_semantics<core_parallel>, #tpu.dimension_semantics<subcore_parallel>], iteration_bounds = array<i64: 2, 16>, scalar_prefetch = 0 : i64, scratch_operands = 6 : i64, tpu.core_type = #tpu.core_type<sc_vector_subcore>, window_params = [{transform_indices = #map}, {transform_indices = #map1}, {transform_indices = #map1}]} {
    %mul3A = arith.constant 2 : i32
    %mul3A_0 = arith.muli %arg1, %mul3A : i32
    %add3A = arith.addi %mul3A_0, %arg0 : i32
    %mul3A_1 = arith.constant 320 : i32
    %mul3A_2 = arith.muli %add3A, %mul3A_1 : i32
    %add3A_3 = arith.constant 0 : i32
    %add3A_4 = arith.addi %mul3A_2, %add3A_3 : i32
    %lt3A = arith.constant 10000 : i32
    %lt3A_5 = arith.cmpi slt, %add3A_4, %lt3A : i32
    %convert_element_type3A = arith.extui %lt3A_5 : i1 to i32
    %cond3A = arith.constant 0 : i32
    %cond3A_6 = arith.cmpi ne, %convert_element_type3A, %cond3A : i32
    scf.if %cond3A_6 {
      %dma_start3A = arith.constant 0 : i32
      %dma_start3A_34 = tpu.memref_slice %arg3[%add3A_4, %dma_start3A] : memref<20480x128xf32, #tpu.memory_space<hbm>> -> memref<80x128xf32, #tpu.memory_space<hbm>>
      %dma_start3A_35 = arith.constant 0 : i32
      %dma_start3A_36 = tpu.memref_slice %arg3[%add3A_4, %dma_start3A_35] : memref<20480x128xf32, #tpu.memory_space<hbm>> -> memref<80x128xf32, #tpu.memory_space<hbm>>
      tpu.enqueue_dma source(%dma_start3A_36 : memref<80x128xf32, #tpu.memory_space<hbm>>) target(%arg5 : memref<80x128xf32, #tpu.memory_space<vmem>>) target_semaphore(%arg10 : memref<!tpu.dma_semaphore, #tpu.memory_space<semaphore_mem>>)
      %add3A_37 = arith.constant 10240 : i32
      %add3A_38 = arith.addi %add3A_37, %add3A_4 : i32
      %dma_start3A_39 = arith.constant 0 : i32
      %dma_start3A_40 = tpu.memref_slice %arg3[%add3A_38, %dma_start3A_39] : memref<20480x128xf32, #tpu.memory_space<hbm>> -> memref<80x128xf32, #tpu.memory_space<hbm>>
      %dma_start3A_41 = arith.constant 0 : i32
      %dma_start3A_42 = tpu.memref_slice %arg3[%add3A_38, %dma_start3A_41] : memref<20480x128xf32, #tpu.memory_space<hbm>> -> memref<80x128xf32, #tpu.memory_space<hbm>>
      tpu.enqueue_dma source(%dma_start3A_42 : memref<80x128xf32, #tpu.memory_space<hbm>>) target(%arg6 : memref<80x128xf32, #tpu.memory_space<vmem>>) target_semaphore(%arg10 : memref<!tpu.dma_semaphore, #tpu.memory_space<semaphore_mem>>)
      "tpu.region"() ({
        %run_scoped3A = tpu.sem_alloc : memref<!tpu.dma_semaphore, #tpu.memory_space<semaphore_mem>>
        %dma_start3A_63 = tpu.memref_slice %arg2[%add3A_4] : memref<20480xf32, #tpu.memory_space<hbm>> -> memref<80xf32, #tpu.memory_space<hbm>>
        %dma_start3A_64 = tpu.memref_slice %arg2[%add3A_4] : memref<20480xf32, #tpu.memory_space<hbm>> -> memref<80xf32, #tpu.memory_space<hbm>>
        tpu.enqueue_dma source(%dma_start3A_64 : memref<80xf32, #tpu.memory_space<hbm>>) target(%arg7 : memref<80xf32, #tpu.memory_space<vmem>>) target_semaphore(%run_scoped3A : memref<!tpu.dma_semaphore, #tpu.memory_space<semaphore_mem>>)
        %dma_wait3A_65 = tpu.memref_slice %arg2[%add3A_4] : memref<20480xf32, #tpu.memory_space<hbm>> -> memref<80xf32, #tpu.memory_space<hbm>>
        %dma_wait3A_66 = tpu.memref_slice %arg2[%add3A_4] : memref<20480xf32, #tpu.memory_space<hbm>> -> memref<80xf32, #tpu.memory_space<hbm>>
        tpu.wait_dma2 semaphore(%run_scoped3A : memref<!tpu.dma_semaphore, #tpu.memory_space<semaphore_mem>>) src(%dma_wait3A_66 : memref<80xf32, #tpu.memory_space<hbm>>) dst(%arg7 : memref<80xf32, #tpu.memory_space<vmem>>)
        tpu.yield
      }) : () -> ()
      %add3A_43 = arith.constant 10240 : i32
      %add3A_44 = arith.addi %add3A_43, %add3A_4 : i32
      "tpu.region"() ({
        %run_scoped3A = tpu.sem_alloc : memref<!tpu.dma_semaphore, #tpu.memory_space<semaphore_mem>>
        %dma_start3A_63 = tpu.memref_slice %arg2[%add3A_44] : memref<20480xf32, #tpu.memory_space<hbm>> -> memref<80xf32, #tpu.memory_space<hbm>>
        %dma_start3A_64 = tpu.memref_slice %arg2[%add3A_44] : memref<20480xf32, #tpu.memory_space<hbm>> -> memref<80xf32, #tpu.memory_space<hbm>>
        tpu.enqueue_dma source(%dma_start3A_64 : memref<80xf32, #tpu.memory_space<hbm>>) target(%arg8 : memref<80xf32, #tpu.memory_space<vmem>>) target_semaphore(%run_scoped3A : memref<!tpu.dma_semaphore, #tpu.memory_space<semaphore_mem>>)
        %dma_wait3A_65 = tpu.memref_slice %arg2[%add3A_44] : memref<20480xf32, #tpu.memory_space<hbm>> -> memref<80xf32, #tpu.memory_space<hbm>>
        %dma_wait3A_66 = tpu.memref_slice %arg2[%add3A_44] : memref<20480xf32, #tpu.memory_space<hbm>> -> memref<80xf32, #tpu.memory_space<hbm>>
        tpu.wait_dma2 semaphore(%run_scoped3A : memref<!tpu.dma_semaphore, #tpu.memory_space<semaphore_mem>>) src(%dma_wait3A_66 : memref<80xf32, #tpu.memory_space<hbm>>) dst(%arg8 : memref<80xf32, #tpu.memory_space<vmem>>)
        tpu.yield
      }) : () -> ()
      %dma_wait3A = arith.constant 0 : i32
      %dma_wait3A_45 = tpu.memref_slice %arg3[%add3A_4, %dma_wait3A] : memref<20480x128xf32, #tpu.memory_space<hbm>> -> memref<80x128xf32, #tpu.memory_space<hbm>>
      %dma_wait3A_46 = arith.constant 0 : i32
      %dma_wait3A_47 = tpu.memref_slice %arg3[%add3A_4, %dma_wait3A_46] : memref<20480x128xf32, #tpu.memory_space<hbm>> -> memref<80x128xf32, #tpu.memory_space<hbm>>
      tpu.wait_dma2 semaphore(%arg10 : memref<!tpu.dma_semaphore, #tpu.memory_space<semaphore_mem>>) src(%dma_wait3A_47 : memref<80x128xf32, #tpu.memory_space<hbm>>) dst(%arg5 : memref<80x128xf32, #tpu.memory_space<vmem>>)
      %dma_wait3A_48 = arith.constant 0 : i32
      %dma_wait3A_49 = tpu.memref_slice %arg3[%add3A_38, %dma_wait3A_48] : memref<20480x128xf32, #tpu.memory_space<hbm>> -> memref<80x128xf32, #tpu.memory_space<hbm>>
      %dma_wait3A_50 = arith.constant 0 : i32
      %dma_wait3A_51 = tpu.memref_slice %arg3[%add3A_38, %dma_wait3A_50] : memref<20480x128xf32, #tpu.memory_space<hbm>> -> memref<80x128xf32, #tpu.memory_space<hbm>>
      tpu.wait_dma2 semaphore(%arg10 : memref<!tpu.dma_semaphore, #tpu.memory_space<semaphore_mem>>) src(%dma_wait3A_51 : memref<80x128xf32, #tpu.memory_space<hbm>>) dst(%arg6 : memref<80x128xf32, #tpu.memory_space<vmem>>)
      %scan3A = arith.constant 0 : i32
      %scan3A_52 = arith.constant 0 : i32
      %scan3A_53 = arith.constant 5 : i32
      %scan3A_54 = arith.addi %scan3A_52, %scan3A_53 : i32
      %scan3A_55 = arith.constant 1 : i32
      scf.for %scan3A_63 = %scan3A_52 to %scan3A_54 step %scan3A_55  : i32 {
        %mul3A_64 = arith.constant 16 : i32
        %mul3A_65 = arith.muli %scan3A_63, %mul3A_64 : i32
        %get3A = arith.index_cast %mul3A_65 : i32 to index
        %get3A_66 = tpu.vector_load %arg7[%get3A] {strides = array<i32>} : memref<80xf32, #tpu.memory_space<vmem>>, vector<16xf32>,
        %get3A_67 = vector.shape_cast %get3A_66 : vector<16xf32> to vector<16xf32>
        %get3A_68 = arith.index_cast %mul3A_65 : i32 to index
        %get3A_69 = tpu.vector_load %arg8[%get3A_68] {strides = array<i32>} : memref<80xf32, #tpu.memory_space<vmem>>, vector<16xf32>,
        %get3A_70 = vector.shape_cast %get3A_69 : vector<16xf32> to vector<16xf32>
        %add3A_71 = arith.addf %get3A_67, %get3A_70 : vector<16xf32>
        %gt3A = arith.constant 0.000000e+00 : f32
        %gt3A_72 = vector.broadcast %gt3A : f32 to vector<16xf32>
        %gt3A_73 = arith.cmpf ogt, %add3A_71, %gt3A_72 : vector<16xf32>
        %div3A = arith.constant 1.000000e+00 : f32
        %div3A_74 = vector.broadcast %div3A : f32 to vector<16xf32>
        %div3A_75 = arith.divf %div3A_74, %add3A_71 : vector<16xf32>
        %jit3A = arith.constant 1.000000e+00 : f32
        %broadcast_in_dim3A = vector.broadcast %jit3A : f32 to vector<16xf32>
        %select_n3A = arith.select %gt3A_73, %div3A_75, %broadcast_in_dim3A : vector<16xi1>, vector<16xf32>
        %swap3A = arith.index_cast %mul3A_65 : i32 to index
        %swap3A_76 = tpu.vector_load %arg9[%swap3A] {strides = array<i32>} : memref<96xf32, #tpu.memory_space<vmem>>, vector<16xf32>,
        %swap3A_77 = vector.shape_cast %swap3A_76 : vector<16xf32> to vector<16xf32>
        %swap3A_78 = vector.shape_cast %select_n3A : vector<16xf32> to vector<16xf32>
        tpu.vector_store %arg9[%swap3A], %swap3A_78 {strides = array<i32>} : memref<96xf32, #tpu.memory_space<vmem>>, vector<16xf32>,
      }
      %scan3A_56 = arith.constant 5 : i32
      %scan3A_57 = arith.constant 0 : i32
      %scan3A_58 = arith.constant 0 : i32
      %scan3A_59 = arith.constant 80 : i32
      %scan3A_60 = arith.addi %scan3A_58, %scan3A_59 : i32
      %scan3A_61 = arith.constant 1 : i32
      scf.for %scan3A_63 = %scan3A_58 to %scan3A_60 step %scan3A_61  : i32 {
        %get3A = arith.index_cast %scan3A_63 : i32 to index
        %get3A_64 = tpu.vector_load %arg9[%get3A] {strides = array<i32>} : memref<96xf32, #tpu.memory_space<vmem>>, vector<16xf32>,
        %get3A_65 = vector.shape_cast %get3A_64 : vector<16xf32> to vector<16xf32>
        %slice3A = vector.extract_strided_slice %get3A_65 {offsets = [0], sizes = [1], strides = [1]} : vector<16xf32> to vector<1xf32>
        %squeeze3A = vector.extract %slice3A[0] : f32 from vector<1xf32>
        %get3A_66 = arith.index_cast %scan3A_63 : i32 to index
        %get3A_67 = arith.constant 0 : index
        %get3A_68 = tpu.vector_load %arg5[%get3A_66, %get3A_67] {strides = array<i32>} : memref<80x128xf32, #tpu.memory_space<vmem>>, vector<1x16xf32>,
        %get3A_69 = vector.shape_cast %get3A_68 : vector<1x16xf32> to vector<16xf32>
        %get3A_70 = arith.index_cast %scan3A_63 : i32 to index
        %get3A_71 = arith.constant 0 : index
        %get3A_72 = tpu.vector_load %arg6[%get3A_70, %get3A_71] {strides = array<i32>} : memref<80x128xf32, #tpu.memory_space<vmem>>, vector<1x16xf32>,
        %get3A_73 = vector.shape_cast %get3A_72 : vector<1x16xf32> to vector<16xf32>
        %add3A_74 = arith.addf %get3A_69, %get3A_73 : vector<16xf32>
        %mul3A_75 = vector.broadcast %squeeze3A : f32 to vector<16xf32>
        %mul3A_76 = arith.mulf %add3A_74, %mul3A_75 : vector<16xf32>
        %swap3A = arith.index_cast %scan3A_63 : i32 to index
        %swap3A_77 = arith.constant 0 : index
        %swap3A_78 = tpu.vector_load %arg5[%swap3A, %swap3A_77] {strides = array<i32>} : memref<80x128xf32, #tpu.memory_space<vmem>>, vector<1x16xf32>,
        %swap3A_79 = vector.shape_cast %swap3A_78 : vector<1x16xf32> to vector<16xf32>
        %swap3A_80 = vector.shape_cast %mul3A_76 : vector<16xf32> to vector<1x16xf32>
        tpu.vector_store %arg5[%swap3A, %swap3A_77], %swap3A_80 {strides = array<i32>} : memref<80x128xf32, #tpu.memory_space<vmem>>, vector<1x16xf32>,
        %get3A_81 = arith.index_cast %scan3A_63 : i32 to index
        %get3A_82 = arith.constant 16 : index
        %get3A_83 = tpu.vector_load %arg5[%get3A_81, %get3A_82] {strides = array<i32>} : memref<80x128xf32, #tpu.memory_space<vmem>>, vector<1x16xf32>,
        %get3A_84 = vector.shape_cast %get3A_83 : vector<1x16xf32> to vector<16xf32>
        %get3A_85 = arith.index_cast %scan3A_63 : i32 to index
        %get3A_86 = arith.constant 16 : index
        %get3A_87 = tpu.vector_load %arg6[%get3A_85, %get3A_86] {strides = array<i32>} : memref<80x128xf32, #tpu.memory_space<vmem>>, vector<1x16xf32>,
        %get3A_88 = vector.shape_cast %get3A_87 : vector<1x16xf32> to vector<16xf32>
        %add3A_89 = arith.addf %get3A_84, %get3A_88 : vector<16xf32>
        %mul3A_90 = vector.broadcast %squeeze3A : f32 to vector<16xf32>
        %mul3A_91 = arith.mulf %add3A_89, %mul3A_90 : vector<16xf32>
        %swap3A_92 = arith.index_cast %scan3A_63 : i32 to index
        %swap3A_93 = arith.constant 16 : index
        %swap3A_94 = tpu.vector_load %arg5[%swap3A_92, %swap3A_93] {strides = array<i32>} : memref<80x128xf32, #tpu.memory_space<vmem>>, vector<1x16xf32>,
        %swap3A_95 = vector.shape_cast %swap3A_94 : vector<1x16xf32> to vector<16xf32>
        %swap3A_96 = vector.shape_cast %mul3A_91 : vector<16xf32> to vector<1x16xf32>
        tpu.vector_store %arg5[%swap3A_92, %swap3A_93], %swap3A_96 {strides = array<i32>} : memref<80x128xf32, #tpu.memory_space<vmem>>, vector<1x16xf32>,
        %get3A_97 = arith.index_cast %scan3A_63 : i32 to index
        %get3A_98 = arith.constant 32 : index
        %get3A_99 = tpu.vector_load %arg5[%get3A_97, %get3A_98] {strides = array<i32>} : memref<80x128xf32, #tpu.memory_space<vmem>>, vector<1x16xf32>,
        %get3A_100 = vector.shape_cast %get3A_99 : vector<1x16xf32> to vector<16xf32>
        %get3A_101 = arith.index_cast %scan3A_63 : i32 to index
        %get3A_102 = arith.constant 32 : index
        %get3A_103 = tpu.vector_load %arg6[%get3A_101, %get3A_102] {strides = array<i32>} : memref<80x128xf32, #tpu.memory_space<vmem>>, vector<1x16xf32>,
        %get3A_104 = vector.shape_cast %get3A_103 : vector<1x16xf32> to vector<16xf32>
        %add3A_105 = arith.addf %get3A_100, %get3A_104 : vector<16xf32>
        %mul3A_106 = vector.broadcast %squeeze3A : f32 to vector<16xf32>
        %mul3A_107 = arith.mulf %add3A_105, %mul3A_106 : vector<16xf32>
        %swap3A_108 = arith.index_cast %scan3A_63 : i32 to index
        %swap3A_109 = arith.constant 32 : index
        %swap3A_110 = tpu.vector_load %arg5[%swap3A_108, %swap3A_109] {strides = array<i32>} : memref<80x128xf32, #tpu.memory_space<vmem>>, vector<1x16xf32>,
        %swap3A_111 = vector.shape_cast %swap3A_110 : vector<1x16xf32> to vector<16xf32>
        %swap3A_112 = vector.shape_cast %mul3A_107 : vector<16xf32> to vector<1x16xf32>
        tpu.vector_store %arg5[%swap3A_108, %swap3A_109], %swap3A_112 {strides = array<i32>} : memref<80x128xf32, #tpu.memory_space<vmem>>, vector<1x16xf32>,
        %get3A_113 = arith.index_cast %scan3A_63 : i32 to index
        %get3A_114 = arith.constant 48 : index
        %get3A_115 = tpu.vector_load %arg5[%get3A_113, %get3A_114] {strides = array<i32>} : memref<80x128xf32, #tpu.memory_space<vmem>>, vector<1x16xf32>,
        %get3A_116 = vector.shape_cast %get3A_115 : vector<1x16xf32> to vector<16xf32>
        %get3A_117 = arith.index_cast %scan3A_63 : i32 to index
        %get3A_118 = arith.constant 48 : index
        %get3A_119 = tpu.vector_load %arg6[%get3A_117, %get3A_118] {strides = array<i32>} : memref<80x128xf32, #tpu.memory_space<vmem>>, vector<1x16xf32>,
        %get3A_120 = vector.shape_cast %get3A_119 : vector<1x16xf32> to vector<16xf32>
        %add3A_121 = arith.addf %get3A_116, %get3A_120 : vector<16xf32>
        %mul3A_122 = vector.broadcast %squeeze3A : f32 to vector<16xf32>
        %mul3A_123 = arith.mulf %add3A_121, %mul3A_122 : vector<16xf32>
        %swap3A_124 = arith.index_cast %scan3A_63 : i32 to index
        %swap3A_125 = arith.constant 48 : index
        %swap3A_126 = tpu.vector_load %arg5[%swap3A_124, %swap3A_125] {strides = array<i32>} : memref<80x128xf32, #tpu.memory_space<vmem>>, vector<1x16xf32>,
        %swap3A_127 = vector.shape_cast %swap3A_126 : vector<1x16xf32> to vector<16xf32>
        %swap3A_128 = vector.shape_cast %mul3A_123 : vector<16xf32> to vector<1x16xf32>
        tpu.vector_store %arg5[%swap3A_124, %swap3A_125], %swap3A_128 {strides = array<i32>} : memref<80x128xf32, #tpu.memory_space<vmem>>, vector<1x16xf32>,
        %get3A_129 = arith.index_cast %scan3A_63 : i32 to index
        %get3A_130 = arith.constant 64 : index
        %get3A_131 = tpu.vector_load %arg5[%get3A_129, %get3A_130] {strides = array<i32>} : memref<80x128xf32, #tpu.memory_space<vmem>>, vector<1x16xf32>,
        %get3A_132 = vector.shape_cast %get3A_131 : vector<1x16xf32> to vector<16xf32>
        %get3A_133 = arith.index_cast %scan3A_63 : i32 to index
        %get3A_134 = arith.constant 64 : index
        %get3A_135 = tpu.vector_load %arg6[%get3A_133, %get3A_134] {strides = array<i32>} : memref<80x128xf32, #tpu.memory_space<vmem>>, vector<1x16xf32>,
        %get3A_136 = vector.shape_cast %get3A_135 : vector<1x16xf32> to vector<16xf32>
        %add3A_137 = arith.addf %get3A_132, %get3A_136 : vector<16xf32>
        %mul3A_138 = vector.broadcast %squeeze3A : f32 to vector<16xf32>
        %mul3A_139 = arith.mulf %add3A_137, %mul3A_138 : vector<16xf32>
        %swap3A_140 = arith.index_cast %scan3A_63 : i32 to index
        %swap3A_141 = arith.constant 64 : index
        %swap3A_142 = tpu.vector_load %arg5[%swap3A_140, %swap3A_141] {strides = array<i32>} : memref<80x128xf32, #tpu.memory_space<vmem>>, vector<1x16xf32>,
        %swap3A_143 = vector.shape_cast %swap3A_142 : vector<1x16xf32> to vector<16xf32>
        %swap3A_144 = vector.shape_cast %mul3A_139 : vector<16xf32> to vector<1x16xf32>
        tpu.vector_store %arg5[%swap3A_140, %swap3A_141], %swap3A_144 {strides = array<i32>} : memref<80x128xf32, #tpu.memory_space<vmem>>, vector<1x16xf32>,
        %get3A_145 = arith.index_cast %scan3A_63 : i32 to index
        %get3A_146 = arith.constant 80 : index
        %get3A_147 = tpu.vector_load %arg5[%get3A_145, %get3A_146] {strides = array<i32>} : memref<80x128xf32, #tpu.memory_space<vmem>>, vector<1x16xf32>,
        %get3A_148 = vector.shape_cast %get3A_147 : vector<1x16xf32> to vector<16xf32>
        %get3A_149 = arith.index_cast %scan3A_63 : i32 to index
        %get3A_150 = arith.constant 80 : index
        %get3A_151 = tpu.vector_load %arg6[%get3A_149, %get3A_150] {strides = array<i32>} : memref<80x128xf32, #tpu.memory_space<vmem>>, vector<1x16xf32>,
        %get3A_152 = vector.shape_cast %get3A_151 : vector<1x16xf32> to vector<16xf32>
        %add3A_153 = arith.addf %get3A_148, %get3A_152 : vector<16xf32>
        %mul3A_154 = vector.broadcast %squeeze3A : f32 to vector<16xf32>
        %mul3A_155 = arith.mulf %add3A_153, %mul3A_154 : vector<16xf32>
        %swap3A_156 = arith.index_cast %scan3A_63 : i32 to index
        %swap3A_157 = arith.constant 80 : index
        %swap3A_158 = tpu.vector_load %arg5[%swap3A_156, %swap3A_157] {strides = array<i32>} : memref<80x128xf32, #tpu.memory_space<vmem>>, vector<1x16xf32>,
        %swap3A_159 = vector.shape_cast %swap3A_158 : vector<1x16xf32> to vector<16xf32>
        %swap3A_160 = vector.shape_cast %mul3A_155 : vector<16xf32> to vector<1x16xf32>
        tpu.vector_store %arg5[%swap3A_156, %swap3A_157], %swap3A_160 {strides = array<i32>} : memref<80x128xf32, #tpu.memory_space<vmem>>, vector<1x16xf32>,
        %get3A_161 = arith.index_cast %scan3A_63 : i32 to index
        %get3A_162 = arith.constant 96 : index
        %get3A_163 = tpu.vector_load %arg5[%get3A_161, %get3A_162] {strides = array<i32>} : memref<80x128xf32, #tpu.memory_space<vmem>>, vector<1x16xf32>,
        %get3A_164 = vector.shape_cast %get3A_163 : vector<1x16xf32> to vector<16xf32>
        %get3A_165 = arith.index_cast %scan3A_63 : i32 to index
        %get3A_166 = arith.constant 96 : index
        %get3A_167 = tpu.vector_load %arg6[%get3A_165, %get3A_166] {strides = array<i32>} : memref<80x128xf32, #tpu.memory_space<vmem>>, vector<1x16xf32>,
        %get3A_168 = vector.shape_cast %get3A_167 : vector<1x16xf32> to vector<16xf32>
        %add3A_169 = arith.addf %get3A_164, %get3A_168 : vector<16xf32>
        %mul3A_170 = vector.broadcast %squeeze3A : f32 to vector<16xf32>
        %mul3A_171 = arith.mulf %add3A_169, %mul3A_170 : vector<16xf32>
        %swap3A_172 = arith.index_cast %scan3A_63 : i32 to index
        %swap3A_173 = arith.constant 96 : index
        %swap3A_174 = tpu.vector_load %arg5[%swap3A_172, %swap3A_173] {strides = array<i32>} : memref<80x128xf32, #tpu.memory_space<vmem>>, vector<1x16xf32>,
        %swap3A_175 = vector.shape_cast %swap3A_174 : vector<1x16xf32> to vector<16xf32>
        %swap3A_176 = vector.shape_cast %mul3A_171 : vector<16xf32> to vector<1x16xf32>
        tpu.vector_store %arg5[%swap3A_172, %swap3A_173], %swap3A_176 {strides = array<i32>} : memref<80x128xf32, #tpu.memory_space<vmem>>, vector<1x16xf32>,
        %get3A_177 = arith.index_cast %scan3A_63 : i32 to index
        %get3A_178 = arith.constant 112 : index
        %get3A_179 = tpu.vector_load %arg5[%get3A_177, %get3A_178] {strides = array<i32>} : memref<80x128xf32, #tpu.memory_space<vmem>>, vector<1x16xf32>,
        %get3A_180 = vector.shape_cast %get3A_179 : vector<1x16xf32> to vector<16xf32>
        %get3A_181 = arith.index_cast %scan3A_63 : i32 to index
        %get3A_182 = arith.constant 112 : index
        %get3A_183 = tpu.vector_load %arg6[%get3A_181, %get3A_182] {strides = array<i32>} : memref<80x128xf32, #tpu.memory_space<vmem>>, vector<1x16xf32>,
        %get3A_184 = vector.shape_cast %get3A_183 : vector<1x16xf32> to vector<16xf32>
        %add3A_185 = arith.addf %get3A_180, %get3A_184 : vector<16xf32>
        %mul3A_186 = vector.broadcast %squeeze3A : f32 to vector<16xf32>
        %mul3A_187 = arith.mulf %add3A_185, %mul3A_186 : vector<16xf32>
        %swap3A_188 = arith.index_cast %scan3A_63 : i32 to index
        %swap3A_189 = arith.constant 112 : index
        %swap3A_190 = tpu.vector_load %arg5[%swap3A_188, %swap3A_189] {strides = array<i32>} : memref<80x128xf32, #tpu.memory_space<vmem>>, vector<1x16xf32>,
        %swap3A_191 = vector.shape_cast %swap3A_190 : vector<1x16xf32> to vector<16xf32>
        %swap3A_192 = vector.shape_cast %mul3A_187 : vector<16xf32> to vector<1x16xf32>
        tpu.vector_store %arg5[%swap3A_188, %swap3A_189], %swap3A_192 {strides = array<i32>} : memref<80x128xf32, #tpu.memory_space<vmem>>, vector<1x16xf32>,
      }
      %scan3A_62 = arith.constant 80 : i32
      "tpu.region"() ({
        %run_scoped3A = tpu.sem_alloc : memref<!tpu.dma_semaphore, #tpu.memory_space<semaphore_mem>>
        %dma_start3A_63 = arith.constant 0 : i32
        %dma_start3A_64 = tpu.memref_slice %arg4[%add3A_4, %dma_start3A_63] : memref<10000x128xf32, #tpu.memory_space<hbm>> -> memref<80x128xf32, #tpu.memory_space<hbm>>
        %dma_start3A_65 = arith.constant 0 : i32
        %dma_start3A_66 = tpu.memref_slice %arg4[%add3A_4, %dma_start3A_65] : memref<10000x128xf32, #tpu.memory_space<hbm>> -> memref<80x128xf32, #tpu.memory_space<hbm>>
        tpu.enqueue_dma source(%arg5 : memref<80x128xf32, #tpu.memory_space<vmem>>) target(%dma_start3A_66 : memref<80x128xf32, #tpu.memory_space<hbm>>) target_semaphore(%run_scoped3A : memref<!tpu.dma_semaphore, #tpu.memory_space<semaphore_mem>>)
        %dma_wait3A_67 = arith.constant 0 : i32
        %dma_wait3A_68 = tpu.memref_slice %arg4[%add3A_4, %dma_wait3A_67] : memref<10000x128xf32, #tpu.memory_space<hbm>> -> memref<80x128xf32, #tpu.memory_space<hbm>>
        %dma_wait3A_69 = arith.constant 0 : i32
        %dma_wait3A_70 = tpu.memref_slice %arg4[%add3A_4, %dma_wait3A_69] : memref<10000x128xf32, #tpu.memory_space<hbm>> -> memref<80x128xf32, #tpu.memory_space<hbm>>
        tpu.wait_dma2 semaphore(%run_scoped3A : memref<!tpu.dma_semaphore, #tpu.memory_space<semaphore_mem>>) src(%arg5 : memref<80x128xf32, #tpu.memory_space<vmem>>) dst(%dma_wait3A_70 : memref<80x128xf32, #tpu.memory_space<hbm>>)
        tpu.yield
      }) : () -> ()
    } else {
    }
    %mul3A_7 = arith.constant 320 : i32
    %mul3A_8 = arith.muli %add3A, %mul3A_7 : i32
    %add3A_9 = arith.constant 80 : i32
    %add3A_10 = arith.addi %mul3A_8, %add3A_9 : i32
    %lt3A_11 = arith.constant 10000 : i32
    %lt3A_12 = arith.cmpi slt, %add3A_10, %lt3A_11 : i32
    %convert_element_type3A_13 = arith.extui %lt3A_12 : i1 to i32
    %cond3A_14 = arith.constant 0 : i32
    %cond3A_15 = arith.cmpi ne, %convert_element_type3A_13, %cond3A_14 : i32
    scf.if %cond3A_15 {
      %dma_start3A = arith.constant 0 : i32
      %dma_start3A_34 = tpu.memref_slice %arg3[%add3A_10, %dma_start3A] : memref<20480x128xf32, #tpu.memory_space<hbm>> -> memref<80x128xf32, #tpu.memory_space<hbm>>
      %dma_start3A_35 = arith.constant 0 : i32
      %dma_start3A_36 = tpu.memref_slice %arg3[%add3A_10, %dma_start3A_35] : memref<20480x128xf32, #tpu.memory_space<hbm>> -> memref<80x128xf32, #tpu.memory_space<hbm>>
      tpu.enqueue_dma source(%dma_start3A_36 : memref<80x128xf32, #tpu.memory_space<hbm>>) target(%arg5 : memref<80x128xf32, #tpu.memory_space<vmem>>) target_semaphore(%arg10 : memref<!tpu.dma_semaphore, #tpu.memory_space<semaphore_mem>>)
      %add3A_37 = arith.constant 10240 : i32
      %add3A_38 = arith.addi %add3A_37, %add3A_10 : i32
      %dma_start3A_39 = arith.constant 0 : i32
      %dma_start3A_40 = tpu.memref_slice %arg3[%add3A_38, %dma_start3A_39] : memref<20480x128xf32, #tpu.memory_space<hbm>> -> memref<80x128xf32, #tpu.memory_space<hbm>>
      %dma_start3A_41 = arith.constant 0 : i32
      %dma_start3A_42 = tpu.memref_slice %arg3[%add3A_38, %dma_start3A_41] : memref<20480x128xf32, #tpu.memory_space<hbm>> -> memref<80x128xf32, #tpu.memory_space<hbm>>
      tpu.enqueue_dma source(%dma_start3A_42 : memref<80x128xf32, #tpu.memory_space<hbm>>) target(%arg6 : memref<80x128xf32, #tpu.memory_space<vmem>>) target_semaphore(%arg10 : memref<!tpu.dma_semaphore, #tpu.memory_space<semaphore_mem>>)
      "tpu.region"() ({
        %run_scoped3A = tpu.sem_alloc : memref<!tpu.dma_semaphore, #tpu.memory_space<semaphore_mem>>
        %dma_start3A_63 = tpu.memref_slice %arg2[%add3A_10] : memref<20480xf32, #tpu.memory_space<hbm>> -> memref<80xf32, #tpu.memory_space<hbm>>
        %dma_start3A_64 = tpu.memref_slice %arg2[%add3A_10] : memref<20480xf32, #tpu.memory_space<hbm>> -> memref<80xf32, #tpu.memory_space<hbm>>
        tpu.enqueue_dma source(%dma_start3A_64 : memref<80xf32, #tpu.memory_space<hbm>>) target(%arg7 : memref<80xf32, #tpu.memory_space<vmem>>) target_semaphore(%run_scoped3A : memref<!tpu.dma_semaphore, #tpu.memory_space<semaphore_mem>>)
        %dma_wait3A_65 = tpu.memref_slice %arg2[%add3A_10] : memref<20480xf32, #tpu.memory_space<hbm>> -> memref<80xf32, #tpu.memory_space<hbm>>
        %dma_wait3A_66 = tpu.memref_slice %arg2[%add3A_10] : memref<20480xf32, #tpu.memory_space<hbm>> -> memref<80xf32, #tpu.memory_space<hbm>>
        tpu.wait_dma2 semaphore(%run_scoped3A : memref<!tpu.dma_semaphore, #tpu.memory_space<semaphore_mem>>) src(%dma_wait3A_66 : memref<80xf32, #tpu.memory_space<hbm>>) dst(%arg7 : memref<80xf32, #tpu.memory_space<vmem>>)
        tpu.yield
      }) : () -> ()
      %add3A_43 = arith.constant 10240 : i32
      %add3A_44 = arith.addi %add3A_43, %add3A_10 : i32
      "tpu.region"() ({
        %run_scoped3A = tpu.sem_alloc : memref<!tpu.dma_semaphore, #tpu.memory_space<semaphore_mem>>
        %dma_start3A_63 = tpu.memref_slice %arg2[%add3A_44] : memref<20480xf32, #tpu.memory_space<hbm>> -> memref<80xf32, #tpu.memory_space<hbm>>
        %dma_start3A_64 = tpu.memref_slice %arg2[%add3A_44] : memref<20480xf32, #tpu.memory_space<hbm>> -> memref<80xf32, #tpu.memory_space<hbm>>
        tpu.enqueue_dma source(%dma_start3A_64 : memref<80xf32, #tpu.memory_space<hbm>>) target(%arg8 : memref<80xf32, #tpu.memory_space<vmem>>) target_semaphore(%run_scoped3A : memref<!tpu.dma_semaphore, #tpu.memory_space<semaphore_mem>>)
        %dma_wait3A_65 = tpu.memref_slice %arg2[%add3A_44] : memref<20480xf32, #tpu.memory_space<hbm>> -> memref<80xf32, #tpu.memory_space<hbm>>
        %dma_wait3A_66 = tpu.memref_slice %arg2[%add3A_44] : memref<20480xf32, #tpu.memory_space<hbm>> -> memref<80xf32, #tpu.memory_space<hbm>>
        tpu.wait_dma2 semaphore(%run_scoped3A : memref<!tpu.dma_semaphore, #tpu.memory_space<semaphore_mem>>) src(%dma_wait3A_66 : memref<80xf32, #tpu.memory_space<hbm>>) dst(%arg8 : memref<80xf32, #tpu.memory_space<vmem>>)
        tpu.yield
      }) : () -> ()
      %dma_wait3A = arith.constant 0 : i32
      %dma_wait3A_45 = tpu.memref_slice %arg3[%add3A_10, %dma_wait3A] : memref<20480x128xf32, #tpu.memory_space<hbm>> -> memref<80x128xf32, #tpu.memory_space<hbm>>
      %dma_wait3A_46 = arith.constant 0 : i32
      %dma_wait3A_47 = tpu.memref_slice %arg3[%add3A_10, %dma_wait3A_46] : memref<20480x128xf32, #tpu.memory_space<hbm>> -> memref<80x128xf32, #tpu.memory_space<hbm>>
      tpu.wait_dma2 semaphore(%arg10 : memref<!tpu.dma_semaphore, #tpu.memory_space<semaphore_mem>>) src(%dma_wait3A_47 : memref<80x128xf32, #tpu.memory_space<hbm>>) dst(%arg5 : memref<80x128xf32, #tpu.memory_space<vmem>>)
      %dma_wait3A_48 = arith.constant 0 : i32
      %dma_wait3A_49 = tpu.memref_slice %arg3[%add3A_38, %dma_wait3A_48] : memref<20480x128xf32, #tpu.memory_space<hbm>> -> memref<80x128xf32, #tpu.memory_space<hbm>>
      %dma_wait3A_50 = arith.constant 0 : i32
      %dma_wait3A_51 = tpu.memref_slice %arg3[%add3A_38, %dma_wait3A_50] : memref<20480x128xf32, #tpu.memory_space<hbm>> -> memref<80x128xf32, #tpu.memory_space<hbm>>
      tpu.wait_dma2 semaphore(%arg10 : memref<!tpu.dma_semaphore, #tpu.memory_space<semaphore_mem>>) src(%dma_wait3A_51 : memref<80x128xf32, #tpu.memory_space<hbm>>) dst(%arg6 : memref<80x128xf32, #tpu.memory_space<vmem>>)
      %scan3A = arith.constant 0 : i32
      %scan3A_52 = arith.constant 0 : i32
      %scan3A_53 = arith.constant 5 : i32
      %scan3A_54 = arith.addi %scan3A_52, %scan3A_53 : i32
      %scan3A_55 = arith.constant 1 : i32
      scf.for %scan3A_63 = %scan3A_52 to %scan3A_54 step %scan3A_55  : i32 {
        %mul3A_64 = arith.constant 16 : i32
        %mul3A_65 = arith.muli %scan3A_63, %mul3A_64 : i32
        %get3A = arith.index_cast %mul3A_65 : i32 to index
        %get3A_66 = tpu.vector_load %arg7[%get3A] {strides = array<i32>} : memref<80xf32, #tpu.memory_space<vmem>>, vector<16xf32>,
        %get3A_67 = vector.shape_cast %get3A_66 : vector<16xf32> to vector<16xf32>
        %get3A_68 = arith.index_cast %mul3A_65 : i32 to index
        %get3A_69 = tpu.vector_load %arg8[%get3A_68] {strides = array<i32>} : memref<80xf32, #tpu.memory_space<vmem>>, vector<16xf32>,
        %get3A_70 = vector.shape_cast %get3A_69 : vector<16xf32> to vector<16xf32>
        %add3A_71 = arith.addf %get3A_67, %get3A_70 : vector<16xf32>
        %gt3A = arith.constant 0.000000e+00 : f32
        %gt3A_72 = vector.broadcast %gt3A : f32 to vector<16xf32>
        %gt3A_73 = arith.cmpf ogt, %add3A_71, %gt3A_72 : vector<16xf32>
        %div3A = arith.constant 1.000000e+00 : f32
        %div3A_74 = vector.broadcast %div3A : f32 to vector<16xf32>
        %div3A_75 = arith.divf %div3A_74, %add3A_71 : vector<16xf32>
        %jit3A = arith.constant 1.000000e+00 : f32
        %broadcast_in_dim3A = vector.broadcast %jit3A : f32 to vector<16xf32>
        %select_n3A = arith.select %gt3A_73, %div3A_75, %broadcast_in_dim3A : vector<16xi1>, vector<16xf32>
        %swap3A = arith.index_cast %mul3A_65 : i32 to index
        %swap3A_76 = tpu.vector_load %arg9[%swap3A] {strides = array<i32>} : memref<96xf32, #tpu.memory_space<vmem>>, vector<16xf32>,
        %swap3A_77 = vector.shape_cast %swap3A_76 : vector<16xf32> to vector<16xf32>
        %swap3A_78 = vector.shape_cast %select_n3A : vector<16xf32> to vector<16xf32>
        tpu.vector_store %arg9[%swap3A], %swap3A_78 {strides = array<i32>} : memref<96xf32, #tpu.memory_space<vmem>>, vector<16xf32>,
      }
      %scan3A_56 = arith.constant 5 : i32
      %scan3A_57 = arith.constant 0 : i32
      %scan3A_58 = arith.constant 0 : i32
      %scan3A_59 = arith.constant 80 : i32
      %scan3A_60 = arith.addi %scan3A_58, %scan3A_59 : i32
      %scan3A_61 = arith.constant 1 : i32
      scf.for %scan3A_63 = %scan3A_58 to %scan3A_60 step %scan3A_61  : i32 {
        %get3A = arith.index_cast %scan3A_63 : i32 to index
        %get3A_64 = tpu.vector_load %arg9[%get3A] {strides = array<i32>} : memref<96xf32, #tpu.memory_space<vmem>>, vector<16xf32>,
        %get3A_65 = vector.shape_cast %get3A_64 : vector<16xf32> to vector<16xf32>
        %slice3A = vector.extract_strided_slice %get3A_65 {offsets = [0], sizes = [1], strides = [1]} : vector<16xf32> to vector<1xf32>
        %squeeze3A = vector.extract %slice3A[0] : f32 from vector<1xf32>
        %get3A_66 = arith.index_cast %scan3A_63 : i32 to index
        %get3A_67 = arith.constant 0 : index
        %get3A_68 = tpu.vector_load %arg5[%get3A_66, %get3A_67] {strides = array<i32>} : memref<80x128xf32, #tpu.memory_space<vmem>>, vector<1x16xf32>,
        %get3A_69 = vector.shape_cast %get3A_68 : vector<1x16xf32> to vector<16xf32>
        %get3A_70 = arith.index_cast %scan3A_63 : i32 to index
        %get3A_71 = arith.constant 0 : index
        %get3A_72 = tpu.vector_load %arg6[%get3A_70, %get3A_71] {strides = array<i32>} : memref<80x128xf32, #tpu.memory_space<vmem>>, vector<1x16xf32>,
        %get3A_73 = vector.shape_cast %get3A_72 : vector<1x16xf32> to vector<16xf32>
        %add3A_74 = arith.addf %get3A_69, %get3A_73 : vector<16xf32>
        %mul3A_75 = vector.broadcast %squeeze3A : f32 to vector<16xf32>
        %mul3A_76 = arith.mulf %add3A_74, %mul3A_75 : vector<16xf32>
        %swap3A = arith.index_cast %scan3A_63 : i32 to index
        %swap3A_77 = arith.constant 0 : index
        %swap3A_78 = tpu.vector_load %arg5[%swap3A, %swap3A_77] {strides = array<i32>} : memref<80x128xf32, #tpu.memory_space<vmem>>, vector<1x16xf32>,
        %swap3A_79 = vector.shape_cast %swap3A_78 : vector<1x16xf32> to vector<16xf32>
        %swap3A_80 = vector.shape_cast %mul3A_76 : vector<16xf32> to vector<1x16xf32>
        tpu.vector_store %arg5[%swap3A, %swap3A_77], %swap3A_80 {strides = array<i32>} : memref<80x128xf32, #tpu.memory_space<vmem>>, vector<1x16xf32>,
        %get3A_81 = arith.index_cast %scan3A_63 : i32 to index
        %get3A_82 = arith.constant 16 : index
        %get3A_83 = tpu.vector_load %arg5[%get3A_81, %get3A_82] {strides = array<i32>} : memref<80x128xf32, #tpu.memory_space<vmem>>, vector<1x16xf32>,
        %get3A_84 = vector.shape_cast %get3A_83 : vector<1x16xf32> to vector<16xf32>
        %get3A_85 = arith.index_cast %scan3A_63 : i32 to index
        %get3A_86 = arith.constant 16 : index
        %get3A_87 = tpu.vector_load %arg6[%get3A_85, %get3A_86] {strides = array<i32>} : memref<80x128xf32, #tpu.memory_space<vmem>>, vector<1x16xf32>,
        %get3A_88 = vector.shape_cast %get3A_87 : vector<1x16xf32> to vector<16xf32>
        %add3A_89 = arith.addf %get3A_84, %get3A_88 : vector<16xf32>
        %mul3A_90 = vector.broadcast %squeeze3A : f32 to vector<16xf32>
        %mul3A_91 = arith.mulf %add3A_89, %mul3A_90 : vector<16xf32>
        %swap3A_92 = arith.index_cast %scan3A_63 : i32 to index
        %swap3A_93 = arith.constant 16 : index
        %swap3A_94 = tpu.vector_load %arg5[%swap3A_92, %swap3A_93] {strides = array<i32>} : memref<80x128xf32, #tpu.memory_space<vmem>>, vector<1x16xf32>,
        %swap3A_95 = vector.shape_cast %swap3A_94 : vector<1x16xf32> to vector<16xf32>
        %swap3A_96 = vector.shape_cast %mul3A_91 : vector<16xf32> to vector<1x16xf32>
        tpu.vector_store %arg5[%swap3A_92, %swap3A_93], %swap3A_96 {strides = array<i32>} : memref<80x128xf32, #tpu.memory_space<vmem>>, vector<1x16xf32>,
        %get3A_97 = arith.index_cast %scan3A_63 : i32 to index
        %get3A_98 = arith.constant 32 : index
        %get3A_99 = tpu.vector_load %arg5[%get3A_97, %get3A_98] {strides = array<i32>} : memref<80x128xf32, #tpu.memory_space<vmem>>, vector<1x16xf32>,
        %get3A_100 = vector.shape_cast %get3A_99 : vector<1x16xf32> to vector<16xf32>
        %get3A_101 = arith.index_cast %scan3A_63 : i32 to index
        %get3A_102 = arith.constant 32 : index
        %get3A_103 = tpu.vector_load %arg6[%get3A_101, %get3A_102] {strides = array<i32>} : memref<80x128xf32, #tpu.memory_space<vmem>>, vector<1x16xf32>,
        %get3A_104 = vector.shape_cast %get3A_103 : vector<1x16xf32> to vector<16xf32>
        %add3A_105 = arith.addf %get3A_100, %get3A_104 : vector<16xf32>
        %mul3A_106 = vector.broadcast %squeeze3A : f32 to vector<16xf32>
        %mul3A_107 = arith.mulf %add3A_105, %mul3A_106 : vector<16xf32>
        %swap3A_108 = arith.index_cast %scan3A_63 : i32 to index
        %swap3A_109 = arith.constant 32 : index
        %swap3A_110 = tpu.vector_load %arg5[%swap3A_108, %swap3A_109] {strides = array<i32>} : memref<80x128xf32, #tpu.memory_space<vmem>>, vector<1x16xf32>,
        %swap3A_111 = vector.shape_cast %swap3A_110 : vector<1x16xf32> to vector<16xf32>
        %swap3A_112 = vector.shape_cast %mul3A_107 : vector<16xf32> to vector<1x16xf32>
        tpu.vector_store %arg5[%swap3A_108, %swap3A_109], %swap3A_112 {strides = array<i32>} : memref<80x128xf32, #tpu.memory_space<vmem>>, vector<1x16xf32>,
        %get3A_113 = arith.index_cast %scan3A_63 : i32 to index
        %get3A_114 = arith.constant 48 : index
        %get3A_115 = tpu.vector_load %arg5[%get3A_113, %get3A_114] {strides = array<i32>} : memref<80x128xf32, #tpu.memory_space<vmem>>, vector<1x16xf32>,
        %get3A_116 = vector.shape_cast %get3A_115 : vector<1x16xf32> to vector<16xf32>
        %get3A_117 = arith.index_cast %scan3A_63 : i32 to index
        %get3A_118 = arith.constant 48 : index
        %get3A_119 = tpu.vector_load %arg6[%get3A_117, %get3A_118] {strides = array<i32>} : memref<80x128xf32, #tpu.memory_space<vmem>>, vector<1x16xf32>,
        %get3A_120 = vector.shape_cast %get3A_119 : vector<1x16xf32> to vector<16xf32>
        %add3A_121 = arith.addf %get3A_116, %get3A_120 : vector<16xf32>
        %mul3A_122 = vector.broadcast %squeeze3A : f32 to vector<16xf32>
        %mul3A_123 = arith.mulf %add3A_121, %mul3A_122 : vector<16xf32>
        %swap3A_124 = arith.index_cast %scan3A_63 : i32 to index
        %swap3A_125 = arith.constant 48 : index
        %swap3A_126 = tpu.vector_load %arg5[%swap3A_124, %swap3A_125] {strides = array<i32>} : memref<80x128xf32, #tpu.memory_space<vmem>>, vector<1x16xf32>,
        %swap3A_127 = vector.shape_cast %swap3A_126 : vector<1x16xf32> to vector<16xf32>
        %swap3A_128 = vector.shape_cast %mul3A_123 : vector<16xf32> to vector<1x16xf32>
        tpu.vector_store %arg5[%swap3A_124, %swap3A_125], %swap3A_128 {strides = array<i32>} : memref<80x128xf32, #tpu.memory_space<vmem>>, vector<1x16xf32>,
        %get3A_129 = arith.index_cast %scan3A_63 : i32 to index
        %get3A_130 = arith.constant 64 : index
        %get3A_131 = tpu.vector_load %arg5[%get3A_129, %get3A_130] {strides = array<i32>} : memref<80x128xf32, #tpu.memory_space<vmem>>, vector<1x16xf32>,
        %get3A_132 = vector.shape_cast %get3A_131 : vector<1x16xf32> to vector<16xf32>
        %get3A_133 = arith.index_cast %scan3A_63 : i32 to index
        %get3A_134 = arith.constant 64 : index
        %get3A_135 = tpu.vector_load %arg6[%get3A_133, %get3A_134] {strides = array<i32>} : memref<80x128xf32, #tpu.memory_space<vmem>>, vector<1x16xf32>,
        %get3A_136 = vector.shape_cast %get3A_135 : vector<1x16xf32> to vector<16xf32>
        %add3A_137 = arith.addf %get3A_132, %get3A_136 : vector<16xf32>
        %mul3A_138 = vector.broadcast %squeeze3A : f32 to vector<16xf32>
        %mul3A_139 = arith.mulf %add3A_137, %mul3A_138 : vector<16xf32>
        %swap3A_140 = arith.index_cast %scan3A_63 : i32 to index
        %swap3A_141 = arith.constant 64 : index
        %swap3A_142 = tpu.vector_load %arg5[%swap3A_140, %swap3A_141] {strides = array<i32>} : memref<80x128xf32, #tpu.memory_space<vmem>>, vector<1x16xf32>,
        %swap3A_143 = vector.shape_cast %swap3A_142 : vector<1x16xf32> to vector<16xf32>
        %swap3A_144 = vector.shape_cast %mul3A_139 : vector<16xf32> to vector<1x16xf32>
        tpu.vector_store %arg5[%swap3A_140, %swap3A_141], %swap3A_144 {strides = array<i32>} : memref<80x128xf32, #tpu.memory_space<vmem>>, vector<1x16xf32>,
        %get3A_145 = arith.index_cast %scan3A_63 : i32 to index
        %get3A_146 = arith.constant 80 : index
        %get3A_147 = tpu.vector_load %arg5[%get3A_145, %get3A_146] {strides = array<i32>} : memref<80x128xf32, #tpu.memory_space<vmem>>, vector<1x16xf32>,
        %get3A_148 = vector.shape_cast %get3A_147 : vector<1x16xf32> to vector<16xf32>
        %get3A_149 = arith.index_cast %scan3A_63 : i32 to index
        %get3A_150 = arith.constant 80 : index
        %get3A_151 = tpu.vector_load %arg6[%get3A_149, %get3A_150] {strides = array<i32>} : memref<80x128xf32, #tpu.memory_space<vmem>>, vector<1x16xf32>,
        %get3A_152 = vector.shape_cast %get3A_151 : vector<1x16xf32> to vector<16xf32>
        %add3A_153 = arith.addf %get3A_148, %get3A_152 : vector<16xf32>
        %mul3A_154 = vector.broadcast %squeeze3A : f32 to vector<16xf32>
        %mul3A_155 = arith.mulf %add3A_153, %mul3A_154 : vector<16xf32>
        %swap3A_156 = arith.index_cast %scan3A_63 : i32 to index
        %swap3A_157 = arith.constant 80 : index
        %swap3A_158 = tpu.vector_load %arg5[%swap3A_156, %swap3A_157] {strides = array<i32>} : memref<80x128xf32, #tpu.memory_space<vmem>>, vector<1x16xf32>,
        %swap3A_159 = vector.shape_cast %swap3A_158 : vector<1x16xf32> to vector<16xf32>
        %swap3A_160 = vector.shape_cast %mul3A_155 : vector<16xf32> to vector<1x16xf32>
        tpu.vector_store %arg5[%swap3A_156, %swap3A_157], %swap3A_160 {strides = array<i32>} : memref<80x128xf32, #tpu.memory_space<vmem>>, vector<1x16xf32>,
        %get3A_161 = arith.index_cast %scan3A_63 : i32 to index
        %get3A_162 = arith.constant 96 : index
        %get3A_163 = tpu.vector_load %arg5[%get3A_161, %get3A_162] {strides = array<i32>} : memref<80x128xf32, #tpu.memory_space<vmem>>, vector<1x16xf32>,
        %get3A_164 = vector.shape_cast %get3A_163 : vector<1x16xf32> to vector<16xf32>
        %get3A_165 = arith.index_cast %scan3A_63 : i32 to index
        %get3A_166 = arith.constant 96 : index
        %get3A_167 = tpu.vector_load %arg6[%get3A_165, %get3A_166] {strides = array<i32>} : memref<80x128xf32, #tpu.memory_space<vmem>>, vector<1x16xf32>,
        %get3A_168 = vector.shape_cast %get3A_167 : vector<1x16xf32> to vector<16xf32>
        %add3A_169 = arith.addf %get3A_164, %get3A_168 : vector<16xf32>
        %mul3A_170 = vector.broadcast %squeeze3A : f32 to vector<16xf32>
        %mul3A_171 = arith.mulf %add3A_169, %mul3A_170 : vector<16xf32>
        %swap3A_172 = arith.index_cast %scan3A_63 : i32 to index
        %swap3A_173 = arith.constant 96 : index
        %swap3A_174 = tpu.vector_load %arg5[%swap3A_172, %swap3A_173] {strides = array<i32>} : memref<80x128xf32, #tpu.memory_space<vmem>>, vector<1x16xf32>,
        %swap3A_175 = vector.shape_cast %swap3A_174 : vector<1x16xf32> to vector<16xf32>
        %swap3A_176 = vector.shape_cast %mul3A_171 : vector<16xf32> to vector<1x16xf32>
        tpu.vector_store %arg5[%swap3A_172, %swap3A_173], %swap3A_176 {strides = array<i32>} : memref<80x128xf32, #tpu.memory_space<vmem>>, vector<1x16xf32>,
        %get3A_177 = arith.index_cast %scan3A_63 : i32 to index
        %get3A_178 = arith.constant 112 : index
        %get3A_179 = tpu.vector_load %arg5[%get3A_177, %get3A_178] {strides = array<i32>} : memref<80x128xf32, #tpu.memory_space<vmem>>, vector<1x16xf32>,
        %get3A_180 = vector.shape_cast %get3A_179 : vector<1x16xf32> to vector<16xf32>
        %get3A_181 = arith.index_cast %scan3A_63 : i32 to index
        %get3A_182 = arith.constant 112 : index
        %get3A_183 = tpu.vector_load %arg6[%get3A_181, %get3A_182] {strides = array<i32>} : memref<80x128xf32, #tpu.memory_space<vmem>>, vector<1x16xf32>,
        %get3A_184 = vector.shape_cast %get3A_183 : vector<1x16xf32> to vector<16xf32>
        %add3A_185 = arith.addf %get3A_180, %get3A_184 : vector<16xf32>
        %mul3A_186 = vector.broadcast %squeeze3A : f32 to vector<16xf32>
        %mul3A_187 = arith.mulf %add3A_185, %mul3A_186 : vector<16xf32>
        %swap3A_188 = arith.index_cast %scan3A_63 : i32 to index
        %swap3A_189 = arith.constant 112 : index
        %swap3A_190 = tpu.vector_load %arg5[%swap3A_188, %swap3A_189] {strides = array<i32>} : memref<80x128xf32, #tpu.memory_space<vmem>>, vector<1x16xf32>,
        %swap3A_191 = vector.shape_cast %swap3A_190 : vector<1x16xf32> to vector<16xf32>
        %swap3A_192 = vector.shape_cast %mul3A_187 : vector<16xf32> to vector<1x16xf32>
        tpu.vector_store %arg5[%swap3A_188, %swap3A_189], %swap3A_192 {strides = array<i32>} : memref<80x128xf32, #tpu.memory_space<vmem>>, vector<1x16xf32>,
      }
      %scan3A_62 = arith.constant 80 : i32
      "tpu.region"() ({
        %run_scoped3A = tpu.sem_alloc : memref<!tpu.dma_semaphore, #tpu.memory_space<semaphore_mem>>
        %dma_start3A_63 = arith.constant 0 : i32
        %dma_start3A_64 = tpu.memref_slice %arg4[%add3A_10, %dma_start3A_63] : memref<10000x128xf32, #tpu.memory_space<hbm>> -> memref<80x128xf32, #tpu.memory_space<hbm>>
        %dma_start3A_65 = arith.constant 0 : i32
        %dma_start3A_66 = tpu.memref_slice %arg4[%add3A_10, %dma_start3A_65] : memref<10000x128xf32, #tpu.memory_space<hbm>> -> memref<80x128xf32, #tpu.memory_space<hbm>>
        tpu.enqueue_dma source(%arg5 : memref<80x128xf32, #tpu.memory_space<vmem>>) target(%dma_start3A_66 : memref<80x128xf32, #tpu.memory_space<hbm>>) target_semaphore(%run_scoped3A : memref<!tpu.dma_semaphore, #tpu.memory_space<semaphore_mem>>)
        %dma_wait3A_67 = arith.constant 0 : i32
        %dma_wait3A_68 = tpu.memref_slice %arg4[%add3A_10, %dma_wait3A_67] : memref<10000x128xf32, #tpu.memory_space<hbm>> -> memref<80x128xf32, #tpu.memory_space<hbm>>
        %dma_wait3A_69 = arith.constant 0 : i32
        %dma_wait3A_70 = tpu.memref_slice %arg4[%add3A_10, %dma_wait3A_69] : memref<10000x128xf32, #tpu.memory_space<hbm>> -> memref<80x128xf32, #tpu.memory_space<hbm>>
        tpu.wait_dma2 semaphore(%run_scoped3A : memref<!tpu.dma_semaphore, #tpu.memory_space<semaphore_mem>>) src(%arg5 : memref<80x128xf32, #tpu.memory_space<vmem>>) dst(%dma_wait3A_70 : memref<80x128xf32, #tpu.memory_space<hbm>>)
        tpu.yield
      }) : () -> ()
    } else {
    }
    %mul3A_16 = arith.constant 320 : i32
    %mul3A_17 = arith.muli %add3A, %mul3A_16 : i32
    %add3A_18 = arith.constant 160 : i32
    %add3A_19 = arith.addi %mul3A_17, %add3A_18 : i32
    %lt3A_20 = arith.constant 10000 : i32
    %lt3A_21 = arith.cmpi slt, %add3A_19, %lt3A_20 : i32
    %convert_element_type3A_22 = arith.extui %lt3A_21 : i1 to i32
    %cond3A_23 = arith.constant 0 : i32
    %cond3A_24 = arith.cmpi ne, %convert_element_type3A_22, %cond3A_23 : i32
    scf.if %cond3A_24 {
      %dma_start3A = arith.constant 0 : i32
      %dma_start3A_34 = tpu.memref_slice %arg3[%add3A_19, %dma_start3A] : memref<20480x128xf32, #tpu.memory_space<hbm>> -> memref<80x128xf32, #tpu.memory_space<hbm>>
      %dma_start3A_35 = arith.constant 0 : i32
      %dma_start3A_36 = tpu.memref_slice %arg3[%add3A_19, %dma_start3A_35] : memref<20480x128xf32, #tpu.memory_space<hbm>> -> memref<80x128xf32, #tpu.memory_space<hbm>>
      tpu.enqueue_dma source(%dma_start3A_36 : memref<80x128xf32, #tpu.memory_space<hbm>>) target(%arg5 : memref<80x128xf32, #tpu.memory_space<vmem>>) target_semaphore(%arg10 : memref<!tpu.dma_semaphore, #tpu.memory_space<semaphore_mem>>)
      %add3A_37 = arith.constant 10240 : i32
      %add3A_38 = arith.addi %add3A_37, %add3A_19 : i32
      %dma_start3A_39 = arith.constant 0 : i32
      %dma_start3A_40 = tpu.memref_slice %arg3[%add3A_38, %dma_start3A_39] : memref<20480x128xf32, #tpu.memory_space<hbm>> -> memref<80x128xf32, #tpu.memory_space<hbm>>
      %dma_start3A_41 = arith.constant 0 : i32
      %dma_start3A_42 = tpu.memref_slice %arg3[%add3A_38, %dma_start3A_41] : memref<20480x128xf32, #tpu.memory_space<hbm>> -> memref<80x128xf32, #tpu.memory_space<hbm>>
      tpu.enqueue_dma source(%dma_start3A_42 : memref<80x128xf32, #tpu.memory_space<hbm>>) target(%arg6 : memref<80x128xf32, #tpu.memory_space<vmem>>) target_semaphore(%arg10 : memref<!tpu.dma_semaphore, #tpu.memory_space<semaphore_mem>>)
      "tpu.region"() ({
        %run_scoped3A = tpu.sem_alloc : memref<!tpu.dma_semaphore, #tpu.memory_space<semaphore_mem>>
        %dma_start3A_63 = tpu.memref_slice %arg2[%add3A_19] : memref<20480xf32, #tpu.memory_space<hbm>> -> memref<80xf32, #tpu.memory_space<hbm>>
        %dma_start3A_64 = tpu.memref_slice %arg2[%add3A_19] : memref<20480xf32, #tpu.memory_space<hbm>> -> memref<80xf32, #tpu.memory_space<hbm>>
        tpu.enqueue_dma source(%dma_start3A_64 : memref<80xf32, #tpu.memory_space<hbm>>) target(%arg7 : memref<80xf32, #tpu.memory_space<vmem>>) target_semaphore(%run_scoped3A : memref<!tpu.dma_semaphore, #tpu.memory_space<semaphore_mem>>)
        %dma_wait3A_65 = tpu.memref_slice %arg2[%add3A_19] : memref<20480xf32, #tpu.memory_space<hbm>> -> memref<80xf32, #tpu.memory_space<hbm>>
        %dma_wait3A_66 = tpu.memref_slice %arg2[%add3A_19] : memref<20480xf32, #tpu.memory_space<hbm>> -> memref<80xf32, #tpu.memory_space<hbm>>
        tpu.wait_dma2 semaphore(%run_scoped3A : memref<!tpu.dma_semaphore, #tpu.memory_space<semaphore_mem>>) src(%dma_wait3A_66 : memref<80xf32, #tpu.memory_space<hbm>>) dst(%arg7 : memref<80xf32, #tpu.memory_space<vmem>>)
        tpu.yield
      }) : () -> ()
      %add3A_43 = arith.constant 10240 : i32
      %add3A_44 = arith.addi %add3A_43, %add3A_19 : i32
      "tpu.region"() ({
        %run_scoped3A = tpu.sem_alloc : memref<!tpu.dma_semaphore, #tpu.memory_space<semaphore_mem>>
        %dma_start3A_63 = tpu.memref_slice %arg2[%add3A_44] : memref<20480xf32, #tpu.memory_space<hbm>> -> memref<80xf32, #tpu.memory_space<hbm>>
        %dma_start3A_64 = tpu.memref_slice %arg2[%add3A_44] : memref<20480xf32, #tpu.memory_space<hbm>> -> memref<80xf32, #tpu.memory_space<hbm>>
        tpu.enqueue_dma source(%dma_start3A_64 : memref<80xf32, #tpu.memory_space<hbm>>) target(%arg8 : memref<80xf32, #tpu.memory_space<vmem>>) target_semaphore(%run_scoped3A : memref<!tpu.dma_semaphore, #tpu.memory_space<semaphore_mem>>)
        %dma_wait3A_65 = tpu.memref_slice %arg2[%add3A_44] : memref<20480xf32, #tpu.memory_space<hbm>> -> memref<80xf32, #tpu.memory_space<hbm>>
        %dma_wait3A_66 = tpu.memref_slice %arg2[%add3A_44] : memref<20480xf32, #tpu.memory_space<hbm>> -> memref<80xf32, #tpu.memory_space<hbm>>
        tpu.wait_dma2 semaphore(%run_scoped3A : memref<!tpu.dma_semaphore, #tpu.memory_space<semaphore_mem>>) src(%dma_wait3A_66 : memref<80xf32, #tpu.memory_space<hbm>>) dst(%arg8 : memref<80xf32, #tpu.memory_space<vmem>>)
        tpu.yield
      }) : () -> ()
      %dma_wait3A = arith.constant 0 : i32
      %dma_wait3A_45 = tpu.memref_slice %arg3[%add3A_19, %dma_wait3A] : memref<20480x128xf32, #tpu.memory_space<hbm>> -> memref<80x128xf32, #tpu.memory_space<hbm>>
      %dma_wait3A_46 = arith.constant 0 : i32
      %dma_wait3A_47 = tpu.memref_slice %arg3[%add3A_19, %dma_wait3A_46] : memref<20480x128xf32, #tpu.memory_space<hbm>> -> memref<80x128xf32, #tpu.memory_space<hbm>>
      tpu.wait_dma2 semaphore(%arg10 : memref<!tpu.dma_semaphore, #tpu.memory_space<semaphore_mem>>) src(%dma_wait3A_47 : memref<80x128xf32, #tpu.memory_space<hbm>>) dst(%arg5 : memref<80x128xf32, #tpu.memory_space<vmem>>)
      %dma_wait3A_48 = arith.constant 0 : i32
      %dma_wait3A_49 = tpu.memref_slice %arg3[%add3A_38, %dma_wait3A_48] : memref<20480x128xf32, #tpu.memory_space<hbm>> -> memref<80x128xf32, #tpu.memory_space<hbm>>
      %dma_wait3A_50 = arith.constant 0 : i32
      %dma_wait3A_51 = tpu.memref_slice %arg3[%add3A_38, %dma_wait3A_50] : memref<20480x128xf32, #tpu.memory_space<hbm>> -> memref<80x128xf32, #tpu.memory_space<hbm>>
      tpu.wait_dma2 semaphore(%arg10 : memref<!tpu.dma_semaphore, #tpu.memory_space<semaphore_mem>>) src(%dma_wait3A_51 : memref<80x128xf32, #tpu.memory_space<hbm>>) dst(%arg6 : memref<80x128xf32, #tpu.memory_space<vmem>>)
      %scan3A = arith.constant 0 : i32
      %scan3A_52 = arith.constant 0 : i32
      %scan3A_53 = arith.constant 5 : i32
      %scan3A_54 = arith.addi %scan3A_52, %scan3A_53 : i32
      %scan3A_55 = arith.constant 1 : i32
      scf.for %scan3A_63 = %scan3A_52 to %scan3A_54 step %scan3A_55  : i32 {
        %mul3A_64 = arith.constant 16 : i32
        %mul3A_65 = arith.muli %scan3A_63, %mul3A_64 : i32
        %get3A = arith.index_cast %mul3A_65 : i32 to index
        %get3A_66 = tpu.vector_load %arg7[%get3A] {strides = array<i32>} : memref<80xf32, #tpu.memory_space<vmem>>, vector<16xf32>,
        %get3A_67 = vector.shape_cast %get3A_66 : vector<16xf32> to vector<16xf32>
        %get3A_68 = arith.index_cast %mul3A_65 : i32 to index
        %get3A_69 = tpu.vector_load %arg8[%get3A_68] {strides = array<i32>} : memref<80xf32, #tpu.memory_space<vmem>>, vector<16xf32>,
        %get3A_70 = vector.shape_cast %get3A_69 : vector<16xf32> to vector<16xf32>
        %add3A_71 = arith.addf %get3A_67, %get3A_70 : vector<16xf32>
        %gt3A = arith.constant 0.000000e+00 : f32
        %gt3A_72 = vector.broadcast %gt3A : f32 to vector<16xf32>
        %gt3A_73 = arith.cmpf ogt, %add3A_71, %gt3A_72 : vector<16xf32>
        %div3A = arith.constant 1.000000e+00 : f32
        %div3A_74 = vector.broadcast %div3A : f32 to vector<16xf32>
        %div3A_75 = arith.divf %div3A_74, %add3A_71 : vector<16xf32>
        %jit3A = arith.constant 1.000000e+00 : f32
        %broadcast_in_dim3A = vector.broadcast %jit3A : f32 to vector<16xf32>
        %select_n3A = arith.select %gt3A_73, %div3A_75, %broadcast_in_dim3A : vector<16xi1>, vector<16xf32>
        %swap3A = arith.index_cast %mul3A_65 : i32 to index
        %swap3A_76 = tpu.vector_load %arg9[%swap3A] {strides = array<i32>} : memref<96xf32, #tpu.memory_space<vmem>>, vector<16xf32>,
        %swap3A_77 = vector.shape_cast %swap3A_76 : vector<16xf32> to vector<16xf32>
        %swap3A_78 = vector.shape_cast %select_n3A : vector<16xf32> to vector<16xf32>
        tpu.vector_store %arg9[%swap3A], %swap3A_78 {strides = array<i32>} : memref<96xf32, #tpu.memory_space<vmem>>, vector<16xf32>,
      }
      %scan3A_56 = arith.constant 5 : i32
      %scan3A_57 = arith.constant 0 : i32
      %scan3A_58 = arith.constant 0 : i32
      %scan3A_59 = arith.constant 80 : i32
      %scan3A_60 = arith.addi %scan3A_58, %scan3A_59 : i32
      %scan3A_61 = arith.constant 1 : i32
      scf.for %scan3A_63 = %scan3A_58 to %scan3A_60 step %scan3A_61  : i32 {
        %get3A = arith.index_cast %scan3A_63 : i32 to index
        %get3A_64 = tpu.vector_load %arg9[%get3A] {strides = array<i32>} : memref<96xf32, #tpu.memory_space<vmem>>, vector<16xf32>,
        %get3A_65 = vector.shape_cast %get3A_64 : vector<16xf32> to vector<16xf32>
        %slice3A = vector.extract_strided_slice %get3A_65 {offsets = [0], sizes = [1], strides = [1]} : vector<16xf32> to vector<1xf32>
        %squeeze3A = vector.extract %slice3A[0] : f32 from vector<1xf32>
        %get3A_66 = arith.index_cast %scan3A_63 : i32 to index
        %get3A_67 = arith.constant 0 : index
        %get3A_68 = tpu.vector_load %arg5[%get3A_66, %get3A_67] {strides = array<i32>} : memref<80x128xf32, #tpu.memory_space<vmem>>, vector<1x16xf32>,
        %get3A_69 = vector.shape_cast %get3A_68 : vector<1x16xf32> to vector<16xf32>
        %get3A_70 = arith.index_cast %scan3A_63 : i32 to index
        %get3A_71 = arith.constant 0 : index
        %get3A_72 = tpu.vector_load %arg6[%get3A_70, %get3A_71] {strides = array<i32>} : memref<80x128xf32, #tpu.memory_space<vmem>>, vector<1x16xf32>,
        %get3A_73 = vector.shape_cast %get3A_72 : vector<1x16xf32> to vector<16xf32>
        %add3A_74 = arith.addf %get3A_69, %get3A_73 : vector<16xf32>
        %mul3A_75 = vector.broadcast %squeeze3A : f32 to vector<16xf32>
        %mul3A_76 = arith.mulf %add3A_74, %mul3A_75 : vector<16xf32>
        %swap3A = arith.index_cast %scan3A_63 : i32 to index
        %swap3A_77 = arith.constant 0 : index
        %swap3A_78 = tpu.vector_load %arg5[%swap3A, %swap3A_77] {strides = array<i32>} : memref<80x128xf32, #tpu.memory_space<vmem>>, vector<1x16xf32>,
        %swap3A_79 = vector.shape_cast %swap3A_78 : vector<1x16xf32> to vector<16xf32>
        %swap3A_80 = vector.shape_cast %mul3A_76 : vector<16xf32> to vector<1x16xf32>
        tpu.vector_store %arg5[%swap3A, %swap3A_77], %swap3A_80 {strides = array<i32>} : memref<80x128xf32, #tpu.memory_space<vmem>>, vector<1x16xf32>,
        %get3A_81 = arith.index_cast %scan3A_63 : i32 to index
        %get3A_82 = arith.constant 16 : index
        %get3A_83 = tpu.vector_load %arg5[%get3A_81, %get3A_82] {strides = array<i32>} : memref<80x128xf32, #tpu.memory_space<vmem>>, vector<1x16xf32>,
        %get3A_84 = vector.shape_cast %get3A_83 : vector<1x16xf32> to vector<16xf32>
        %get3A_85 = arith.index_cast %scan3A_63 : i32 to index
        %get3A_86 = arith.constant 16 : index
        %get3A_87 = tpu.vector_load %arg6[%get3A_85, %get3A_86] {strides = array<i32>} : memref<80x128xf32, #tpu.memory_space<vmem>>, vector<1x16xf32>,
        %get3A_88 = vector.shape_cast %get3A_87 : vector<1x16xf32> to vector<16xf32>
        %add3A_89 = arith.addf %get3A_84, %get3A_88 : vector<16xf32>
        %mul3A_90 = vector.broadcast %squeeze3A : f32 to vector<16xf32>
        %mul3A_91 = arith.mulf %add3A_89, %mul3A_90 : vector<16xf32>
        %swap3A_92 = arith.index_cast %scan3A_63 : i32 to index
        %swap3A_93 = arith.constant 16 : index
        %swap3A_94 = tpu.vector_load %arg5[%swap3A_92, %swap3A_93] {strides = array<i32>} : memref<80x128xf32, #tpu.memory_space<vmem>>, vector<1x16xf32>,
        %swap3A_95 = vector.shape_cast %swap3A_94 : vector<1x16xf32> to vector<16xf32>
        %swap3A_96 = vector.shape_cast %mul3A_91 : vector<16xf32> to vector<1x16xf32>
        tpu.vector_store %arg5[%swap3A_92, %swap3A_93], %swap3A_96 {strides = array<i32>} : memref<80x128xf32, #tpu.memory_space<vmem>>, vector<1x16xf32>,
        %get3A_97 = arith.index_cast %scan3A_63 : i32 to index
        %get3A_98 = arith.constant 32 : index
        %get3A_99 = tpu.vector_load %arg5[%get3A_97, %get3A_98] {strides = array<i32>} : memref<80x128xf32, #tpu.memory_space<vmem>>, vector<1x16xf32>,
        %get3A_100 = vector.shape_cast %get3A_99 : vector<1x16xf32> to vector<16xf32>
        %get3A_101 = arith.index_cast %scan3A_63 : i32 to index
        %get3A_102 = arith.constant 32 : index
        %get3A_103 = tpu.vector_load %arg6[%get3A_101, %get3A_102] {strides = array<i32>} : memref<80x128xf32, #tpu.memory_space<vmem>>, vector<1x16xf32>,
        %get3A_104 = vector.shape_cast %get3A_103 : vector<1x16xf32> to vector<16xf32>
        %add3A_105 = arith.addf %get3A_100, %get3A_104 : vector<16xf32>
        %mul3A_106 = vector.broadcast %squeeze3A : f32 to vector<16xf32>
        %mul3A_107 = arith.mulf %add3A_105, %mul3A_106 : vector<16xf32>
        %swap3A_108 = arith.index_cast %scan3A_63 : i32 to index
        %swap3A_109 = arith.constant 32 : index
        %swap3A_110 = tpu.vector_load %arg5[%swap3A_108, %swap3A_109] {strides = array<i32>} : memref<80x128xf32, #tpu.memory_space<vmem>>, vector<1x16xf32>,
        %swap3A_111 = vector.shape_cast %swap3A_110 : vector<1x16xf32> to vector<16xf32>
        %swap3A_112 = vector.shape_cast %mul3A_107 : vector<16xf32> to vector<1x16xf32>
        tpu.vector_store %arg5[%swap3A_108, %swap3A_109], %swap3A_112 {strides = array<i32>} : memref<80x128xf32, #tpu.memory_space<vmem>>, vector<1x16xf32>,
        %get3A_113 = arith.index_cast %scan3A_63 : i32 to index
        %get3A_114 = arith.constant 48 : index
        %get3A_115 = tpu.vector_load %arg5[%get3A_113, %get3A_114] {strides = array<i32>} : memref<80x128xf32, #tpu.memory_space<vmem>>, vector<1x16xf32>,
        %get3A_116 = vector.shape_cast %get3A_115 : vector<1x16xf32> to vector<16xf32>
        %get3A_117 = arith.index_cast %scan3A_63 : i32 to index
        %get3A_118 = arith.constant 48 : index
        %get3A_119 = tpu.vector_load %arg6[%get3A_117, %get3A_118] {strides = array<i32>} : memref<80x128xf32, #tpu.memory_space<vmem>>, vector<1x16xf32>,
        %get3A_120 = vector.shape_cast %get3A_119 : vector<1x16xf32> to vector<16xf32>
        %add3A_121 = arith.addf %get3A_116, %get3A_120 : vector<16xf32>
        %mul3A_122 = vector.broadcast %squeeze3A : f32 to vector<16xf32>
        %mul3A_123 = arith.mulf %add3A_121, %mul3A_122 : vector<16xf32>
        %swap3A_124 = arith.index_cast %scan3A_63 : i32 to index
        %swap3A_125 = arith.constant 48 : index
        %swap3A_126 = tpu.vector_load %arg5[%swap3A_124, %swap3A_125] {strides = array<i32>} : memref<80x128xf32, #tpu.memory_space<vmem>>, vector<1x16xf32>,
        %swap3A_127 = vector.shape_cast %swap3A_126 : vector<1x16xf32> to vector<16xf32>
        %swap3A_128 = vector.shape_cast %mul3A_123 : vector<16xf32> to vector<1x16xf32>
        tpu.vector_store %arg5[%swap3A_124, %swap3A_125], %swap3A_128 {strides = array<i32>} : memref<80x128xf32, #tpu.memory_space<vmem>>, vector<1x16xf32>,
        %get3A_129 = arith.index_cast %scan3A_63 : i32 to index
        %get3A_130 = arith.constant 64 : index
        %get3A_131 = tpu.vector_load %arg5[%get3A_129, %get3A_130] {strides = array<i32>} : memref<80x128xf32, #tpu.memory_space<vmem>>, vector<1x16xf32>,
        %get3A_132 = vector.shape_cast %get3A_131 : vector<1x16xf32> to vector<16xf32>
        %get3A_133 = arith.index_cast %scan3A_63 : i32 to index
        %get3A_134 = arith.constant 64 : index
        %get3A_135 = tpu.vector_load %arg6[%get3A_133, %get3A_134] {strides = array<i32>} : memref<80x128xf32, #tpu.memory_space<vmem>>, vector<1x16xf32>,
        %get3A_136 = vector.shape_cast %get3A_135 : vector<1x16xf32> to vector<16xf32>
        %add3A_137 = arith.addf %get3A_132, %get3A_136 : vector<16xf32>
        %mul3A_138 = vector.broadcast %squeeze3A : f32 to vector<16xf32>
        %mul3A_139 = arith.mulf %add3A_137, %mul3A_138 : vector<16xf32>
        %swap3A_140 = arith.index_cast %scan3A_63 : i32 to index
        %swap3A_141 = arith.constant 64 : index
        %swap3A_142 = tpu.vector_load %arg5[%swap3A_140, %swap3A_141] {strides = array<i32>} : memref<80x128xf32, #tpu.memory_space<vmem>>, vector<1x16xf32>,
        %swap3A_143 = vector.shape_cast %swap3A_142 : vector<1x16xf32> to vector<16xf32>
        %swap3A_144 = vector.shape_cast %mul3A_139 : vector<16xf32> to vector<1x16xf32>
        tpu.vector_store %arg5[%swap3A_140, %swap3A_141], %swap3A_144 {strides = array<i32>} : memref<80x128xf32, #tpu.memory_space<vmem>>, vector<1x16xf32>,
        %get3A_145 = arith.index_cast %scan3A_63 : i32 to index
        %get3A_146 = arith.constant 80 : index
        %get3A_147 = tpu.vector_load %arg5[%get3A_145, %get3A_146] {strides = array<i32>} : memref<80x128xf32, #tpu.memory_space<vmem>>, vector<1x16xf32>,
        %get3A_148 = vector.shape_cast %get3A_147 : vector<1x16xf32> to vector<16xf32>
        %get3A_149 = arith.index_cast %scan3A_63 : i32 to index
        %get3A_150 = arith.constant 80 : index
        %get3A_151 = tpu.vector_load %arg6[%get3A_149, %get3A_150] {strides = array<i32>} : memref<80x128xf32, #tpu.memory_space<vmem>>, vector<1x16xf32>,
        %get3A_152 = vector.shape_cast %get3A_151 : vector<1x16xf32> to vector<16xf32>
        %add3A_153 = arith.addf %get3A_148, %get3A_152 : vector<16xf32>
        %mul3A_154 = vector.broadcast %squeeze3A : f32 to vector<16xf32>
        %mul3A_155 = arith.mulf %add3A_153, %mul3A_154 : vector<16xf32>
        %swap3A_156 = arith.index_cast %scan3A_63 : i32 to index
        %swap3A_157 = arith.constant 80 : index
        %swap3A_158 = tpu.vector_load %arg5[%swap3A_156, %swap3A_157] {strides = array<i32>} : memref<80x128xf32, #tpu.memory_space<vmem>>, vector<1x16xf32>,
        %swap3A_159 = vector.shape_cast %swap3A_158 : vector<1x16xf32> to vector<16xf32>
        %swap3A_160 = vector.shape_cast %mul3A_155 : vector<16xf32> to vector<1x16xf32>
        tpu.vector_store %arg5[%swap3A_156, %swap3A_157], %swap3A_160 {strides = array<i32>} : memref<80x128xf32, #tpu.memory_space<vmem>>, vector<1x16xf32>,
        %get3A_161 = arith.index_cast %scan3A_63 : i32 to index
        %get3A_162 = arith.constant 96 : index
        %get3A_163 = tpu.vector_load %arg5[%get3A_161, %get3A_162] {strides = array<i32>} : memref<80x128xf32, #tpu.memory_space<vmem>>, vector<1x16xf32>,
        %get3A_164 = vector.shape_cast %get3A_163 : vector<1x16xf32> to vector<16xf32>
        %get3A_165 = arith.index_cast %scan3A_63 : i32 to index
        %get3A_166 = arith.constant 96 : index
        %get3A_167 = tpu.vector_load %arg6[%get3A_165, %get3A_166] {strides = array<i32>} : memref<80x128xf32, #tpu.memory_space<vmem>>, vector<1x16xf32>,
        %get3A_168 = vector.shape_cast %get3A_167 : vector<1x16xf32> to vector<16xf32>
        %add3A_169 = arith.addf %get3A_164, %get3A_168 : vector<16xf32>
        %mul3A_170 = vector.broadcast %squeeze3A : f32 to vector<16xf32>
        %mul3A_171 = arith.mulf %add3A_169, %mul3A_170 : vector<16xf32>
        %swap3A_172 = arith.index_cast %scan3A_63 : i32 to index
        %swap3A_173 = arith.constant 96 : index
        %swap3A_174 = tpu.vector_load %arg5[%swap3A_172, %swap3A_173] {strides = array<i32>} : memref<80x128xf32, #tpu.memory_space<vmem>>, vector<1x16xf32>,
        %swap3A_175 = vector.shape_cast %swap3A_174 : vector<1x16xf32> to vector<16xf32>
        %swap3A_176 = vector.shape_cast %mul3A_171 : vector<16xf32> to vector<1x16xf32>
        tpu.vector_store %arg5[%swap3A_172, %swap3A_173], %swap3A_176 {strides = array<i32>} : memref<80x128xf32, #tpu.memory_space<vmem>>, vector<1x16xf32>,
        %get3A_177 = arith.index_cast %scan3A_63 : i32 to index
        %get3A_178 = arith.constant 112 : index
        %get3A_179 = tpu.vector_load %arg5[%get3A_177, %get3A_178] {strides = array<i32>} : memref<80x128xf32, #tpu.memory_space<vmem>>, vector<1x16xf32>,
        %get3A_180 = vector.shape_cast %get3A_179 : vector<1x16xf32> to vector<16xf32>
        %get3A_181 = arith.index_cast %scan3A_63 : i32 to index
        %get3A_182 = arith.constant 112 : index
        %get3A_183 = tpu.vector_load %arg6[%get3A_181, %get3A_182] {strides = array<i32>} : memref<80x128xf32, #tpu.memory_space<vmem>>, vector<1x16xf32>,
        %get3A_184 = vector.shape_cast %get3A_183 : vector<1x16xf32> to vector<16xf32>
        %add3A_185 = arith.addf %get3A_180, %get3A_184 : vector<16xf32>
        %mul3A_186 = vector.broadcast %squeeze3A : f32 to vector<16xf32>
        %mul3A_187 = arith.mulf %add3A_185, %mul3A_186 : vector<16xf32>
        %swap3A_188 = arith.index_cast %scan3A_63 : i32 to index
        %swap3A_189 = arith.constant 112 : index
        %swap3A_190 = tpu.vector_load %arg5[%swap3A_188, %swap3A_189] {strides = array<i32>} : memref<80x128xf32, #tpu.memory_space<vmem>>, vector<1x16xf32>,
        %swap3A_191 = vector.shape_cast %swap3A_190 : vector<1x16xf32> to vector<16xf32>
        %swap3A_192 = vector.shape_cast %mul3A_187 : vector<16xf32> to vector<1x16xf32>
        tpu.vector_store %arg5[%swap3A_188, %swap3A_189], %swap3A_192 {strides = array<i32>} : memref<80x128xf32, #tpu.memory_space<vmem>>, vector<1x16xf32>,
      }
      %scan3A_62 = arith.constant 80 : i32
      "tpu.region"() ({
        %run_scoped3A = tpu.sem_alloc : memref<!tpu.dma_semaphore, #tpu.memory_space<semaphore_mem>>
        %dma_start3A_63 = arith.constant 0 : i32
        %dma_start3A_64 = tpu.memref_slice %arg4[%add3A_19, %dma_start3A_63] : memref<10000x128xf32, #tpu.memory_space<hbm>> -> memref<80x128xf32, #tpu.memory_space<hbm>>
        %dma_start3A_65 = arith.constant 0 : i32
        %dma_start3A_66 = tpu.memref_slice %arg4[%add3A_19, %dma_start3A_65] : memref<10000x128xf32, #tpu.memory_space<hbm>> -> memref<80x128xf32, #tpu.memory_space<hbm>>
        tpu.enqueue_dma source(%arg5 : memref<80x128xf32, #tpu.memory_space<vmem>>) target(%dma_start3A_66 : memref<80x128xf32, #tpu.memory_space<hbm>>) target_semaphore(%run_scoped3A : memref<!tpu.dma_semaphore, #tpu.memory_space<semaphore_mem>>)
        %dma_wait3A_67 = arith.constant 0 : i32
        %dma_wait3A_68 = tpu.memref_slice %arg4[%add3A_19, %dma_wait3A_67] : memref<10000x128xf32, #tpu.memory_space<hbm>> -> memref<80x128xf32, #tpu.memory_space<hbm>>
        %dma_wait3A_69 = arith.constant 0 : i32
        %dma_wait3A_70 = tpu.memref_slice %arg4[%add3A_19, %dma_wait3A_69] : memref<10000x128xf32, #tpu.memory_space<hbm>> -> memref<80x128xf32, #tpu.memory_space<hbm>>
        tpu.wait_dma2 semaphore(%run_scoped3A : memref<!tpu.dma_semaphore, #tpu.memory_space<semaphore_mem>>) src(%arg5 : memref<80x128xf32, #tpu.memory_space<vmem>>) dst(%dma_wait3A_70 : memref<80x128xf32, #tpu.memory_space<hbm>>)
        tpu.yield
      }) : () -> ()
    } else {
    }
    %mul3A_25 = arith.constant 320 : i32
    %mul3A_26 = arith.muli %add3A, %mul3A_25 : i32
    %add3A_27 = arith.constant 240 : i32
    %add3A_28 = arith.addi %mul3A_26, %add3A_27 : i32
    %lt3A_29 = arith.constant 10000 : i32
    %lt3A_30 = arith.cmpi slt, %add3A_28, %lt3A_29 : i32
    %convert_element_type3A_31 = arith.extui %lt3A_30 : i1 to i32
    %cond3A_32 = arith.constant 0 : i32
    %cond3A_33 = arith.cmpi ne, %convert_element_type3A_31, %cond3A_32 : i32
    scf.if %cond3A_33 {
      %dma_start3A = arith.constant 0 : i32
      %dma_start3A_34 = tpu.memref_slice %arg3[%add3A_28, %dma_start3A] : memref<20480x128xf32, #tpu.memory_space<hbm>> -> memref<80x128xf32, #tpu.memory_space<hbm>>
      %dma_start3A_35 = arith.constant 0 : i32
      %dma_start3A_36 = tpu.memref_slice %arg3[%add3A_28, %dma_start3A_35] : memref<20480x128xf32, #tpu.memory_space<hbm>> -> memref<80x128xf32, #tpu.memory_space<hbm>>
      tpu.enqueue_dma source(%dma_start3A_36 : memref<80x128xf32, #tpu.memory_space<hbm>>) target(%arg5 : memref<80x128xf32, #tpu.memory_space<vmem>>) target_semaphore(%arg10 : memref<!tpu.dma_semaphore, #tpu.memory_space<semaphore_mem>>)
      %add3A_37 = arith.constant 10240 : i32
      %add3A_38 = arith.addi %add3A_37, %add3A_28 : i32
      %dma_start3A_39 = arith.constant 0 : i32
      %dma_start3A_40 = tpu.memref_slice %arg3[%add3A_38, %dma_start3A_39] : memref<20480x128xf32, #tpu.memory_space<hbm>> -> memref<80x128xf32, #tpu.memory_space<hbm>>
      %dma_start3A_41 = arith.constant 0 : i32
      %dma_start3A_42 = tpu.memref_slice %arg3[%add3A_38, %dma_start3A_41] : memref<20480x128xf32, #tpu.memory_space<hbm>> -> memref<80x128xf32, #tpu.memory_space<hbm>>
      tpu.enqueue_dma source(%dma_start3A_42 : memref<80x128xf32, #tpu.memory_space<hbm>>) target(%arg6 : memref<80x128xf32, #tpu.memory_space<vmem>>) target_semaphore(%arg10 : memref<!tpu.dma_semaphore, #tpu.memory_space<semaphore_mem>>)
      "tpu.region"() ({
        %run_scoped3A = tpu.sem_alloc : memref<!tpu.dma_semaphore, #tpu.memory_space<semaphore_mem>>
        %dma_start3A_63 = tpu.memref_slice %arg2[%add3A_28] : memref<20480xf32, #tpu.memory_space<hbm>> -> memref<80xf32, #tpu.memory_space<hbm>>
        %dma_start3A_64 = tpu.memref_slice %arg2[%add3A_28] : memref<20480xf32, #tpu.memory_space<hbm>> -> memref<80xf32, #tpu.memory_space<hbm>>
        tpu.enqueue_dma source(%dma_start3A_64 : memref<80xf32, #tpu.memory_space<hbm>>) target(%arg7 : memref<80xf32, #tpu.memory_space<vmem>>) target_semaphore(%run_scoped3A : memref<!tpu.dma_semaphore, #tpu.memory_space<semaphore_mem>>)
        %dma_wait3A_65 = tpu.memref_slice %arg2[%add3A_28] : memref<20480xf32, #tpu.memory_space<hbm>> -> memref<80xf32, #tpu.memory_space<hbm>>
        %dma_wait3A_66 = tpu.memref_slice %arg2[%add3A_28] : memref<20480xf32, #tpu.memory_space<hbm>> -> memref<80xf32, #tpu.memory_space<hbm>>
        tpu.wait_dma2 semaphore(%run_scoped3A : memref<!tpu.dma_semaphore, #tpu.memory_space<semaphore_mem>>) src(%dma_wait3A_66 : memref<80xf32, #tpu.memory_space<hbm>>) dst(%arg7 : memref<80xf32, #tpu.memory_space<vmem>>)
        tpu.yield
      }) : () -> ()
      %add3A_43 = arith.constant 10240 : i32
      %add3A_44 = arith.addi %add3A_43, %add3A_28 : i32
      "tpu.region"() ({
        %run_scoped3A = tpu.sem_alloc : memref<!tpu.dma_semaphore, #tpu.memory_space<semaphore_mem>>
        %dma_start3A_63 = tpu.memref_slice %arg2[%add3A_44] : memref<20480xf32, #tpu.memory_space<hbm>> -> memref<80xf32, #tpu.memory_space<hbm>>
        %dma_start3A_64 = tpu.memref_slice %arg2[%add3A_44] : memref<20480xf32, #tpu.memory_space<hbm>> -> memref<80xf32, #tpu.memory_space<hbm>>
        tpu.enqueue_dma source(%dma_start3A_64 : memref<80xf32, #tpu.memory_space<hbm>>) target(%arg8 : memref<80xf32, #tpu.memory_space<vmem>>) target_semaphore(%run_scoped3A : memref<!tpu.dma_semaphore, #tpu.memory_space<semaphore_mem>>)
        %dma_wait3A_65 = tpu.memref_slice %arg2[%add3A_44] : memref<20480xf32, #tpu.memory_space<hbm>> -> memref<80xf32, #tpu.memory_space<hbm>>
        %dma_wait3A_66 = tpu.memref_slice %arg2[%add3A_44] : memref<20480xf32, #tpu.memory_space<hbm>> -> memref<80xf32, #tpu.memory_space<hbm>>
        tpu.wait_dma2 semaphore(%run_scoped3A : memref<!tpu.dma_semaphore, #tpu.memory_space<semaphore_mem>>) src(%dma_wait3A_66 : memref<80xf32, #tpu.memory_space<hbm>>) dst(%arg8 : memref<80xf32, #tpu.memory_space<vmem>>)
        tpu.yield
      }) : () -> ()
      %dma_wait3A = arith.constant 0 : i32
      %dma_wait3A_45 = tpu.memref_slice %arg3[%add3A_28, %dma_wait3A] : memref<20480x128xf32, #tpu.memory_space<hbm>> -> memref<80x128xf32, #tpu.memory_space<hbm>>
      %dma_wait3A_46 = arith.constant 0 : i32
      %dma_wait3A_47 = tpu.memref_slice %arg3[%add3A_28, %dma_wait3A_46] : memref<20480x128xf32, #tpu.memory_space<hbm>> -> memref<80x128xf32, #tpu.memory_space<hbm>>
      tpu.wait_dma2 semaphore(%arg10 : memref<!tpu.dma_semaphore, #tpu.memory_space<semaphore_mem>>) src(%dma_wait3A_47 : memref<80x128xf32, #tpu.memory_space<hbm>>) dst(%arg5 : memref<80x128xf32, #tpu.memory_space<vmem>>)
      %dma_wait3A_48 = arith.constant 0 : i32
      %dma_wait3A_49 = tpu.memref_slice %arg3[%add3A_38, %dma_wait3A_48] : memref<20480x128xf32, #tpu.memory_space<hbm>> -> memref<80x128xf32, #tpu.memory_space<hbm>>
      %dma_wait3A_50 = arith.constant 0 : i32
      %dma_wait3A_51 = tpu.memref_slice %arg3[%add3A_38, %dma_wait3A_50] : memref<20480x128xf32, #tpu.memory_space<hbm>> -> memref<80x128xf32, #tpu.memory_space<hbm>>
      tpu.wait_dma2 semaphore(%arg10 : memref<!tpu.dma_semaphore, #tpu.memory_space<semaphore_mem>>) src(%dma_wait3A_51 : memref<80x128xf32, #tpu.memory_space<hbm>>) dst(%arg6 : memref<80x128xf32, #tpu.memory_space<vmem>>)
      %scan3A = arith.constant 0 : i32
      %scan3A_52 = arith.constant 0 : i32
      %scan3A_53 = arith.constant 5 : i32
      %scan3A_54 = arith.addi %scan3A_52, %scan3A_53 : i32
      %scan3A_55 = arith.constant 1 : i32
      scf.for %scan3A_63 = %scan3A_52 to %scan3A_54 step %scan3A_55  : i32 {
        %mul3A_64 = arith.constant 16 : i32
        %mul3A_65 = arith.muli %scan3A_63, %mul3A_64 : i32
        %get3A = arith.index_cast %mul3A_65 : i32 to index
        %get3A_66 = tpu.vector_load %arg7[%get3A] {strides = array<i32>} : memref<80xf32, #tpu.memory_space<vmem>>, vector<16xf32>,
        %get3A_67 = vector.shape_cast %get3A_66 : vector<16xf32> to vector<16xf32>
        %get3A_68 = arith.index_cast %mul3A_65 : i32 to index
        %get3A_69 = tpu.vector_load %arg8[%get3A_68] {strides = array<i32>} : memref<80xf32, #tpu.memory_space<vmem>>, vector<16xf32>,
        %get3A_70 = vector.shape_cast %get3A_69 : vector<16xf32> to vector<16xf32>
        %add3A_71 = arith.addf %get3A_67, %get3A_70 : vector<16xf32>
        %gt3A = arith.constant 0.000000e+00 : f32
        %gt3A_72 = vector.broadcast %gt3A : f32 to vector<16xf32>
        %gt3A_73 = arith.cmpf ogt, %add3A_71, %gt3A_72 : vector<16xf32>
        %div3A = arith.constant 1.000000e+00 : f32
        %div3A_74 = vector.broadcast %div3A : f32 to vector<16xf32>
        %div3A_75 = arith.divf %div3A_74, %add3A_71 : vector<16xf32>
        %jit3A = arith.constant 1.000000e+00 : f32
        %broadcast_in_dim3A = vector.broadcast %jit3A : f32 to vector<16xf32>
        %select_n3A = arith.select %gt3A_73, %div3A_75, %broadcast_in_dim3A : vector<16xi1>, vector<16xf32>
        %swap3A = arith.index_cast %mul3A_65 : i32 to index
        %swap3A_76 = tpu.vector_load %arg9[%swap3A] {strides = array<i32>} : memref<96xf32, #tpu.memory_space<vmem>>, vector<16xf32>,
        %swap3A_77 = vector.shape_cast %swap3A_76 : vector<16xf32> to vector<16xf32>
        %swap3A_78 = vector.shape_cast %select_n3A : vector<16xf32> to vector<16xf32>
        tpu.vector_store %arg9[%swap3A], %swap3A_78 {strides = array<i32>} : memref<96xf32, #tpu.memory_space<vmem>>, vector<16xf32>,
      }
      %scan3A_56 = arith.constant 5 : i32
      %scan3A_57 = arith.constant 0 : i32
      %scan3A_58 = arith.constant 0 : i32
      %scan3A_59 = arith.constant 80 : i32
      %scan3A_60 = arith.addi %scan3A_58, %scan3A_59 : i32
      %scan3A_61 = arith.constant 1 : i32
      scf.for %scan3A_63 = %scan3A_58 to %scan3A_60 step %scan3A_61  : i32 {
        %get3A = arith.index_cast %scan3A_63 : i32 to index
        %get3A_64 = tpu.vector_load %arg9[%get3A] {strides = array<i32>} : memref<96xf32, #tpu.memory_space<vmem>>, vector<16xf32>,
        %get3A_65 = vector.shape_cast %get3A_64 : vector<16xf32> to vector<16xf32>
        %slice3A = vector.extract_strided_slice %get3A_65 {offsets = [0], sizes = [1], strides = [1]} : vector<16xf32> to vector<1xf32>
        %squeeze3A = vector.extract %slice3A[0] : f32 from vector<1xf32>
        %get3A_66 = arith.index_cast %scan3A_63 : i32 to index
        %get3A_67 = arith.constant 0 : index
        %get3A_68 = tpu.vector_load %arg5[%get3A_66, %get3A_67] {strides = array<i32>} : memref<80x128xf32, #tpu.memory_space<vmem>>, vector<1x16xf32>,
        %get3A_69 = vector.shape_cast %get3A_68 : vector<1x16xf32> to vector<16xf32>
        %get3A_70 = arith.index_cast %scan3A_63 : i32 to index
        %get3A_71 = arith.constant 0 : index
        %get3A_72 = tpu.vector_load %arg6[%get3A_70, %get3A_71] {strides = array<i32>} : memref<80x128xf32, #tpu.memory_space<vmem>>, vector<1x16xf32>,
        %get3A_73 = vector.shape_cast %get3A_72 : vector<1x16xf32> to vector<16xf32>
        %add3A_74 = arith.addf %get3A_69, %get3A_73 : vector<16xf32>
        %mul3A_75 = vector.broadcast %squeeze3A : f32 to vector<16xf32>
        %mul3A_76 = arith.mulf %add3A_74, %mul3A_75 : vector<16xf32>
        %swap3A = arith.index_cast %scan3A_63 : i32 to index
        %swap3A_77 = arith.constant 0 : index
        %swap3A_78 = tpu.vector_load %arg5[%swap3A, %swap3A_77] {strides = array<i32>} : memref<80x128xf32, #tpu.memory_space<vmem>>, vector<1x16xf32>,
        %swap3A_79 = vector.shape_cast %swap3A_78 : vector<1x16xf32> to vector<16xf32>
        %swap3A_80 = vector.shape_cast %mul3A_76 : vector<16xf32> to vector<1x16xf32>
        tpu.vector_store %arg5[%swap3A, %swap3A_77], %swap3A_80 {strides = array<i32>} : memref<80x128xf32, #tpu.memory_space<vmem>>, vector<1x16xf32>,
        %get3A_81 = arith.index_cast %scan3A_63 : i32 to index
        %get3A_82 = arith.constant 16 : index
        %get3A_83 = tpu.vector_load %arg5[%get3A_81, %get3A_82] {strides = array<i32>} : memref<80x128xf32, #tpu.memory_space<vmem>>, vector<1x16xf32>,
        %get3A_84 = vector.shape_cast %get3A_83 : vector<1x16xf32> to vector<16xf32>
        %get3A_85 = arith.index_cast %scan3A_63 : i32 to index
        %get3A_86 = arith.constant 16 : index
        %get3A_87 = tpu.vector_load %arg6[%get3A_85, %get3A_86] {strides = array<i32>} : memref<80x128xf32, #tpu.memory_space<vmem>>, vector<1x16xf32>,
        %get3A_88 = vector.shape_cast %get3A_87 : vector<1x16xf32> to vector<16xf32>
        %add3A_89 = arith.addf %get3A_84, %get3A_88 : vector<16xf32>
        %mul3A_90 = vector.broadcast %squeeze3A : f32 to vector<16xf32>
        %mul3A_91 = arith.mulf %add3A_89, %mul3A_90 : vector<16xf32>
        %swap3A_92 = arith.index_cast %scan3A_63 : i32 to index
        %swap3A_93 = arith.constant 16 : index
        %swap3A_94 = tpu.vector_load %arg5[%swap3A_92, %swap3A_93] {strides = array<i32>} : memref<80x128xf32, #tpu.memory_space<vmem>>, vector<1x16xf32>,
        %swap3A_95 = vector.shape_cast %swap3A_94 : vector<1x16xf32> to vector<16xf32>
        %swap3A_96 = vector.shape_cast %mul3A_91 : vector<16xf32> to vector<1x16xf32>
        tpu.vector_store %arg5[%swap3A_92, %swap3A_93], %swap3A_96 {strides = array<i32>} : memref<80x128xf32, #tpu.memory_space<vmem>>, vector<1x16xf32>,
        %get3A_97 = arith.index_cast %scan3A_63 : i32 to index
        %get3A_98 = arith.constant 32 : index
        %get3A_99 = tpu.vector_load %arg5[%get3A_97, %get3A_98] {strides = array<i32>} : memref<80x128xf32, #tpu.memory_space<vmem>>, vector<1x16xf32>,
        %get3A_100 = vector.shape_cast %get3A_99 : vector<1x16xf32> to vector<16xf32>
        %get3A_101 = arith.index_cast %scan3A_63 : i32 to index
        %get3A_102 = arith.constant 32 : index
        %get3A_103 = tpu.vector_load %arg6[%get3A_101, %get3A_102] {strides = array<i32>} : memref<80x128xf32, #tpu.memory_space<vmem>>, vector<1x16xf32>,
        %get3A_104 = vector.shape_cast %get3A_103 : vector<1x16xf32> to vector<16xf32>
        %add3A_105 = arith.addf %get3A_100, %get3A_104 : vector<16xf32>
        %mul3A_106 = vector.broadcast %squeeze3A : f32 to vector<16xf32>
        %mul3A_107 = arith.mulf %add3A_105, %mul3A_106 : vector<16xf32>
        %swap3A_108 = arith.index_cast %scan3A_63 : i32 to index
        %swap3A_109 = arith.constant 32 : index
        %swap3A_110 = tpu.vector_load %arg5[%swap3A_108, %swap3A_109] {strides = array<i32>} : memref<80x128xf32, #tpu.memory_space<vmem>>, vector<1x16xf32>,
        %swap3A_111 = vector.shape_cast %swap3A_110 : vector<1x16xf32> to vector<16xf32>
        %swap3A_112 = vector.shape_cast %mul3A_107 : vector<16xf32> to vector<1x16xf32>
        tpu.vector_store %arg5[%swap3A_108, %swap3A_109], %swap3A_112 {strides = array<i32>} : memref<80x128xf32, #tpu.memory_space<vmem>>, vector<1x16xf32>,
        %get3A_113 = arith.index_cast %scan3A_63 : i32 to index
        %get3A_114 = arith.constant 48 : index
        %get3A_115 = tpu.vector_load %arg5[%get3A_113, %get3A_114] {strides = array<i32>} : memref<80x128xf32, #tpu.memory_space<vmem>>, vector<1x16xf32>,
        %get3A_116 = vector.shape_cast %get3A_115 : vector<1x16xf32> to vector<16xf32>
        %get3A_117 = arith.index_cast %scan3A_63 : i32 to index
        %get3A_118 = arith.constant 48 : index
        %get3A_119 = tpu.vector_load %arg6[%get3A_117, %get3A_118] {strides = array<i32>} : memref<80x128xf32, #tpu.memory_space<vmem>>, vector<1x16xf32>,
        %get3A_120 = vector.shape_cast %get3A_119 : vector<1x16xf32> to vector<16xf32>
        %add3A_121 = arith.addf %get3A_116, %get3A_120 : vector<16xf32>
        %mul3A_122 = vector.broadcast %squeeze3A : f32 to vector<16xf32>
        %mul3A_123 = arith.mulf %add3A_121, %mul3A_122 : vector<16xf32>
        %swap3A_124 = arith.index_cast %scan3A_63 : i32 to index
        %swap3A_125 = arith.constant 48 : index
        %swap3A_126 = tpu.vector_load %arg5[%swap3A_124, %swap3A_125] {strides = array<i32>} : memref<80x128xf32, #tpu.memory_space<vmem>>, vector<1x16xf32>,
        %swap3A_127 = vector.shape_cast %swap3A_126 : vector<1x16xf32> to vector<16xf32>
        %swap3A_128 = vector.shape_cast %mul3A_123 : vector<16xf32> to vector<1x16xf32>
        tpu.vector_store %arg5[%swap3A_124, %swap3A_125], %swap3A_128 {strides = array<i32>} : memref<80x128xf32, #tpu.memory_space<vmem>>, vector<1x16xf32>,
        %get3A_129 = arith.index_cast %scan3A_63 : i32 to index
        %get3A_130 = arith.constant 64 : index
        %get3A_131 = tpu.vector_load %arg5[%get3A_129, %get3A_130] {strides = array<i32>} : memref<80x128xf32, #tpu.memory_space<vmem>>, vector<1x16xf32>,
        %get3A_132 = vector.shape_cast %get3A_131 : vector<1x16xf32> to vector<16xf32>
        %get3A_133 = arith.index_cast %scan3A_63 : i32 to index
        %get3A_134 = arith.constant 64 : index
        %get3A_135 = tpu.vector_load %arg6[%get3A_133, %get3A_134] {strides = array<i32>} : memref<80x128xf32, #tpu.memory_space<vmem>>, vector<1x16xf32>,
        %get3A_136 = vector.shape_cast %get3A_135 : vector<1x16xf32> to vector<16xf32>
        %add3A_137 = arith.addf %get3A_132, %get3A_136 : vector<16xf32>
        %mul3A_138 = vector.broadcast %squeeze3A : f32 to vector<16xf32>
        %mul3A_139 = arith.mulf %add3A_137, %mul3A_138 : vector<16xf32>
        %swap3A_140 = arith.index_cast %scan3A_63 : i32 to index
        %swap3A_141 = arith.constant 64 : index
        %swap3A_142 = tpu.vector_load %arg5[%swap3A_140, %swap3A_141] {strides = array<i32>} : memref<80x128xf32, #tpu.memory_space<vmem>>, vector<1x16xf32>,
        %swap3A_143 = vector.shape_cast %swap3A_142 : vector<1x16xf32> to vector<16xf32>
        %swap3A_144 = vector.shape_cast %mul3A_139 : vector<16xf32> to vector<1x16xf32>
        tpu.vector_store %arg5[%swap3A_140, %swap3A_141], %swap3A_144 {strides = array<i32>} : memref<80x128xf32, #tpu.memory_space<vmem>>, vector<1x16xf32>,
        %get3A_145 = arith.index_cast %scan3A_63 : i32 to index
        %get3A_146 = arith.constant 80 : index
        %get3A_147 = tpu.vector_load %arg5[%get3A_145, %get3A_146] {strides = array<i32>} : memref<80x128xf32, #tpu.memory_space<vmem>>, vector<1x16xf32>,
        %get3A_148 = vector.shape_cast %get3A_147 : vector<1x16xf32> to vector<16xf32>
        %get3A_149 = arith.index_cast %scan3A_63 : i32 to index
        %get3A_150 = arith.constant 80 : index
        %get3A_151 = tpu.vector_load %arg6[%get3A_149, %get3A_150] {strides = array<i32>} : memref<80x128xf32, #tpu.memory_space<vmem>>, vector<1x16xf32>,
        %get3A_152 = vector.shape_cast %get3A_151 : vector<1x16xf32> to vector<16xf32>
        %add3A_153 = arith.addf %get3A_148, %get3A_152 : vector<16xf32>
        %mul3A_154 = vector.broadcast %squeeze3A : f32 to vector<16xf32>
        %mul3A_155 = arith.mulf %add3A_153, %mul3A_154 : vector<16xf32>
        %swap3A_156 = arith.index_cast %scan3A_63 : i32 to index
        %swap3A_157 = arith.constant 80 : index
        %swap3A_158 = tpu.vector_load %arg5[%swap3A_156, %swap3A_157] {strides = array<i32>} : memref<80x128xf32, #tpu.memory_space<vmem>>, vector<1x16xf32>,
        %swap3A_159 = vector.shape_cast %swap3A_158 : vector<1x16xf32> to vector<16xf32>
        %swap3A_160 = vector.shape_cast %mul3A_155 : vector<16xf32> to vector<1x16xf32>
        tpu.vector_store %arg5[%swap3A_156, %swap3A_157], %swap3A_160 {strides = array<i32>} : memref<80x128xf32, #tpu.memory_space<vmem>>, vector<1x16xf32>,
        %get3A_161 = arith.index_cast %scan3A_63 : i32 to index
        %get3A_162 = arith.constant 96 : index
        %get3A_163 = tpu.vector_load %arg5[%get3A_161, %get3A_162] {strides = array<i32>} : memref<80x128xf32, #tpu.memory_space<vmem>>, vector<1x16xf32>,
        %get3A_164 = vector.shape_cast %get3A_163 : vector<1x16xf32> to vector<16xf32>
        %get3A_165 = arith.index_cast %scan3A_63 : i32 to index
        %get3A_166 = arith.constant 96 : index
        %get3A_167 = tpu.vector_load %arg6[%get3A_165, %get3A_166] {strides = array<i32>} : memref<80x128xf32, #tpu.memory_space<vmem>>, vector<1x16xf32>,
        %get3A_168 = vector.shape_cast %get3A_167 : vector<1x16xf32> to vector<16xf32>
        %add3A_169 = arith.addf %get3A_164, %get3A_168 : vector<16xf32>
        %mul3A_170 = vector.broadcast %squeeze3A : f32 to vector<16xf32>
        %mul3A_171 = arith.mulf %add3A_169, %mul3A_170 : vector<16xf32>
        %swap3A_172 = arith.index_cast %scan3A_63 : i32 to index
        %swap3A_173 = arith.constant 96 : index
        %swap3A_174 = tpu.vector_load %arg5[%swap3A_172, %swap3A_173] {strides = array<i32>} : memref<80x128xf32, #tpu.memory_space<vmem>>, vector<1x16xf32>,
        %swap3A_175 = vector.shape_cast %swap3A_174 : vector<1x16xf32> to vector<16xf32>
        %swap3A_176 = vector.shape_cast %mul3A_171 : vector<16xf32> to vector<1x16xf32>
        tpu.vector_store %arg5[%swap3A_172, %swap3A_173], %swap3A_176 {strides = array<i32>} : memref<80x128xf32, #tpu.memory_space<vmem>>, vector<1x16xf32>,
        %get3A_177 = arith.index_cast %scan3A_63 : i32 to index
        %get3A_178 = arith.constant 112 : index
        %get3A_179 = tpu.vector_load %arg5[%get3A_177, %get3A_178] {strides = array<i32>} : memref<80x128xf32, #tpu.memory_space<vmem>>, vector<1x16xf32>,
        %get3A_180 = vector.shape_cast %get3A_179 : vector<1x16xf32> to vector<16xf32>
        %get3A_181 = arith.index_cast %scan3A_63 : i32 to index
        %get3A_182 = arith.constant 112 : index
        %get3A_183 = tpu.vector_load %arg6[%get3A_181, %get3A_182] {strides = array<i32>} : memref<80x128xf32, #tpu.memory_space<vmem>>, vector<1x16xf32>,
        %get3A_184 = vector.shape_cast %get3A_183 : vector<1x16xf32> to vector<16xf32>
        %add3A_185 = arith.addf %get3A_180, %get3A_184 : vector<16xf32>
        %mul3A_186 = vector.broadcast %squeeze3A : f32 to vector<16xf32>
        %mul3A_187 = arith.mulf %add3A_185, %mul3A_186 : vector<16xf32>
        %swap3A_188 = arith.index_cast %scan3A_63 : i32 to index
        %swap3A_189 = arith.constant 112 : index
        %swap3A_190 = tpu.vector_load %arg5[%swap3A_188, %swap3A_189] {strides = array<i32>} : memref<80x128xf32, #tpu.memory_space<vmem>>, vector<1x16xf32>,
        %swap3A_191 = vector.shape_cast %swap3A_190 : vector<1x16xf32> to vector<16xf32>
        %swap3A_192 = vector.shape_cast %mul3A_187 : vector<16xf32> to vector<1x16xf32>
        tpu.vector_store %arg5[%swap3A_188, %swap3A_189], %swap3A_192 {strides = array<i32>} : memref<80x128xf32, #tpu.memory_space<vmem>>, vector<1x16xf32>,
      }
      %scan3A_62 = arith.constant 80 : i32
      "tpu.region"() ({
        %run_scoped3A = tpu.sem_alloc : memref<!tpu.dma_semaphore, #tpu.memory_space<semaphore_mem>>
        %dma_start3A_63 = arith.constant 0 : i32
        %dma_start3A_64 = tpu.memref_slice %arg4[%add3A_28, %dma_start3A_63] : memref<10000x128xf32, #tpu.memory_space<hbm>> -> memref<80x128xf32, #tpu.memory_space<hbm>>
        %dma_start3A_65 = arith.constant 0 : i32
        %dma_start3A_66 = tpu.memref_slice %arg4[%add3A_28, %dma_start3A_65] : memref<10000x128xf32, #tpu.memory_space<hbm>> -> memref<80x128xf32, #tpu.memory_space<hbm>>
        tpu.enqueue_dma source(%arg5 : memref<80x128xf32, #tpu.memory_space<vmem>>) target(%dma_start3A_66 : memref<80x128xf32, #tpu.memory_space<hbm>>) target_semaphore(%run_scoped3A : memref<!tpu.dma_semaphore, #tpu.memory_space<semaphore_mem>>)
        %dma_wait3A_67 = arith.constant 0 : i32
        %dma_wait3A_68 = tpu.memref_slice %arg4[%add3A_28, %dma_wait3A_67] : memref<10000x128xf32, #tpu.memory_space<hbm>> -> memref<80x128xf32, #tpu.memory_space<hbm>>
        %dma_wait3A_69 = arith.constant 0 : i32
        %dma_wait3A_70 = tpu.memref_slice %arg4[%add3A_28, %dma_wait3A_69] : memref<10000x128xf32, #tpu.memory_space<hbm>> -> memref<80x128xf32, #tpu.memory_space<hbm>>
        tpu.wait_dma2 semaphore(%run_scoped3A : memref<!tpu.dma_semaphore, #tpu.memory_space<semaphore_mem>>) src(%arg5 : memref<80x128xf32, #tpu.memory_space<vmem>>) dst(%dma_wait3A_70 : memref<80x128xf32, #tpu.memory_space<hbm>>)
        tpu.yield
      }) : () -> ()
    } else {
    }
    return
  }
}

#map = affine_map<(d0, d1) -> (0)>
#map1 = affine_map<(d0, d1) -> (0, 0)>
module attributes {stable_mosaic.version = 14 : i64} {
  func.func @_sc_edge_body(%arg0: i32, %arg1: i32, %arg2: memref<320000xi32, #tpu.memory_space<hbm>>, %arg3: memref<320000xi32, #tpu.memory_space<hbm>>, %arg4: memref<320000x128xf32, #tpu.memory_space<hbm>>, %arg5: memref<10000x128xf32, #tpu.memory_space<hbm>>, %arg6: memref<10000x128xf32, #tpu.memory_space<hbm>>, %arg7: memref<10000x128xf32, #tpu.memory_space<hbm>>, %arg8: memref<320000xf32, #tpu.memory_space<hbm>>, %arg9: memref<10000xf32, #tpu.memory_space<hbm>>, %arg10: memref<10000xf32, #tpu.memory_space<hbm>>, %arg11: memref<320000x128xf32, #tpu.memory_space<hbm>>, %arg12: memref<20480xf32, #tpu.memory_space<hbm>>, %arg13: memref<20480x128xf32, #tpu.memory_space<hbm>>, %arg14: memref<40xi32, #tpu.memory_space<vmem>>, %arg15: memref<40xi32, #tpu.memory_space<vmem>>, %arg16: memref<40xi32, #tpu.memory_space<vmem>>, %arg17: memref<40x128xf32, #tpu.memory_space<vmem>>, %arg18: memref<40x128xf32, #tpu.memory_space<vmem>>, %arg19: memref<40x128xf32, #tpu.memory_space<vmem>>, %arg20: memref<40x128xf32, #tpu.memory_space<vmem>>, %arg21: memref<48xf32, #tpu.memory_space<vmem>>, %arg22: memref<48xf32, #tpu.memory_space<vmem>>, %arg23: memref<48xf32, #tpu.memory_space<vmem>>, %arg24: memref<56xf32, #tpu.memory_space<vmem>>, %arg25: memref<40xi32, #tpu.memory_space<vmem>>, %arg26: memref<40xi32, #tpu.memory_space<vmem>>, %arg27: memref<40xi32, #tpu.memory_space<vmem>>, %arg28: memref<40x128xf32, #tpu.memory_space<vmem>>, %arg29: memref<40x128xf32, #tpu.memory_space<vmem>>, %arg30: memref<40x128xf32, #tpu.memory_space<vmem>>, %arg31: memref<40x128xf32, #tpu.memory_space<vmem>>, %arg32: memref<48xf32, #tpu.memory_space<vmem>>, %arg33: memref<48xf32, #tpu.memory_space<vmem>>, %arg34: memref<48xf32, #tpu.memory_space<vmem>>, %arg35: memref<56xf32, #tpu.memory_space<vmem>>, %arg36: memref<640xf32, #tpu.memory_space<vmem>>, %arg37: memref<40x128xf32, #tpu.memory_space<vmem>>, %arg38: memref<10240xf32, #tpu.memory_space<vmem_shared>>, %arg39: memref<10240x128xf32, #tpu.memory_space<vmem_shared>>, %arg40: memref<!tpu.dma_semaphore, #tpu.memory_space<semaphore_mem>>, %arg41: memref<!tpu.dma_semaphore, #tpu.memory_space<semaphore_mem>>, %arg42: memref<!tpu.dma_semaphore, #tpu.memory_space<semaphore_mem>>, %arg43: memref<!tpu.dma_semaphore, #tpu.memory_space<semaphore_mem>>, %arg44: memref<!tpu.dma_semaphore, #tpu.memory_space<semaphore_mem>>, %arg45: memref<!tpu.dma_semaphore, #tpu.memory_space<semaphore_mem>>) attributes {dimension_semantics = [#tpu.dimension_semantics<core_parallel>, #tpu.dimension_semantics<subcore_parallel>], iteration_bounds = array<i64: 2, 16>, scalar_prefetch = 0 : i64, scratch_operands = 32 : i64, tpu.core_type = #tpu.core_type<sc_vector_subcore>, window_params = [{transform_indices = #map}, {transform_indices = #map}, {transform_indices = #map1}, {transform_indices = #map1}, {transform_indices = #map1}, {transform_indices = #map1}, {transform_indices = #map}, {transform_indices = #map}, {transform_indices = #map}, {transform_indices = #map1}, {transform_indices = #map}, {transform_indices = #map1}]} {
    %mul3A = arith.constant 2 : i32
    %mul3A_0 = arith.muli %arg1, %mul3A : i32
    %add3A = arith.addi %mul3A_0, %arg0 : i32
    %scan3A = arith.constant 0 : i32
    %scan3A_1 = arith.constant 0 : i32
    %scan3A_2 = arith.constant 40 : i32
    %scan3A_3 = arith.addi %scan3A_1, %scan3A_2 : i32
    %scan3A_4 = arith.constant 1 : i32
    scf.for %scan3A_129 = %scan3A_1 to %scan3A_3 step %scan3A_4  : i32 {
      %broadcast_in_dim3A = arith.constant 0.000000e+00 : f32
      %broadcast_in_dim3A_130 = vector.broadcast %broadcast_in_dim3A : f32 to vector<16xf32>
      %mul3A_131 = arith.constant 16 : i32
      %mul3A_132 = arith.muli %scan3A_129, %mul3A_131 : i32
      %swap3A = arith.index_cast %mul3A_132 : i32 to index
      %swap3A_133 = tpu.vector_load %arg36[%swap3A] {strides = array<i32>} : memref<640xf32, #tpu.memory_space<vmem>>, vector<16xf32>,
      %swap3A_134 = vector.shape_cast %swap3A_133 : vector<16xf32> to vector<16xf32>
      %swap3A_135 = vector.shape_cast %broadcast_in_dim3A_130 : vector<16xf32> to vector<16xf32>
      tpu.vector_store %arg36[%swap3A], %swap3A_135 {strides = array<i32>} : memref<640xf32, #tpu.memory_space<vmem>>, vector<16xf32>,
    }
    %scan3A_5 = arith.constant 40 : i32
    %mul3A_6 = arith.constant 640 : i32
    %mul3A_7 = arith.muli %arg1, %mul3A_6 : i32
    "tpu.region"() ({
      %run_scoped3A = tpu.sem_alloc : memref<!tpu.dma_semaphore, #tpu.memory_space<semaphore_mem>>
      %dma_start3A_129 = tpu.memref_slice %arg38[%mul3A_7] : memref<10240xf32, #tpu.memory_space<vmem_shared>> -> memref<640xf32, #tpu.memory_space<vmem_shared>>
      %dma_start3A_130 = tpu.memref_slice %arg38[%mul3A_7] : memref<10240xf32, #tpu.memory_space<vmem_shared>> -> memref<640xf32, #tpu.memory_space<vmem_shared>>
      tpu.enqueue_dma source(%arg36 : memref<640xf32, #tpu.memory_space<vmem>>) target(%dma_start3A_130 : memref<640xf32, #tpu.memory_space<vmem_shared>>) target_semaphore(%run_scoped3A : memref<!tpu.dma_semaphore, #tpu.memory_space<semaphore_mem>>)
      %dma_wait3A_131 = tpu.memref_slice %arg38[%mul3A_7] : memref<10240xf32, #tpu.memory_space<vmem_shared>> -> memref<640xf32, #tpu.memory_space<vmem_shared>>
      %dma_wait3A_132 = tpu.memref_slice %arg38[%mul3A_7] : memref<10240xf32, #tpu.memory_space<vmem_shared>> -> memref<640xf32, #tpu.memory_space<vmem_shared>>
      tpu.wait_dma2 semaphore(%run_scoped3A : memref<!tpu.dma_semaphore, #tpu.memory_space<semaphore_mem>>) src(%arg36 : memref<640xf32, #tpu.memory_space<vmem>>) dst(%dma_wait3A_132 : memref<640xf32, #tpu.memory_space<vmem_shared>>)
      tpu.yield
    }) : () -> ()
    %scan3A_8 = arith.constant 0 : i32
    %scan3A_9 = arith.constant 0 : i32
    %scan3A_10 = arith.constant 320 : i32
    %scan3A_11 = arith.addi %scan3A_9, %scan3A_10 : i32
    %scan3A_12 = arith.constant 1 : i32
    scf.for %scan3A_129 = %scan3A_9 to %scan3A_11 step %scan3A_12  : i32 {
      %broadcast_in_dim3A = arith.constant 0.000000e+00 : f32
      %broadcast_in_dim3A_130 = vector.broadcast %broadcast_in_dim3A : f32 to vector<16xf32>
      %jit3A = arith.constant 8 : i32
      %div3A = arith.divsi %scan3A_129, %jit3A : i32
      %sign3A = arith.constant 0 : i32
      %sign3A_131 = arith.cmpi sgt, %scan3A_129, %sign3A : i32
      %sign3A_132 = arith.extui %sign3A_131 : i1 to i32
      %sign3A_133 = arith.constant 0 : i32
      %sign3A_134 = arith.cmpi slt, %scan3A_129, %sign3A_133 : i32
      %sign3A_135 = arith.extui %sign3A_134 : i1 to i32
      %sign3A_136 = arith.subi %sign3A_132, %sign3A_135 : i32
      %sign3A_137 = arith.constant 0 : i32
      %sign3A_138 = arith.cmpi sgt, %jit3A, %sign3A_137 : i32
      %sign3A_139 = arith.extui %sign3A_138 : i1 to i32
      %sign3A_140 = arith.constant 0 : i32
      %sign3A_141 = arith.cmpi slt, %jit3A, %sign3A_140 : i32
      %sign3A_142 = arith.extui %sign3A_141 : i1 to i32
      %sign3A_143 = arith.subi %sign3A_139, %sign3A_142 : i32
      %ne3A = arith.cmpi ne, %sign3A_136, %sign3A_143 : i32
      %rem3A = arith.remsi %scan3A_129, %jit3A : i32
      %ne3A_144 = arith.constant 0 : i32
      %ne3A_145 = arith.cmpi ne, %rem3A, %ne3A_144 : i32
      %and3A = arith.andi %ne3A, %ne3A_145 : i1
      %sub3A = arith.constant 1 : i32
      %sub3A_146 = arith.subi %div3A, %sub3A : i32
      %select_n3A = arith.select %and3A, %sub3A_146, %div3A : i32
      %jit3A_147 = arith.constant 8 : i32
      %eq3A = arith.constant 0 : i32
      %eq3A_148 = arith.cmpi eq, %jit3A_147, %eq3A : i32
      %jit3A_149 = arith.constant 1 : i32
      %select_n3A_150 = arith.select %eq3A_148, %jit3A_149, %jit3A_147 : i32
      %rem3A_151 = arith.remsi %scan3A_129, %select_n3A_150 : i32
      %ne3A_152 = arith.constant 0 : i32
      %ne3A_153 = arith.cmpi ne, %rem3A_151, %ne3A_152 : i32
      %lt3A = arith.constant 0 : i32
      %lt3A_154 = arith.cmpi slt, %rem3A_151, %lt3A : i32
      %lt3A_155 = arith.constant 0 : i32
      %lt3A_156 = arith.cmpi slt, %select_n3A_150, %lt3A_155 : i32
      %ne3A_157 = arith.xori %lt3A_154, %lt3A_156 : i1
      %and3A_158 = arith.andi %ne3A_157, %ne3A_153 : i1
      %add3A_159 = arith.addi %rem3A_151, %select_n3A_150 : i32
      %select_n3A_160 = arith.select %and3A_158, %add3A_159, %rem3A_151 : i32
      %mul3A_161 = arith.constant 16 : i32
      %mul3A_162 = arith.muli %select_n3A_160, %mul3A_161 : i32
      %swap3A = arith.index_cast %select_n3A : i32 to index
      %swap3A_163 = arith.index_cast %mul3A_162 : i32 to index
      %swap3A_164 = tpu.vector_load %arg37[%swap3A, %swap3A_163] {strides = array<i32>} : memref<40x128xf32, #tpu.memory_space<vmem>>, vector<1x16xf32>,
      %swap3A_165 = vector.shape_cast %swap3A_164 : vector<1x16xf32> to vector<16xf32>
      %swap3A_166 = vector.shape_cast %broadcast_in_dim3A_130 : vector<16xf32> to vector<1x16xf32>
      tpu.vector_store %arg37[%swap3A, %swap3A_163], %swap3A_166 {strides = array<i32>} : memref<40x128xf32, #tpu.memory_space<vmem>>, vector<1x16xf32>,
    }
    %scan3A_13 = arith.constant 320 : i32
    %scan3A_14 = arith.constant 0 : i32
    %scan3A_15 = arith.constant 0 : i32
    %scan3A_16 = arith.constant 16 : i32
    %scan3A_17 = arith.addi %scan3A_15, %scan3A_16 : i32
    %scan3A_18 = arith.constant 1 : i32
    scf.for %scan3A_129 = %scan3A_15 to %scan3A_17 step %scan3A_18  : i32 {
      %mul3A_130 = arith.constant 640 : i32
      %mul3A_131 = arith.muli %arg1, %mul3A_130 : i32
      %mul3A_132 = arith.constant 40 : i32
      %mul3A_133 = arith.muli %scan3A_129, %mul3A_132 : i32
      %add3A_134 = arith.addi %mul3A_131, %mul3A_133 : i32
      "tpu.region"() ({
        %run_scoped3A = tpu.sem_alloc : memref<!tpu.dma_semaphore, #tpu.memory_space<semaphore_mem>>
        %dma_start3A_135 = arith.constant 0 : i32
        %dma_start3A_136 = tpu.memref_slice %arg39[%add3A_134, %dma_start3A_135] : memref<10240x128xf32, #tpu.memory_space<vmem_shared>> -> memref<40x128xf32, #tpu.memory_space<vmem_shared>>
        %dma_start3A_137 = arith.constant 0 : i32
        %dma_start3A_138 = tpu.memref_slice %arg39[%add3A_134, %dma_start3A_137] : memref<10240x128xf32, #tpu.memory_space<vmem_shared>> -> memref<40x128xf32, #tpu.memory_space<vmem_shared>>
        tpu.enqueue_dma source(%arg37 : memref<40x128xf32, #tpu.memory_space<vmem>>) target(%dma_start3A_138 : memref<40x128xf32, #tpu.memory_space<vmem_shared>>) target_semaphore(%run_scoped3A : memref<!tpu.dma_semaphore, #tpu.memory_space<semaphore_mem>>)
        %dma_wait3A_139 = arith.constant 0 : i32
        %dma_wait3A_140 = tpu.memref_slice %arg39[%add3A_134, %dma_wait3A_139] : memref<10240x128xf32, #tpu.memory_space<vmem_shared>> -> memref<40x128xf32, #tpu.memory_space<vmem_shared>>
        %dma_wait3A_141 = arith.constant 0 : i32
        %dma_wait3A_142 = tpu.memref_slice %arg39[%add3A_134, %dma_wait3A_141] : memref<10240x128xf32, #tpu.memory_space<vmem_shared>> -> memref<40x128xf32, #tpu.memory_space<vmem_shared>>
        tpu.wait_dma2 semaphore(%run_scoped3A : memref<!tpu.dma_semaphore, #tpu.memory_space<semaphore_mem>>) src(%arg37 : memref<40x128xf32, #tpu.memory_space<vmem>>) dst(%dma_wait3A_142 : memref<40x128xf32, #tpu.memory_space<vmem_shared>>)
        tpu.yield
      }) : () -> ()
    }
    %scan3A_19 = arith.constant 16 : i32
    %barrier3A = arith.constant 0 : index
    tpu.barrier barrier_id(%barrier3A)
    %mul3A_20 = arith.constant 10000 : i32
    %mul3A_21 = arith.muli %add3A, %mul3A_20 : i32
    %add3A_22 = arith.constant 0 : i32
    %add3A_23 = arith.addi %mul3A_21, %add3A_22 : i32
    "tpu.region"() ({
      %run_scoped3A = tpu.sem_alloc : memref<!tpu.dma_semaphore, #tpu.memory_space<semaphore_mem>>
      %dma_start3A_129 = tpu.memref_slice %arg2[%add3A_23] : memref<320000xi32, #tpu.memory_space<hbm>> -> memref<40xi32, #tpu.memory_space<hbm>>
      %dma_start3A_130 = tpu.memref_slice %arg2[%add3A_23] : memref<320000xi32, #tpu.memory_space<hbm>> -> memref<40xi32, #tpu.memory_space<hbm>>
      tpu.enqueue_dma source(%dma_start3A_130 : memref<40xi32, #tpu.memory_space<hbm>>) target(%arg14 : memref<40xi32, #tpu.memory_space<vmem>>) target_semaphore(%run_scoped3A : memref<!tpu.dma_semaphore, #tpu.memory_space<semaphore_mem>>)
      %dma_wait3A_131 = tpu.memref_slice %arg2[%add3A_23] : memref<320000xi32, #tpu.memory_space<hbm>> -> memref<40xi32, #tpu.memory_space<hbm>>
      %dma_wait3A_132 = tpu.memref_slice %arg2[%add3A_23] : memref<320000xi32, #tpu.memory_space<hbm>> -> memref<40xi32, #tpu.memory_space<hbm>>
      tpu.wait_dma2 semaphore(%run_scoped3A : memref<!tpu.dma_semaphore, #tpu.memory_space<semaphore_mem>>) src(%dma_wait3A_132 : memref<40xi32, #tpu.memory_space<hbm>>) dst(%arg14 : memref<40xi32, #tpu.memory_space<vmem>>)
      tpu.yield
    }) : () -> ()
    %mul3A_24 = arith.constant 10000 : i32
    %mul3A_25 = arith.muli %add3A, %mul3A_24 : i32
    %add3A_26 = arith.constant 0 : i32
    %add3A_27 = arith.addi %mul3A_25, %add3A_26 : i32
    "tpu.region"() ({
      %run_scoped3A = tpu.sem_alloc : memref<!tpu.dma_semaphore, #tpu.memory_space<semaphore_mem>>
      %dma_start3A_129 = tpu.memref_slice %arg3[%add3A_27] : memref<320000xi32, #tpu.memory_space<hbm>> -> memref<40xi32, #tpu.memory_space<hbm>>
      %dma_start3A_130 = tpu.memref_slice %arg3[%add3A_27] : memref<320000xi32, #tpu.memory_space<hbm>> -> memref<40xi32, #tpu.memory_space<hbm>>
      tpu.enqueue_dma source(%dma_start3A_130 : memref<40xi32, #tpu.memory_space<hbm>>) target(%arg15 : memref<40xi32, #tpu.memory_space<vmem>>) target_semaphore(%run_scoped3A : memref<!tpu.dma_semaphore, #tpu.memory_space<semaphore_mem>>)
      %dma_wait3A_131 = tpu.memref_slice %arg3[%add3A_27] : memref<320000xi32, #tpu.memory_space<hbm>> -> memref<40xi32, #tpu.memory_space<hbm>>
      %dma_wait3A_132 = tpu.memref_slice %arg3[%add3A_27] : memref<320000xi32, #tpu.memory_space<hbm>> -> memref<40xi32, #tpu.memory_space<hbm>>
      tpu.wait_dma2 semaphore(%run_scoped3A : memref<!tpu.dma_semaphore, #tpu.memory_space<semaphore_mem>>) src(%dma_wait3A_132 : memref<40xi32, #tpu.memory_space<hbm>>) dst(%arg15 : memref<40xi32, #tpu.memory_space<vmem>>)
      tpu.yield
    }) : () -> ()
    %mul3A_28 = arith.constant 10000 : i32
    %mul3A_29 = arith.muli %add3A, %mul3A_28 : i32
    %add3A_30 = arith.constant 0 : i32
    %add3A_31 = arith.addi %mul3A_29, %add3A_30 : i32
    %dma_start3A = arith.constant 0 : i32
    %dma_start3A_32 = arith.constant 0 : i32
    %dma_start3A_33 = tpu.memref_slice %arg5[%dma_start3A, %dma_start3A_32] : memref<10000x128xf32, #tpu.memory_space<hbm>> -> memref<10000x128xf32, #tpu.memory_space<hbm>>
    tpu.enqueue_indirect_dma source(%dma_start3A_33 : memref<10000x128xf32, #tpu.memory_space<hbm>>) target(%arg18 : memref<40x128xf32, #tpu.memory_space<vmem>>) offsets(%arg14 : memref<40xi32, #tpu.memory_space<vmem>>) semaphore(%arg41 : memref<!tpu.dma_semaphore, #tpu.memory_space<semaphore_mem>>)
    %dma_start3A_34 = arith.constant 0 : i32
    %dma_start3A_35 = arith.constant 0 : i32
    %dma_start3A_36 = tpu.memref_slice %arg6[%dma_start3A_34, %dma_start3A_35] : memref<10000x128xf32, #tpu.memory_space<hbm>> -> memref<10000x128xf32, #tpu.memory_space<hbm>>
    tpu.enqueue_indirect_dma source(%dma_start3A_36 : memref<10000x128xf32, #tpu.memory_space<hbm>>) target(%arg19 : memref<40x128xf32, #tpu.memory_space<vmem>>) offsets(%arg15 : memref<40xi32, #tpu.memory_space<vmem>>) semaphore(%arg41 : memref<!tpu.dma_semaphore, #tpu.memory_space<semaphore_mem>>)
    %dma_start3A_37 = arith.constant 0 : i32
    %dma_start3A_38 = arith.constant 0 : i32
    %dma_start3A_39 = tpu.memref_slice %arg7[%dma_start3A_37, %dma_start3A_38] : memref<10000x128xf32, #tpu.memory_space<hbm>> -> memref<10000x128xf32, #tpu.memory_space<hbm>>
    tpu.enqueue_indirect_dma source(%dma_start3A_39 : memref<10000x128xf32, #tpu.memory_space<hbm>>) target(%arg20 : memref<40x128xf32, #tpu.memory_space<vmem>>) offsets(%arg14 : memref<40xi32, #tpu.memory_space<vmem>>) semaphore(%arg41 : memref<!tpu.dma_semaphore, #tpu.memory_space<semaphore_mem>>)
    %dma_start3A_40 = arith.constant 0 : i32
    %dma_start3A_41 = tpu.memref_slice %arg22[%dma_start3A_40] : memref<48xf32, #tpu.memory_space<vmem>> -> memref<40xf32, #tpu.memory_space<vmem>>
    %dma_start3A_42 = arith.constant 0 : i32
    %dma_start3A_43 = tpu.memref_slice %arg9[%dma_start3A_42] : memref<10000xf32, #tpu.memory_space<hbm>> -> memref<10000xf32, #tpu.memory_space<hbm>>
    tpu.enqueue_indirect_dma source(%dma_start3A_43 : memref<10000xf32, #tpu.memory_space<hbm>>) target(%dma_start3A_41 : memref<40xf32, #tpu.memory_space<vmem>>) offsets(%arg14 : memref<40xi32, #tpu.memory_space<vmem>>) semaphore(%arg41 : memref<!tpu.dma_semaphore, #tpu.memory_space<semaphore_mem>>)
    %dma_start3A_44 = arith.constant 0 : i32
    %dma_start3A_45 = tpu.memref_slice %arg23[%dma_start3A_44] : memref<48xf32, #tpu.memory_space<vmem>> -> memref<40xf32, #tpu.memory_space<vmem>>
    %dma_start3A_46 = arith.constant 0 : i32
    %dma_start3A_47 = tpu.memref_slice %arg10[%dma_start3A_46] : memref<10000xf32, #tpu.memory_space<hbm>> -> memref<10000xf32, #tpu.memory_space<hbm>>
    tpu.enqueue_indirect_dma source(%dma_start3A_47 : memref<10000xf32, #tpu.memory_space<hbm>>) target(%dma_start3A_45 : memref<40xf32, #tpu.memory_space<vmem>>) offsets(%arg15 : memref<40xi32, #tpu.memory_space<vmem>>) semaphore(%arg41 : memref<!tpu.dma_semaphore, #tpu.memory_space<semaphore_mem>>)
    %dma_start3A_48 = arith.constant 0 : i32
    %dma_start3A_49 = tpu.memref_slice %arg4[%add3A_31, %dma_start3A_48] : memref<320000x128xf32, #tpu.memory_space<hbm>> -> memref<40x128xf32, #tpu.memory_space<hbm>>
    %dma_start3A_50 = arith.constant 0 : i32
    %dma_start3A_51 = tpu.memref_slice %arg4[%add3A_31, %dma_start3A_50] : memref<320000x128xf32, #tpu.memory_space<hbm>> -> memref<40x128xf32, #tpu.memory_space<hbm>>
    tpu.enqueue_dma source(%dma_start3A_51 : memref<40x128xf32, #tpu.memory_space<hbm>>) target(%arg17 : memref<40x128xf32, #tpu.memory_space<vmem>>) target_semaphore(%arg41 : memref<!tpu.dma_semaphore, #tpu.memory_space<semaphore_mem>>)
    %dma_start3A_52 = arith.constant 0 : i32
    %dma_start3A_53 = tpu.memref_slice %arg21[%dma_start3A_52] : memref<48xf32, #tpu.memory_space<vmem>> -> memref<40xf32, #tpu.memory_space<vmem>>
    %dma_start3A_54 = tpu.memref_slice %arg8[%add3A_31] : memref<320000xf32, #tpu.memory_space<hbm>> -> memref<40xf32, #tpu.memory_space<hbm>>
    %dma_start3A_55 = arith.constant 0 : i32
    %dma_start3A_56 = tpu.memref_slice %arg21[%dma_start3A_55] : memref<48xf32, #tpu.memory_space<vmem>> -> memref<40xf32, #tpu.memory_space<vmem>>
    %dma_start3A_57 = tpu.memref_slice %arg8[%add3A_31] : memref<320000xf32, #tpu.memory_space<hbm>> -> memref<40xf32, #tpu.memory_space<hbm>>
    tpu.enqueue_dma source(%dma_start3A_57 : memref<40xf32, #tpu.memory_space<hbm>>) target(%dma_start3A_56 : memref<40xf32, #tpu.memory_space<vmem>>) target_semaphore(%arg41 : memref<!tpu.dma_semaphore, #tpu.memory_space<semaphore_mem>>)
    %mul3A_58 = arith.constant 10000 : i32
    %mul3A_59 = arith.muli %add3A, %mul3A_58 : i32
    %add3A_60 = arith.constant 40 : i32
    %add3A_61 = arith.addi %mul3A_59, %add3A_60 : i32
    "tpu.region"() ({
      %run_scoped3A = tpu.sem_alloc : memref<!tpu.dma_semaphore, #tpu.memory_space<semaphore_mem>>
      %dma_start3A_129 = tpu.memref_slice %arg2[%add3A_61] : memref<320000xi32, #tpu.memory_space<hbm>> -> memref<40xi32, #tpu.memory_space<hbm>>
      %dma_start3A_130 = tpu.memref_slice %arg2[%add3A_61] : memref<320000xi32, #tpu.memory_space<hbm>> -> memref<40xi32, #tpu.memory_space<hbm>>
      tpu.enqueue_dma source(%dma_start3A_130 : memref<40xi32, #tpu.memory_space<hbm>>) target(%arg25 : memref<40xi32, #tpu.memory_space<vmem>>) target_semaphore(%run_scoped3A : memref<!tpu.dma_semaphore, #tpu.memory_space<semaphore_mem>>)
      %dma_wait3A_131 = tpu.memref_slice %arg2[%add3A_61] : memref<320000xi32, #tpu.memory_space<hbm>> -> memref<40xi32, #tpu.memory_space<hbm>>
      %dma_wait3A_132 = tpu.memref_slice %arg2[%add3A_61] : memref<320000xi32, #tpu.memory_space<hbm>> -> memref<40xi32, #tpu.memory_space<hbm>>
      tpu.wait_dma2 semaphore(%run_scoped3A : memref<!tpu.dma_semaphore, #tpu.memory_space<semaphore_mem>>) src(%dma_wait3A_132 : memref<40xi32, #tpu.memory_space<hbm>>) dst(%arg25 : memref<40xi32, #tpu.memory_space<vmem>>)
      tpu.yield
    }) : () -> ()
    %mul3A_62 = arith.constant 10000 : i32
    %mul3A_63 = arith.muli %add3A, %mul3A_62 : i32
    %add3A_64 = arith.constant 40 : i32
    %add3A_65 = arith.addi %mul3A_63, %add3A_64 : i32
    "tpu.region"() ({
      %run_scoped3A = tpu.sem_alloc : memref<!tpu.dma_semaphore, #tpu.memory_space<semaphore_mem>>
      %dma_start3A_129 = tpu.memref_slice %arg3[%add3A_65] : memref<320000xi32, #tpu.memory_space<hbm>> -> memref<40xi32, #tpu.memory_space<hbm>>
      %dma_start3A_130 = tpu.memref_slice %arg3[%add3A_65] : memref<320000xi32, #tpu.memory_space<hbm>> -> memref<40xi32, #tpu.memory_space<hbm>>
      tpu.enqueue_dma source(%dma_start3A_130 : memref<40xi32, #tpu.memory_space<hbm>>) target(%arg26 : memref<40xi32, #tpu.memory_space<vmem>>) target_semaphore(%run_scoped3A : memref<!tpu.dma_semaphore, #tpu.memory_space<semaphore_mem>>)
      %dma_wait3A_131 = tpu.memref_slice %arg3[%add3A_65] : memref<320000xi32, #tpu.memory_space<hbm>> -> memref<40xi32, #tpu.memory_space<hbm>>
      %dma_wait3A_132 = tpu.memref_slice %arg3[%add3A_65] : memref<320000xi32, #tpu.memory_space<hbm>> -> memref<40xi32, #tpu.memory_space<hbm>>
      tpu.wait_dma2 semaphore(%run_scoped3A : memref<!tpu.dma_semaphore, #tpu.memory_space<semaphore_mem>>) src(%dma_wait3A_132 : memref<40xi32, #tpu.memory_space<hbm>>) dst(%arg26 : memref<40xi32, #tpu.memory_space<vmem>>)
      tpu.yield
    }) : () -> ()
    %mul3A_66 = arith.constant 10000 : i32
    %mul3A_67 = arith.muli %add3A, %mul3A_66 : i32
    %add3A_68 = arith.constant 40 : i32
    %add3A_69 = arith.addi %mul3A_67, %add3A_68 : i32
    %dma_start3A_70 = arith.constant 0 : i32
    %dma_start3A_71 = arith.constant 0 : i32
    %dma_start3A_72 = tpu.memref_slice %arg5[%dma_start3A_70, %dma_start3A_71] : memref<10000x128xf32, #tpu.memory_space<hbm>> -> memref<10000x128xf32, #tpu.memory_space<hbm>>
    tpu.enqueue_indirect_dma source(%dma_start3A_72 : memref<10000x128xf32, #tpu.memory_space<hbm>>) target(%arg29 : memref<40x128xf32, #tpu.memory_space<vmem>>) offsets(%arg25 : memref<40xi32, #tpu.memory_space<vmem>>) semaphore(%arg44 : memref<!tpu.dma_semaphore, #tpu.memory_space<semaphore_mem>>)
    %dma_start3A_73 = arith.constant 0 : i32
    %dma_start3A_74 = arith.constant 0 : i32
    %dma_start3A_75 = tpu.memref_slice %arg6[%dma_start3A_73, %dma_start3A_74] : memref<10000x128xf32, #tpu.memory_space<hbm>> -> memref<10000x128xf32, #tpu.memory_space<hbm>>
    tpu.enqueue_indirect_dma source(%dma_start3A_75 : memref<10000x128xf32, #tpu.memory_space<hbm>>) target(%arg30 : memref<40x128xf32, #tpu.memory_space<vmem>>) offsets(%arg26 : memref<40xi32, #tpu.memory_space<vmem>>) semaphore(%arg44 : memref<!tpu.dma_semaphore, #tpu.memory_space<semaphore_mem>>)
    %dma_start3A_76 = arith.constant 0 : i32
    %dma_start3A_77 = arith.constant 0 : i32
    %dma_start3A_78 = tpu.memref_slice %arg7[%dma_start3A_76, %dma_start3A_77] : memref<10000x128xf32, #tpu.memory_space<hbm>> -> memref<10000x128xf32, #tpu.memory_space<hbm>>
    tpu.enqueue_indirect_dma source(%dma_start3A_78 : memref<10000x128xf32, #tpu.memory_space<hbm>>) target(%arg31 : memref<40x128xf32, #tpu.memory_space<vmem>>) offsets(%arg25 : memref<40xi32, #tpu.memory_space<vmem>>) semaphore(%arg44 : memref<!tpu.dma_semaphore, #tpu.memory_space<semaphore_mem>>)
    %dma_start3A_79 = arith.constant 0 : i32
    %dma_start3A_80 = tpu.memref_slice %arg33[%dma_start3A_79] : memref<48xf32, #tpu.memory_space<vmem>> -> memref<40xf32, #tpu.memory_space<vmem>>
    %dma_start3A_81 = arith.constant 0 : i32
    %dma_start3A_82 = tpu.memref_slice %arg9[%dma_start3A_81] : memref<10000xf32, #tpu.memory_space<hbm>> -> memref<10000xf32, #tpu.memory_space<hbm>>
    tpu.enqueue_indirect_dma source(%dma_start3A_82 : memref<10000xf32, #tpu.memory_space<hbm>>) target(%dma_start3A_80 : memref<40xf32, #tpu.memory_space<vmem>>) offsets(%arg25 : memref<40xi32, #tpu.memory_space<vmem>>) semaphore(%arg44 : memref<!tpu.dma_semaphore, #tpu.memory_space<semaphore_mem>>)
    %dma_start3A_83 = arith.constant 0 : i32
    %dma_start3A_84 = tpu.memref_slice %arg34[%dma_start3A_83] : memref<48xf32, #tpu.memory_space<vmem>> -> memref<40xf32, #tpu.memory_space<vmem>>
    %dma_start3A_85 = arith.constant 0 : i32
    %dma_start3A_86 = tpu.memref_slice %arg10[%dma_start3A_85] : memref<10000xf32, #tpu.memory_space<hbm>> -> memref<10000xf32, #tpu.memory_space<hbm>>
    tpu.enqueue_indirect_dma source(%dma_start3A_86 : memref<10000xf32, #tpu.memory_space<hbm>>) target(%dma_start3A_84 : memref<40xf32, #tpu.memory_space<vmem>>) offsets(%arg26 : memref<40xi32, #tpu.memory_space<vmem>>) semaphore(%arg44 : memref<!tpu.dma_semaphore, #tpu.memory_space<semaphore_mem>>)
    %dma_start3A_87 = arith.constant 0 : i32
    %dma_start3A_88 = tpu.memref_slice %arg4[%add3A_69, %dma_start3A_87] : memref<320000x128xf32, #tpu.memory_space<hbm>> -> memref<40x128xf32, #tpu.memory_space<hbm>>
    %dma_start3A_89 = arith.constant 0 : i32
    %dma_start3A_90 = tpu.memref_slice %arg4[%add3A_69, %dma_start3A_89] : memref<320000x128xf32, #tpu.memory_space<hbm>> -> memref<40x128xf32, #tpu.memory_space<hbm>>
    tpu.enqueue_dma source(%dma_start3A_90 : memref<40x128xf32, #tpu.memory_space<hbm>>) target(%arg28 : memref<40x128xf32, #tpu.memory_space<vmem>>) target_semaphore(%arg44 : memref<!tpu.dma_semaphore, #tpu.memory_space<semaphore_mem>>)
    %dma_start3A_91 = arith.constant 0 : i32
    %dma_start3A_92 = tpu.memref_slice %arg32[%dma_start3A_91] : memref<48xf32, #tpu.memory_space<vmem>> -> memref<40xf32, #tpu.memory_space<vmem>>
    %dma_start3A_93 = tpu.memref_slice %arg8[%add3A_69] : memref<320000xf32, #tpu.memory_space<hbm>> -> memref<40xf32, #tpu.memory_space<hbm>>
    %dma_start3A_94 = arith.constant 0 : i32
    %dma_start3A_95 = tpu.memref_slice %arg32[%dma_start3A_94] : memref<48xf32, #tpu.memory_space<vmem>> -> memref<40xf32, #tpu.memory_space<vmem>>
    %dma_start3A_96 = tpu.memref_slice %arg8[%add3A_69] : memref<320000xf32, #tpu.memory_space<hbm>> -> memref<40xf32, #tpu.memory_space<hbm>>
    tpu.enqueue_dma source(%dma_start3A_96 : memref<40xf32, #tpu.memory_space<hbm>>) target(%dma_start3A_95 : memref<40xf32, #tpu.memory_space<vmem>>) target_semaphore(%arg44 : memref<!tpu.dma_semaphore, #tpu.memory_space<semaphore_mem>>)
    %scan3A_97 = arith.constant 0 : i32
    %scan3A_98 = arith.constant 0 : i32
    %scan3A_99 = arith.constant 125 : i32
    %scan3A_100 = arith.addi %scan3A_98, %scan3A_99 : i32
    %scan3A_101 = arith.constant 1 : i32
    scf.for %scan3A_129 = %scan3A_98 to %scan3A_100 step %scan3A_101  : i32 {
      %mul3A_130 = arith.constant 2 : i32
      %mul3A_131 = arith.muli %mul3A_130, %scan3A_129 : i32
      %mul3A_132 = arith.constant 2 : i32
      %mul3A_133 = arith.muli %mul3A_132, %scan3A_129 : i32
      %add3A_134 = arith.constant 1 : i32
      %add3A_135 = arith.addi %mul3A_133, %add3A_134 : i32
      %dma_wait3A_136 = arith.constant 0 : i32
      %dma_wait3A_137 = arith.constant 0 : i32
      %dma_wait3A_138 = tpu.memref_slice %arg5[%dma_wait3A_136, %dma_wait3A_137] : memref<10000x128xf32, #tpu.memory_space<hbm>> -> memref<40x128xf32, #tpu.memory_space<hbm>>
      %dma_wait3A_139 = arith.constant 0 : i32
      %dma_wait3A_140 = arith.constant 0 : i32
      %dma_wait3A_141 = tpu.memref_slice %arg5[%dma_wait3A_139, %dma_wait3A_140] : memref<10000x128xf32, #tpu.memory_space<hbm>> -> memref<40x128xf32, #tpu.memory_space<hbm>>
      tpu.wait_dma2 semaphore(%arg41 : memref<!tpu.dma_semaphore, #tpu.memory_space<semaphore_mem>>) src(%dma_wait3A_141 : memref<40x128xf32, #tpu.memory_space<hbm>>) dst(%arg18 : memref<40x128xf32, #tpu.memory_space<vmem>>)
      %dma_wait3A_142 = arith.constant 0 : i32
      %dma_wait3A_143 = arith.constant 0 : i32
      %dma_wait3A_144 = tpu.memref_slice %arg5[%dma_wait3A_142, %dma_wait3A_143] : memref<10000x128xf32, #tpu.memory_space<hbm>> -> memref<40x128xf32, #tpu.memory_space<hbm>>
      %dma_wait3A_145 = arith.constant 0 : i32
      %dma_wait3A_146 = arith.constant 0 : i32
      %dma_wait3A_147 = tpu.memref_slice %arg5[%dma_wait3A_145, %dma_wait3A_146] : memref<10000x128xf32, #tpu.memory_space<hbm>> -> memref<40x128xf32, #tpu.memory_space<hbm>>
      tpu.wait_dma2 semaphore(%arg41 : memref<!tpu.dma_semaphore, #tpu.memory_space<semaphore_mem>>) src(%dma_wait3A_147 : memref<40x128xf32, #tpu.memory_space<hbm>>) dst(%arg19 : memref<40x128xf32, #tpu.memory_space<vmem>>)
      %dma_wait3A_148 = arith.constant 0 : i32
      %dma_wait3A_149 = arith.constant 0 : i32
      %dma_wait3A_150 = tpu.memref_slice %arg5[%dma_wait3A_148, %dma_wait3A_149] : memref<10000x128xf32, #tpu.memory_space<hbm>> -> memref<40x128xf32, #tpu.memory_space<hbm>>
      %dma_wait3A_151 = arith.constant 0 : i32
      %dma_wait3A_152 = arith.constant 0 : i32
      %dma_wait3A_153 = tpu.memref_slice %arg5[%dma_wait3A_151, %dma_wait3A_152] : memref<10000x128xf32, #tpu.memory_space<hbm>> -> memref<40x128xf32, #tpu.memory_space<hbm>>
      tpu.wait_dma2 semaphore(%arg41 : memref<!tpu.dma_semaphore, #tpu.memory_space<semaphore_mem>>) src(%dma_wait3A_153 : memref<40x128xf32, #tpu.memory_space<hbm>>) dst(%arg20 : memref<40x128xf32, #tpu.memory_space<vmem>>)
      %dma_wait3A_154 = arith.constant 0 : i32
      %dma_wait3A_155 = tpu.memref_slice %arg22[%dma_wait3A_154] : memref<48xf32, #tpu.memory_space<vmem>> -> memref<40xf32, #tpu.memory_space<vmem>>
      %dma_wait3A_156 = arith.constant 0 : i32
      %dma_wait3A_157 = tpu.memref_slice %arg9[%dma_wait3A_156] : memref<10000xf32, #tpu.memory_space<hbm>> -> memref<40xf32, #tpu.memory_space<hbm>>
      %dma_wait3A_158 = arith.constant 0 : i32
      %dma_wait3A_159 = tpu.memref_slice %arg22[%dma_wait3A_158] : memref<48xf32, #tpu.memory_space<vmem>> -> memref<40xf32, #tpu.memory_space<vmem>>
      %dma_wait3A_160 = arith.constant 0 : i32
      %dma_wait3A_161 = tpu.memref_slice %arg9[%dma_wait3A_160] : memref<10000xf32, #tpu.memory_space<hbm>> -> memref<40xf32, #tpu.memory_space<hbm>>
      tpu.wait_dma2 semaphore(%arg41 : memref<!tpu.dma_semaphore, #tpu.memory_space<semaphore_mem>>) src(%dma_wait3A_161 : memref<40xf32, #tpu.memory_space<hbm>>) dst(%dma_wait3A_159 : memref<40xf32, #tpu.memory_space<vmem>>)
      %dma_wait3A_162 = arith.constant 0 : i32
      %dma_wait3A_163 = tpu.memref_slice %arg23[%dma_wait3A_162] : memref<48xf32, #tpu.memory_space<vmem>> -> memref<40xf32, #tpu.memory_space<vmem>>
      %dma_wait3A_164 = arith.constant 0 : i32
      %dma_wait3A_165 = tpu.memref_slice %arg9[%dma_wait3A_164] : memref<10000xf32, #tpu.memory_space<hbm>> -> memref<40xf32, #tpu.memory_space<hbm>>
      %dma_wait3A_166 = arith.constant 0 : i32
      %dma_wait3A_167 = tpu.memref_slice %arg23[%dma_wait3A_166] : memref<48xf32, #tpu.memory_space<vmem>> -> memref<40xf32, #tpu.memory_space<vmem>>
      %dma_wait3A_168 = arith.constant 0 : i32
      %dma_wait3A_169 = tpu.memref_slice %arg9[%dma_wait3A_168] : memref<10000xf32, #tpu.memory_space<hbm>> -> memref<40xf32, #tpu.memory_space<hbm>>
      tpu.wait_dma2 semaphore(%arg41 : memref<!tpu.dma_semaphore, #tpu.memory_space<semaphore_mem>>) src(%dma_wait3A_169 : memref<40xf32, #tpu.memory_space<hbm>>) dst(%dma_wait3A_167 : memref<40xf32, #tpu.memory_space<vmem>>)
      %dma_wait3A_170 = arith.constant 0 : i32
      %dma_wait3A_171 = arith.constant 0 : i32
      %dma_wait3A_172 = tpu.memref_slice %arg4[%dma_wait3A_170, %dma_wait3A_171] : memref<320000x128xf32, #tpu.memory_space<hbm>> -> memref<40x128xf32, #tpu.memory_space<hbm>>
      %dma_wait3A_173 = arith.constant 0 : i32
      %dma_wait3A_174 = arith.constant 0 : i32
      %dma_wait3A_175 = tpu.memref_slice %arg4[%dma_wait3A_173, %dma_wait3A_174] : memref<320000x128xf32, #tpu.memory_space<hbm>> -> memref<40x128xf32, #tpu.memory_space<hbm>>
      tpu.wait_dma2 semaphore(%arg41 : memref<!tpu.dma_semaphore, #tpu.memory_space<semaphore_mem>>) src(%dma_wait3A_175 : memref<40x128xf32, #tpu.memory_space<hbm>>) dst(%arg17 : memref<40x128xf32, #tpu.memory_space<vmem>>)
      %dma_wait3A_176 = arith.constant 0 : i32
      %dma_wait3A_177 = tpu.memref_slice %arg21[%dma_wait3A_176] : memref<48xf32, #tpu.memory_space<vmem>> -> memref<40xf32, #tpu.memory_space<vmem>>
      %dma_wait3A_178 = arith.constant 0 : i32
      %dma_wait3A_179 = tpu.memref_slice %arg8[%dma_wait3A_178] : memref<320000xf32, #tpu.memory_space<hbm>> -> memref<40xf32, #tpu.memory_space<hbm>>
      %dma_wait3A_180 = arith.constant 0 : i32
      %dma_wait3A_181 = tpu.memref_slice %arg21[%dma_wait3A_180] : memref<48xf32, #tpu.memory_space<vmem>> -> memref<40xf32, #tpu.memory_space<vmem>>
      %dma_wait3A_182 = arith.constant 0 : i32
      %dma_wait3A_183 = tpu.memref_slice %arg8[%dma_wait3A_182] : memref<320000xf32, #tpu.memory_space<hbm>> -> memref<40xf32, #tpu.memory_space<hbm>>
      tpu.wait_dma2 semaphore(%arg41 : memref<!tpu.dma_semaphore, #tpu.memory_space<semaphore_mem>>) src(%dma_wait3A_183 : memref<40xf32, #tpu.memory_space<hbm>>) dst(%dma_wait3A_181 : memref<40xf32, #tpu.memory_space<vmem>>)
      %scan3A_184 = arith.constant 0 : i32
      %scan3A_185 = arith.constant 0 : i32
      %scan3A_186 = arith.constant 3 : i32
      %scan3A_187 = arith.addi %scan3A_185, %scan3A_186 : i32
      %scan3A_188 = arith.constant 1 : i32
      scf.for %scan3A_286 = %scan3A_185 to %scan3A_187 step %scan3A_188  : i32 {
        %mul3A_287 = arith.constant 16 : i32
        %mul3A_288 = arith.muli %scan3A_286, %mul3A_287 : i32
        %get3A = arith.index_cast %mul3A_288 : i32 to index
        %get3A_289 = tpu.vector_load %arg21[%get3A] {strides = array<i32>} : memref<48xf32, #tpu.memory_space<vmem>>, vector<16xf32>,
        %get3A_290 = vector.shape_cast %get3A_289 : vector<16xf32> to vector<16xf32>
        %get3A_291 = arith.index_cast %mul3A_288 : i32 to index
        %get3A_292 = tpu.vector_load %arg22[%get3A_291] {strides = array<i32>} : memref<48xf32, #tpu.memory_space<vmem>>, vector<16xf32>,
        %get3A_293 = vector.shape_cast %get3A_292 : vector<16xf32> to vector<16xf32>
        %add3A_294 = arith.addf %get3A_290, %get3A_293 : vector<16xf32>
        %get3A_295 = arith.index_cast %mul3A_288 : i32 to index
        %get3A_296 = tpu.vector_load %arg23[%get3A_295] {strides = array<i32>} : memref<48xf32, #tpu.memory_space<vmem>>, vector<16xf32>,
        %get3A_297 = vector.shape_cast %get3A_296 : vector<16xf32> to vector<16xf32>
        %add3A_298 = arith.addf %add3A_294, %get3A_297 : vector<16xf32>
        %exp3A = math.exp %add3A_298 : vector<16xf32>
        %swap3A = arith.index_cast %mul3A_288 : i32 to index
        %swap3A_299 = tpu.vector_load %arg24[%swap3A] {strides = array<i32>} : memref<56xf32, #tpu.memory_space<vmem>>, vector<16xf32>,
        %swap3A_300 = vector.shape_cast %swap3A_299 : vector<16xf32> to vector<16xf32>
        %swap3A_301 = vector.shape_cast %exp3A : vector<16xf32> to vector<16xf32>
        tpu.vector_store %arg24[%swap3A], %swap3A_301 {strides = array<i32>} : memref<56xf32, #tpu.memory_space<vmem>>, vector<16xf32>,
      }
      %scan3A_189 = arith.constant 3 : i32
      %scan3A_190 = arith.constant 0 : i32
      %scan3A_191 = arith.constant 0 : i32
      %scan3A_192 = arith.constant 40 : i32
      %scan3A_193 = arith.addi %scan3A_191, %scan3A_192 : i32
      %scan3A_194 = arith.constant 1 : i32
      scf.for %scan3A_286 = %scan3A_191 to %scan3A_193 step %scan3A_194  : i32 {
        %get3A = arith.index_cast %scan3A_286 : i32 to index
        %get3A_287 = tpu.vector_load %arg24[%get3A] {strides = array<i32>} : memref<56xf32, #tpu.memory_space<vmem>>, vector<16xf32>,
        %get3A_288 = vector.shape_cast %get3A_287 : vector<16xf32> to vector<16xf32>
        %slice3A = vector.extract_strided_slice %get3A_288 {offsets = [0], sizes = [1], strides = [1]} : vector<16xf32> to vector<1xf32>
        %squeeze3A = vector.extract %slice3A[0] : f32 from vector<1xf32>
        %get3A_289 = arith.index_cast %scan3A_286 : i32 to index
        %get3A_290 = arith.constant 0 : index
        %get3A_291 = tpu.vector_load %arg17[%get3A_289, %get3A_290] {strides = array<i32>} : memref<40x128xf32, #tpu.memory_space<vmem>>, vector<1x16xf32>,
        %get3A_292 = vector.shape_cast %get3A_291 : vector<1x16xf32> to vector<16xf32>
        %get3A_293 = arith.index_cast %scan3A_286 : i32 to index
        %get3A_294 = arith.constant 0 : index
        %get3A_295 = tpu.vector_load %arg18[%get3A_293, %get3A_294] {strides = array<i32>} : memref<40x128xf32, #tpu.memory_space<vmem>>, vector<1x16xf32>,
        %get3A_296 = vector.shape_cast %get3A_295 : vector<1x16xf32> to vector<16xf32>
        %add3A_297 = arith.addf %get3A_292, %get3A_296 : vector<16xf32>
        %get3A_298 = arith.index_cast %scan3A_286 : i32 to index
        %get3A_299 = arith.constant 0 : index
        %get3A_300 = tpu.vector_load %arg19[%get3A_298, %get3A_299] {strides = array<i32>} : memref<40x128xf32, #tpu.memory_space<vmem>>, vector<1x16xf32>,
        %get3A_301 = vector.shape_cast %get3A_300 : vector<1x16xf32> to vector<16xf32>
        %add3A_302 = arith.addf %add3A_297, %get3A_301 : vector<16xf32>
        %swap3A = arith.index_cast %scan3A_286 : i32 to index
        %swap3A_303 = arith.constant 0 : index
        %swap3A_304 = tpu.vector_load %arg17[%swap3A, %swap3A_303] {strides = array<i32>} : memref<40x128xf32, #tpu.memory_space<vmem>>, vector<1x16xf32>,
        %swap3A_305 = vector.shape_cast %swap3A_304 : vector<1x16xf32> to vector<16xf32>
        %swap3A_306 = vector.shape_cast %add3A_302 : vector<16xf32> to vector<1x16xf32>
        tpu.vector_store %arg17[%swap3A, %swap3A_303], %swap3A_306 {strides = array<i32>} : memref<40x128xf32, #tpu.memory_space<vmem>>, vector<1x16xf32>,
        %get3A_307 = arith.index_cast %scan3A_286 : i32 to index
        %get3A_308 = arith.constant 0 : index
        %get3A_309 = tpu.vector_load %arg20[%get3A_307, %get3A_308] {strides = array<i32>} : memref<40x128xf32, #tpu.memory_space<vmem>>, vector<1x16xf32>,
        %get3A_310 = vector.shape_cast %get3A_309 : vector<1x16xf32> to vector<16xf32>
        %mul3A_311 = vector.broadcast %squeeze3A : f32 to vector<16xf32>
        %mul3A_312 = arith.mulf %get3A_310, %mul3A_311 : vector<16xf32>
        %swap3A_313 = arith.index_cast %scan3A_286 : i32 to index
        %swap3A_314 = arith.constant 0 : index
        %swap3A_315 = tpu.vector_load %arg20[%swap3A_313, %swap3A_314] {strides = array<i32>} : memref<40x128xf32, #tpu.memory_space<vmem>>, vector<1x16xf32>,
        %swap3A_316 = vector.shape_cast %swap3A_315 : vector<1x16xf32> to vector<16xf32>
        %swap3A_317 = vector.shape_cast %mul3A_312 : vector<16xf32> to vector<1x16xf32>
        tpu.vector_store %arg20[%swap3A_313, %swap3A_314], %swap3A_317 {strides = array<i32>} : memref<40x128xf32, #tpu.memory_space<vmem>>, vector<1x16xf32>,
        %get3A_318 = arith.index_cast %scan3A_286 : i32 to index
        %get3A_319 = arith.constant 16 : index
        %get3A_320 = tpu.vector_load %arg17[%get3A_318, %get3A_319] {strides = array<i32>} : memref<40x128xf32, #tpu.memory_space<vmem>>, vector<1x16xf32>,
        %get3A_321 = vector.shape_cast %get3A_320 : vector<1x16xf32> to vector<16xf32>
        %get3A_322 = arith.index_cast %scan3A_286 : i32 to index
        %get3A_323 = arith.constant 16 : index
        %get3A_324 = tpu.vector_load %arg18[%get3A_322, %get3A_323] {strides = array<i32>} : memref<40x128xf32, #tpu.memory_space<vmem>>, vector<1x16xf32>,
        %get3A_325 = vector.shape_cast %get3A_324 : vector<1x16xf32> to vector<16xf32>
        %add3A_326 = arith.addf %get3A_321, %get3A_325 : vector<16xf32>
        %get3A_327 = arith.index_cast %scan3A_286 : i32 to index
        %get3A_328 = arith.constant 16 : index
        %get3A_329 = tpu.vector_load %arg19[%get3A_327, %get3A_328] {strides = array<i32>} : memref<40x128xf32, #tpu.memory_space<vmem>>, vector<1x16xf32>,
        %get3A_330 = vector.shape_cast %get3A_329 : vector<1x16xf32> to vector<16xf32>
        %add3A_331 = arith.addf %add3A_326, %get3A_330 : vector<16xf32>
        %swap3A_332 = arith.index_cast %scan3A_286 : i32 to index
        %swap3A_333 = arith.constant 16 : index
        %swap3A_334 = tpu.vector_load %arg17[%swap3A_332, %swap3A_333] {strides = array<i32>} : memref<40x128xf32, #tpu.memory_space<vmem>>, vector<1x16xf32>,
        %swap3A_335 = vector.shape_cast %swap3A_334 : vector<1x16xf32> to vector<16xf32>
        %swap3A_336 = vector.shape_cast %add3A_331 : vector<16xf32> to vector<1x16xf32>
        tpu.vector_store %arg17[%swap3A_332, %swap3A_333], %swap3A_336 {strides = array<i32>} : memref<40x128xf32, #tpu.memory_space<vmem>>, vector<1x16xf32>,
        %get3A_337 = arith.index_cast %scan3A_286 : i32 to index
        %get3A_338 = arith.constant 16 : index
        %get3A_339 = tpu.vector_load %arg20[%get3A_337, %get3A_338] {strides = array<i32>} : memref<40x128xf32, #tpu.memory_space<vmem>>, vector<1x16xf32>,
        %get3A_340 = vector.shape_cast %get3A_339 : vector<1x16xf32> to vector<16xf32>
        %mul3A_341 = vector.broadcast %squeeze3A : f32 to vector<16xf32>
        %mul3A_342 = arith.mulf %get3A_340, %mul3A_341 : vector<16xf32>
        %swap3A_343 = arith.index_cast %scan3A_286 : i32 to index
        %swap3A_344 = arith.constant 16 : index
        %swap3A_345 = tpu.vector_load %arg20[%swap3A_343, %swap3A_344] {strides = array<i32>} : memref<40x128xf32, #tpu.memory_space<vmem>>, vector<1x16xf32>,
        %swap3A_346 = vector.shape_cast %swap3A_345 : vector<1x16xf32> to vector<16xf32>
        %swap3A_347 = vector.shape_cast %mul3A_342 : vector<16xf32> to vector<1x16xf32>
        tpu.vector_store %arg20[%swap3A_343, %swap3A_344], %swap3A_347 {strides = array<i32>} : memref<40x128xf32, #tpu.memory_space<vmem>>, vector<1x16xf32>,
        %get3A_348 = arith.index_cast %scan3A_286 : i32 to index
        %get3A_349 = arith.constant 32 : index
        %get3A_350 = tpu.vector_load %arg17[%get3A_348, %get3A_349] {strides = array<i32>} : memref<40x128xf32, #tpu.memory_space<vmem>>, vector<1x16xf32>,
        %get3A_351 = vector.shape_cast %get3A_350 : vector<1x16xf32> to vector<16xf32>
        %get3A_352 = arith.index_cast %scan3A_286 : i32 to index
        %get3A_353 = arith.constant 32 : index
        %get3A_354 = tpu.vector_load %arg18[%get3A_352, %get3A_353] {strides = array<i32>} : memref<40x128xf32, #tpu.memory_space<vmem>>, vector<1x16xf32>,
        %get3A_355 = vector.shape_cast %get3A_354 : vector<1x16xf32> to vector<16xf32>
        %add3A_356 = arith.addf %get3A_351, %get3A_355 : vector<16xf32>
        %get3A_357 = arith.index_cast %scan3A_286 : i32 to index
        %get3A_358 = arith.constant 32 : index
        %get3A_359 = tpu.vector_load %arg19[%get3A_357, %get3A_358] {strides = array<i32>} : memref<40x128xf32, #tpu.memory_space<vmem>>, vector<1x16xf32>,
        %get3A_360 = vector.shape_cast %get3A_359 : vector<1x16xf32> to vector<16xf32>
        %add3A_361 = arith.addf %add3A_356, %get3A_360 : vector<16xf32>
        %swap3A_362 = arith.index_cast %scan3A_286 : i32 to index
        %swap3A_363 = arith.constant 32 : index
        %swap3A_364 = tpu.vector_load %arg17[%swap3A_362, %swap3A_363] {strides = array<i32>} : memref<40x128xf32, #tpu.memory_space<vmem>>, vector<1x16xf32>,
        %swap3A_365 = vector.shape_cast %swap3A_364 : vector<1x16xf32> to vector<16xf32>
        %swap3A_366 = vector.shape_cast %add3A_361 : vector<16xf32> to vector<1x16xf32>
        tpu.vector_store %arg17[%swap3A_362, %swap3A_363], %swap3A_366 {strides = array<i32>} : memref<40x128xf32, #tpu.memory_space<vmem>>, vector<1x16xf32>,
        %get3A_367 = arith.index_cast %scan3A_286 : i32 to index
        %get3A_368 = arith.constant 32 : index
        %get3A_369 = tpu.vector_load %arg20[%get3A_367, %get3A_368] {strides = array<i32>} : memref<40x128xf32, #tpu.memory_space<vmem>>, vector<1x16xf32>,
        %get3A_370 = vector.shape_cast %get3A_369 : vector<1x16xf32> to vector<16xf32>
        %mul3A_371 = vector.broadcast %squeeze3A : f32 to vector<16xf32>
        %mul3A_372 = arith.mulf %get3A_370, %mul3A_371 : vector<16xf32>
        %swap3A_373 = arith.index_cast %scan3A_286 : i32 to index
        %swap3A_374 = arith.constant 32 : index
        %swap3A_375 = tpu.vector_load %arg20[%swap3A_373, %swap3A_374] {strides = array<i32>} : memref<40x128xf32, #tpu.memory_space<vmem>>, vector<1x16xf32>,
        %swap3A_376 = vector.shape_cast %swap3A_375 : vector<1x16xf32> to vector<16xf32>
        %swap3A_377 = vector.shape_cast %mul3A_372 : vector<16xf32> to vector<1x16xf32>
        tpu.vector_store %arg20[%swap3A_373, %swap3A_374], %swap3A_377 {strides = array<i32>} : memref<40x128xf32, #tpu.memory_space<vmem>>, vector<1x16xf32>,
        %get3A_378 = arith.index_cast %scan3A_286 : i32 to index
        %get3A_379 = arith.constant 48 : index
        %get3A_380 = tpu.vector_load %arg17[%get3A_378, %get3A_379] {strides = array<i32>} : memref<40x128xf32, #tpu.memory_space<vmem>>, vector<1x16xf32>,
        %get3A_381 = vector.shape_cast %get3A_380 : vector<1x16xf32> to vector<16xf32>
        %get3A_382 = arith.index_cast %scan3A_286 : i32 to index
        %get3A_383 = arith.constant 48 : index
        %get3A_384 = tpu.vector_load %arg18[%get3A_382, %get3A_383] {strides = array<i32>} : memref<40x128xf32, #tpu.memory_space<vmem>>, vector<1x16xf32>,
        %get3A_385 = vector.shape_cast %get3A_384 : vector<1x16xf32> to vector<16xf32>
        %add3A_386 = arith.addf %get3A_381, %get3A_385 : vector<16xf32>
        %get3A_387 = arith.index_cast %scan3A_286 : i32 to index
        %get3A_388 = arith.constant 48 : index
        %get3A_389 = tpu.vector_load %arg19[%get3A_387, %get3A_388] {strides = array<i32>} : memref<40x128xf32, #tpu.memory_space<vmem>>, vector<1x16xf32>,
        %get3A_390 = vector.shape_cast %get3A_389 : vector<1x16xf32> to vector<16xf32>
        %add3A_391 = arith.addf %add3A_386, %get3A_390 : vector<16xf32>
        %swap3A_392 = arith.index_cast %scan3A_286 : i32 to index
        %swap3A_393 = arith.constant 48 : index
        %swap3A_394 = tpu.vector_load %arg17[%swap3A_392, %swap3A_393] {strides = array<i32>} : memref<40x128xf32, #tpu.memory_space<vmem>>, vector<1x16xf32>,
        %swap3A_395 = vector.shape_cast %swap3A_394 : vector<1x16xf32> to vector<16xf32>
        %swap3A_396 = vector.shape_cast %add3A_391 : vector<16xf32> to vector<1x16xf32>
        tpu.vector_store %arg17[%swap3A_392, %swap3A_393], %swap3A_396 {strides = array<i32>} : memref<40x128xf32, #tpu.memory_space<vmem>>, vector<1x16xf32>,
        %get3A_397 = arith.index_cast %scan3A_286 : i32 to index
        %get3A_398 = arith.constant 48 : index
        %get3A_399 = tpu.vector_load %arg20[%get3A_397, %get3A_398] {strides = array<i32>} : memref<40x128xf32, #tpu.memory_space<vmem>>, vector<1x16xf32>,
        %get3A_400 = vector.shape_cast %get3A_399 : vector<1x16xf32> to vector<16xf32>
        %mul3A_401 = vector.broadcast %squeeze3A : f32 to vector<16xf32>
        %mul3A_402 = arith.mulf %get3A_400, %mul3A_401 : vector<16xf32>
        %swap3A_403 = arith.index_cast %scan3A_286 : i32 to index
        %swap3A_404 = arith.constant 48 : index
        %swap3A_405 = tpu.vector_load %arg20[%swap3A_403, %swap3A_404] {strides = array<i32>} : memref<40x128xf32, #tpu.memory_space<vmem>>, vector<1x16xf32>,
        %swap3A_406 = vector.shape_cast %swap3A_405 : vector<1x16xf32> to vector<16xf32>
        %swap3A_407 = vector.shape_cast %mul3A_402 : vector<16xf32> to vector<1x16xf32>
        tpu.vector_store %arg20[%swap3A_403, %swap3A_404], %swap3A_407 {strides = array<i32>} : memref<40x128xf32, #tpu.memory_space<vmem>>, vector<1x16xf32>,
        %get3A_408 = arith.index_cast %scan3A_286 : i32 to index
        %get3A_409 = arith.constant 64 : index
        %get3A_410 = tpu.vector_load %arg17[%get3A_408, %get3A_409] {strides = array<i32>} : memref<40x128xf32, #tpu.memory_space<vmem>>, vector<1x16xf32>,
        %get3A_411 = vector.shape_cast %get3A_410 : vector<1x16xf32> to vector<16xf32>
        %get3A_412 = arith.index_cast %scan3A_286 : i32 to index
        %get3A_413 = arith.constant 64 : index
        %get3A_414 = tpu.vector_load %arg18[%get3A_412, %get3A_413] {strides = array<i32>} : memref<40x128xf32, #tpu.memory_space<vmem>>, vector<1x16xf32>,
        %get3A_415 = vector.shape_cast %get3A_414 : vector<1x16xf32> to vector<16xf32>
        %add3A_416 = arith.addf %get3A_411, %get3A_415 : vector<16xf32>
        %get3A_417 = arith.index_cast %scan3A_286 : i32 to index
        %get3A_418 = arith.constant 64 : index
        %get3A_419 = tpu.vector_load %arg19[%get3A_417, %get3A_418] {strides = array<i32>} : memref<40x128xf32, #tpu.memory_space<vmem>>, vector<1x16xf32>,
        %get3A_420 = vector.shape_cast %get3A_419 : vector<1x16xf32> to vector<16xf32>
        %add3A_421 = arith.addf %add3A_416, %get3A_420 : vector<16xf32>
        %swap3A_422 = arith.index_cast %scan3A_286 : i32 to index
        %swap3A_423 = arith.constant 64 : index
        %swap3A_424 = tpu.vector_load %arg17[%swap3A_422, %swap3A_423] {strides = array<i32>} : memref<40x128xf32, #tpu.memory_space<vmem>>, vector<1x16xf32>,
        %swap3A_425 = vector.shape_cast %swap3A_424 : vector<1x16xf32> to vector<16xf32>
        %swap3A_426 = vector.shape_cast %add3A_421 : vector<16xf32> to vector<1x16xf32>
        tpu.vector_store %arg17[%swap3A_422, %swap3A_423], %swap3A_426 {strides = array<i32>} : memref<40x128xf32, #tpu.memory_space<vmem>>, vector<1x16xf32>,
        %get3A_427 = arith.index_cast %scan3A_286 : i32 to index
        %get3A_428 = arith.constant 64 : index
        %get3A_429 = tpu.vector_load %arg20[%get3A_427, %get3A_428] {strides = array<i32>} : memref<40x128xf32, #tpu.memory_space<vmem>>, vector<1x16xf32>,
        %get3A_430 = vector.shape_cast %get3A_429 : vector<1x16xf32> to vector<16xf32>
        %mul3A_431 = vector.broadcast %squeeze3A : f32 to vector<16xf32>
        %mul3A_432 = arith.mulf %get3A_430, %mul3A_431 : vector<16xf32>
        %swap3A_433 = arith.index_cast %scan3A_286 : i32 to index
        %swap3A_434 = arith.constant 64 : index
        %swap3A_435 = tpu.vector_load %arg20[%swap3A_433, %swap3A_434] {strides = array<i32>} : memref<40x128xf32, #tpu.memory_space<vmem>>, vector<1x16xf32>,
        %swap3A_436 = vector.shape_cast %swap3A_435 : vector<1x16xf32> to vector<16xf32>
        %swap3A_437 = vector.shape_cast %mul3A_432 : vector<16xf32> to vector<1x16xf32>
        tpu.vector_store %arg20[%swap3A_433, %swap3A_434], %swap3A_437 {strides = array<i32>} : memref<40x128xf32, #tpu.memory_space<vmem>>, vector<1x16xf32>,
        %get3A_438 = arith.index_cast %scan3A_286 : i32 to index
        %get3A_439 = arith.constant 80 : index
        %get3A_440 = tpu.vector_load %arg17[%get3A_438, %get3A_439] {strides = array<i32>} : memref<40x128xf32, #tpu.memory_space<vmem>>, vector<1x16xf32>,
        %get3A_441 = vector.shape_cast %get3A_440 : vector<1x16xf32> to vector<16xf32>
        %get3A_442 = arith.index_cast %scan3A_286 : i32 to index
        %get3A_443 = arith.constant 80 : index
        %get3A_444 = tpu.vector_load %arg18[%get3A_442, %get3A_443] {strides = array<i32>} : memref<40x128xf32, #tpu.memory_space<vmem>>, vector<1x16xf32>,
        %get3A_445 = vector.shape_cast %get3A_444 : vector<1x16xf32> to vector<16xf32>
        %add3A_446 = arith.addf %get3A_441, %get3A_445 : vector<16xf32>
        %get3A_447 = arith.index_cast %scan3A_286 : i32 to index
        %get3A_448 = arith.constant 80 : index
        %get3A_449 = tpu.vector_load %arg19[%get3A_447, %get3A_448] {strides = array<i32>} : memref<40x128xf32, #tpu.memory_space<vmem>>, vector<1x16xf32>,
        %get3A_450 = vector.shape_cast %get3A_449 : vector<1x16xf32> to vector<16xf32>
        %add3A_451 = arith.addf %add3A_446, %get3A_450 : vector<16xf32>
        %swap3A_452 = arith.index_cast %scan3A_286 : i32 to index
        %swap3A_453 = arith.constant 80 : index
        %swap3A_454 = tpu.vector_load %arg17[%swap3A_452, %swap3A_453] {strides = array<i32>} : memref<40x128xf32, #tpu.memory_space<vmem>>, vector<1x16xf32>,
        %swap3A_455 = vector.shape_cast %swap3A_454 : vector<1x16xf32> to vector<16xf32>
        %swap3A_456 = vector.shape_cast %add3A_451 : vector<16xf32> to vector<1x16xf32>
        tpu.vector_store %arg17[%swap3A_452, %swap3A_453], %swap3A_456 {strides = array<i32>} : memref<40x128xf32, #tpu.memory_space<vmem>>, vector<1x16xf32>,
        %get3A_457 = arith.index_cast %scan3A_286 : i32 to index
        %get3A_458 = arith.constant 80 : index
        %get3A_459 = tpu.vector_load %arg20[%get3A_457, %get3A_458] {strides = array<i32>} : memref<40x128xf32, #tpu.memory_space<vmem>>, vector<1x16xf32>,
        %get3A_460 = vector.shape_cast %get3A_459 : vector<1x16xf32> to vector<16xf32>
        %mul3A_461 = vector.broadcast %squeeze3A : f32 to vector<16xf32>
        %mul3A_462 = arith.mulf %get3A_460, %mul3A_461 : vector<16xf32>
        %swap3A_463 = arith.index_cast %scan3A_286 : i32 to index
        %swap3A_464 = arith.constant 80 : index
        %swap3A_465 = tpu.vector_load %arg20[%swap3A_463, %swap3A_464] {strides = array<i32>} : memref<40x128xf32, #tpu.memory_space<vmem>>, vector<1x16xf32>,
        %swap3A_466 = vector.shape_cast %swap3A_465 : vector<1x16xf32> to vector<16xf32>
        %swap3A_467 = vector.shape_cast %mul3A_462 : vector<16xf32> to vector<1x16xf32>
        tpu.vector_store %arg20[%swap3A_463, %swap3A_464], %swap3A_467 {strides = array<i32>} : memref<40x128xf32, #tpu.memory_space<vmem>>, vector<1x16xf32>,
        %get3A_468 = arith.index_cast %scan3A_286 : i32 to index
        %get3A_469 = arith.constant 96 : index
        %get3A_470 = tpu.vector_load %arg17[%get3A_468, %get3A_469] {strides = array<i32>} : memref<40x128xf32, #tpu.memory_space<vmem>>, vector<1x16xf32>,
        %get3A_471 = vector.shape_cast %get3A_470 : vector<1x16xf32> to vector<16xf32>
        %get3A_472 = arith.index_cast %scan3A_286 : i32 to index
        %get3A_473 = arith.constant 96 : index
        %get3A_474 = tpu.vector_load %arg18[%get3A_472, %get3A_473] {strides = array<i32>} : memref<40x128xf32, #tpu.memory_space<vmem>>, vector<1x16xf32>,
        %get3A_475 = vector.shape_cast %get3A_474 : vector<1x16xf32> to vector<16xf32>
        %add3A_476 = arith.addf %get3A_471, %get3A_475 : vector<16xf32>
        %get3A_477 = arith.index_cast %scan3A_286 : i32 to index
        %get3A_478 = arith.constant 96 : index
        %get3A_479 = tpu.vector_load %arg19[%get3A_477, %get3A_478] {strides = array<i32>} : memref<40x128xf32, #tpu.memory_space<vmem>>, vector<1x16xf32>,
        %get3A_480 = vector.shape_cast %get3A_479 : vector<1x16xf32> to vector<16xf32>
        %add3A_481 = arith.addf %add3A_476, %get3A_480 : vector<16xf32>
        %swap3A_482 = arith.index_cast %scan3A_286 : i32 to index
        %swap3A_483 = arith.constant 96 : index
        %swap3A_484 = tpu.vector_load %arg17[%swap3A_482, %swap3A_483] {strides = array<i32>} : memref<40x128xf32, #tpu.memory_space<vmem>>, vector<1x16xf32>,
        %swap3A_485 = vector.shape_cast %swap3A_484 : vector<1x16xf32> to vector<16xf32>
        %swap3A_486 = vector.shape_cast %add3A_481 : vector<16xf32> to vector<1x16xf32>
        tpu.vector_store %arg17[%swap3A_482, %swap3A_483], %swap3A_486 {strides = array<i32>} : memref<40x128xf32, #tpu.memory_space<vmem>>, vector<1x16xf32>,
        %get3A_487 = arith.index_cast %scan3A_286 : i32 to index
        %get3A_488 = arith.constant 96 : index
        %get3A_489 = tpu.vector_load %arg20[%get3A_487, %get3A_488] {strides = array<i32>} : memref<40x128xf32, #tpu.memory_space<vmem>>, vector<1x16xf32>,
        %get3A_490 = vector.shape_cast %get3A_489 : vector<1x16xf32> to vector<16xf32>
        %mul3A_491 = vector.broadcast %squeeze3A : f32 to vector<16xf32>
        %mul3A_492 = arith.mulf %get3A_490, %mul3A_491 : vector<16xf32>
        %swap3A_493 = arith.index_cast %scan3A_286 : i32 to index
        %swap3A_494 = arith.constant 96 : index
        %swap3A_495 = tpu.vector_load %arg20[%swap3A_493, %swap3A_494] {strides = array<i32>} : memref<40x128xf32, #tpu.memory_space<vmem>>, vector<1x16xf32>,
        %swap3A_496 = vector.shape_cast %swap3A_495 : vector<1x16xf32> to vector<16xf32>
        %swap3A_497 = vector.shape_cast %mul3A_492 : vector<16xf32> to vector<1x16xf32>
        tpu.vector_store %arg20[%swap3A_493, %swap3A_494], %swap3A_497 {strides = array<i32>} : memref<40x128xf32, #tpu.memory_space<vmem>>, vector<1x16xf32>,
        %get3A_498 = arith.index_cast %scan3A_286 : i32 to index
        %get3A_499 = arith.constant 112 : index
        %get3A_500 = tpu.vector_load %arg17[%get3A_498, %get3A_499] {strides = array<i32>} : memref<40x128xf32, #tpu.memory_space<vmem>>, vector<1x16xf32>,
        %get3A_501 = vector.shape_cast %get3A_500 : vector<1x16xf32> to vector<16xf32>
        %get3A_502 = arith.index_cast %scan3A_286 : i32 to index
        %get3A_503 = arith.constant 112 : index
        %get3A_504 = tpu.vector_load %arg18[%get3A_502, %get3A_503] {strides = array<i32>} : memref<40x128xf32, #tpu.memory_space<vmem>>, vector<1x16xf32>,
        %get3A_505 = vector.shape_cast %get3A_504 : vector<1x16xf32> to vector<16xf32>
        %add3A_506 = arith.addf %get3A_501, %get3A_505 : vector<16xf32>
        %get3A_507 = arith.index_cast %scan3A_286 : i32 to index
        %get3A_508 = arith.constant 112 : index
        %get3A_509 = tpu.vector_load %arg19[%get3A_507, %get3A_508] {strides = array<i32>} : memref<40x128xf32, #tpu.memory_space<vmem>>, vector<1x16xf32>,
        %get3A_510 = vector.shape_cast %get3A_509 : vector<1x16xf32> to vector<16xf32>
        %add3A_511 = arith.addf %add3A_506, %get3A_510 : vector<16xf32>
        %swap3A_512 = arith.index_cast %scan3A_286 : i32 to index
        %swap3A_513 = arith.constant 112 : index
        %swap3A_514 = tpu.vector_load %arg17[%swap3A_512, %swap3A_513] {strides = array<i32>} : memref<40x128xf32, #tpu.memory_space<vmem>>, vector<1x16xf32>,
        %swap3A_515 = vector.shape_cast %swap3A_514 : vector<1x16xf32> to vector<16xf32>
        %swap3A_516 = vector.shape_cast %add3A_511 : vector<16xf32> to vector<1x16xf32>
        tpu.vector_store %arg17[%swap3A_512, %swap3A_513], %swap3A_516 {strides = array<i32>} : memref<40x128xf32, #tpu.memory_space<vmem>>, vector<1x16xf32>,
        %get3A_517 = arith.index_cast %scan3A_286 : i32 to index
        %get3A_518 = arith.constant 112 : index
        %get3A_519 = tpu.vector_load %arg20[%get3A_517, %get3A_518] {strides = array<i32>} : memref<40x128xf32, #tpu.memory_space<vmem>>, vector<1x16xf32>,
        %get3A_520 = vector.shape_cast %get3A_519 : vector<1x16xf32> to vector<16xf32>
        %mul3A_521 = vector.broadcast %squeeze3A : f32 to vector<16xf32>
        %mul3A_522 = arith.mulf %get3A_520, %mul3A_521 : vector<16xf32>
        %swap3A_523 = arith.index_cast %scan3A_286 : i32 to index
        %swap3A_524 = arith.constant 112 : index
        %swap3A_525 = tpu.vector_load %arg20[%swap3A_523, %swap3A_524] {strides = array<i32>} : memref<40x128xf32, #tpu.memory_space<vmem>>, vector<1x16xf32>,
        %swap3A_526 = vector.shape_cast %swap3A_525 : vector<1x16xf32> to vector<16xf32>
        %swap3A_527 = vector.shape_cast %mul3A_522 : vector<16xf32> to vector<1x16xf32>
        tpu.vector_store %arg20[%swap3A_523, %swap3A_524], %swap3A_527 {strides = array<i32>} : memref<40x128xf32, #tpu.memory_space<vmem>>, vector<1x16xf32>,
      }
      %scan3A_195 = arith.constant 40 : i32
      %mul3A_196 = arith.constant 10000 : i32
      %mul3A_197 = arith.muli %add3A, %mul3A_196 : i32
      %mul3A_198 = arith.constant 40 : i32
      %mul3A_199 = arith.muli %mul3A_131, %mul3A_198 : i32
      %add3A_200 = arith.addi %mul3A_197, %mul3A_199 : i32
      %dma_start3A_201 = arith.constant 0 : i32
      %dma_start3A_202 = tpu.memref_slice %arg11[%add3A_200, %dma_start3A_201] : memref<320000x128xf32, #tpu.memory_space<hbm>> -> memref<40x128xf32, #tpu.memory_space<hbm>>
      %dma_start3A_203 = arith.constant 0 : i32
      %dma_start3A_204 = tpu.memref_slice %arg11[%add3A_200, %dma_start3A_203] : memref<320000x128xf32, #tpu.memory_space<hbm>> -> memref<40x128xf32, #tpu.memory_space<hbm>>
      tpu.enqueue_dma source(%arg17 : memref<40x128xf32, #tpu.memory_space<vmem>>) target(%dma_start3A_204 : memref<40x128xf32, #tpu.memory_space<hbm>>) target_semaphore(%arg42 : memref<!tpu.dma_semaphore, #tpu.memory_space<semaphore_mem>>)
      "tpu.region"() ({
        %run_scoped3A = tpu.sem_alloc : memref<!tpu.dma_semaphore, #tpu.memory_space<semaphore_mem>>
        %dma_start3A_286 = arith.constant 0 : i32
        %dma_start3A_287 = tpu.memref_slice %arg24[%dma_start3A_286] : memref<56xf32, #tpu.memory_space<vmem>> -> memref<40xf32, #tpu.memory_space<vmem>>
        %dma_start3A_288 = arith.constant 0 : i32
        %dma_start3A_289 = tpu.memref_slice %arg38[%dma_start3A_288] : memref<10240xf32, #tpu.memory_space<vmem_shared>> -> memref<10240xf32, #tpu.memory_space<vmem_shared>>
        tpu.enqueue_indirect_dma source(%dma_start3A_287 : memref<40xf32, #tpu.memory_space<vmem>>) target(%dma_start3A_289 : memref<10240xf32, #tpu.memory_space<vmem_shared>>) offsets(%arg15 : memref<40xi32, #tpu.memory_space<vmem>>) semaphore(%run_scoped3A : memref<!tpu.dma_semaphore, #tpu.memory_space<semaphore_mem>>) {add = true}
        %dma_wait3A_290 = arith.constant 0 : i32
        %dma_wait3A_291 = tpu.memref_slice %arg24[%dma_wait3A_290] : memref<56xf32, #tpu.memory_space<vmem>> -> memref<40xf32, #tpu.memory_space<vmem>>
        %dma_wait3A_292 = arith.constant 0 : i32
        %dma_wait3A_293 = tpu.memref_slice %arg38[%dma_wait3A_292] : memref<10240xf32, #tpu.memory_space<vmem_shared>> -> memref<10240xf32, #tpu.memory_space<vmem_shared>>
        tpu.wait_indirect_dma semaphore(%run_scoped3A : memref<!tpu.dma_semaphore, #tpu.memory_space<semaphore_mem>>) src(%dma_wait3A_291 : memref<40xf32, #tpu.memory_space<vmem>>) dst(%dma_wait3A_293 : memref<10240xf32, #tpu.memory_space<vmem_shared>>)
        tpu.yield
      }) : () -> ()
      "tpu.region"() ({
        %run_scoped3A = tpu.sem_alloc : memref<!tpu.dma_semaphore, #tpu.memory_space<semaphore_mem>>
        %dma_start3A_286 = arith.constant 0 : i32
        %dma_start3A_287 = arith.constant 0 : i32
        %dma_start3A_288 = tpu.memref_slice %arg39[%dma_start3A_286, %dma_start3A_287] : memref<10240x128xf32, #tpu.memory_space<vmem_shared>> -> memref<10240x128xf32, #tpu.memory_space<vmem_shared>>
        tpu.enqueue_indirect_dma source(%arg20 : memref<40x128xf32, #tpu.memory_space<vmem>>) target(%dma_start3A_288 : memref<10240x128xf32, #tpu.memory_space<vmem_shared>>) offsets(%arg15 : memref<40xi32, #tpu.memory_space<vmem>>) semaphore(%run_scoped3A : memref<!tpu.dma_semaphore, #tpu.memory_space<semaphore_mem>>) {add = true}
        %dma_wait3A_289 = arith.constant 0 : i32
        %dma_wait3A_290 = arith.constant 0 : i32
        %dma_wait3A_291 = tpu.memref_slice %arg39[%dma_wait3A_289, %dma_wait3A_290] : memref<10240x128xf32, #tpu.memory_space<vmem_shared>> -> memref<10240x128xf32, #tpu.memory_space<vmem_shared>>
        tpu.wait_indirect_dma semaphore(%run_scoped3A : memref<!tpu.dma_semaphore, #tpu.memory_space<semaphore_mem>>) src(%arg20 : memref<40x128xf32, #tpu.memory_space<vmem>>) dst(%dma_wait3A_291 : memref<10240x128xf32, #tpu.memory_space<vmem_shared>>)
        tpu.yield
      }) : () -> ()
      %lt3A = arith.constant 124 : i32
      %lt3A_205 = arith.cmpi slt, %scan3A_129, %lt3A : i32
      %convert_element_type3A = arith.extui %lt3A_205 : i1 to i32
      %cond3A = arith.constant 0 : i32
      %cond3A_206 = arith.cmpi ne, %convert_element_type3A, %cond3A : i32
      scf.if %cond3A_206 {
        %add3A_286 = arith.constant 2 : i32
        %add3A_287 = arith.addi %mul3A_131, %add3A_286 : i32
        %mul3A_288 = arith.constant 10000 : i32
        %mul3A_289 = arith.muli %add3A, %mul3A_288 : i32
        %mul3A_290 = arith.constant 40 : i32
        %mul3A_291 = arith.muli %add3A_287, %mul3A_290 : i32
        %add3A_292 = arith.addi %mul3A_289, %mul3A_291 : i32
        %dma_start3A_293 = tpu.memref_slice %arg2[%add3A_292] : memref<320000xi32, #tpu.memory_space<hbm>> -> memref<40xi32, #tpu.memory_space<hbm>>
        %dma_start3A_294 = tpu.memref_slice %arg2[%add3A_292] : memref<320000xi32, #tpu.memory_space<hbm>> -> memref<40xi32, #tpu.memory_space<hbm>>
        tpu.enqueue_dma source(%dma_start3A_294 : memref<40xi32, #tpu.memory_space<hbm>>) target(%arg14 : memref<40xi32, #tpu.memory_space<vmem>>) target_semaphore(%arg40 : memref<!tpu.dma_semaphore, #tpu.memory_space<semaphore_mem>>)
        %dma_start3A_295 = tpu.memref_slice %arg3[%add3A_292] : memref<320000xi32, #tpu.memory_space<hbm>> -> memref<40xi32, #tpu.memory_space<hbm>>
        %dma_start3A_296 = tpu.memref_slice %arg3[%add3A_292] : memref<320000xi32, #tpu.memory_space<hbm>> -> memref<40xi32, #tpu.memory_space<hbm>>
        tpu.enqueue_dma source(%dma_start3A_296 : memref<40xi32, #tpu.memory_space<hbm>>) target(%arg15 : memref<40xi32, #tpu.memory_space<vmem>>) target_semaphore(%arg40 : memref<!tpu.dma_semaphore, #tpu.memory_space<semaphore_mem>>)
      } else {
      }
      %dma_wait3A_207 = arith.constant 0 : i32
      %dma_wait3A_208 = arith.constant 0 : i32
      %dma_wait3A_209 = tpu.memref_slice %arg5[%dma_wait3A_207, %dma_wait3A_208] : memref<10000x128xf32, #tpu.memory_space<hbm>> -> memref<40x128xf32, #tpu.memory_space<hbm>>
      %dma_wait3A_210 = arith.constant 0 : i32
      %dma_wait3A_211 = arith.constant 0 : i32
      %dma_wait3A_212 = tpu.memref_slice %arg5[%dma_wait3A_210, %dma_wait3A_211] : memref<10000x128xf32, #tpu.memory_space<hbm>> -> memref<40x128xf32, #tpu.memory_space<hbm>>
      tpu.wait_dma2 semaphore(%arg44 : memref<!tpu.dma_semaphore, #tpu.memory_space<semaphore_mem>>) src(%dma_wait3A_212 : memref<40x128xf32, #tpu.memory_space<hbm>>) dst(%arg29 : memref<40x128xf32, #tpu.memory_space<vmem>>)
      %dma_wait3A_213 = arith.constant 0 : i32
      %dma_wait3A_214 = arith.constant 0 : i32
      %dma_wait3A_215 = tpu.memref_slice %arg5[%dma_wait3A_213, %dma_wait3A_214] : memref<10000x128xf32, #tpu.memory_space<hbm>> -> memref<40x128xf32, #tpu.memory_space<hbm>>
      %dma_wait3A_216 = arith.constant 0 : i32
      %dma_wait3A_217 = arith.constant 0 : i32
      %dma_wait3A_218 = tpu.memref_slice %arg5[%dma_wait3A_216, %dma_wait3A_217] : memref<10000x128xf32, #tpu.memory_space<hbm>> -> memref<40x128xf32, #tpu.memory_space<hbm>>
      tpu.wait_dma2 semaphore(%arg44 : memref<!tpu.dma_semaphore, #tpu.memory_space<semaphore_mem>>) src(%dma_wait3A_218 : memref<40x128xf32, #tpu.memory_space<hbm>>) dst(%arg30 : memref<40x128xf32, #tpu.memory_space<vmem>>)
      %dma_wait3A_219 = arith.constant 0 : i32
      %dma_wait3A_220 = arith.constant 0 : i32
      %dma_wait3A_221 = tpu.memref_slice %arg5[%dma_wait3A_219, %dma_wait3A_220] : memref<10000x128xf32, #tpu.memory_space<hbm>> -> memref<40x128xf32, #tpu.memory_space<hbm>>
      %dma_wait3A_222 = arith.constant 0 : i32
      %dma_wait3A_223 = arith.constant 0 : i32
      %dma_wait3A_224 = tpu.memref_slice %arg5[%dma_wait3A_222, %dma_wait3A_223] : memref<10000x128xf32, #tpu.memory_space<hbm>> -> memref<40x128xf32, #tpu.memory_space<hbm>>
      tpu.wait_dma2 semaphore(%arg44 : memref<!tpu.dma_semaphore, #tpu.memory_space<semaphore_mem>>) src(%dma_wait3A_224 : memref<40x128xf32, #tpu.memory_space<hbm>>) dst(%arg31 : memref<40x128xf32, #tpu.memory_space<vmem>>)
      %dma_wait3A_225 = arith.constant 0 : i32
      %dma_wait3A_226 = tpu.memref_slice %arg33[%dma_wait3A_225] : memref<48xf32, #tpu.memory_space<vmem>> -> memref<40xf32, #tpu.memory_space<vmem>>
      %dma_wait3A_227 = arith.constant 0 : i32
      %dma_wait3A_228 = tpu.memref_slice %arg9[%dma_wait3A_227] : memref<10000xf32, #tpu.memory_space<hbm>> -> memref<40xf32, #tpu.memory_space<hbm>>
      %dma_wait3A_229 = arith.constant 0 : i32
      %dma_wait3A_230 = tpu.memref_slice %arg33[%dma_wait3A_229] : memref<48xf32, #tpu.memory_space<vmem>> -> memref<40xf32, #tpu.memory_space<vmem>>
      %dma_wait3A_231 = arith.constant 0 : i32
      %dma_wait3A_232 = tpu.memref_slice %arg9[%dma_wait3A_231] : memref<10000xf32, #tpu.memory_space<hbm>> -> memref<40xf32, #tpu.memory_space<hbm>>
      tpu.wait_dma2 semaphore(%arg44 : memref<!tpu.dma_semaphore, #tpu.memory_space<semaphore_mem>>) src(%dma_wait3A_232 : memref<40xf32, #tpu.memory_space<hbm>>) dst(%dma_wait3A_230 : memref<40xf32, #tpu.memory_space<vmem>>)
      %dma_wait3A_233 = arith.constant 0 : i32
      %dma_wait3A_234 = tpu.memref_slice %arg34[%dma_wait3A_233] : memref<48xf32, #tpu.memory_space<vmem>> -> memref<40xf32, #tpu.memory_space<vmem>>
      %dma_wait3A_235 = arith.constant 0 : i32
      %dma_wait3A_236 = tpu.memref_slice %arg9[%dma_wait3A_235] : memref<10000xf32, #tpu.memory_space<hbm>> -> memref<40xf32, #tpu.memory_space<hbm>>
      %dma_wait3A_237 = arith.constant 0 : i32
      %dma_wait3A_238 = tpu.memref_slice %arg34[%dma_wait3A_237] : memref<48xf32, #tpu.memory_space<vmem>> -> memref<40xf32, #tpu.memory_space<vmem>>
      %dma_wait3A_239 = arith.constant 0 : i32
      %dma_wait3A_240 = tpu.memref_slice %arg9[%dma_wait3A_239] : memref<10000xf32, #tpu.memory_space<hbm>> -> memref<40xf32, #tpu.memory_space<hbm>>
      tpu.wait_dma2 semaphore(%arg44 : memref<!tpu.dma_semaphore, #tpu.memory_space<semaphore_mem>>) src(%dma_wait3A_240 : memref<40xf32, #tpu.memory_space<hbm>>) dst(%dma_wait3A_238 : memref<40xf32, #tpu.memory_space<vmem>>)
      %dma_wait3A_241 = arith.constant 0 : i32
      %dma_wait3A_242 = arith.constant 0 : i32
      %dma_wait3A_243 = tpu.memref_slice %arg4[%dma_wait3A_241, %dma_wait3A_242] : memref<320000x128xf32, #tpu.memory_space<hbm>> -> memref<40x128xf32, #tpu.memory_space<hbm>>
      %dma_wait3A_244 = arith.constant 0 : i32
      %dma_wait3A_245 = arith.constant 0 : i32
      %dma_wait3A_246 = tpu.memref_slice %arg4[%dma_wait3A_244, %dma_wait3A_245] : memref<320000x128xf32, #tpu.memory_space<hbm>> -> memref<40x128xf32, #tpu.memory_space<hbm>>
      tpu.wait_dma2 semaphore(%arg44 : memref<!tpu.dma_semaphore, #tpu.memory_space<semaphore_mem>>) src(%dma_wait3A_246 : memref<40x128xf32, #tpu.memory_space<hbm>>) dst(%arg28 : memref<40x128xf32, #tpu.memory_space<vmem>>)
      %dma_wait3A_247 = arith.constant 0 : i32
      %dma_wait3A_248 = tpu.memref_slice %arg32[%dma_wait3A_247] : memref<48xf32, #tpu.memory_space<vmem>> -> memref<40xf32, #tpu.memory_space<vmem>>
      %dma_wait3A_249 = arith.constant 0 : i32
      %dma_wait3A_250 = tpu.memref_slice %arg8[%dma_wait3A_249] : memref<320000xf32, #tpu.memory_space<hbm>> -> memref<40xf32, #tpu.memory_space<hbm>>
      %dma_wait3A_251 = arith.constant 0 : i32
      %dma_wait3A_252 = tpu.memref_slice %arg32[%dma_wait3A_251] : memref<48xf32, #tpu.memory_space<vmem>> -> memref<40xf32, #tpu.memory_space<vmem>>
      %dma_wait3A_253 = arith.constant 0 : i32
      %dma_wait3A_254 = tpu.memref_slice %arg8[%dma_wait3A_253] : memref<320000xf32, #tpu.memory_space<hbm>> -> memref<40xf32, #tpu.memory_space<hbm>>
      tpu.wait_dma2 semaphore(%arg44 : memref<!tpu.dma_semaphore, #tpu.memory_space<semaphore_mem>>) src(%dma_wait3A_254 : memref<40xf32, #tpu.memory_space<hbm>>) dst(%dma_wait3A_252 : memref<40xf32, #tpu.memory_space<vmem>>)
      %lt3A_255 = arith.constant 124 : i32
      %lt3A_256 = arith.cmpi slt, %scan3A_129, %lt3A_255 : i32
      %convert_element_type3A_257 = arith.extui %lt3A_256 : i1 to i32
      %cond3A_258 = arith.constant 0 : i32
      %cond3A_259 = arith.cmpi ne, %convert_element_type3A_257, %cond3A_258 : i32
      scf.if %cond3A_259 {
        %dma_wait3A_286 = arith.constant 0 : i32
        %dma_wait3A_287 = arith.constant 0 : i32
        %dma_wait3A_288 = tpu.memref_slice %arg11[%dma_wait3A_286, %dma_wait3A_287] : memref<320000x128xf32, #tpu.memory_space<hbm>> -> memref<40x128xf32, #tpu.memory_space<hbm>>
        %dma_wait3A_289 = arith.constant 0 : i32
        %dma_wait3A_290 = arith.constant 0 : i32
        %dma_wait3A_291 = tpu.memref_slice %arg11[%dma_wait3A_289, %dma_wait3A_290] : memref<320000x128xf32, #tpu.memory_space<hbm>> -> memref<40x128xf32, #tpu.memory_space<hbm>>
        tpu.wait_dma2 semaphore(%arg42 : memref<!tpu.dma_semaphore, #tpu.memory_space<semaphore_mem>>) src(%arg17 : memref<40x128xf32, #tpu.memory_space<vmem>>) dst(%dma_wait3A_291 : memref<40x128xf32, #tpu.memory_space<hbm>>)
        %dma_wait3A_292 = arith.constant 0 : i32
        %dma_wait3A_293 = tpu.memref_slice %arg2[%dma_wait3A_292] : memref<320000xi32, #tpu.memory_space<hbm>> -> memref<40xi32, #tpu.memory_space<hbm>>
        %dma_wait3A_294 = arith.constant 0 : i32
        %dma_wait3A_295 = tpu.memref_slice %arg2[%dma_wait3A_294] : memref<320000xi32, #tpu.memory_space<hbm>> -> memref<40xi32, #tpu.memory_space<hbm>>
        tpu.wait_dma2 semaphore(%arg40 : memref<!tpu.dma_semaphore, #tpu.memory_space<semaphore_mem>>) src(%dma_wait3A_295 : memref<40xi32, #tpu.memory_space<hbm>>) dst(%arg14 : memref<40xi32, #tpu.memory_space<vmem>>)
        %dma_wait3A_296 = arith.constant 0 : i32
        %dma_wait3A_297 = tpu.memref_slice %arg3[%dma_wait3A_296] : memref<320000xi32, #tpu.memory_space<hbm>> -> memref<40xi32, #tpu.memory_space<hbm>>
        %dma_wait3A_298 = arith.constant 0 : i32
        %dma_wait3A_299 = tpu.memref_slice %arg3[%dma_wait3A_298] : memref<320000xi32, #tpu.memory_space<hbm>> -> memref<40xi32, #tpu.memory_space<hbm>>
        tpu.wait_dma2 semaphore(%arg40 : memref<!tpu.dma_semaphore, #tpu.memory_space<semaphore_mem>>) src(%dma_wait3A_299 : memref<40xi32, #tpu.memory_space<hbm>>) dst(%arg15 : memref<40xi32, #tpu.memory_space<vmem>>)
        %add3A_300 = arith.constant 2 : i32
        %add3A_301 = arith.addi %mul3A_131, %add3A_300 : i32
        %mul3A_302 = arith.constant 10000 : i32
        %mul3A_303 = arith.muli %add3A, %mul3A_302 : i32
        %mul3A_304 = arith.constant 40 : i32
        %mul3A_305 = arith.muli %add3A_301, %mul3A_304 : i32
        %add3A_306 = arith.addi %mul3A_303, %mul3A_305 : i32
        %dma_start3A_307 = arith.constant 0 : i32
        %dma_start3A_308 = arith.constant 0 : i32
        %dma_start3A_309 = tpu.memref_slice %arg5[%dma_start3A_307, %dma_start3A_308] : memref<10000x128xf32, #tpu.memory_space<hbm>> -> memref<10000x128xf32, #tpu.memory_space<hbm>>
        tpu.enqueue_indirect_dma source(%dma_start3A_309 : memref<10000x128xf32, #tpu.memory_space<hbm>>) target(%arg18 : memref<40x128xf32, #tpu.memory_space<vmem>>) offsets(%arg14 : memref<40xi32, #tpu.memory_space<vmem>>) semaphore(%arg41 : memref<!tpu.dma_semaphore, #tpu.memory_space<semaphore_mem>>)
        %dma_start3A_310 = arith.constant 0 : i32
        %dma_start3A_311 = arith.constant 0 : i32
        %dma_start3A_312 = tpu.memref_slice %arg6[%dma_start3A_310, %dma_start3A_311] : memref<10000x128xf32, #tpu.memory_space<hbm>> -> memref<10000x128xf32, #tpu.memory_space<hbm>>
        tpu.enqueue_indirect_dma source(%dma_start3A_312 : memref<10000x128xf32, #tpu.memory_space<hbm>>) target(%arg19 : memref<40x128xf32, #tpu.memory_space<vmem>>) offsets(%arg15 : memref<40xi32, #tpu.memory_space<vmem>>) semaphore(%arg41 : memref<!tpu.dma_semaphore, #tpu.memory_space<semaphore_mem>>)
        %dma_start3A_313 = arith.constant 0 : i32
        %dma_start3A_314 = arith.constant 0 : i32
        %dma_start3A_315 = tpu.memref_slice %arg7[%dma_start3A_313, %dma_start3A_314] : memref<10000x128xf32, #tpu.memory_space<hbm>> -> memref<10000x128xf32, #tpu.memory_space<hbm>>
        tpu.enqueue_indirect_dma source(%dma_start3A_315 : memref<10000x128xf32, #tpu.memory_space<hbm>>) target(%arg20 : memref<40x128xf32, #tpu.memory_space<vmem>>) offsets(%arg14 : memref<40xi32, #tpu.memory_space<vmem>>) semaphore(%arg41 : memref<!tpu.dma_semaphore, #tpu.memory_space<semaphore_mem>>)
        %dma_start3A_316 = arith.constant 0 : i32
        %dma_start3A_317 = tpu.memref_slice %arg22[%dma_start3A_316] : memref<48xf32, #tpu.memory_space<vmem>> -> memref<40xf32, #tpu.memory_space<vmem>>
        %dma_start3A_318 = arith.constant 0 : i32
        %dma_start3A_319 = tpu.memref_slice %arg9[%dma_start3A_318] : memref<10000xf32, #tpu.memory_space<hbm>> -> memref<10000xf32, #tpu.memory_space<hbm>>
        tpu.enqueue_indirect_dma source(%dma_start3A_319 : memref<10000xf32, #tpu.memory_space<hbm>>) target(%dma_start3A_317 : memref<40xf32, #tpu.memory_space<vmem>>) offsets(%arg14 : memref<40xi32, #tpu.memory_space<vmem>>) semaphore(%arg41 : memref<!tpu.dma_semaphore, #tpu.memory_space<semaphore_mem>>)
        %dma_start3A_320 = arith.constant 0 : i32
        %dma_start3A_321 = tpu.memref_slice %arg23[%dma_start3A_320] : memref<48xf32, #tpu.memory_space<vmem>> -> memref<40xf32, #tpu.memory_space<vmem>>
        %dma_start3A_322 = arith.constant 0 : i32
        %dma_start3A_323 = tpu.memref_slice %arg10[%dma_start3A_322] : memref<10000xf32, #tpu.memory_space<hbm>> -> memref<10000xf32, #tpu.memory_space<hbm>>
        tpu.enqueue_indirect_dma source(%dma_start3A_323 : memref<10000xf32, #tpu.memory_space<hbm>>) target(%dma_start3A_321 : memref<40xf32, #tpu.memory_space<vmem>>) offsets(%arg15 : memref<40xi32, #tpu.memory_space<vmem>>) semaphore(%arg41 : memref<!tpu.dma_semaphore, #tpu.memory_space<semaphore_mem>>)
        %dma_start3A_324 = arith.constant 0 : i32
        %dma_start3A_325 = tpu.memref_slice %arg4[%add3A_306, %dma_start3A_324] : memref<320000x128xf32, #tpu.memory_space<hbm>> -> memref<40x128xf32, #tpu.memory_space<hbm>>
        %dma_start3A_326 = arith.constant 0 : i32
        %dma_start3A_327 = tpu.memref_slice %arg4[%add3A_306, %dma_start3A_326] : memref<320000x128xf32, #tpu.memory_space<hbm>> -> memref<40x128xf32, #tpu.memory_space<hbm>>
        tpu.enqueue_dma source(%dma_start3A_327 : memref<40x128xf32, #tpu.memory_space<hbm>>) target(%arg17 : memref<40x128xf32, #tpu.memory_space<vmem>>) target_semaphore(%arg41 : memref<!tpu.dma_semaphore, #tpu.memory_space<semaphore_mem>>)
        %dma_start3A_328 = arith.constant 0 : i32
        %dma_start3A_329 = tpu.memref_slice %arg21[%dma_start3A_328] : memref<48xf32, #tpu.memory_space<vmem>> -> memref<40xf32, #tpu.memory_space<vmem>>
        %dma_start3A_330 = tpu.memref_slice %arg8[%add3A_306] : memref<320000xf32, #tpu.memory_space<hbm>> -> memref<40xf32, #tpu.memory_space<hbm>>
        %dma_start3A_331 = arith.constant 0 : i32
        %dma_start3A_332 = tpu.memref_slice %arg21[%dma_start3A_331] : memref<48xf32, #tpu.memory_space<vmem>> -> memref<40xf32, #tpu.memory_space<vmem>>
        %dma_start3A_333 = tpu.memref_slice %arg8[%add3A_306] : memref<320000xf32, #tpu.memory_space<hbm>> -> memref<40xf32, #tpu.memory_space<hbm>>
        tpu.enqueue_dma source(%dma_start3A_333 : memref<40xf32, #tpu.memory_space<hbm>>) target(%dma_start3A_332 : memref<40xf32, #tpu.memory_space<vmem>>) target_semaphore(%arg41 : memref<!tpu.dma_semaphore, #tpu.memory_space<semaphore_mem>>)
      } else {
      }
      %scan3A_260 = arith.constant 0 : i32
      %scan3A_261 = arith.constant 0 : i32
      %scan3A_262 = arith.constant 3 : i32
      %scan3A_263 = arith.addi %scan3A_261, %scan3A_262 : i32
      %scan3A_264 = arith.constant 1 : i32
      scf.for %scan3A_286 = %scan3A_261 to %scan3A_263 step %scan3A_264  : i32 {
        %mul3A_287 = arith.constant 16 : i32
        %mul3A_288 = arith.muli %scan3A_286, %mul3A_287 : i32
        %get3A = arith.index_cast %mul3A_288 : i32 to index
        %get3A_289 = tpu.vector_load %arg32[%get3A] {strides = array<i32>} : memref<48xf32, #tpu.memory_space<vmem>>, vector<16xf32>,
        %get3A_290 = vector.shape_cast %get3A_289 : vector<16xf32> to vector<16xf32>
        %get3A_291 = arith.index_cast %mul3A_288 : i32 to index
        %get3A_292 = tpu.vector_load %arg33[%get3A_291] {strides = array<i32>} : memref<48xf32, #tpu.memory_space<vmem>>, vector<16xf32>,
        %get3A_293 = vector.shape_cast %get3A_292 : vector<16xf32> to vector<16xf32>
        %add3A_294 = arith.addf %get3A_290, %get3A_293 : vector<16xf32>
        %get3A_295 = arith.index_cast %mul3A_288 : i32 to index
        %get3A_296 = tpu.vector_load %arg34[%get3A_295] {strides = array<i32>} : memref<48xf32, #tpu.memory_space<vmem>>, vector<16xf32>,
        %get3A_297 = vector.shape_cast %get3A_296 : vector<16xf32> to vector<16xf32>
        %add3A_298 = arith.addf %add3A_294, %get3A_297 : vector<16xf32>
        %exp3A = math.exp %add3A_298 : vector<16xf32>
        %swap3A = arith.index_cast %mul3A_288 : i32 to index
        %swap3A_299 = tpu.vector_load %arg35[%swap3A] {strides = array<i32>} : memref<56xf32, #tpu.memory_space<vmem>>, vector<16xf32>,
        %swap3A_300 = vector.shape_cast %swap3A_299 : vector<16xf32> to vector<16xf32>
        %swap3A_301 = vector.shape_cast %exp3A : vector<16xf32> to vector<16xf32>
        tpu.vector_store %arg35[%swap3A], %swap3A_301 {strides = array<i32>} : memref<56xf32, #tpu.memory_space<vmem>>, vector<16xf32>,
      }
      %scan3A_265 = arith.constant 3 : i32
      %scan3A_266 = arith.constant 0 : i32
      %scan3A_267 = arith.constant 0 : i32
      %scan3A_268 = arith.constant 40 : i32
      %scan3A_269 = arith.addi %scan3A_267, %scan3A_268 : i32
      %scan3A_270 = arith.constant 1 : i32
      scf.for %scan3A_286 = %scan3A_267 to %scan3A_269 step %scan3A_270  : i32 {
        %get3A = arith.index_cast %scan3A_286 : i32 to index
        %get3A_287 = tpu.vector_load %arg35[%get3A] {strides = array<i32>} : memref<56xf32, #tpu.memory_space<vmem>>, vector<16xf32>,
        %get3A_288 = vector.shape_cast %get3A_287 : vector<16xf32> to vector<16xf32>
        %slice3A = vector.extract_strided_slice %get3A_288 {offsets = [0], sizes = [1], strides = [1]} : vector<16xf32> to vector<1xf32>
        %squeeze3A = vector.extract %slice3A[0] : f32 from vector<1xf32>
        %get3A_289 = arith.index_cast %scan3A_286 : i32 to index
        %get3A_290 = arith.constant 0 : index
        %get3A_291 = tpu.vector_load %arg28[%get3A_289, %get3A_290] {strides = array<i32>} : memref<40x128xf32, #tpu.memory_space<vmem>>, vector<1x16xf32>,
        %get3A_292 = vector.shape_cast %get3A_291 : vector<1x16xf32> to vector<16xf32>
        %get3A_293 = arith.index_cast %scan3A_286 : i32 to index
        %get3A_294 = arith.constant 0 : index
        %get3A_295 = tpu.vector_load %arg29[%get3A_293, %get3A_294] {strides = array<i32>} : memref<40x128xf32, #tpu.memory_space<vmem>>, vector<1x16xf32>,
        %get3A_296 = vector.shape_cast %get3A_295 : vector<1x16xf32> to vector<16xf32>
        %add3A_297 = arith.addf %get3A_292, %get3A_296 : vector<16xf32>
        %get3A_298 = arith.index_cast %scan3A_286 : i32 to index
        %get3A_299 = arith.constant 0 : index
        %get3A_300 = tpu.vector_load %arg30[%get3A_298, %get3A_299] {strides = array<i32>} : memref<40x128xf32, #tpu.memory_space<vmem>>, vector<1x16xf32>,
        %get3A_301 = vector.shape_cast %get3A_300 : vector<1x16xf32> to vector<16xf32>
        %add3A_302 = arith.addf %add3A_297, %get3A_301 : vector<16xf32>
        %swap3A = arith.index_cast %scan3A_286 : i32 to index
        %swap3A_303 = arith.constant 0 : index
        %swap3A_304 = tpu.vector_load %arg28[%swap3A, %swap3A_303] {strides = array<i32>} : memref<40x128xf32, #tpu.memory_space<vmem>>, vector<1x16xf32>,
        %swap3A_305 = vector.shape_cast %swap3A_304 : vector<1x16xf32> to vector<16xf32>
        %swap3A_306 = vector.shape_cast %add3A_302 : vector<16xf32> to vector<1x16xf32>
        tpu.vector_store %arg28[%swap3A, %swap3A_303], %swap3A_306 {strides = array<i32>} : memref<40x128xf32, #tpu.memory_space<vmem>>, vector<1x16xf32>,
        %get3A_307 = arith.index_cast %scan3A_286 : i32 to index
        %get3A_308 = arith.constant 0 : index
        %get3A_309 = tpu.vector_load %arg31[%get3A_307, %get3A_308] {strides = array<i32>} : memref<40x128xf32, #tpu.memory_space<vmem>>, vector<1x16xf32>,
        %get3A_310 = vector.shape_cast %get3A_309 : vector<1x16xf32> to vector<16xf32>
        %mul3A_311 = vector.broadcast %squeeze3A : f32 to vector<16xf32>
        %mul3A_312 = arith.mulf %get3A_310, %mul3A_311 : vector<16xf32>
        %swap3A_313 = arith.index_cast %scan3A_286 : i32 to index
        %swap3A_314 = arith.constant 0 : index
        %swap3A_315 = tpu.vector_load %arg31[%swap3A_313, %swap3A_314] {strides = array<i32>} : memref<40x128xf32, #tpu.memory_space<vmem>>, vector<1x16xf32>,
        %swap3A_316 = vector.shape_cast %swap3A_315 : vector<1x16xf32> to vector<16xf32>
        %swap3A_317 = vector.shape_cast %mul3A_312 : vector<16xf32> to vector<1x16xf32>
        tpu.vector_store %arg31[%swap3A_313, %swap3A_314], %swap3A_317 {strides = array<i32>} : memref<40x128xf32, #tpu.memory_space<vmem>>, vector<1x16xf32>,
        %get3A_318 = arith.index_cast %scan3A_286 : i32 to index
        %get3A_319 = arith.constant 16 : index
        %get3A_320 = tpu.vector_load %arg28[%get3A_318, %get3A_319] {strides = array<i32>} : memref<40x128xf32, #tpu.memory_space<vmem>>, vector<1x16xf32>,
        %get3A_321 = vector.shape_cast %get3A_320 : vector<1x16xf32> to vector<16xf32>
        %get3A_322 = arith.index_cast %scan3A_286 : i32 to index
        %get3A_323 = arith.constant 16 : index
        %get3A_324 = tpu.vector_load %arg29[%get3A_322, %get3A_323] {strides = array<i32>} : memref<40x128xf32, #tpu.memory_space<vmem>>, vector<1x16xf32>,
        %get3A_325 = vector.shape_cast %get3A_324 : vector<1x16xf32> to vector<16xf32>
        %add3A_326 = arith.addf %get3A_321, %get3A_325 : vector<16xf32>
        %get3A_327 = arith.index_cast %scan3A_286 : i32 to index
        %get3A_328 = arith.constant 16 : index
        %get3A_329 = tpu.vector_load %arg30[%get3A_327, %get3A_328] {strides = array<i32>} : memref<40x128xf32, #tpu.memory_space<vmem>>, vector<1x16xf32>,
        %get3A_330 = vector.shape_cast %get3A_329 : vector<1x16xf32> to vector<16xf32>
        %add3A_331 = arith.addf %add3A_326, %get3A_330 : vector<16xf32>
        %swap3A_332 = arith.index_cast %scan3A_286 : i32 to index
        %swap3A_333 = arith.constant 16 : index
        %swap3A_334 = tpu.vector_load %arg28[%swap3A_332, %swap3A_333] {strides = array<i32>} : memref<40x128xf32, #tpu.memory_space<vmem>>, vector<1x16xf32>,
        %swap3A_335 = vector.shape_cast %swap3A_334 : vector<1x16xf32> to vector<16xf32>
        %swap3A_336 = vector.shape_cast %add3A_331 : vector<16xf32> to vector<1x16xf32>
        tpu.vector_store %arg28[%swap3A_332, %swap3A_333], %swap3A_336 {strides = array<i32>} : memref<40x128xf32, #tpu.memory_space<vmem>>, vector<1x16xf32>,
        %get3A_337 = arith.index_cast %scan3A_286 : i32 to index
        %get3A_338 = arith.constant 16 : index
        %get3A_339 = tpu.vector_load %arg31[%get3A_337, %get3A_338] {strides = array<i32>} : memref<40x128xf32, #tpu.memory_space<vmem>>, vector<1x16xf32>,
        %get3A_340 = vector.shape_cast %get3A_339 : vector<1x16xf32> to vector<16xf32>
        %mul3A_341 = vector.broadcast %squeeze3A : f32 to vector<16xf32>
        %mul3A_342 = arith.mulf %get3A_340, %mul3A_341 : vector<16xf32>
        %swap3A_343 = arith.index_cast %scan3A_286 : i32 to index
        %swap3A_344 = arith.constant 16 : index
        %swap3A_345 = tpu.vector_load %arg31[%swap3A_343, %swap3A_344] {strides = array<i32>} : memref<40x128xf32, #tpu.memory_space<vmem>>, vector<1x16xf32>,
        %swap3A_346 = vector.shape_cast %swap3A_345 : vector<1x16xf32> to vector<16xf32>
        %swap3A_347 = vector.shape_cast %mul3A_342 : vector<16xf32> to vector<1x16xf32>
        tpu.vector_store %arg31[%swap3A_343, %swap3A_344], %swap3A_347 {strides = array<i32>} : memref<40x128xf32, #tpu.memory_space<vmem>>, vector<1x16xf32>,
        %get3A_348 = arith.index_cast %scan3A_286 : i32 to index
        %get3A_349 = arith.constant 32 : index
        %get3A_350 = tpu.vector_load %arg28[%get3A_348, %get3A_349] {strides = array<i32>} : memref<40x128xf32, #tpu.memory_space<vmem>>, vector<1x16xf32>,
        %get3A_351 = vector.shape_cast %get3A_350 : vector<1x16xf32> to vector<16xf32>
        %get3A_352 = arith.index_cast %scan3A_286 : i32 to index
        %get3A_353 = arith.constant 32 : index
        %get3A_354 = tpu.vector_load %arg29[%get3A_352, %get3A_353] {strides = array<i32>} : memref<40x128xf32, #tpu.memory_space<vmem>>, vector<1x16xf32>,
        %get3A_355 = vector.shape_cast %get3A_354 : vector<1x16xf32> to vector<16xf32>
        %add3A_356 = arith.addf %get3A_351, %get3A_355 : vector<16xf32>
        %get3A_357 = arith.index_cast %scan3A_286 : i32 to index
        %get3A_358 = arith.constant 32 : index
        %get3A_359 = tpu.vector_load %arg30[%get3A_357, %get3A_358] {strides = array<i32>} : memref<40x128xf32, #tpu.memory_space<vmem>>, vector<1x16xf32>,
        %get3A_360 = vector.shape_cast %get3A_359 : vector<1x16xf32> to vector<16xf32>
        %add3A_361 = arith.addf %add3A_356, %get3A_360 : vector<16xf32>
        %swap3A_362 = arith.index_cast %scan3A_286 : i32 to index
        %swap3A_363 = arith.constant 32 : index
        %swap3A_364 = tpu.vector_load %arg28[%swap3A_362, %swap3A_363] {strides = array<i32>} : memref<40x128xf32, #tpu.memory_space<vmem>>, vector<1x16xf32>,
        %swap3A_365 = vector.shape_cast %swap3A_364 : vector<1x16xf32> to vector<16xf32>
        %swap3A_366 = vector.shape_cast %add3A_361 : vector<16xf32> to vector<1x16xf32>
        tpu.vector_store %arg28[%swap3A_362, %swap3A_363], %swap3A_366 {strides = array<i32>} : memref<40x128xf32, #tpu.memory_space<vmem>>, vector<1x16xf32>,
        %get3A_367 = arith.index_cast %scan3A_286 : i32 to index
        %get3A_368 = arith.constant 32 : index
        %get3A_369 = tpu.vector_load %arg31[%get3A_367, %get3A_368] {strides = array<i32>} : memref<40x128xf32, #tpu.memory_space<vmem>>, vector<1x16xf32>,
        %get3A_370 = vector.shape_cast %get3A_369 : vector<1x16xf32> to vector<16xf32>
        %mul3A_371 = vector.broadcast %squeeze3A : f32 to vector<16xf32>
        %mul3A_372 = arith.mulf %get3A_370, %mul3A_371 : vector<16xf32>
        %swap3A_373 = arith.index_cast %scan3A_286 : i32 to index
        %swap3A_374 = arith.constant 32 : index
        %swap3A_375 = tpu.vector_load %arg31[%swap3A_373, %swap3A_374] {strides = array<i32>} : memref<40x128xf32, #tpu.memory_space<vmem>>, vector<1x16xf32>,
        %swap3A_376 = vector.shape_cast %swap3A_375 : vector<1x16xf32> to vector<16xf32>
        %swap3A_377 = vector.shape_cast %mul3A_372 : vector<16xf32> to vector<1x16xf32>
        tpu.vector_store %arg31[%swap3A_373, %swap3A_374], %swap3A_377 {strides = array<i32>} : memref<40x128xf32, #tpu.memory_space<vmem>>, vector<1x16xf32>,
        %get3A_378 = arith.index_cast %scan3A_286 : i32 to index
        %get3A_379 = arith.constant 48 : index
        %get3A_380 = tpu.vector_load %arg28[%get3A_378, %get3A_379] {strides = array<i32>} : memref<40x128xf32, #tpu.memory_space<vmem>>, vector<1x16xf32>,
        %get3A_381 = vector.shape_cast %get3A_380 : vector<1x16xf32> to vector<16xf32>
        %get3A_382 = arith.index_cast %scan3A_286 : i32 to index
        %get3A_383 = arith.constant 48 : index
        %get3A_384 = tpu.vector_load %arg29[%get3A_382, %get3A_383] {strides = array<i32>} : memref<40x128xf32, #tpu.memory_space<vmem>>, vector<1x16xf32>,
        %get3A_385 = vector.shape_cast %get3A_384 : vector<1x16xf32> to vector<16xf32>
        %add3A_386 = arith.addf %get3A_381, %get3A_385 : vector<16xf32>
        %get3A_387 = arith.index_cast %scan3A_286 : i32 to index
        %get3A_388 = arith.constant 48 : index
        %get3A_389 = tpu.vector_load %arg30[%get3A_387, %get3A_388] {strides = array<i32>} : memref<40x128xf32, #tpu.memory_space<vmem>>, vector<1x16xf32>,
        %get3A_390 = vector.shape_cast %get3A_389 : vector<1x16xf32> to vector<16xf32>
        %add3A_391 = arith.addf %add3A_386, %get3A_390 : vector<16xf32>
        %swap3A_392 = arith.index_cast %scan3A_286 : i32 to index
        %swap3A_393 = arith.constant 48 : index
        %swap3A_394 = tpu.vector_load %arg28[%swap3A_392, %swap3A_393] {strides = array<i32>} : memref<40x128xf32, #tpu.memory_space<vmem>>, vector<1x16xf32>,
        %swap3A_395 = vector.shape_cast %swap3A_394 : vector<1x16xf32> to vector<16xf32>
        %swap3A_396 = vector.shape_cast %add3A_391 : vector<16xf32> to vector<1x16xf32>
        tpu.vector_store %arg28[%swap3A_392, %swap3A_393], %swap3A_396 {strides = array<i32>} : memref<40x128xf32, #tpu.memory_space<vmem>>, vector<1x16xf32>,
        %get3A_397 = arith.index_cast %scan3A_286 : i32 to index
        %get3A_398 = arith.constant 48 : index
        %get3A_399 = tpu.vector_load %arg31[%get3A_397, %get3A_398] {strides = array<i32>} : memref<40x128xf32, #tpu.memory_space<vmem>>, vector<1x16xf32>,
        %get3A_400 = vector.shape_cast %get3A_399 : vector<1x16xf32> to vector<16xf32>
        %mul3A_401 = vector.broadcast %squeeze3A : f32 to vector<16xf32>
        %mul3A_402 = arith.mulf %get3A_400, %mul3A_401 : vector<16xf32>
        %swap3A_403 = arith.index_cast %scan3A_286 : i32 to index
        %swap3A_404 = arith.constant 48 : index
        %swap3A_405 = tpu.vector_load %arg31[%swap3A_403, %swap3A_404] {strides = array<i32>} : memref<40x128xf32, #tpu.memory_space<vmem>>, vector<1x16xf32>,
        %swap3A_406 = vector.shape_cast %swap3A_405 : vector<1x16xf32> to vector<16xf32>
        %swap3A_407 = vector.shape_cast %mul3A_402 : vector<16xf32> to vector<1x16xf32>
        tpu.vector_store %arg31[%swap3A_403, %swap3A_404], %swap3A_407 {strides = array<i32>} : memref<40x128xf32, #tpu.memory_space<vmem>>, vector<1x16xf32>,
        %get3A_408 = arith.index_cast %scan3A_286 : i32 to index
        %get3A_409 = arith.constant 64 : index
        %get3A_410 = tpu.vector_load %arg28[%get3A_408, %get3A_409] {strides = array<i32>} : memref<40x128xf32, #tpu.memory_space<vmem>>, vector<1x16xf32>,
        %get3A_411 = vector.shape_cast %get3A_410 : vector<1x16xf32> to vector<16xf32>
        %get3A_412 = arith.index_cast %scan3A_286 : i32 to index
        %get3A_413 = arith.constant 64 : index
        %get3A_414 = tpu.vector_load %arg29[%get3A_412, %get3A_413] {strides = array<i32>} : memref<40x128xf32, #tpu.memory_space<vmem>>, vector<1x16xf32>,
        %get3A_415 = vector.shape_cast %get3A_414 : vector<1x16xf32> to vector<16xf32>
        %add3A_416 = arith.addf %get3A_411, %get3A_415 : vector<16xf32>
        %get3A_417 = arith.index_cast %scan3A_286 : i32 to index
        %get3A_418 = arith.constant 64 : index
        %get3A_419 = tpu.vector_load %arg30[%get3A_417, %get3A_418] {strides = array<i32>} : memref<40x128xf32, #tpu.memory_space<vmem>>, vector<1x16xf32>,
        %get3A_420 = vector.shape_cast %get3A_419 : vector<1x16xf32> to vector<16xf32>
        %add3A_421 = arith.addf %add3A_416, %get3A_420 : vector<16xf32>
        %swap3A_422 = arith.index_cast %scan3A_286 : i32 to index
        %swap3A_423 = arith.constant 64 : index
        %swap3A_424 = tpu.vector_load %arg28[%swap3A_422, %swap3A_423] {strides = array<i32>} : memref<40x128xf32, #tpu.memory_space<vmem>>, vector<1x16xf32>,
        %swap3A_425 = vector.shape_cast %swap3A_424 : vector<1x16xf32> to vector<16xf32>
        %swap3A_426 = vector.shape_cast %add3A_421 : vector<16xf32> to vector<1x16xf32>
        tpu.vector_store %arg28[%swap3A_422, %swap3A_423], %swap3A_426 {strides = array<i32>} : memref<40x128xf32, #tpu.memory_space<vmem>>, vector<1x16xf32>,
        %get3A_427 = arith.index_cast %scan3A_286 : i32 to index
        %get3A_428 = arith.constant 64 : index
        %get3A_429 = tpu.vector_load %arg31[%get3A_427, %get3A_428] {strides = array<i32>} : memref<40x128xf32, #tpu.memory_space<vmem>>, vector<1x16xf32>,
        %get3A_430 = vector.shape_cast %get3A_429 : vector<1x16xf32> to vector<16xf32>
        %mul3A_431 = vector.broadcast %squeeze3A : f32 to vector<16xf32>
        %mul3A_432 = arith.mulf %get3A_430, %mul3A_431 : vector<16xf32>
        %swap3A_433 = arith.index_cast %scan3A_286 : i32 to index
        %swap3A_434 = arith.constant 64 : index
        %swap3A_435 = tpu.vector_load %arg31[%swap3A_433, %swap3A_434] {strides = array<i32>} : memref<40x128xf32, #tpu.memory_space<vmem>>, vector<1x16xf32>,
        %swap3A_436 = vector.shape_cast %swap3A_435 : vector<1x16xf32> to vector<16xf32>
        %swap3A_437 = vector.shape_cast %mul3A_432 : vector<16xf32> to vector<1x16xf32>
        tpu.vector_store %arg31[%swap3A_433, %swap3A_434], %swap3A_437 {strides = array<i32>} : memref<40x128xf32, #tpu.memory_space<vmem>>, vector<1x16xf32>,
        %get3A_438 = arith.index_cast %scan3A_286 : i32 to index
        %get3A_439 = arith.constant 80 : index
        %get3A_440 = tpu.vector_load %arg28[%get3A_438, %get3A_439] {strides = array<i32>} : memref<40x128xf32, #tpu.memory_space<vmem>>, vector<1x16xf32>,
        %get3A_441 = vector.shape_cast %get3A_440 : vector<1x16xf32> to vector<16xf32>
        %get3A_442 = arith.index_cast %scan3A_286 : i32 to index
        %get3A_443 = arith.constant 80 : index
        %get3A_444 = tpu.vector_load %arg29[%get3A_442, %get3A_443] {strides = array<i32>} : memref<40x128xf32, #tpu.memory_space<vmem>>, vector<1x16xf32>,
        %get3A_445 = vector.shape_cast %get3A_444 : vector<1x16xf32> to vector<16xf32>
        %add3A_446 = arith.addf %get3A_441, %get3A_445 : vector<16xf32>
        %get3A_447 = arith.index_cast %scan3A_286 : i32 to index
        %get3A_448 = arith.constant 80 : index
        %get3A_449 = tpu.vector_load %arg30[%get3A_447, %get3A_448] {strides = array<i32>} : memref<40x128xf32, #tpu.memory_space<vmem>>, vector<1x16xf32>,
        %get3A_450 = vector.shape_cast %get3A_449 : vector<1x16xf32> to vector<16xf32>
        %add3A_451 = arith.addf %add3A_446, %get3A_450 : vector<16xf32>
        %swap3A_452 = arith.index_cast %scan3A_286 : i32 to index
        %swap3A_453 = arith.constant 80 : index
        %swap3A_454 = tpu.vector_load %arg28[%swap3A_452, %swap3A_453] {strides = array<i32>} : memref<40x128xf32, #tpu.memory_space<vmem>>, vector<1x16xf32>,
        %swap3A_455 = vector.shape_cast %swap3A_454 : vector<1x16xf32> to vector<16xf32>
        %swap3A_456 = vector.shape_cast %add3A_451 : vector<16xf32> to vector<1x16xf32>
        tpu.vector_store %arg28[%swap3A_452, %swap3A_453], %swap3A_456 {strides = array<i32>} : memref<40x128xf32, #tpu.memory_space<vmem>>, vector<1x16xf32>,
        %get3A_457 = arith.index_cast %scan3A_286 : i32 to index
        %get3A_458 = arith.constant 80 : index
        %get3A_459 = tpu.vector_load %arg31[%get3A_457, %get3A_458] {strides = array<i32>} : memref<40x128xf32, #tpu.memory_space<vmem>>, vector<1x16xf32>,
        %get3A_460 = vector.shape_cast %get3A_459 : vector<1x16xf32> to vector<16xf32>
        %mul3A_461 = vector.broadcast %squeeze3A : f32 to vector<16xf32>
        %mul3A_462 = arith.mulf %get3A_460, %mul3A_461 : vector<16xf32>
        %swap3A_463 = arith.index_cast %scan3A_286 : i32 to index
        %swap3A_464 = arith.constant 80 : index
        %swap3A_465 = tpu.vector_load %arg31[%swap3A_463, %swap3A_464] {strides = array<i32>} : memref<40x128xf32, #tpu.memory_space<vmem>>, vector<1x16xf32>,
        %swap3A_466 = vector.shape_cast %swap3A_465 : vector<1x16xf32> to vector<16xf32>
        %swap3A_467 = vector.shape_cast %mul3A_462 : vector<16xf32> to vector<1x16xf32>
        tpu.vector_store %arg31[%swap3A_463, %swap3A_464], %swap3A_467 {strides = array<i32>} : memref<40x128xf32, #tpu.memory_space<vmem>>, vector<1x16xf32>,
        %get3A_468 = arith.index_cast %scan3A_286 : i32 to index
        %get3A_469 = arith.constant 96 : index
        %get3A_470 = tpu.vector_load %arg28[%get3A_468, %get3A_469] {strides = array<i32>} : memref<40x128xf32, #tpu.memory_space<vmem>>, vector<1x16xf32>,
        %get3A_471 = vector.shape_cast %get3A_470 : vector<1x16xf32> to vector<16xf32>
        %get3A_472 = arith.index_cast %scan3A_286 : i32 to index
        %get3A_473 = arith.constant 96 : index
        %get3A_474 = tpu.vector_load %arg29[%get3A_472, %get3A_473] {strides = array<i32>} : memref<40x128xf32, #tpu.memory_space<vmem>>, vector<1x16xf32>,
        %get3A_475 = vector.shape_cast %get3A_474 : vector<1x16xf32> to vector<16xf32>
        %add3A_476 = arith.addf %get3A_471, %get3A_475 : vector<16xf32>
        %get3A_477 = arith.index_cast %scan3A_286 : i32 to index
        %get3A_478 = arith.constant 96 : index
        %get3A_479 = tpu.vector_load %arg30[%get3A_477, %get3A_478] {strides = array<i32>} : memref<40x128xf32, #tpu.memory_space<vmem>>, vector<1x16xf32>,
        %get3A_480 = vector.shape_cast %get3A_479 : vector<1x16xf32> to vector<16xf32>
        %add3A_481 = arith.addf %add3A_476, %get3A_480 : vector<16xf32>
        %swap3A_482 = arith.index_cast %scan3A_286 : i32 to index
        %swap3A_483 = arith.constant 96 : index
        %swap3A_484 = tpu.vector_load %arg28[%swap3A_482, %swap3A_483] {strides = array<i32>} : memref<40x128xf32, #tpu.memory_space<vmem>>, vector<1x16xf32>,
        %swap3A_485 = vector.shape_cast %swap3A_484 : vector<1x16xf32> to vector<16xf32>
        %swap3A_486 = vector.shape_cast %add3A_481 : vector<16xf32> to vector<1x16xf32>
        tpu.vector_store %arg28[%swap3A_482, %swap3A_483], %swap3A_486 {strides = array<i32>} : memref<40x128xf32, #tpu.memory_space<vmem>>, vector<1x16xf32>,
        %get3A_487 = arith.index_cast %scan3A_286 : i32 to index
        %get3A_488 = arith.constant 96 : index
        %get3A_489 = tpu.vector_load %arg31[%get3A_487, %get3A_488] {strides = array<i32>} : memref<40x128xf32, #tpu.memory_space<vmem>>, vector<1x16xf32>,
        %get3A_490 = vector.shape_cast %get3A_489 : vector<1x16xf32> to vector<16xf32>
        %mul3A_491 = vector.broadcast %squeeze3A : f32 to vector<16xf32>
        %mul3A_492 = arith.mulf %get3A_490, %mul3A_491 : vector<16xf32>
        %swap3A_493 = arith.index_cast %scan3A_286 : i32 to index
        %swap3A_494 = arith.constant 96 : index
        %swap3A_495 = tpu.vector_load %arg31[%swap3A_493, %swap3A_494] {strides = array<i32>} : memref<40x128xf32, #tpu.memory_space<vmem>>, vector<1x16xf32>,
        %swap3A_496 = vector.shape_cast %swap3A_495 : vector<1x16xf32> to vector<16xf32>
        %swap3A_497 = vector.shape_cast %mul3A_492 : vector<16xf32> to vector<1x16xf32>
        tpu.vector_store %arg31[%swap3A_493, %swap3A_494], %swap3A_497 {strides = array<i32>} : memref<40x128xf32, #tpu.memory_space<vmem>>, vector<1x16xf32>,
        %get3A_498 = arith.index_cast %scan3A_286 : i32 to index
        %get3A_499 = arith.constant 112 : index
        %get3A_500 = tpu.vector_load %arg28[%get3A_498, %get3A_499] {strides = array<i32>} : memref<40x128xf32, #tpu.memory_space<vmem>>, vector<1x16xf32>,
        %get3A_501 = vector.shape_cast %get3A_500 : vector<1x16xf32> to vector<16xf32>
        %get3A_502 = arith.index_cast %scan3A_286 : i32 to index
        %get3A_503 = arith.constant 112 : index
        %get3A_504 = tpu.vector_load %arg29[%get3A_502, %get3A_503] {strides = array<i32>} : memref<40x128xf32, #tpu.memory_space<vmem>>, vector<1x16xf32>,
        %get3A_505 = vector.shape_cast %get3A_504 : vector<1x16xf32> to vector<16xf32>
        %add3A_506 = arith.addf %get3A_501, %get3A_505 : vector<16xf32>
        %get3A_507 = arith.index_cast %scan3A_286 : i32 to index
        %get3A_508 = arith.constant 112 : index
        %get3A_509 = tpu.vector_load %arg30[%get3A_507, %get3A_508] {strides = array<i32>} : memref<40x128xf32, #tpu.memory_space<vmem>>, vector<1x16xf32>,
        %get3A_510 = vector.shape_cast %get3A_509 : vector<1x16xf32> to vector<16xf32>
        %add3A_511 = arith.addf %add3A_506, %get3A_510 : vector<16xf32>
        %swap3A_512 = arith.index_cast %scan3A_286 : i32 to index
        %swap3A_513 = arith.constant 112 : index
        %swap3A_514 = tpu.vector_load %arg28[%swap3A_512, %swap3A_513] {strides = array<i32>} : memref<40x128xf32, #tpu.memory_space<vmem>>, vector<1x16xf32>,
        %swap3A_515 = vector.shape_cast %swap3A_514 : vector<1x16xf32> to vector<16xf32>
        %swap3A_516 = vector.shape_cast %add3A_511 : vector<16xf32> to vector<1x16xf32>
        tpu.vector_store %arg28[%swap3A_512, %swap3A_513], %swap3A_516 {strides = array<i32>} : memref<40x128xf32, #tpu.memory_space<vmem>>, vector<1x16xf32>,
        %get3A_517 = arith.index_cast %scan3A_286 : i32 to index
        %get3A_518 = arith.constant 112 : index
        %get3A_519 = tpu.vector_load %arg31[%get3A_517, %get3A_518] {strides = array<i32>} : memref<40x128xf32, #tpu.memory_space<vmem>>, vector<1x16xf32>,
        %get3A_520 = vector.shape_cast %get3A_519 : vector<1x16xf32> to vector<16xf32>
        %mul3A_521 = vector.broadcast %squeeze3A : f32 to vector<16xf32>
        %mul3A_522 = arith.mulf %get3A_520, %mul3A_521 : vector<16xf32>
        %swap3A_523 = arith.index_cast %scan3A_286 : i32 to index
        %swap3A_524 = arith.constant 112 : index
        %swap3A_525 = tpu.vector_load %arg31[%swap3A_523, %swap3A_524] {strides = array<i32>} : memref<40x128xf32, #tpu.memory_space<vmem>>, vector<1x16xf32>,
        %swap3A_526 = vector.shape_cast %swap3A_525 : vector<1x16xf32> to vector<16xf32>
        %swap3A_527 = vector.shape_cast %mul3A_522 : vector<16xf32> to vector<1x16xf32>
        tpu.vector_store %arg31[%swap3A_523, %swap3A_524], %swap3A_527 {strides = array<i32>} : memref<40x128xf32, #tpu.memory_space<vmem>>, vector<1x16xf32>,
      }
      %scan3A_271 = arith.constant 40 : i32
      %mul3A_272 = arith.constant 10000 : i32
      %mul3A_273 = arith.muli %add3A, %mul3A_272 : i32
      %mul3A_274 = arith.constant 40 : i32
      %mul3A_275 = arith.muli %add3A_135, %mul3A_274 : i32
      %add3A_276 = arith.addi %mul3A_273, %mul3A_275 : i32
      %dma_start3A_277 = arith.constant 0 : i32
      %dma_start3A_278 = tpu.memref_slice %arg11[%add3A_276, %dma_start3A_277] : memref<320000x128xf32, #tpu.memory_space<hbm>> -> memref<40x128xf32, #tpu.memory_space<hbm>>
      %dma_start3A_279 = arith.constant 0 : i32
      %dma_start3A_280 = tpu.memref_slice %arg11[%add3A_276, %dma_start3A_279] : memref<320000x128xf32, #tpu.memory_space<hbm>> -> memref<40x128xf32, #tpu.memory_space<hbm>>
      tpu.enqueue_dma source(%arg28 : memref<40x128xf32, #tpu.memory_space<vmem>>) target(%dma_start3A_280 : memref<40x128xf32, #tpu.memory_space<hbm>>) target_semaphore(%arg45 : memref<!tpu.dma_semaphore, #tpu.memory_space<semaphore_mem>>)
      "tpu.region"() ({
        %run_scoped3A = tpu.sem_alloc : memref<!tpu.dma_semaphore, #tpu.memory_space<semaphore_mem>>
        %dma_start3A_286 = arith.constant 0 : i32
        %dma_start3A_287 = tpu.memref_slice %arg35[%dma_start3A_286] : memref<56xf32, #tpu.memory_space<vmem>> -> memref<40xf32, #tpu.memory_space<vmem>>
        %dma_start3A_288 = arith.constant 0 : i32
        %dma_start3A_289 = tpu.memref_slice %arg38[%dma_start3A_288] : memref<10240xf32, #tpu.memory_space<vmem_shared>> -> memref<10240xf32, #tpu.memory_space<vmem_shared>>
        tpu.enqueue_indirect_dma source(%dma_start3A_287 : memref<40xf32, #tpu.memory_space<vmem>>) target(%dma_start3A_289 : memref<10240xf32, #tpu.memory_space<vmem_shared>>) offsets(%arg26 : memref<40xi32, #tpu.memory_space<vmem>>) semaphore(%run_scoped3A : memref<!tpu.dma_semaphore, #tpu.memory_space<semaphore_mem>>) {add = true}
        %dma_wait3A_290 = arith.constant 0 : i32
        %dma_wait3A_291 = tpu.memref_slice %arg35[%dma_wait3A_290] : memref<56xf32, #tpu.memory_space<vmem>> -> memref<40xf32, #tpu.memory_space<vmem>>
        %dma_wait3A_292 = arith.constant 0 : i32
        %dma_wait3A_293 = tpu.memref_slice %arg38[%dma_wait3A_292] : memref<10240xf32, #tpu.memory_space<vmem_shared>> -> memref<10240xf32, #tpu.memory_space<vmem_shared>>
        tpu.wait_indirect_dma semaphore(%run_scoped3A : memref<!tpu.dma_semaphore, #tpu.memory_space<semaphore_mem>>) src(%dma_wait3A_291 : memref<40xf32, #tpu.memory_space<vmem>>) dst(%dma_wait3A_293 : memref<10240xf32, #tpu.memory_space<vmem_shared>>)
        tpu.yield
      }) : () -> ()
      "tpu.region"() ({
        %run_scoped3A = tpu.sem_alloc : memref<!tpu.dma_semaphore, #tpu.memory_space<semaphore_mem>>
        %dma_start3A_286 = arith.constant 0 : i32
        %dma_start3A_287 = arith.constant 0 : i32
        %dma_start3A_288 = tpu.memref_slice %arg39[%dma_start3A_286, %dma_start3A_287] : memref<10240x128xf32, #tpu.memory_space<vmem_shared>> -> memref<10240x128xf32, #tpu.memory_space<vmem_shared>>
        tpu.enqueue_indirect_dma source(%arg31 : memref<40x128xf32, #tpu.memory_space<vmem>>) target(%dma_start3A_288 : memref<10240x128xf32, #tpu.memory_space<vmem_shared>>) offsets(%arg26 : memref<40xi32, #tpu.memory_space<vmem>>) semaphore(%run_scoped3A : memref<!tpu.dma_semaphore, #tpu.memory_space<semaphore_mem>>) {add = true}
        %dma_wait3A_289 = arith.constant 0 : i32
        %dma_wait3A_290 = arith.constant 0 : i32
        %dma_wait3A_291 = tpu.memref_slice %arg39[%dma_wait3A_289, %dma_wait3A_290] : memref<10240x128xf32, #tpu.memory_space<vmem_shared>> -> memref<10240x128xf32, #tpu.memory_space<vmem_shared>>
        tpu.wait_indirect_dma semaphore(%run_scoped3A : memref<!tpu.dma_semaphore, #tpu.memory_space<semaphore_mem>>) src(%arg31 : memref<40x128xf32, #tpu.memory_space<vmem>>) dst(%dma_wait3A_291 : memref<10240x128xf32, #tpu.memory_space<vmem_shared>>)
        tpu.yield
      }) : () -> ()
      %lt3A_281 = arith.constant 124 : i32
      %lt3A_282 = arith.cmpi slt, %scan3A_129, %lt3A_281 : i32
      %convert_element_type3A_283 = arith.extui %lt3A_282 : i1 to i32
      %cond3A_284 = arith.constant 0 : i32
      %cond3A_285 = arith.cmpi ne, %convert_element_type3A_283, %cond3A_284 : i32
      scf.if %cond3A_285 {
        %add3A_286 = arith.constant 2 : i32
        %add3A_287 = arith.addi %add3A_135, %add3A_286 : i32
        %mul3A_288 = arith.constant 10000 : i32
        %mul3A_289 = arith.muli %add3A, %mul3A_288 : i32
        %mul3A_290 = arith.constant 40 : i32
        %mul3A_291 = arith.muli %add3A_287, %mul3A_290 : i32
        %add3A_292 = arith.addi %mul3A_289, %mul3A_291 : i32
        %dma_start3A_293 = tpu.memref_slice %arg2[%add3A_292] : memref<320000xi32, #tpu.memory_space<hbm>> -> memref<40xi32, #tpu.memory_space<hbm>>
        %dma_start3A_294 = tpu.memref_slice %arg2[%add3A_292] : memref<320000xi32, #tpu.memory_space<hbm>> -> memref<40xi32, #tpu.memory_space<hbm>>
        tpu.enqueue_dma source(%dma_start3A_294 : memref<40xi32, #tpu.memory_space<hbm>>) target(%arg25 : memref<40xi32, #tpu.memory_space<vmem>>) target_semaphore(%arg43 : memref<!tpu.dma_semaphore, #tpu.memory_space<semaphore_mem>>)
        %dma_start3A_295 = tpu.memref_slice %arg3[%add3A_292] : memref<320000xi32, #tpu.memory_space<hbm>> -> memref<40xi32, #tpu.memory_space<hbm>>
        %dma_start3A_296 = tpu.memref_slice %arg3[%add3A_292] : memref<320000xi32, #tpu.memory_space<hbm>> -> memref<40xi32, #tpu.memory_space<hbm>>
        tpu.enqueue_dma source(%dma_start3A_296 : memref<40xi32, #tpu.memory_space<hbm>>) target(%arg26 : memref<40xi32, #tpu.memory_space<vmem>>) target_semaphore(%arg43 : memref<!tpu.dma_semaphore, #tpu.memory_space<semaphore_mem>>)
        %dma_wait3A_297 = arith.constant 0 : i32
        %dma_wait3A_298 = arith.constant 0 : i32
        %dma_wait3A_299 = tpu.memref_slice %arg11[%dma_wait3A_297, %dma_wait3A_298] : memref<320000x128xf32, #tpu.memory_space<hbm>> -> memref<40x128xf32, #tpu.memory_space<hbm>>
        %dma_wait3A_300 = arith.constant 0 : i32
        %dma_wait3A_301 = arith.constant 0 : i32
        %dma_wait3A_302 = tpu.memref_slice %arg11[%dma_wait3A_300, %dma_wait3A_301] : memref<320000x128xf32, #tpu.memory_space<hbm>> -> memref<40x128xf32, #tpu.memory_space<hbm>>
        tpu.wait_dma2 semaphore(%arg45 : memref<!tpu.dma_semaphore, #tpu.memory_space<semaphore_mem>>) src(%arg28 : memref<40x128xf32, #tpu.memory_space<vmem>>) dst(%dma_wait3A_302 : memref<40x128xf32, #tpu.memory_space<hbm>>)
        %dma_wait3A_303 = arith.constant 0 : i32
        %dma_wait3A_304 = tpu.memref_slice %arg2[%dma_wait3A_303] : memref<320000xi32, #tpu.memory_space<hbm>> -> memref<40xi32, #tpu.memory_space<hbm>>
        %dma_wait3A_305 = arith.constant 0 : i32
        %dma_wait3A_306 = tpu.memref_slice %arg2[%dma_wait3A_305] : memref<320000xi32, #tpu.memory_space<hbm>> -> memref<40xi32, #tpu.memory_space<hbm>>
        tpu.wait_dma2 semaphore(%arg43 : memref<!tpu.dma_semaphore, #tpu.memory_space<semaphore_mem>>) src(%dma_wait3A_306 : memref<40xi32, #tpu.memory_space<hbm>>) dst(%arg25 : memref<40xi32, #tpu.memory_space<vmem>>)
        %dma_wait3A_307 = arith.constant 0 : i32
        %dma_wait3A_308 = tpu.memref_slice %arg3[%dma_wait3A_307] : memref<320000xi32, #tpu.memory_space<hbm>> -> memref<40xi32, #tpu.memory_space<hbm>>
        %dma_wait3A_309 = arith.constant 0 : i32
        %dma_wait3A_310 = tpu.memref_slice %arg3[%dma_wait3A_309] : memref<320000xi32, #tpu.memory_space<hbm>> -> memref<40xi32, #tpu.memory_space<hbm>>
        tpu.wait_dma2 semaphore(%arg43 : memref<!tpu.dma_semaphore, #tpu.memory_space<semaphore_mem>>) src(%dma_wait3A_310 : memref<40xi32, #tpu.memory_space<hbm>>) dst(%arg26 : memref<40xi32, #tpu.memory_space<vmem>>)
        %add3A_311 = arith.constant 2 : i32
        %add3A_312 = arith.addi %add3A_135, %add3A_311 : i32
        %mul3A_313 = arith.constant 10000 : i32
        %mul3A_314 = arith.muli %add3A, %mul3A_313 : i32
        %mul3A_315 = arith.constant 40 : i32
        %mul3A_316 = arith.muli %add3A_312, %mul3A_315 : i32
        %add3A_317 = arith.addi %mul3A_314, %mul3A_316 : i32
        %dma_start3A_318 = arith.constant 0 : i32
        %dma_start3A_319 = arith.constant 0 : i32
        %dma_start3A_320 = tpu.memref_slice %arg5[%dma_start3A_318, %dma_start3A_319] : memref<10000x128xf32, #tpu.memory_space<hbm>> -> memref<10000x128xf32, #tpu.memory_space<hbm>>
        tpu.enqueue_indirect_dma source(%dma_start3A_320 : memref<10000x128xf32, #tpu.memory_space<hbm>>) target(%arg29 : memref<40x128xf32, #tpu.memory_space<vmem>>) offsets(%arg25 : memref<40xi32, #tpu.memory_space<vmem>>) semaphore(%arg44 : memref<!tpu.dma_semaphore, #tpu.memory_space<semaphore_mem>>)
        %dma_start3A_321 = arith.constant 0 : i32
        %dma_start3A_322 = arith.constant 0 : i32
        %dma_start3A_323 = tpu.memref_slice %arg6[%dma_start3A_321, %dma_start3A_322] : memref<10000x128xf32, #tpu.memory_space<hbm>> -> memref<10000x128xf32, #tpu.memory_space<hbm>>
        tpu.enqueue_indirect_dma source(%dma_start3A_323 : memref<10000x128xf32, #tpu.memory_space<hbm>>) target(%arg30 : memref<40x128xf32, #tpu.memory_space<vmem>>) offsets(%arg26 : memref<40xi32, #tpu.memory_space<vmem>>) semaphore(%arg44 : memref<!tpu.dma_semaphore, #tpu.memory_space<semaphore_mem>>)
        %dma_start3A_324 = arith.constant 0 : i32
        %dma_start3A_325 = arith.constant 0 : i32
        %dma_start3A_326 = tpu.memref_slice %arg7[%dma_start3A_324, %dma_start3A_325] : memref<10000x128xf32, #tpu.memory_space<hbm>> -> memref<10000x128xf32, #tpu.memory_space<hbm>>
        tpu.enqueue_indirect_dma source(%dma_start3A_326 : memref<10000x128xf32, #tpu.memory_space<hbm>>) target(%arg31 : memref<40x128xf32, #tpu.memory_space<vmem>>) offsets(%arg25 : memref<40xi32, #tpu.memory_space<vmem>>) semaphore(%arg44 : memref<!tpu.dma_semaphore, #tpu.memory_space<semaphore_mem>>)
        %dma_start3A_327 = arith.constant 0 : i32
        %dma_start3A_328 = tpu.memref_slice %arg33[%dma_start3A_327] : memref<48xf32, #tpu.memory_space<vmem>> -> memref<40xf32, #tpu.memory_space<vmem>>
        %dma_start3A_329 = arith.constant 0 : i32
        %dma_start3A_330 = tpu.memref_slice %arg9[%dma_start3A_329] : memref<10000xf32, #tpu.memory_space<hbm>> -> memref<10000xf32, #tpu.memory_space<hbm>>
        tpu.enqueue_indirect_dma source(%dma_start3A_330 : memref<10000xf32, #tpu.memory_space<hbm>>) target(%dma_start3A_328 : memref<40xf32, #tpu.memory_space<vmem>>) offsets(%arg25 : memref<40xi32, #tpu.memory_space<vmem>>) semaphore(%arg44 : memref<!tpu.dma_semaphore, #tpu.memory_space<semaphore_mem>>)
        %dma_start3A_331 = arith.constant 0 : i32
        %dma_start3A_332 = tpu.memref_slice %arg34[%dma_start3A_331] : memref<48xf32, #tpu.memory_space<vmem>> -> memref<40xf32, #tpu.memory_space<vmem>>
        %dma_start3A_333 = arith.constant 0 : i32
        %dma_start3A_334 = tpu.memref_slice %arg10[%dma_start3A_333] : memref<10000xf32, #tpu.memory_space<hbm>> -> memref<10000xf32, #tpu.memory_space<hbm>>
        tpu.enqueue_indirect_dma source(%dma_start3A_334 : memref<10000xf32, #tpu.memory_space<hbm>>) target(%dma_start3A_332 : memref<40xf32, #tpu.memory_space<vmem>>) offsets(%arg26 : memref<40xi32, #tpu.memory_space<vmem>>) semaphore(%arg44 : memref<!tpu.dma_semaphore, #tpu.memory_space<semaphore_mem>>)
        %dma_start3A_335 = arith.constant 0 : i32
        %dma_start3A_336 = tpu.memref_slice %arg4[%add3A_317, %dma_start3A_335] : memref<320000x128xf32, #tpu.memory_space<hbm>> -> memref<40x128xf32, #tpu.memory_space<hbm>>
        %dma_start3A_337 = arith.constant 0 : i32
        %dma_start3A_338 = tpu.memref_slice %arg4[%add3A_317, %dma_start3A_337] : memref<320000x128xf32, #tpu.memory_space<hbm>> -> memref<40x128xf32, #tpu.memory_space<hbm>>
        tpu.enqueue_dma source(%dma_start3A_338 : memref<40x128xf32, #tpu.memory_space<hbm>>) target(%arg28 : memref<40x128xf32, #tpu.memory_space<vmem>>) target_semaphore(%arg44 : memref<!tpu.dma_semaphore, #tpu.memory_space<semaphore_mem>>)
        %dma_start3A_339 = arith.constant 0 : i32
        %dma_start3A_340 = tpu.memref_slice %arg32[%dma_start3A_339] : memref<48xf32, #tpu.memory_space<vmem>> -> memref<40xf32, #tpu.memory_space<vmem>>
        %dma_start3A_341 = tpu.memref_slice %arg8[%add3A_317] : memref<320000xf32, #tpu.memory_space<hbm>> -> memref<40xf32, #tpu.memory_space<hbm>>
        %dma_start3A_342 = arith.constant 0 : i32
        %dma_start3A_343 = tpu.memref_slice %arg32[%dma_start3A_342] : memref<48xf32, #tpu.memory_space<vmem>> -> memref<40xf32, #tpu.memory_space<vmem>>
        %dma_start3A_344 = tpu.memref_slice %arg8[%add3A_317] : memref<320000xf32, #tpu.memory_space<hbm>> -> memref<40xf32, #tpu.memory_space<hbm>>
        tpu.enqueue_dma source(%dma_start3A_344 : memref<40xf32, #tpu.memory_space<hbm>>) target(%dma_start3A_343 : memref<40xf32, #tpu.memory_space<vmem>>) target_semaphore(%arg44 : memref<!tpu.dma_semaphore, #tpu.memory_space<semaphore_mem>>)
      } else {
      }
    }
    %scan3A_102 = arith.constant 125 : i32
    %dma_wait3A = arith.constant 0 : i32
    %dma_wait3A_103 = arith.constant 0 : i32
    %dma_wait3A_104 = tpu.memref_slice %arg11[%dma_wait3A, %dma_wait3A_103] : memref<320000x128xf32, #tpu.memory_space<hbm>> -> memref<40x128xf32, #tpu.memory_space<hbm>>
    %dma_wait3A_105 = arith.constant 0 : i32
    %dma_wait3A_106 = arith.constant 0 : i32
    %dma_wait3A_107 = tpu.memref_slice %arg11[%dma_wait3A_105, %dma_wait3A_106] : memref<320000x128xf32, #tpu.memory_space<hbm>> -> memref<40x128xf32, #tpu.memory_space<hbm>>
    tpu.wait_dma2 semaphore(%arg42 : memref<!tpu.dma_semaphore, #tpu.memory_space<semaphore_mem>>) src(%arg17 : memref<40x128xf32, #tpu.memory_space<vmem>>) dst(%dma_wait3A_107 : memref<40x128xf32, #tpu.memory_space<hbm>>)
    %dma_wait3A_108 = arith.constant 0 : i32
    %dma_wait3A_109 = arith.constant 0 : i32
    %dma_wait3A_110 = tpu.memref_slice %arg11[%dma_wait3A_108, %dma_wait3A_109] : memref<320000x128xf32, #tpu.memory_space<hbm>> -> memref<40x128xf32, #tpu.memory_space<hbm>>
    %dma_wait3A_111 = arith.constant 0 : i32
    %dma_wait3A_112 = arith.constant 0 : i32
    %dma_wait3A_113 = tpu.memref_slice %arg11[%dma_wait3A_111, %dma_wait3A_112] : memref<320000x128xf32, #tpu.memory_space<hbm>> -> memref<40x128xf32, #tpu.memory_space<hbm>>
    tpu.wait_dma2 semaphore(%arg45 : memref<!tpu.dma_semaphore, #tpu.memory_space<semaphore_mem>>) src(%arg28 : memref<40x128xf32, #tpu.memory_space<vmem>>) dst(%dma_wait3A_113 : memref<40x128xf32, #tpu.memory_space<hbm>>)
    %barrier3A_114 = arith.constant 0 : index
    tpu.barrier barrier_id(%barrier3A_114)
    %mul3A_115 = arith.constant 640 : i32
    %mul3A_116 = arith.muli %arg1, %mul3A_115 : i32
    %mul3A_117 = arith.constant 10240 : i32
    %mul3A_118 = arith.muli %arg0, %mul3A_117 : i32
    %mul3A_119 = arith.constant 640 : i32
    %mul3A_120 = arith.muli %arg1, %mul3A_119 : i32
    %add3A_121 = arith.addi %mul3A_118, %mul3A_120 : i32
    "tpu.region"() ({
      %run_scoped3A = tpu.sem_alloc : memref<!tpu.dma_semaphore, #tpu.memory_space<semaphore_mem>>
      %dma_start3A_129 = tpu.memref_slice %arg12[%add3A_121] : memref<20480xf32, #tpu.memory_space<hbm>> -> memref<640xf32, #tpu.memory_space<hbm>>
      %dma_start3A_130 = tpu.memref_slice %arg38[%mul3A_116] : memref<10240xf32, #tpu.memory_space<vmem_shared>> -> memref<640xf32, #tpu.memory_space<vmem_shared>>
      tpu.enqueue_dma source(%dma_start3A_130 : memref<640xf32, #tpu.memory_space<vmem_shared>>) target(%dma_start3A_129 : memref<640xf32, #tpu.memory_space<hbm>>) target_semaphore(%run_scoped3A : memref<!tpu.dma_semaphore, #tpu.memory_space<semaphore_mem>>)
      %dma_wait3A_131 = tpu.memref_slice %arg12[%add3A_121] : memref<20480xf32, #tpu.memory_space<hbm>> -> memref<640xf32, #tpu.memory_space<hbm>>
      %dma_wait3A_132 = tpu.memref_slice %arg38[%mul3A_116] : memref<10240xf32, #tpu.memory_space<vmem_shared>> -> memref<640xf32, #tpu.memory_space<vmem_shared>>
      tpu.wait_dma2 semaphore(%run_scoped3A : memref<!tpu.dma_semaphore, #tpu.memory_space<semaphore_mem>>) src(%dma_wait3A_132 : memref<640xf32, #tpu.memory_space<vmem_shared>>) dst(%dma_wait3A_131 : memref<640xf32, #tpu.memory_space<hbm>>)
      tpu.yield
    }) : () -> ()
    %mul3A_122 = arith.constant 640 : i32
    %mul3A_123 = arith.muli %arg1, %mul3A_122 : i32
    %mul3A_124 = arith.constant 10240 : i32
    %mul3A_125 = arith.muli %arg0, %mul3A_124 : i32
    %mul3A_126 = arith.constant 640 : i32
    %mul3A_127 = arith.muli %arg1, %mul3A_126 : i32
    %add3A_128 = arith.addi %mul3A_125, %mul3A_127 : i32
    "tpu.region"() ({
      %run_scoped3A = tpu.sem_alloc : memref<!tpu.dma_semaphore, #tpu.memory_space<semaphore_mem>>
      %dma_start3A_129 = arith.constant 0 : i32
      %dma_start3A_130 = tpu.memref_slice %arg13[%add3A_128, %dma_start3A_129] : memref<20480x128xf32, #tpu.memory_space<hbm>> -> memref<640x128xf32, #tpu.memory_space<hbm>>
      %dma_start3A_131 = arith.constant 0 : i32
      %dma_start3A_132 = tpu.memref_slice %arg39[%mul3A_123, %dma_start3A_131] : memref<10240x128xf32, #tpu.memory_space<vmem_shared>> -> memref<640x128xf32, #tpu.memory_space<vmem_shared>>
      tpu.enqueue_dma source(%dma_start3A_132 : memref<640x128xf32, #tpu.memory_space<vmem_shared>>) target(%dma_start3A_130 : memref<640x128xf32, #tpu.memory_space<hbm>>) target_semaphore(%run_scoped3A : memref<!tpu.dma_semaphore, #tpu.memory_space<semaphore_mem>>)
      %dma_wait3A_133 = arith.constant 0 : i32
      %dma_wait3A_134 = tpu.memref_slice %arg13[%add3A_128, %dma_wait3A_133] : memref<20480x128xf32, #tpu.memory_space<hbm>> -> memref<640x128xf32, #tpu.memory_space<hbm>>
      %dma_wait3A_135 = arith.constant 0 : i32
      %dma_wait3A_136 = tpu.memref_slice %arg39[%mul3A_123, %dma_wait3A_135] : memref<10240x128xf32, #tpu.memory_space<vmem_shared>> -> memref<640x128xf32, #tpu.memory_space<vmem_shared>>
      tpu.wait_dma2 semaphore(%run_scoped3A : memref<!tpu.dma_semaphore, #tpu.memory_space<semaphore_mem>>) src(%dma_wait3A_136 : memref<640x128xf32, #tpu.memory_space<vmem_shared>>) dst(%dma_wait3A_134 : memref<640x128xf32, #tpu.memory_space<hbm>>)
      tpu.yield
    }) : () -> ()
    return
  }
}

module attributes {stable_mosaic.version = 14 : i64} {
  func.func @_tc_nodes_body(%arg0: i32, %arg1: memref<1000x128xf32, #tpu.memory_space<vmem>>, %arg2: memref<128x128xf32, #tpu.memory_space<vmem>>, %arg3: memref<128x128xf32, #tpu.memory_space<vmem>>, %arg4: memref<128x128xf32, #tpu.memory_space<vmem>>, %arg5: memref<1x128xf32, #tpu.memory_space<vmem>>, %arg6: memref<1x128xf32, #tpu.memory_space<vmem>>, %arg7: memref<1000x128xf32, #tpu.memory_space<vmem>>, %arg8: memref<1000x128xf32, #tpu.memory_space<vmem>>, %arg9: memref<1000x128xf32, #tpu.memory_space<vmem>>, %arg10: memref<1x1x1000xf32, #tpu.memory_space<vmem>>, %arg11: memref<1x1x1000xf32, #tpu.memory_space<vmem>>) attributes {dimension_semantics = [#tpu.dimension_semantics<arbitrary>], iteration_bounds = array<i64: 10>, scalar_prefetch = 0 : i64, scratch_operands = 0 : i64, tpu.core_type = #tpu.core_type<tc>, window_params = [{transform_indices = @transform_0, window_bounds = array<i64: 1000, 128>}, {pipeline_mode = #tpu.pipeline_mode<synchronous>, transform_indices = @transform_1, window_bounds = array<i64: 128, 128>}, {pipeline_mode = #tpu.pipeline_mode<synchronous>, transform_indices = @transform_2, window_bounds = array<i64: 128, 128>}, {pipeline_mode = #tpu.pipeline_mode<synchronous>, transform_indices = @transform_3, window_bounds = array<i64: 128, 128>}, {pipeline_mode = #tpu.pipeline_mode<synchronous>, transform_indices = @transform_4, window_bounds = array<i64: 1, 128>}, {pipeline_mode = #tpu.pipeline_mode<synchronous>, transform_indices = @transform_5, window_bounds = array<i64: 1, 128>}, {transform_indices = @transform_6, window_bounds = array<i64: 1000, 128>}, {transform_indices = @transform_7, window_bounds = array<i64: 1000, 128>}, {transform_indices = @transform_8, window_bounds = array<i64: 1000, 128>}, {transform_indices = @transform_9, window_bounds = array<i64: 1, 1, 1000>}, {transform_indices = @transform_10, window_bounds = array<i64: 1, 1, 1000>}]} {
    %get3A = arith.constant 0 : index
    %get3A_0 = arith.constant 0 : index
    %get3A_1 = vector.load %arg1[%get3A, %get3A_0] : memref<1000x128xf32, #tpu.memory_space<vmem>>, vector<1000x128xf32>
    %get3A_2 = arith.constant 0 : index
    %get3A_3 = arith.constant 0 : index
    %get3A_4 = vector.load %arg2[%get3A_2, %get3A_3] : memref<128x128xf32, #tpu.memory_space<vmem>>, vector<128x128xf32>
    %dot_general3A = arith.constant dense<0.000000e+00> : vector<1000x128xf32>
    %dot_general3A_5 = tpu.matmul %get3A_1, %get3A_4, %dot_general3A {dimension_numbers = #tpu.dot_dimension_numbers<[1], [0], [0], [1], [0, 0, 1, 1], [], []>, transpose_lhs_hint = false} : vector<1000x128xf32>, vector<128x128xf32>, vector<1000x128xf32> -> vector<1000x128xf32>
    %swap3A = arith.constant 0 : index
    %swap3A_6 = arith.constant 0 : index
    %swap3A_7 = vector.load %arg7[%swap3A, %swap3A_6] : memref<1000x128xf32, #tpu.memory_space<vmem>>, vector<1000x128xf32>
    tpu.vector_store %arg7[%swap3A, %swap3A_6], %dot_general3A_5 {strides = array<i32>} : memref<1000x128xf32, #tpu.memory_space<vmem>>, vector<1000x128xf32>,
    %get3A_8 = arith.constant 0 : index
    %get3A_9 = arith.constant 0 : index
    %get3A_10 = vector.load %arg3[%get3A_8, %get3A_9] : memref<128x128xf32, #tpu.memory_space<vmem>>, vector<128x128xf32>
    %dot_general3A_11 = arith.constant dense<0.000000e+00> : vector<1000x128xf32>
    %dot_general3A_12 = tpu.matmul %dot_general3A_5, %get3A_10, %dot_general3A_11 {dimension_numbers = #tpu.dot_dimension_numbers<[1], [0], [0], [1], [0, 0, 1, 1], [], []>, transpose_lhs_hint = false} : vector<1000x128xf32>, vector<128x128xf32>, vector<1000x128xf32> -> vector<1000x128xf32>
    %swap3A_13 = arith.constant 0 : index
    %swap3A_14 = arith.constant 0 : index
    %swap3A_15 = vector.load %arg8[%swap3A_13, %swap3A_14] : memref<1000x128xf32, #tpu.memory_space<vmem>>, vector<1000x128xf32>
    tpu.vector_store %arg8[%swap3A_13, %swap3A_14], %dot_general3A_12 {strides = array<i32>} : memref<1000x128xf32, #tpu.memory_space<vmem>>, vector<1000x128xf32>,
    %get3A_16 = arith.constant 0 : index
    %get3A_17 = arith.constant 0 : index
    %get3A_18 = vector.load %arg4[%get3A_16, %get3A_17] : memref<128x128xf32, #tpu.memory_space<vmem>>, vector<128x128xf32>
    %dot_general3A_19 = arith.constant dense<0.000000e+00> : vector<1000x128xf32>
    %dot_general3A_20 = tpu.matmul %dot_general3A_5, %get3A_18, %dot_general3A_19 {dimension_numbers = #tpu.dot_dimension_numbers<[1], [0], [0], [1], [0, 0, 1, 1], [], []>, transpose_lhs_hint = false} : vector<1000x128xf32>, vector<128x128xf32>, vector<1000x128xf32> -> vector<1000x128xf32>
    %swap3A_21 = arith.constant 0 : index
    %swap3A_22 = arith.constant 0 : index
    %swap3A_23 = vector.load %arg9[%swap3A_21, %swap3A_22] : memref<1000x128xf32, #tpu.memory_space<vmem>>, vector<1000x128xf32>
    tpu.vector_store %arg9[%swap3A_21, %swap3A_22], %dot_general3A_20 {strides = array<i32>} : memref<1000x128xf32, #tpu.memory_space<vmem>>, vector<1000x128xf32>,
    %get3A_24 = arith.constant 0 : index
    %get3A_25 = arith.constant 0 : index
    %get3A_26 = vector.load %arg5[%get3A_24, %get3A_25] : memref<1x128xf32, #tpu.memory_space<vmem>>, vector<1x128xf32>
    %mul3A = vector.broadcast %get3A_26 : vector<1x128xf32> to vector<1000x128xf32>
    %mul3A_27 = arith.mulf %dot_general3A_5, %mul3A : vector<1000x128xf32>
    %reduce_sum3A = arith.constant dense<0.000000e+00> : vector<1000xf32>
    %reduce_sum3A_28 = vector.multi_reduction <add>, %mul3A_27, %reduce_sum3A [1] : vector<1000x128xf32> to vector<1000xf32>
    %broadcast_in_dim3A = vector.shape_cast %reduce_sum3A_28 : vector<1000xf32> to vector<1x1x1000xf32>
    %swap3A_29 = arith.constant 0 : index
    %swap3A_30 = arith.constant 0 : index
    %swap3A_31 = arith.constant 0 : index
    %swap3A_32 = vector.load %arg10[%swap3A_29, %swap3A_30, %swap3A_31] : memref<1x1x1000xf32, #tpu.memory_space<vmem>>, vector<1x1x1000xf32>
    tpu.vector_store %arg10[%swap3A_29, %swap3A_30, %swap3A_31], %broadcast_in_dim3A {strides = array<i32>} : memref<1x1x1000xf32, #tpu.memory_space<vmem>>, vector<1x1x1000xf32>,
    %get3A_33 = arith.constant 0 : index
    %get3A_34 = arith.constant 0 : index
    %get3A_35 = vector.load %arg6[%get3A_33, %get3A_34] : memref<1x128xf32, #tpu.memory_space<vmem>>, vector<1x128xf32>
    %mul3A_36 = vector.broadcast %get3A_35 : vector<1x128xf32> to vector<1000x128xf32>
    %mul3A_37 = arith.mulf %dot_general3A_5, %mul3A_36 : vector<1000x128xf32>
    %reduce_sum3A_38 = arith.constant dense<0.000000e+00> : vector<1000xf32>
    %reduce_sum3A_39 = vector.multi_reduction <add>, %mul3A_37, %reduce_sum3A_38 [1] : vector<1000x128xf32> to vector<1000xf32>
    %broadcast_in_dim3A_40 = vector.shape_cast %reduce_sum3A_39 : vector<1000xf32> to vector<1x1x1000xf32>
    %swap3A_41 = arith.constant 0 : index
    %swap3A_42 = arith.constant 0 : index
    %swap3A_43 = arith.constant 0 : index
    %swap3A_44 = vector.load %arg11[%swap3A_41, %swap3A_42, %swap3A_43] : memref<1x1x1000xf32, #tpu.memory_space<vmem>>, vector<1x1x1000xf32>
    tpu.vector_store %arg11[%swap3A_41, %swap3A_42, %swap3A_43], %broadcast_in_dim3A_40 {strides = array<i32>} : memref<1x1x1000xf32, #tpu.memory_space<vmem>>, vector<1x1x1000xf32>,
    return
  }
  func.func @transform_0(%arg0: i32) -> (i32, i32) {
    %c0_i32 = arith.constant 0 : i32
    %c0_i32_0 = arith.constant 0 : i32
    return %arg0, %c0_i32 : i32, i32
  }
  func.func @transform_1(%arg0: i32) -> (i32, i32) {
    %c0_i32 = arith.constant 0 : i32
    %c0_i32_0 = arith.constant 0 : i32
    %c0_i32_1 = arith.constant 0 : i32
    return %c0_i32, %c0_i32_0 : i32, i32
  }
  func.func @transform_2(%arg0: i32) -> (i32, i32) {
    %c0_i32 = arith.constant 0 : i32
    %c0_i32_0 = arith.constant 0 : i32
    %c0_i32_1 = arith.constant 0 : i32
    return %c0_i32, %c0_i32_0 : i32, i32
  }
  func.func @transform_3(%arg0: i32) -> (i32, i32) {
    %c0_i32 = arith.constant 0 : i32
    %c0_i32_0 = arith.constant 0 : i32
    %c0_i32_1 = arith.constant 0 : i32
    return %c0_i32, %c0_i32_0 : i32, i32
  }
  func.func @transform_4(%arg0: i32) -> (i32, i32) {
    %c0_i32 = arith.constant 0 : i32
    %c0_i32_0 = arith.constant 0 : i32
    %c0_i32_1 = arith.constant 0 : i32
    return %c0_i32, %c0_i32_0 : i32, i32
  }
  func.func @transform_5(%arg0: i32) -> (i32, i32) {
    %c0_i32 = arith.constant 0 : i32
    %c0_i32_0 = arith.constant 0 : i32
    %c0_i32_1 = arith.constant 0 : i32
    return %c0_i32, %c0_i32_0 : i32, i32
  }
  func.func @transform_6(%arg0: i32) -> (i32, i32) {
    %c0_i32 = arith.constant 0 : i32
    %c0_i32_0 = arith.constant 0 : i32
    return %arg0, %c0_i32 : i32, i32
  }
  func.func @transform_7(%arg0: i32) -> (i32, i32) {
    %c0_i32 = arith.constant 0 : i32
    %c0_i32_0 = arith.constant 0 : i32
    return %arg0, %c0_i32 : i32, i32
  }
  func.func @transform_8(%arg0: i32) -> (i32, i32) {
    %c0_i32 = arith.constant 0 : i32
    %c0_i32_0 = arith.constant 0 : i32
    return %arg0, %c0_i32 : i32, i32
  }
  func.func @transform_9(%arg0: i32) -> (i32, i32, i32) {
    %c0_i32 = arith.constant 0 : i32
    %c0_i32_0 = arith.constant 0 : i32
    %c0_i32_1 = arith.constant 0 : i32
    return %arg0, %c0_i32, %c0_i32_0 : i32, i32, i32
  }
  func.func @transform_10(%arg0: i32) -> (i32, i32, i32) {
    %c0_i32 = arith.constant 0 : i32
    %c0_i32_0 = arith.constant 0 : i32
    %c0_i32_1 = arith.constant 0 : i32
    return %arg0, %c0_i32, %c0_i32_0 : i32, i32, i32
  }
}

module attributes {stable_mosaic.version = 14 : i64} {
  func.func @_tc_weights_body(%arg0: memref<128x128xf32, #tpu.memory_space<vmem>>, %arg1: memref<128x128xf32, #tpu.memory_space<vmem>>, %arg2: memref<128x1xf32, #tpu.memory_space<vmem>>, %arg3: memref<128x128xf32, #tpu.memory_space<vmem>>, %arg4: memref<1x128xf32, #tpu.memory_space<vmem>>) attributes {dimension_semantics = [], scalar_prefetch = 0 : i64, scratch_operands = 0 : i64, tpu.core_type = #tpu.core_type<tc>} {
    %get3A = arith.constant 0 : index
    %get3A_0 = arith.constant 0 : index
    %get3A_1 = vector.load %arg0[%get3A, %get3A_0] : memref<128x128xf32, #tpu.memory_space<vmem>>, vector<128x128xf32>
    %get3A_2 = arith.constant 0 : index
    %get3A_3 = arith.constant 0 : index
    %get3A_4 = vector.load %arg1[%get3A_2, %get3A_3] : memref<128x128xf32, #tpu.memory_space<vmem>>, vector<128x128xf32>
    %dot_general3A = arith.constant dense<0.000000e+00> : vector<128x128xf32>
    %dot_general3A_5 = tpu.matmul %get3A_1, %get3A_4, %dot_general3A {dimension_numbers = #tpu.dot_dimension_numbers<[1], [0], [0], [1], [0, 0, 1, 1], [], []>, transpose_lhs_hint = false} : vector<128x128xf32>, vector<128x128xf32>, vector<128x128xf32> -> vector<128x128xf32>
    %swap3A = arith.constant 0 : index
    %swap3A_6 = arith.constant 0 : index
    %swap3A_7 = vector.load %arg3[%swap3A, %swap3A_6] : memref<128x128xf32, #tpu.memory_space<vmem>>, vector<128x128xf32>
    tpu.vector_store %arg3[%swap3A, %swap3A_6], %dot_general3A_5 {strides = array<i32>} : memref<128x128xf32, #tpu.memory_space<vmem>>, vector<128x128xf32>,
    %get3A_8 = arith.constant 0 : index
    %get3A_9 = arith.constant 0 : index
    %get3A_10 = vector.load %arg2[%get3A_8, %get3A_9] : memref<128x1xf32, #tpu.memory_space<vmem>>, vector<128x1xf32>
    %transpose3A = tpu.transpose %get3A_10, [1, 0] : vector<128x1xf32> -> vector<1x128xf32>
    %dot_general3A_11 = arith.constant dense<0.000000e+00> : vector<1x128xf32>
    %dot_general3A_12 = tpu.matmul %transpose3A, %get3A_1, %dot_general3A_11 {dimension_numbers = #tpu.dot_dimension_numbers<[1], [1], [0], [0], [0, 0, 1, 0], [], []>, transpose_lhs_hint = false} : vector<1x128xf32>, vector<128x128xf32>, vector<1x128xf32> -> vector<1x128xf32>
    %swap3A_13 = arith.constant 0 : index
    %swap3A_14 = arith.constant 0 : index
    %swap3A_15 = vector.load %arg4[%swap3A_13, %swap3A_14] : memref<1x128xf32, #tpu.memory_space<vmem>>, vector<1x128xf32>
    tpu.vector_store %arg4[%swap3A_13, %swap3A_14], %dot_general3A_12 {strides = array<i32>} : memref<1x128xf32, #tpu.memory_space<vmem>>, vector<1x128xf32>,
    return
  }
}

module attributes {stable_mosaic.version = 14 : i64} {
  func.func @_tc_edges_body(%arg0: i32, %arg1: memref<2000x128xf32, #tpu.memory_space<vmem>>, %arg2: memref<128x128xf32, #tpu.memory_space<vmem>>, %arg3: memref<1x128xf32, #tpu.memory_space<vmem>>, %arg4: memref<1x128xf32, #tpu.memory_space<vmem>>, %arg5: memref<2000x128xf32, #tpu.memory_space<vmem>>, %arg6: memref<1x1x2000xf32, #tpu.memory_space<vmem>>) attributes {dimension_semantics = [#tpu.dimension_semantics<arbitrary>], iteration_bounds = array<i64: 160>, scalar_prefetch = 0 : i64, scratch_operands = 0 : i64, tpu.core_type = #tpu.core_type<tc>, window_params = [{transform_indices = @transform_0, window_bounds = array<i64: 2000, 128>}, {pipeline_mode = #tpu.pipeline_mode<synchronous>, transform_indices = @transform_1, window_bounds = array<i64: 128, 128>}, {pipeline_mode = #tpu.pipeline_mode<synchronous>, transform_indices = @transform_2, window_bounds = array<i64: 1, 128>}, {pipeline_mode = #tpu.pipeline_mode<synchronous>, transform_indices = @transform_3, window_bounds = array<i64: 1, 128>}, {transform_indices = @transform_4, window_bounds = array<i64: 2000, 128>}, {transform_indices = @transform_5, window_bounds = array<i64: 1, 1, 2000>}]} {
    %get3A = arith.constant 0 : index
    %get3A_0 = arith.constant 0 : index
    %get3A_1 = vector.load %arg1[%get3A, %get3A_0] : memref<2000x128xf32, #tpu.memory_space<vmem>>, vector<2000x128xf32>
    %get3A_2 = arith.constant 0 : index
    %get3A_3 = arith.constant 0 : index
    %get3A_4 = vector.load %arg2[%get3A_2, %get3A_3] : memref<128x128xf32, #tpu.memory_space<vmem>>, vector<128x128xf32>
    %dot_general3A = arith.constant dense<0.000000e+00> : vector<2000x128xf32>
    %dot_general3A_5 = tpu.matmul %get3A_1, %get3A_4, %dot_general3A {dimension_numbers = #tpu.dot_dimension_numbers<[1], [0], [0], [1], [0, 0, 1, 1], [], []>, transpose_lhs_hint = false} : vector<2000x128xf32>, vector<128x128xf32>, vector<2000x128xf32> -> vector<2000x128xf32>
    %get3A_6 = arith.constant 0 : index
    %get3A_7 = arith.constant 0 : index
    %get3A_8 = vector.load %arg4[%get3A_6, %get3A_7] : memref<1x128xf32, #tpu.memory_space<vmem>>, vector<1x128xf32>
    %add3A = vector.broadcast %get3A_8 : vector<1x128xf32> to vector<2000x128xf32>
    %add3A_9 = arith.addf %dot_general3A_5, %add3A : vector<2000x128xf32>
    %swap3A = arith.constant 0 : index
    %swap3A_10 = arith.constant 0 : index
    %swap3A_11 = vector.load %arg5[%swap3A, %swap3A_10] : memref<2000x128xf32, #tpu.memory_space<vmem>>, vector<2000x128xf32>
    tpu.vector_store %arg5[%swap3A, %swap3A_10], %add3A_9 {strides = array<i32>} : memref<2000x128xf32, #tpu.memory_space<vmem>>, vector<2000x128xf32>,
    %get3A_12 = arith.constant 0 : index
    %get3A_13 = arith.constant 0 : index
    %get3A_14 = vector.load %arg3[%get3A_12, %get3A_13] : memref<1x128xf32, #tpu.memory_space<vmem>>, vector<1x128xf32>
    %mul3A = vector.broadcast %get3A_14 : vector<1x128xf32> to vector<2000x128xf32>
    %mul3A_15 = arith.mulf %get3A_1, %mul3A : vector<2000x128xf32>
    %reduce_sum3A = arith.constant dense<0.000000e+00> : vector<2000xf32>
    %reduce_sum3A_16 = vector.multi_reduction <add>, %mul3A_15, %reduce_sum3A [1] : vector<2000x128xf32> to vector<2000xf32>
    %broadcast_in_dim3A = vector.shape_cast %reduce_sum3A_16 : vector<2000xf32> to vector<1x1x2000xf32>
    %swap3A_17 = arith.constant 0 : index
    %swap3A_18 = arith.constant 0 : index
    %swap3A_19 = arith.constant 0 : index
    %swap3A_20 = vector.load %arg6[%swap3A_17, %swap3A_18, %swap3A_19] : memref<1x1x2000xf32, #tpu.memory_space<vmem>>, vector<1x1x2000xf32>
    tpu.vector_store %arg6[%swap3A_17, %swap3A_18, %swap3A_19], %broadcast_in_dim3A {strides = array<i32>} : memref<1x1x2000xf32, #tpu.memory_space<vmem>>, vector<1x1x2000xf32>,
    return
  }
  func.func @transform_0(%arg0: i32) -> (i32, i32) {
    %c0_i32 = arith.constant 0 : i32
    %c0_i32_0 = arith.constant 0 : i32
    return %arg0, %c0_i32 : i32, i32
  }
  func.func @transform_1(%arg0: i32) -> (i32, i32) {
    %c0_i32 = arith.constant 0 : i32
    %c0_i32_0 = arith.constant 0 : i32
    %c0_i32_1 = arith.constant 0 : i32
    return %c0_i32, %c0_i32_0 : i32, i32
  }
  func.func @transform_2(%arg0: i32) -> (i32, i32) {
    %c0_i32 = arith.constant 0 : i32
    %c0_i32_0 = arith.constant 0 : i32
    %c0_i32_1 = arith.constant 0 : i32
    return %c0_i32, %c0_i32_0 : i32, i32
  }
  func.func @transform_3(%arg0: i32) -> (i32, i32) {
    %c0_i32 = arith.constant 0 : i32
    %c0_i32_0 = arith.constant 0 : i32
    %c0_i32_1 = arith.constant 0 : i32
    return %c0_i32, %c0_i32_0 : i32, i32
  }
  func.func @transform_4(%arg0: i32) -> (i32, i32) {
    %c0_i32 = arith.constant 0 : i32
    %c0_i32_0 = arith.constant 0 : i32
    return %arg0, %c0_i32 : i32, i32
  }
  func.func @transform_5(%arg0: i32) -> (i32, i32, i32) {
    %c0_i32 = arith.constant 0 : i32
    %c0_i32_0 = arith.constant 0 : i32
    %c0_i32_1 = arith.constant 0 : i32
    return %arg0, %c0_i32, %c0_i32_0 : i32, i32, i32
  }
}

</mosaic_0001>

<sc_bundles>
// kernel: kernel.10.cloned.1.call-start
scs
__scs_entry_jumppad:
0x0: {  	(pc) =	sbr.rel $0x88, $3  }
0x1: {  	(tag) =	ssettag $0x0;
	lr =	simm.s32 $0x1  }
0x2: {  	[smem:$0x3F99] =	sst lr;
	_ =	strace $0xD0000000  }
0x3: {  	_ = 	snop  }
0x4: {  	_ = 	snop  }
0x5: {  	_ = 	snop  }
0x6: {  	_ = 	snop  }
0x7: {  	_ = 	snop  }
__scs_overlays_trampoline_lowered:
0x8: {  	[smem:$0x3FA8] =	sst s0  }
0x9: {  	[smem:$0x3FA9] =	sst s1  }
0xa: {  	[smem:$0x3FAA] =	sst s2  }
0xb: {  	[smem:$0x3FAB] =	sst s3  }
0xc: {  	[smem:$0x3FAC] =	sst s4  }
0xd: {  	[smem:$0x3FAD] =	sst s5  }
0xe: {  	[smem:$0x3FAE] =	sst s6  }
0xf: {  	[smem:$0x3FAF] =	sst s7  }
0x10: {  	[smem:$0x3FB0] =	sst s8  }
0x11: {  	[smem:$0x3FB1] =	sst s9;
	s0 =	simm.s32 @!p0 $0x0  }
0x12: {  	s1 =	sld [smem:$0x3F97];
	s0 =	simm.s32 @p0 $0x1  }
0x13: {  	[smem:$0x3FB2] =	sst s0;
	s0 =	simm.s32 @!p1 $0x0  }
0x14: {  	s2 =	sld [smem:$0x3F96];
	s0 =	simm.s32 @p1 $0x1  }
0x15: {  	[smem:$0x3FB3] =	sst s0;
	s0 =	simm.s32 @!p2 $0x0  }
0x16: {  	s3 =	sld [smem:$0x3FDB];
	s0 =	simm.s32 @p2 $0x1  }
0x17: {  	s4 =	simm.s32 $0x1BF5;
	[smem:$0x3FB5] =	sst s0  }
0x18: {  	s0 =	sld [smem:$0x3F98];
	_ =	swait.ge [sflag:s4], $0x0  }
0x19: {  	s7 =	sld [smem:$0x3F99]  }
0x1a: {  	s8 =	sadd.s32 $0xFFFFE003, lr  }
0x1b: {  	s9 =	sadd.s32 $0xFFFFFEF7, lr;
	s5 =	simm.s32 $0xFFFFFFFF;
	p2 =	slt.u32 s8, $0xFFFFF086  }
0x1c: {  	p1 =	slt.u32 s9, $0xF7A;
	s5 =	simm.s32 @!p2 $0x0  }
0x1d: {  	s5 =	simm.s32 @p1 $0x1;
	p0 =	seq.s32 s7, s2  }
0x1e: {  	s7 =	smul.u32 @!p0 $0xF7A, s2;
	p2 =	seq.s32 @!p0 s5, $0x0  }
0x1f: {  	s9 =	smul.u32 $0xF7A, s1;
	s8 =	simm.s32 @!p0 $0x1BF5;
	p2 =	por !p2, p0  }
0x20: {  	[sflag:s8] =	ssyncset.s32 @!p0 $0xFFFFF086;
	s6 =	sadd.s32 @!p0 s3, s7;
	s7 =	simm.s32 @!p0 $0x108  }
0x21: {  	s3 =	sadd.s32 s3, s9;
	s6 =	sadd.s32 @!p0 $0x88, s6;
	s7 =	simm.s32 @p2 $0x1082  }
0x22: {  	[simem:s7], [sflag:s8] =	dma.local @!p0 [hbm:s6], $0xF7A  }
0x23: {  	s9 =	sor.u32 $0xD0000000, s2;
	s6 =	simm.s32 $0x108;
	_ =	swait.ge @!p0 [sflag:s8], $0x0  }
0x24: {  	s3 =	sadd.s32 $0x88, s3;
	s6 =	simm.s32 @!p1 $0x1082;
	[sflag:s4] =	ssyncset.s32 $0xFFFFF086  }
0x25: {  	[simem:s6], [sflag:s4] =	dma.local [hbm:s3], $0xF7A  }
0x26: {  	[smem:$0x3F99] =	sst s1;
	(tag) =	ssettag s2;
	_ =	strace s9  }
0x27: {  	s1 =	sld [smem:$0x3FA9]  }
0x28: {  	s2 =	sld [smem:$0x3FAA]  }
0x29: {  	s4 =	sld [smem:$0x3FAC]  }
0x2a: {  	p0 =	seq.s32 s5, $0x0;
	s5 =	sld [smem:$0x3FAD]  }
0x2b: {  	s6 =	sld [smem:$0x3FAE]  }
0x2c: {  	s7 =	sld [smem:$0x3FAF]  }
0x2d: {  	s3 =	simm.s32 $0x108;
	s8 =	sld [smem:$0x3FB0]  }
0x2e: {  	s3 =	simm.s32 @!p0 $0x1082;
	s9 =	sld [smem:$0x3FB1]  }
0x2f: {  	lr =	sadd.s32 s0, s3;
	s0 =	sld [smem:$0x3FA8]  }
0x30: {  	s3 =	sld [smem:$0x3FAB]  }
0x31: {  	[smem:$0x3FB4] =	sst s10  }
0x32: {  	s10 =	sld [smem:$0x3FB2];
	_ =	sdelay $0x3  }
0x33: {  	p0 =	seq.s32 s10, $0x1;
	s10 =	sld [smem:$0x3FB4];
	_ =	sdelay $0x3  }
0x34: {  	[smem:$0x3FB4] =	sst s10  }
0x35: {  	s10 =	sld [smem:$0x3FB3];
	_ =	sdelay $0x3  }
0x36: {  	p1 =	seq.s32 s10, $0x1;
	s10 =	sld [smem:$0x3FB4];
	_ =	sdelay $0x3  }
0x37: {  	[smem:$0x3FB4] =	sst s10  }
0x38: {  	s10 =	sld [smem:$0x3FB5]  }
0x39: {  	_ = 	snop;
	(pc) =	sbr.ind lr, $3  }
0x3a: {  	_ = 	snop  }
0x3b: {  	_ = 	snop  }
0x3c: {  	p2 =	seq.s32 s10, $0x1;
	s10 =	sld [smem:$0x3FB4]  }
0x3d: {  	_ =	shalt  }
0x3e: {  	_ =	shalt  }
0x3f: {  	_ =	shalt  }
0x40: {  	_ =	shalt  }
0x41: {  	_ =	shalt  }
0x42: {  	_ =	shalt  }
0x43: {  	_ =	shalt  }
0x44: {  	_ =	shalt  }
0x45: {  	_ =	shalt  }
0x46: {  	_ =	shalt  }
0x47: {  	_ =	shalt  }
0x48: {  	_ =	shalt  }
0x49: {  	_ =	shalt  }
0x4a: {  	_ =	shalt  }
0x4b: {  	_ =	shalt  }
0x4c: {  	_ =	shalt  }
0x4d: {  	_ =	shalt  }
0x4e: {  	_ =	shalt  }
0x4f: {  	_ =	shalt  }
0x50: {  	_ =	shalt  }
0x51: {  	_ =	shalt  }
0x52: {  	_ =	shalt  }
0x53: {  	_ =	shalt  }
0x54: {  	_ =	shalt  }
0x55: {  	_ =	shalt  }
0x56: {  	_ =	shalt  }
0x57: {  	_ =	shalt  }
0x58: {  	_ =	shalt  }
0x59: {  	_ =	shalt  }
0x5a: {  	_ =	shalt  }
0x5b: {  	_ =	shalt  }
0x5c: {  	_ =	shalt  }
0x5d: {  	_ =	shalt  }
0x5e: {  	_ =	shalt  }
0x5f: {  	_ =	shalt  }
0x60: {  	_ =	shalt  }
0x61: {  	_ =	shalt  }
0x62: {  	_ =	shalt  }
0x63: {  	_ =	shalt  }
0x64: {  	_ =	shalt  }
0x65: {  	_ =	shalt  }
0x66: {  	_ =	shalt  }
0x67: {  	_ =	shalt  }
0x68: {  	_ =	shalt  }
0x69: {  	_ =	shalt  }
0x6a: {  	_ =	shalt  }
0x6b: {  	_ =	shalt  }
0x6c: {  	_ =	shalt  }
0x6d: {  	_ =	shalt  }
0x6e: {  	_ =	shalt  }
0x6f: {  	_ =	shalt  }
0x70: {  	_ =	shalt  }
0x71: {  	_ =	shalt  }
0x72: {  	_ =	shalt  }
0x73: {  	_ =	shalt  }
0x74: {  	_ =	shalt  }
0x75: {  	_ =	shalt  }
0x76: {  	_ =	shalt  }
0x77: {  	_ =	shalt  }
0x78: {  	_ =	shalt  }
0x79: {  	_ =	shalt  }
0x7a: {  	_ =	shalt  }
0x7b: {  	_ =	shalt  }
0x7c: {  	_ =	shalt  }
0x7d: {  	_ =	shalt  }
0x7e: {  	_ =	shalt  }
0x7f: {  	_ =	shalt  }
0x80: {  	_ =	shalt  }
0x81: {  	_ =	shalt  }
0x82: {  	_ =	shalt  }
0x83: {  	_ =	shalt  }
0x84: {  	_ =	shalt  }
0x85: {  	_ =	shalt  }
0x86: {  	_ =	shalt  }
0x87: {  	_ =	shalt  }
.Lfunc_end0:
.L_simem_size_0:
called_computation.1_lowered:
.L_overlay_start_0:
0x88: {  	s2 =	sld [smem:$0x3FD9]  }
0x89: {  	s3 =	sld [smem:$0x3FFE];
	_ =	sdelay $0x1  }
0x8a: {  	s1 =	srdreg.scid  }
0x8b: {  	s0 =	sand.u32 $0x1, s1  }
0x8c: {  	s14 =	sshll.u32 s0, $0xA;
	s2 =	sadd.s32 s3, s2  }
0x8d: {  	s2 =	sadd.s32 s2, s14  }
0x8e: {  	[smem:$0x3FC0] =	sst s2  }
0x8f: {  	_ = 	snop  }
0x90: {  	s2 =	sld [smem:$0x3FD0];
	_ =	sdelay $0x2  }
0x91: {  	s15 =	simm.s32 $0xA;
	s4 =	simm.s32 $0x10  }
0x92: {  	[smem:s4], [sflag:s15] =	dma.local [hbm:s2], $0x1  }
0x93: {  	_ =	swait.eq [sflag:s15], $0x1  }
0x94: {  	[sflag:s15] =	ssyncset.done $0x0  }
0x95: {  	[sflag:s15] =	ssyncadd.s32 $0xFFFFFFFF  }
0x96: {  	s16 =	sld [smem:$0x10];
	(tm) =	ssettm $0x1  }
0x97: {  	s17 =	sld [smem:$0x3FFB];
	_ =	sdelay $0x3  }
0x98: {  	_ =	strace s17  }
0x99: {  	s3 =	sld [smem:$0x3FFC];
	_ =	sdelay $0x3  }
0x9a: {  	_ =	strace s3  }
0x9b: {  	s3 =	sld [smem:$0x3FFD];
	_ =	sdelay $0x3  }
0x9c: {  	_ =	strace s3  }
0x9d: {  	_ =	strace $0x8FFFFFFF  }
0x9e: {  	s18 =	sld [smem:$0x3FDB];
	_ =	sdelay $0x1  }
0x9f: {  	s19 =	simm.s32 $_scs_section_size  }
0xa0: {  	s5 =	simm.s32 $_size__tile_overlayer_lowered;
	s6 =	simm.s32 $_tile_overlayer_lowered  }
0xa1: {  	s22 =	simm.s32 $0x1BFF;
	s21 =	sshll.u32 s6, $0x1;
	s3 =	sadd.s32 s19, s18  }
0xa2: {  	s7 =	simm.s32 $0x0;
	s20 =	sshll.u32 s5, $0x1;
	s5 =	sadd.s32 s21, s3  }
0xa3: {  	[timem:s7], [sflag:s22] =	dma.local [hbm:s5], s20  }
0xa4: {  	_ =	swait.ge [sflag:s22], s20  }
0xa5: {  	s4 =	ssub.s32 $0x0, s20;
	[sflag:s22] =	ssyncset.done $0x0  }
0xa6: {  	[sflag:s22] =	ssyncadd.s32 s4;
	_ =	sdelay $0x1  }
0xa7: {  	s23 =	simm.s32 $0x1B8B  }
0xa8: {  	_ =	swait.ge [sflag:s23], $0x1  }
0xa9: {  	[sflag:s23] =	ssyncset.done $0x0  }
0xaa: {  	s25 =	simm.s32 $0x1B8E;
	s24 =	sld [smem:$0x3FFE];
	[sflag:s23] =	ssyncadd.s32 $0xFFFFFFFF  }
0xab: {  	s26 =	simm.s32 $execute0_lowered;
	[smem:$0x3FD2] =	sst s25  }
0xac: {  	s5 =	sshll.u32 s26, $0x1;
	_ =	strace $0x80000049;
	[dreg:$0x1] =	wrdreg $0xFFFFFFFF  }
0xad: {  	s28 =	simm.s32 $_size_execute0_lowered;
	s3 =	sadd.s32 s3, s5;
	[dreg:$0x0] =	wrdreg $0x0  }
0xae: {  	s5 =	sshll.u32 s28, $0x1;
	[dreg:$0x2] =	wrdreg s3  }
0xaf: {  	[dreg:$0x3] =	wrdreg s5  }
0xb0: {  	[dreg:$0x4] =	wrdreg $0xC0  }
0xb1: {  	_ =	task [dreg:s7], $0x5FFFF  }
0xb2: {  	[dreg:$0x1] =	wrdreg $0xFFFFFFFF  }
0xb3: {  	[dreg:$0x0] =	wrdreg $0x60  }
0xb4: {  	[dreg:$0x2] =	wrdreg s24  }
0xb5: {  	[dreg:$0x3] =	wrdreg s16  }
0xb6: {  	[dreg:$0x4] =	wrdreg $0x9  }
0xb7: {  	_ =	task.clear_ibuf [dreg:s7], $0x5FFFF;
	_ =	strace $0x90000049  }
0xb8: {  	s29 =	simm.s32 $0x9;
	_ =	strace $0x8000004B  }
0xb9: {  	_ =	swait.ge [sflag:s29], $0x1  }
0xba: {  	[sflag:s29] =	ssyncadd.s32 $0xFFFFFFFF  }
0xbb: {  	_ =	strace $0x9000004B  }
0xbc: {  	_ =	sfence  }
0xbd: {  	s30 =	sld [smem:$0x0];
	_ =	sdelay $0x2  }
0xbe: {  	s31 =	sshll.u32 s1, $0xD;
	s1 =	sshrl.u32 s1, $0x2  }
0xbf: {  	s3 =	sand.u32 $0x4000, s31;
	s1 =	sadd.s32 s1, s30  }
0xc0: {  	s0 =	sor.u32 s3, s0;
	s1 =	sshll.u32 s1, $0x11  }
0xc1: {  	s0 =	sor.u32 s1, s0  }
0xc2: {  	s0 =	sadd.s32 $0x8F2B, s0  }
0xc3: {  	[sflag:s0] =	ssyncadd.remote.s32 $0x1  }
0xc4: {  	_ =	sfence.sel $0xFFFF  }
0xc5: {  	[dreg:$0x0] =	wrdreg $0xFFFFFFFF;
	(pc) =	sbr.abs _section_cstart, $3  }
0xc6: {  	[dreg:$0x1] =	wrdreg $0xFFFFFFFF  }
0xc7: {  	_ =	task.clear_ibuf [dreg:s7], $0x2FFFF;
	_ =	strace $0x9FFFFFFF  }
0xc8: {  	(tm) =	ssettm $0x7FFFFFFF  }
0xc9: {  	_ =	shalt  }
tec
execute0_lowered:
.L_overlay_start_1:
0x0: {  	(tag) =	ssettag $0x1  }
0x1: {  	s0 =	rddreg [dreg:$0x0];
	s1 =	srdreg.scid  }
0x2: {  	s2 =	stileid.u32;
	s22 =	rddreg [dreg:$0x1]  }
0x3: {  	s28 =	simm.s32 $0x5080;
	s29 =	simm.s32 $0x1;
	s30 =	simm.s32 $0x0  }
0x4: {  	s1 =	sand.u32 $0x1, s1;
	s3 =	sshll.u32 s2, $0x1;
	s2 =	simm.s32 $0x0  }
0x5: {  	s16 =	sadd.s32 $0x54F400, s0;
	s0 =	sadd.s32 $0x54FE00, s0;
	s25 =	sor.u32 s1, s3  }
0x6: {  	[smem:$0x7FF] =	sst s2;
	s1 =	ssub.s32 $0x2, s1;
	s14 =	smul.u32 $0x140, s25  }
0x7: {  	_ =	strace $0x8000004A;
	s23 =	sshrl.u32 s1, $0x1;
	s7 =	smul.u32 $0x1400, s25  }
0x8: {  	p0 =	seq.s32 s25, $0x1F;
	s25 =	simm.s32 $0x5000;
	s1 =	ssub.s32 s1, s23  }
0x9: {  	s6 =	sadd.s32 $0x2800, s14;
	s3 =	sadd.s32 s0, s7;
	s5 =	sshrl.u32 s14, $0x3  }
0xa: {  	s10 =	sadd.s32 $0x50, s14;
	s11 =	sadd.s32 $0x2850, s14;
	s7 =	sadd.s32 s22, s7  }
0xb: {  	s13 =	sadd.s32 $0xA0, s14;
	s18 =	sadd.s32 $0x28A0, s14;
	s20 =	sadd.s32 $0xF0, s14  }
0xc: {  	s21 =	sadd.s32 $0x28F0, s14;
	s4 =	sshll.u32 s6, $0x4;
	s5 =	sadd.s32 s16, s5  }
0xd: {  	s6 =	sshrl.u32 s6, $0x3;
	s12 =	sshll.u32 s10, $0x4;
	s9 =	sshll.u32 s11, $0x4  }
0xe: {  	s10 =	sshrl.u32 s10, $0x3;
	s11 =	sshrl.u32 s11, $0x3;
	s19 =	sshll.u32 s13, $0x4  }
0xf: {  	s13 =	sshrl.u32 s13, $0x3;
	s15 =	sshrl.u32 s18, $0x3;
	s17 =	sshrl.u32 s20, $0x3  }
0x10: {  	s26 =	sshrl.u32 s21, $0x3;
	s18 =	sshll.u32 s18, $0x4;
	s23 =	sshll.u32 s20, $0x4  }
0x11: {  	s31 =	sshll.u32 s21, $0x4;
	s4 =	sadd.s32 s0, s4;
	s6 =	sadd.s32 s16, s6  }
0x12: {  	s8 =	sadd.s32 s0, s12;
	s24 =	sadd.s32 s0, s9;
	s10 =	sadd.s32 s16, s10  }
0x13: {  	s11 =	sadd.s32 s16, s11;
	s12 =	sadd.s32 s22, s12;
	s13 =	sadd.s32 s16, s13  }
.Ltmp0:
0x14: {  	s14 =	sadd.s32 s16, s15;
	s15 =	sadd.s32 s16, s17;
	(pc) =	sbr.rel .LBB2_1-.Ltmp0, $4  }
0x15: {  	s16 =	sadd.s32 s16, s26;
	s17 =	sadd.s32 s0, s19;
	s18 =	sadd.s32 s0, s18  }
0x16: {  	s19 =	sadd.s32 s22, s19;
	s20 =	sadd.s32 s0, s31;
	s21 =	sadd.s32 s0, s23  }
0x17: {  	s22 =	sadd.s32 s22, s23;
	s23 =	smax.u32 s1, $0x1;
	[dreg:$0x3] =	wrdreg s8  }
0x18: {  	s26 =	simm.s32 $0x2;
	[dreg:$0x4] =	wrdreg s24;
	s24 =	simm.s32 $0x2800  }
.LBB2_10:
0x19: {  	v14 =	vld [tilespmem:s31+$0x2810];
	v5 =	vadd.f32 v5, v9;
	v60 =	vmul.f32 v10, v2  }
0x1a: {  	v4 =	vadd.f32 v4, v11;
	v61 =	vmul.f32 v13, v2  }
0x1b: {  	v1 =	vadd.f32 v1, v12;
	[tilespmem:s31+$0x40] =	vst v60;
	v5 =	vmul.f32 v5, v2  }
0x1c: {  	v0 =	vadd.f32 v0, v8;
	v4 =	vmul.f32 v4, v2;
	[tilespmem:s31+$0x20] =	vst v61  }
0x1d: {  	v3 =	vadd.f32 v3, v6;
	v1 =	vmul.f32 v1, v2;
	[tilespmem:s31+$0x70] =	vst v5  }
0x1e: {  	v0 =	vmul.f32 v0, v2;
	[tilespmem:s31+$0x60] =	vst v4;
	v7 =	vadd.f32 v14, v7  }
0x1f: {  	v63 =	vmul.f32 v3, v2;
	[tilespmem:s31+$0x30] =	vst v1  }
0x20: {  	[tilespmem:s31+$0x50] =	vst v0;
	v62 =	vmul.f32 v7, v2  }
0x21: {  	[tilespmem:s31+$0x0] =	vst v63  }
0x22: {  	[tilespmem:s31+$0x10] =	vst v62  }
0x23: {  	[hbm4b:s22+s2] =	stream.linear.scatter [tilespmem:s2], [sflag:$0x2], $0x2800, $0x38;
	[tilespmem:$0x5180] =	vst v63  }
0x24: {  	_ =	swait.ge [sflag:s26], $0x2800  }
0x25: {  	[sflag:s26] =	ssyncset.done $0x0  }
0x26: {  	[sflag:s26] =	ssyncadd.s32 $0xFFFFD800  }
.LBB2_11:
0x27: {  	s30 =	sadd.s32 $0x1, s30  }
0x28: {  	p1 =	sne.s32 s30, s23  }
.Ltmp1:
0x29: {  	_ = 	snop;
	(pc) =	sbr.rel @!p1 .LBB2_12-.Ltmp1, $1  }
0x2a: {  	_ =	sdelay $0x3  }
.LBB2_1:
0x2b: {  	[tilespmem:s2], [sflag:$0x1] =	stream.linear.gather [hbm4b:s3+s2], $0x2800, $0x38;
	[tilespmem:$0x5180] =	vst v63  }
0x2c: {  	_ = 	snop  }
0x2d: {  	[tilespmem:s24], [sflag:$0x1] =	stream.linear.gather [hbm4b:s4+s2], $0x2800, $0x38;
	[tilespmem:$0x5180] =	vst v63  }
0x2e: {  	_ = 	snop  }
0x2f: {  	[tilespmem:s25], [sflag:$0x2] =	stream.linear.gather [hbm4b:s5+s2], $0x50, $0x38;
	[tilespmem:$0x5180] =	vst v63  }
0x30: {  	_ =	swait.ge [sflag:s26], $0x50  }
0x31: {  	[sflag:s26] =	ssyncset.done $0x0  }
0x32: {  	[sflag:s26] =	ssyncadd.s32 $0xFFFFFFB0  }
0x33: {  	[tilespmem:s28], [sflag:$0x2] =	stream.linear.gather [hbm4b:s6+s2], $0x50, $0x38;
	[tilespmem:$0x5180] =	vst v63  }
0x34: {  	_ =	swait.ge [sflag:s26], $0x50  }
0x35: {  	[sflag:s26] =	ssyncset.done $0x0  }
0x36: {  	[sflag:s26] =	ssyncadd.s32 $0xFFFFFFB0  }
0x37: {  	_ =	swait.ge [sflag:s29], $0x2800  }
0x38: {  	[sflag:s29] =	ssyncset.done $0x0  }
0x39: {  	[sflag:s29] =	ssyncadd.s32 $0xFFFFD800  }
0x3a: {  	_ =	swait.ge [sflag:s29], $0x2800  }
0x3b: {  	[sflag:s29] =	ssyncset.done $0x0  }
0x3c: {  	[sflag:s29] =	ssyncadd.s32 $0xFFFFD800  }
0x3d: {  	v0 =	vld [tilespmem:$0x5000]  }
0x3e: {  	v1 =	vld [tilespmem:$0x5080]  }
0x3f: {  	v2 =	vld [tilespmem:$0x5010]  }
0x40: {  	v3 =	vld [tilespmem:$0x5090]  }
0x41: {  	v4 =	vld [tilespmem:$0x5020]  }
0x42: {  	v5 =	vld [tilespmem:$0x50A0]  }
0x43: {  	v6 =	vld [tilespmem:$0x5030]  }
0x44: {  	v7 =	vld [tilespmem:$0x50B0]  }
0x45: {  	v8 =	vld [tilespmem:$0x5040]  }
0x46: {  	v9 =	vld [tilespmem:$0x50C0]  }
0x47: {  	v0 =	vadd.f32 v1, v0  }
0x48: {  	v1 =	vadd.f32 v3, v2  }
0x49: {  	v2 =	vadd.f32 v5, v4;
	(erf) = vrcp.f32 v0  }
0x4a: {  	v3 =	vadd.f32 v7, v6;
	(erf) = vrcp.f32 v1  }
0x4b: {  	v4 =	vadd.f32 v9, v8;
	(erf) = vrcp.f32 v2  }
0x4c: {  	(erf) = vrcp.f32 v3  }
0x4d: {  	(erf) = vrcp.f32 v4;
	_ =	sdelay $0x4  }
0x4e: {  	vm0 =	vgt.f32 v0, $0.0e+00;
	v5 =	vpop (erf)  }
0x4f: {  	vm12 =	vgt.f32 v1, $0.0e+00;
	v0 =	vpop (erf);
	v5 =	vnsel vm0, $0x3F800000, v5  }
0x50: {  	vm13 =	vgt.f32 v2, $0.0e+00;
	v1 =	vpop (erf);
	[tilespmem:$0x5100] =	vst v5;
	v0 =	vnsel vm12, $0x3F800000, v0  }
0x51: {  	vm14 =	vgt.f32 v3, $0.0e+00;
	v2 =	vpop (erf);
	[tilespmem:$0x5110] =	vst v0;
	v0 =	vnsel vm13, $0x3F800000, v1  }
0x52: {  	vm15 =	vgt.f32 v4, $0.0e+00;
	[tilespmem:$0x5120] =	vst v0;
	v0 =	vnsel vm14, $0x3F800000, v2;
	v1 =	vpop (erf)  }
0x53: {  	[tilespmem:$0x5130] =	vst v0;
	v0 =	vnsel vm15, $0x3F800000, v1  }
0x54: {  	s31 =	simm.s32 $0x0;
	[tilespmem:$0x5140] =	vst v0  }
0x55: {  	v0 =	vld [tilespmem:s31+$0x2850]  }
0x56: {  	v7 =	vld [tilespmem:s31+$0x2840]  }
0x57: {  	v1 =	vld [tilespmem:s31+$0x2830]  }
0x58: {  	v4 =	vld [tilespmem:s31+$0x2860]  }
0x59: {  	v5 =	vld [tilespmem:s31+$0x2870]  }
0x5a: {  	v9 =	vld [tilespmem:s31+$0x40]  }
0x5b: {  	v3 =	vld [tilespmem:s31+$0x2800]  }
0x5c: {  	v13 =	vld [tilespmem:s31+$0x2820]  }
0x5d: {  	v14 =	vld [tilespmem:s31+$0x20]  }
0x5e: {  	v11 =	vld [tilespmem:s31+$0x60]  }
0x5f: {  	v10 =	vld [tilespmem:s31+$0x70]  }
0x60: {  	s1 =	simm.s32 $0x5100;
	v8 =	vld [tilespmem:s31+$0x50]  }
0x61: {  	v2 =	vld.msk [tilespmem:s1+$0x0 ss:$0x0], $0xffff  }
0x62: {  	v6 =	vld [tilespmem:s31+$0x0]  }
0x63: {  	v12 =	vld [tilespmem:s31+$0x30]  }
0x64: {  	s0 =	simm.s32 $0x200;
	v9 =	vadd.f32 v7, v9;
	v13 =	vadd.f32 v13, v14;
	v7 =	vld [tilespmem:s31+$0x10]  }
.LBB2_2:
0x65: {  	s9 =	smov.u32 s0  }
0x66: {  	s8 =	sshra.s32 s0, $0x2;
	v14 =	vld [tilespmem:s31+$0x2810];
	v4 =	vadd.f32 v4, v11;
	s1 =	sadd.s32 $0x1, s1;
	s9 =	sadd.s32 $0x200, s0  }
0x67: {  	p1 =	sne.s32 s0, $0x9E00;
	v8 =	vadd.f32 v0, v8;
	v5 =	vadd.f32 v5, v10;
	v0 =	vld [tilespmem:s8+$0x2850]  }
0x68: {  	v9 =	vmul.f32 v9, v2;
	v3 =	vadd.f32 v3, v6;
	v6 =	vmul.f32 v13, v2;
	v10 =	vld [tilespmem:s8+$0x2840]  }
0x69: {  	v8 =	vmul.f32 v8, v2;
	v11 =	vadd.f32 v1, v12;
	v12 =	vmul.f32 v4, v2;
	v1 =	vld [tilespmem:s8+$0x2830]  }
0x6a: {  	v13 =	vmul.f32 v3, v2;
	v3 =	vmul.f32 v5, v2;
	v4 =	vld [tilespmem:s8+$0x2860];
	[tilespmem:s31+$0x40] =	vst v9  }
0x6b: {  	v7 =	vadd.f32 v14, v7;
	v5 =	vld [tilespmem:s8+$0x2870];
	[tilespmem:s31+$0x20] =	vst v6;
	v6 =	vmul.f32 v11, v2  }
0x6c: {  	v9 =	vld [tilespmem:s8+$0x40];
	[tilespmem:s31+$0x70] =	vst v3  }
0x6d: {  	v2 =	vmul.f32 v7, v2;
	v3 =	vld [tilespmem:s8+$0x2800];
	[tilespmem:s31+$0x60] =	vst v12  }
0x6e: {  	v7 =	vld [tilespmem:s8+$0x2820];
	[tilespmem:s31+$0x30] =	vst v6  }
0x6f: {  	v12 =	vld [tilespmem:s8+$0x20];
	[tilespmem:s31+$0x10] =	vst v2  }
0x70: {  	v11 =	vld [tilespmem:s8+$0x60];
	[tilespmem:s31+$0x50] =	vst v8  }
0x71: {  	v9 =	vadd.f32 v10, v9;
	v10 =	vld [tilespmem:s8+$0x70];
	[tilespmem:s31+$0x0] =	vst v13;
	s31 =	smov.u32 s8  }
.Ltmp2:
0x72: {  	v8 =	vld [tilespmem:s31+$0x50];
	(pc) =	sbr.rel @p1 .LBB2_2-.Ltmp2, $4  }
0x73: {  	v2 =	vld.msk [tilespmem:s1+$0x0 ss:$0x0], $0xffff  }
0x74: {  	v6 =	vld [tilespmem:s31+$0x0];
	v13 =	vadd.f32 v7, v12  }
0x75: {  	v12 =	vld [tilespmem:s31+$0x30]  }
0x76: {  	s0 =	smov.u32 s9;
	v7 =	vld [tilespmem:s31+$0x10]  }
0x77: {  	_ = 	snop  }
0x78: {  	v14 =	vld [tilespmem:s31+$0x2810];
	v5 =	vadd.f32 v5, v10;
	v9 =	vmul.f32 v9, v2  }
0x79: {  	v4 =	vadd.f32 v4, v11;
	v61 =	vmul.f32 v13, v2  }
0x7a: {  	v0 =	vadd.f32 v0, v8;
	v5 =	vmul.f32 v5, v2;
	[tilespmem:s31+$0x40] =	vst v9  }
0x7b: {  	v4 =	vmul.f32 v4, v2;
	v3 =	vadd.f32 v3, v6;
	[tilespmem:s31+$0x20] =	vst v61  }
0x7c: {  	v0 =	vmul.f32 v0, v2;
	v1 =	vadd.f32 v1, v12;
	[tilespmem:s31+$0x70] =	vst v5  }
0x7d: {  	[tilespmem:s31+$0x60] =	vst v4;
	v63 =	vmul.f32 v3, v2;
	v7 =	vadd.f32 v14, v7  }
0x7e: {  	[tilespmem:s31+$0x50] =	vst v0;
	v1 =	vmul.f32 v1, v2  }
0x7f: {  	[tilespmem:s31+$0x0] =	vst v63;
	v62 =	vmul.f32 v7, v2  }
0x80: {  	[tilespmem:s31+$0x30] =	vst v1  }
.Ltmp3:
0x81: {  	[tilespmem:s31+$0x10] =	vst v62;
	(pc) =	sbr.rel @p0 .LBB2_11-.Ltmp3, $4  }
0x82: {  	[hbm4b:s7+s2] =	stream.linear.scatter [tilespmem:s2], [sflag:$0x2], $0x2800, $0x38;
	[tilespmem:$0x5180] =	vst v63  }
0x83: {  	_ =	swait.ge [sflag:s26], $0x2800  }
0x84: {  	[sflag:s26] =	ssyncset.done $0x0  }
0x85: {  	[sflag:s26] =	ssyncadd.s32 $0xFFFFD800  }
0x86: {  	s0 =	simm.s32 $0x0;
	s1 =	rddreg [dreg:$0x3]  }
0x87: {  	[tilespmem:s0], [sflag:$0x1] =	stream.linear.gather [hbm4b:s1+s0], $0x2800, $0x38;
	[tilespmem:$0x5180] =	vst v63  }
0x88: {  	s9 =	rddreg [dreg:$0x4]  }
0x89: {  	[tilespmem:s24], [sflag:$0x1] =	stream.linear.gather [hbm4b:s9+s0], $0x2800, $0x38;
	[tilespmem:$0x5180] =	vst v63  }
0x8a: {  	_ = 	snop  }
0x8b: {  	[tilespmem:s25], [sflag:$0x2] =	stream.linear.gather [hbm4b:s10+s0], $0x50, $0x38;
	[tilespmem:$0x5180] =	vst v63  }
0x8c: {  	_ =	swait.ge [sflag:s26], $0x50  }
0x8d: {  	[sflag:s26] =	ssyncset.done $0x0  }
0x8e: {  	[sflag:s26] =	ssyncadd.s32 $0xFFFFFFB0  }
0x8f: {  	[tilespmem:s28], [sflag:$0x2] =	stream.linear.gather [hbm4b:s11+s0], $0x50, $0x38;
	[tilespmem:$0x5180] =	vst v63  }
0x90: {  	_ =	swait.ge [sflag:s26], $0x50  }
0x91: {  	[sflag:s26] =	ssyncset.done $0x0  }
0x92: {  	[sflag:s26] =	ssyncadd.s32 $0xFFFFFFB0  }
0x93: {  	_ =	swait.ge [sflag:s29], $0x2800  }
0x94: {  	[sflag:s29] =	ssyncset.done $0x0  }
0x95: {  	[sflag:s29] =	ssyncadd.s32 $0xFFFFD800  }
0x96: {  	_ =	swait.ge [sflag:s29], $0x2800  }
0x97: {  	[sflag:s29] =	ssyncset.done $0x0  }
0x98: {  	[sflag:s29] =	ssyncadd.s32 $0xFFFFD800  }
0x99: {  	v0 =	vld [tilespmem:$0x5000]  }
0x9a: {  	v1 =	vld [tilespmem:$0x5080]  }
0x9b: {  	v2 =	vld [tilespmem:$0x5010]  }
0x9c: {  	v3 =	vld [tilespmem:$0x5090]  }
0x9d: {  	v4 =	vld [tilespmem:$0x5020]  }
0x9e: {  	v5 =	vld [tilespmem:$0x50A0]  }
0x9f: {  	v6 =	vld [tilespmem:$0x5030]  }
0xa0: {  	v7 =	vld [tilespmem:$0x50B0]  }
0xa1: {  	v8 =	vld [tilespmem:$0x5040]  }
0xa2: {  	v9 =	vld [tilespmem:$0x50C0]  }
0xa3: {  	v0 =	vadd.f32 v1, v0  }
0xa4: {  	v1 =	vadd.f32 v3, v2  }
0xa5: {  	v2 =	vadd.f32 v5, v4;
	(erf) = vrcp.f32 v0  }
0xa6: {  	v3 =	vadd.f32 v7, v6;
	(erf) = vrcp.f32 v1  }
0xa7: {  	v4 =	vadd.f32 v9, v8;
	(erf) = vrcp.f32 v2  }
0xa8: {  	(erf) = vrcp.f32 v3  }
0xa9: {  	(erf) = vrcp.f32 v4;
	_ =	sdelay $0x4  }
0xaa: {  	vm0 =	vgt.f32 v0, $0.0e+00;
	v5 =	vpop (erf)  }
0xab: {  	vm12 =	vgt.f32 v1, $0.0e+00;
	v0 =	vpop (erf);
	v5 =	vnsel vm0, $0x3F800000, v5  }
0xac: {  	vm13 =	vgt.f32 v2, $0.0e+00;
	v1 =	vpop (erf);
	[tilespmem:$0x5100] =	vst v5;
	v0 =	vnsel vm12, $0x3F800000, v0  }
0xad: {  	vm14 =	vgt.f32 v3, $0.0e+00;
	v2 =	vpop (erf);
	[tilespmem:$0x5110] =	vst v0;
	v0 =	vnsel vm13, $0x3F800000, v1  }
0xae: {  	vm15 =	vgt.f32 v4, $0.0e+00;
	[tilespmem:$0x5120] =	vst v0;
	v0 =	vnsel vm14, $0x3F800000, v2;
	v1 =	vpop (erf)  }
0xaf: {  	[tilespmem:$0x5130] =	vst v0;
	v0 =	vnsel vm15, $0x3F800000, v1  }
0xb0: {  	s31 =	simm.s32 $0x0;
	[tilespmem:$0x5140] =	vst v0  }
0xb1: {  	v0 =	vld [tilespmem:s31+$0x2850]  }
0xb2: {  	v7 =	vld [tilespmem:s31+$0x2840]  }
0xb3: {  	v1 =	vld [tilespmem:s31+$0x2830]  }
0xb4: {  	v4 =	vld [tilespmem:s31+$0x2860]  }
0xb5: {  	v5 =	vld [tilespmem:s31+$0x2870]  }
0xb6: {  	v9 =	vld [tilespmem:s31+$0x40]  }
0xb7: {  	v3 =	vld [tilespmem:s31+$0x2800]  }
0xb8: {  	v13 =	vld [tilespmem:s31+$0x2820]  }
0xb9: {  	v14 =	vld [tilespmem:s31+$0x20]  }
0xba: {  	v11 =	vld [tilespmem:s31+$0x60]  }
0xbb: {  	v10 =	vld [tilespmem:s31+$0x70]  }
0xbc: {  	s1 =	simm.s32 $0x5100;
	v8 =	vld [tilespmem:s31+$0x50]  }
0xbd: {  	v2 =	vld.msk [tilespmem:s1+$0x0 ss:$0x0], $0xffff  }
0xbe: {  	v6 =	vld [tilespmem:s31+$0x0]  }
0xbf: {  	v12 =	vld [tilespmem:s31+$0x30]  }
0xc0: {  	s0 =	simm.s32 $0x200;
	v9 =	vadd.f32 v7, v9;
	v13 =	vadd.f32 v13, v14;
	v7 =	vld [tilespmem:s31+$0x10]  }
.LBB2_5:
0xc1: {  	s9 =	smov.u32 s0  }
0xc2: {  	s8 =	sshra.s32 s0, $0x2;
	v14 =	vld [tilespmem:s31+$0x2810];
	v4 =	vadd.f32 v4, v11;
	s1 =	sadd.s32 $0x1, s1;
	s9 =	sadd.s32 $0x200, s0  }
0xc3: {  	p1 =	sne.s32 s0, $0x9E00;
	v8 =	vadd.f32 v0, v8;
	v5 =	vadd.f32 v5, v10;
	v0 =	vld [tilespmem:s8+$0x2850]  }
0xc4: {  	v9 =	vmul.f32 v9, v2;
	v3 =	vadd.f32 v3, v6;
	v6 =	vmul.f32 v13, v2;
	v10 =	vld [tilespmem:s8+$0x2840]  }
0xc5: {  	v8 =	vmul.f32 v8, v2;
	v11 =	vadd.f32 v1, v12;
	v12 =	vmul.f32 v4, v2;
	v1 =	vld [tilespmem:s8+$0x2830]  }
0xc6: {  	v13 =	vmul.f32 v3, v2;
	v3 =	vmul.f32 v5, v2;
	v4 =	vld [tilespmem:s8+$0x2860];
	[tilespmem:s31+$0x40] =	vst v9  }
0xc7: {  	v7 =	vadd.f32 v14, v7;
	v5 =	vld [tilespmem:s8+$0x2870];
	[tilespmem:s31+$0x20] =	vst v6;
	v6 =	vmul.f32 v11, v2  }
0xc8: {  	v9 =	vld [tilespmem:s8+$0x40];
	[tilespmem:s31+$0x70] =	vst v3  }
0xc9: {  	v2 =	vmul.f32 v7, v2;
	v3 =	vld [tilespmem:s8+$0x2800];
	[tilespmem:s31+$0x60] =	vst v12  }
0xca: {  	v7 =	vld [tilespmem:s8+$0x2820];
	[tilespmem:s31+$0x30] =	vst v6  }
0xcb: {  	v12 =	vld [tilespmem:s8+$0x20];
	[tilespmem:s31+$0x10] =	vst v2  }
0xcc: {  	v11 =	vld [tilespmem:s8+$0x60];
	[tilespmem:s31+$0x50] =	vst v8  }
0xcd: {  	v9 =	vadd.f32 v10, v9;
	v10 =	vld [tilespmem:s8+$0x70];
	[tilespmem:s31+$0x0] =	vst v13;
	s31 =	smov.u32 s8  }
.Ltmp4:
0xce: {  	v8 =	vld [tilespmem:s31+$0x50];
	(pc) =	sbr.rel @p1 .LBB2_5-.Ltmp4, $4  }
0xcf: {  	v2 =	vld.msk [tilespmem:s1+$0x0 ss:$0x0], $0xffff  }
0xd0: {  	v6 =	vld [tilespmem:s31+$0x0];
	v13 =	vadd.f32 v7, v12  }
0xd1: {  	v12 =	vld [tilespmem:s31+$0x30]  }
0xd2: {  	s0 =	smov.u32 s9;
	v7 =	vld [tilespmem:s31+$0x10]  }
0xd3: {  	v14 =	vld [tilespmem:s31+$0x2810]  }
0xd4: {  	v5 =	vadd.f32 v5, v10;
	v9 =	vmul.f32 v9, v2  }
0xd5: {  	v4 =	vadd.f32 v4, v11;
	v10 =	vmul.f32 v13, v2  }
0xd6: {  	v0 =	vadd.f32 v0, v8;
	v5 =	vmul.f32 v5, v2;
	[tilespmem:s31+$0x40] =	vst v9  }
0xd7: {  	v4 =	vmul.f32 v4, v2;
	v1 =	vadd.f32 v1, v12;
	[tilespmem:s31+$0x20] =	vst v10  }
0xd8: {  	v0 =	vmul.f32 v0, v2;
	[tilespmem:s31+$0x70] =	vst v5;
	v7 =	vadd.f32 v14, v7  }
0xd9: {  	v3 =	vadd.f32 v3, v6;
	[tilespmem:s31+$0x60] =	vst v4;
	v1 =	vmul.f32 v1, v2  }
0xda: {  	[tilespmem:s31+$0x50] =	vst v0;
	v5 =	vmul.f32 v7, v2  }
0xdb: {  	[tilespmem:s31+$0x30] =	vst v1;
	v1 =	vmul.f32 v3, v2  }
0xdc: {  	[tilespmem:s31+$0x10] =	vst v5  }
0xdd: {  	s0 =	simm.s32 $0x0;
	[tilespmem:s31+$0x0] =	vst v1  }
0xde: {  	[hbm4b:s12+s0] =	stream.linear.scatter [tilespmem:s0], [sflag:$0x2], $0x2800, $0x38;
	[tilespmem:$0x5180] =	vst v63  }
0xdf: {  	_ =	swait.ge [sflag:s26], $0x2800  }
0xe0: {  	[sflag:s26] =	ssyncset.done $0x0  }
0xe1: {  	[sflag:s26] =	ssyncadd.s32 $0xFFFFD800  }
0xe2: {  	[tilespmem:s0], [sflag:$0x1] =	stream.linear.gather [hbm4b:s17+s0], $0x2800, $0x38;
	[tilespmem:$0x5180] =	vst v63  }
0xe3: {  	_ = 	snop  }
0xe4: {  	[tilespmem:s24], [sflag:$0x1] =	stream.linear.gather [hbm4b:s18+s0], $0x2800, $0x38;
	[tilespmem:$0x5180] =	vst v63  }
0xe5: {  	_ = 	snop  }
0xe6: {  	[tilespmem:s25], [sflag:$0x2] =	stream.linear.gather [hbm4b:s13+s0], $0x50, $0x38;
	[tilespmem:$0x5180] =	vst v63  }
0xe7: {  	_ =	swait.ge [sflag:s26], $0x50  }
0xe8: {  	[sflag:s26] =	ssyncset.done $0x0  }
0xe9: {  	[sflag:s26] =	ssyncadd.s32 $0xFFFFFFB0  }
0xea: {  	[tilespmem:s28], [sflag:$0x2] =	stream.linear.gather [hbm4b:s14+s0], $0x50, $0x38;
	[tilespmem:$0x5180] =	vst v63  }
0xeb: {  	_ =	swait.ge [sflag:s26], $0x50  }
0xec: {  	[sflag:s26] =	ssyncset.done $0x0  }
0xed: {  	[sflag:s26] =	ssyncadd.s32 $0xFFFFFFB0  }
0xee: {  	_ =	swait.ge [sflag:s29], $0x2800  }
0xef: {  	[sflag:s29] =	ssyncset.done $0x0  }
0xf0: {  	[sflag:s29] =	ssyncadd.s32 $0xFFFFD800  }
0xf1: {  	_ =	swait.ge [sflag:s29], $0x2800  }
0xf2: {  	[sflag:s29] =	ssyncset.done $0x0  }
0xf3: {  	[sflag:s29] =	ssyncadd.s32 $0xFFFFD800  }
0xf4: {  	v0 =	vld [tilespmem:$0x5000]  }
0xf5: {  	v1 =	vld [tilespmem:$0x5080]  }
0xf6: {  	v2 =	vld [tilespmem:$0x5010]  }
0xf7: {  	v3 =	vld [tilespmem:$0x5090]  }
0xf8: {  	v4 =	vld [tilespmem:$0x5020]  }
0xf9: {  	v5 =	vld [tilespmem:$0x50A0]  }
0xfa: {  	v6 =	vld [tilespmem:$0x5030]  }
0xfb: {  	v7 =	vld [tilespmem:$0x50B0]  }
0xfc: {  	v8 =	vld [tilespmem:$0x5040]  }
0xfd: {  	v9 =	vld [tilespmem:$0x50C0]  }
0xfe: {  	v0 =	vadd.f32 v1, v0  }
0xff: {  	v1 =	vadd.f32 v3, v2  }
0x100: {  	v2 =	vadd.f32 v5, v4;
	(erf) = vrcp.f32 v0  }
0x101: {  	v3 =	vadd.f32 v7, v6;
	(erf) = vrcp.f32 v1  }
0x102: {  	v4 =	vadd.f32 v9, v8;
	(erf) = vrcp.f32 v2  }
0x103: {  	(erf) = vrcp.f32 v3  }
0x104: {  	(erf) = vrcp.f32 v4;
	_ =	sdelay $0x4  }
0x105: {  	vm0 =	vgt.f32 v0, $0.0e+00;
	v5 =	vpop (erf)  }
0x106: {  	vm12 =	vgt.f32 v1, $0.0e+00;
	v0 =	vpop (erf);
	v5 =	vnsel vm0, $0x3F800000, v5  }
0x107: {  	vm13 =	vgt.f32 v2, $0.0e+00;
	v1 =	vpop (erf);
	[tilespmem:$0x5100] =	vst v5;
	v0 =	vnsel vm12, $0x3F800000, v0  }
0x108: {  	vm14 =	vgt.f32 v3, $0.0e+00;
	v2 =	vpop (erf);
	[tilespmem:$0x5110] =	vst v0;
	v0 =	vnsel vm13, $0x3F800000, v1  }
0x109: {  	vm15 =	vgt.f32 v4, $0.0e+00;
	[tilespmem:$0x5120] =	vst v0;
	v0 =	vnsel vm14, $0x3F800000, v2;
	v1 =	vpop (erf)  }
0x10a: {  	[tilespmem:$0x5130] =	vst v0;
	v0 =	vnsel vm15, $0x3F800000, v1  }
0x10b: {  	s31 =	simm.s32 $0x0;
	[tilespmem:$0x5140] =	vst v0  }
0x10c: {  	v0 =	vld [tilespmem:s31+$0x2850]  }
0x10d: {  	v7 =	vld [tilespmem:s31+$0x2840]  }
0x10e: {  	v1 =	vld [tilespmem:s31+$0x2830]  }
0x10f: {  	v4 =	vld [tilespmem:s31+$0x2860]  }
0x110: {  	v5 =	vld [tilespmem:s31+$0x2870]  }
0x111: {  	v10 =	vld [tilespmem:s31+$0x40]  }
0x112: {  	v3 =	vld [tilespmem:s31+$0x2800]  }
0x113: {  	v13 =	vld [tilespmem:s31+$0x2820]  }
0x114: {  	v14 =	vld [tilespmem:s31+$0x20]  }
0x115: {  	v11 =	vld [tilespmem:s31+$0x60]  }
0x116: {  	v9 =	vld [tilespmem:s31+$0x70]  }
0x117: {  	s1 =	simm.s32 $0x5100;
	v8 =	vld [tilespmem:s31+$0x50]  }
0x118: {  	v2 =	vld.msk [tilespmem:s1+$0x0 ss:$0x0], $0xffff  }
0x119: {  	v6 =	vld [tilespmem:s31+$0x0]  }
0x11a: {  	v12 =	vld [tilespmem:s31+$0x30]  }
0x11b: {  	s0 =	simm.s32 $0x200;
	v10 =	vadd.f32 v7, v10;
	v13 =	vadd.f32 v13, v14;
	v7 =	vld [tilespmem:s31+$0x10]  }
.LBB2_7:
0x11c: {  	s9 =	smov.u32 s0  }
0x11d: {  	s8 =	sshra.s32 s0, $0x2;
	v14 =	vld [tilespmem:s31+$0x2810];
	v4 =	vadd.f32 v4, v11;
	s1 =	sadd.s32 $0x1, s1;
	s9 =	sadd.s32 $0x200, s0  }
0x11e: {  	p1 =	sne.s32 s0, $0x9E00;
	v8 =	vadd.f32 v0, v8;
	v5 =	vadd.f32 v5, v9;
	v0 =	vld [tilespmem:s8+$0x2850]  }
0x11f: {  	v10 =	vmul.f32 v10, v2;
	v3 =	vadd.f32 v3, v6;
	v6 =	vmul.f32 v13, v2;
	v9 =	vld [tilespmem:s8+$0x2840]  }
0x120: {  	v8 =	vmul.f32 v8, v2;
	v11 =	vadd.f32 v1, v12;
	v12 =	vmul.f32 v4, v2;
	v1 =	vld [tilespmem:s8+$0x2830]  }
0x121: {  	v13 =	vmul.f32 v3, v2;
	v3 =	vmul.f32 v5, v2;
	v4 =	vld [tilespmem:s8+$0x2860];
	[tilespmem:s31+$0x40] =	vst v10  }
0x122: {  	v7 =	vadd.f32 v14, v7;
	v5 =	vld [tilespmem:s8+$0x2870];
	[tilespmem:s31+$0x20] =	vst v6;
	v6 =	vmul.f32 v11, v2  }
0x123: {  	v10 =	vld [tilespmem:s8+$0x40];
	[tilespmem:s31+$0x70] =	vst v3  }
0x124: {  	v2 =	vmul.f32 v7, v2;
	v3 =	vld [tilespmem:s8+$0x2800];
	[tilespmem:s31+$0x60] =	vst v12  }
0x125: {  	v7 =	vld [tilespmem:s8+$0x2820];
	[tilespmem:s31+$0x30] =	vst v6  }
0x126: {  	v12 =	vld [tilespmem:s8+$0x20];
	[tilespmem:s31+$0x10] =	vst v2  }
0x127: {  	v11 =	vld [tilespmem:s8+$0x60];
	[tilespmem:s31+$0x50] =	vst v8  }
0x128: {  	v10 =	vadd.f32 v9, v10;
	v9 =	vld [tilespmem:s8+$0x70];
	[tilespmem:s31+$0x0] =	vst v13;
	s31 =	smov.u32 s8  }
.Ltmp5:
0x129: {  	v8 =	vld [tilespmem:s31+$0x50];
	(pc) =	sbr.rel @p1 .LBB2_7-.Ltmp5, $4  }
0x12a: {  	v2 =	vld.msk [tilespmem:s1+$0x0 ss:$0x0], $0xffff  }
0x12b: {  	v6 =	vld [tilespmem:s31+$0x0];
	v13 =	vadd.f32 v7, v12  }
0x12c: {  	v12 =	vld [tilespmem:s31+$0x30]  }
0x12d: {  	s0 =	smov.u32 s9;
	v7 =	vld [tilespmem:s31+$0x10]  }
0x12e: {  	v14 =	vld [tilespmem:s31+$0x2810]  }
0x12f: {  	v5 =	vadd.f32 v5, v9;
	v9 =	vmul.f32 v10, v2  }
0x130: {  	v4 =	vadd.f32 v4, v11;
	v10 =	vmul.f32 v13, v2  }
0x131: {  	v0 =	vadd.f32 v0, v8;
	v5 =	vmul.f32 v5, v2;
	[tilespmem:s31+$0x40] =	vst v9  }
0x132: {  	v4 =	vmul.f32 v4, v2;
	v1 =	vadd.f32 v1, v12;
	[tilespmem:s31+$0x20] =	vst v10  }
0x133: {  	v0 =	vmul.f32 v0, v2;
	[tilespmem:s31+$0x70] =	vst v5;
	v7 =	vadd.f32 v14, v7  }
0x134: {  	v3 =	vadd.f32 v3, v6;
	[tilespmem:s31+$0x60] =	vst v4;
	v1 =	vmul.f32 v1, v2  }
0x135: {  	[tilespmem:s31+$0x50] =	vst v0;
	v5 =	vmul.f32 v7, v2  }
0x136: {  	[tilespmem:s31+$0x30] =	vst v1;
	v1 =	vmul.f32 v3, v2  }
0x137: {  	[tilespmem:s31+$0x10] =	vst v5  }
0x138: {  	s0 =	simm.s32 $0x0;
	[tilespmem:s31+$0x0] =	vst v1  }
0x139: {  	[hbm4b:s19+s0] =	stream.linear.scatter [tilespmem:s0], [sflag:$0x2], $0x2800, $0x38;
	[tilespmem:$0x5180] =	vst v63  }
0x13a: {  	_ =	swait.ge [sflag:s26], $0x2800  }
0x13b: {  	[sflag:s26] =	ssyncset.done $0x0  }
0x13c: {  	[sflag:s26] =	ssyncadd.s32 $0xFFFFD800  }
0x13d: {  	[tilespmem:s0], [sflag:$0x1] =	stream.linear.gather [hbm4b:s21+s0], $0x2800, $0x38;
	[tilespmem:$0x5180] =	vst v63  }
0x13e: {  	_ = 	snop  }
0x13f: {  	[tilespmem:s24], [sflag:$0x1] =	stream.linear.gather [hbm4b:s20+s0], $0x2800, $0x38;
	[tilespmem:$0x5180] =	vst v63  }
0x140: {  	_ = 	snop  }
0x141: {  	[tilespmem:s25], [sflag:$0x2] =	stream.linear.gather [hbm4b:s15+s0], $0x50, $0x38;
	[tilespmem:$0x5180] =	vst v63  }
0x142: {  	_ =	swait.ge [sflag:s26], $0x50  }
0x143: {  	[sflag:s26] =	ssyncset.done $0x0  }
0x144: {  	[sflag:s26] =	ssyncadd.s32 $0xFFFFFFB0  }
0x145: {  	[tilespmem:s28], [sflag:$0x2] =	stream.linear.gather [hbm4b:s16+s0], $0x50, $0x38;
	[tilespmem:$0x5180] =	vst v63  }
0x146: {  	_ =	swait.ge [sflag:s26], $0x50  }
0x147: {  	[sflag:s26] =	ssyncset.done $0x0  }
0x148: {  	[sflag:s26] =	ssyncadd.s32 $0xFFFFFFB0  }
0x149: {  	_ =	swait.ge [sflag:s29], $0x2800  }
0x14a: {  	[sflag:s29] =	ssyncset.done $0x0  }
0x14b: {  	[sflag:s29] =	ssyncadd.s32 $0xFFFFD800  }
0x14c: {  	_ =	swait.ge [sflag:s29], $0x2800  }
0x14d: {  	[sflag:s29] =	ssyncset.done $0x0  }
0x14e: {  	[sflag:s29] =	ssyncadd.s32 $0xFFFFD800  }
0x14f: {  	v0 =	vld [tilespmem:$0x5000]  }
0x150: {  	v1 =	vld [tilespmem:$0x5080]  }
0x151: {  	v2 =	vld [tilespmem:$0x5010]  }
0x152: {  	v3 =	vld [tilespmem:$0x5090]  }
0x153: {  	v4 =	vld [tilespmem:$0x5020]  }
0x154: {  	v5 =	vld [tilespmem:$0x50A0]  }
0x155: {  	v6 =	vld [tilespmem:$0x5030]  }
0x156: {  	v7 =	vld [tilespmem:$0x50B0]  }
0x157: {  	v8 =	vld [tilespmem:$0x5040]  }
0x158: {  	v9 =	vld [tilespmem:$0x50C0]  }
0x159: {  	v0 =	vadd.f32 v1, v0  }
0x15a: {  	v1 =	vadd.f32 v3, v2  }
0x15b: {  	v2 =	vadd.f32 v5, v4;
	(erf) = vrcp.f32 v0  }
0x15c: {  	v3 =	vadd.f32 v7, v6;
	(erf) = vrcp.f32 v1  }
0x15d: {  	v4 =	vadd.f32 v9, v8;
	(erf) = vrcp.f32 v2  }
0x15e: {  	(erf) = vrcp.f32 v3  }
0x15f: {  	(erf) = vrcp.f32 v4;
	_ =	sdelay $0x4  }
0x160: {  	vm0 =	vgt.f32 v0, $0.0e+00;
	v5 =	vpop (erf)  }
0x161: {  	vm12 =	vgt.f32 v1, $0.0e+00;
	v0 =	vpop (erf);
	v5 =	vnsel vm0, $0x3F800000, v5  }
0x162: {  	vm13 =	vgt.f32 v2, $0.0e+00;
	v1 =	vpop (erf);
	[tilespmem:$0x5100] =	vst v5;
	v0 =	vnsel vm12, $0x3F800000, v0  }
0x163: {  	vm14 =	vgt.f32 v3, $0.0e+00;
	v2 =	vpop (erf);
	[tilespmem:$0x5110] =	vst v0;
	v0 =	vnsel vm13, $0x3F800000, v1  }
0x164: {  	vm15 =	vgt.f32 v4, $0.0e+00;
	[tilespmem:$0x5120] =	vst v0;
	v0 =	vnsel vm14, $0x3F800000, v2;
	v1 =	vpop (erf)  }
0x165: {  	[tilespmem:$0x5130] =	vst v0;
	v0 =	vnsel vm15, $0x3F800000, v1  }
0x166: {  	s31 =	simm.s32 $0x0;
	[tilespmem:$0x5140] =	vst v0  }
0x167: {  	v0 =	vld [tilespmem:s31+$0x2850]  }
0x168: {  	v7 =	vld [tilespmem:s31+$0x2840]  }
0x169: {  	v1 =	vld [tilespmem:s31+$0x2830]  }
0x16a: {  	v4 =	vld [tilespmem:s31+$0x2860]  }
0x16b: {  	v5 =	vld [tilespmem:s31+$0x2870]  }
0x16c: {  	v10 =	vld [tilespmem:s31+$0x40]  }
0x16d: {  	v3 =	vld [tilespmem:s31+$0x2800]  }
0x16e: {  	v13 =	vld [tilespmem:s31+$0x2820]  }
0x16f: {  	v14 =	vld [tilespmem:s31+$0x20]  }
0x170: {  	v11 =	vld [tilespmem:s31+$0x60]  }
0x171: {  	v9 =	vld [tilespmem:s31+$0x70]  }
0x172: {  	s1 =	simm.s32 $0x5100;
	v8 =	vld [tilespmem:s31+$0x50]  }
0x173: {  	v2 =	vld.msk [tilespmem:s1+$0x0 ss:$0x0], $0xffff  }
0x174: {  	v6 =	vld [tilespmem:s31+$0x0]  }
0x175: {  	v12 =	vld [tilespmem:s31+$0x30]  }
0x176: {  	s0 =	simm.s32 $0x200;
	v10 =	vadd.f32 v7, v10;
	v13 =	vadd.f32 v13, v14;
	v7 =	vld [tilespmem:s31+$0x10]  }
.LBB2_9:
0x177: {  	s9 =	smov.u32 s0  }
0x178: {  	s8 =	sshra.s32 s0, $0x2;
	v14 =	vld [tilespmem:s31+$0x2810];
	v4 =	vadd.f32 v4, v11;
	s1 =	sadd.s32 $0x1, s1;
	s9 =	sadd.s32 $0x200, s0  }
0x179: {  	p1 =	sne.s32 s0, $0x9E00;
	v8 =	vadd.f32 v0, v8;
	v5 =	vadd.f32 v5, v9;
	v0 =	vld [tilespmem:s8+$0x2850]  }
0x17a: {  	v3 =	vadd.f32 v3, v6;
	v6 =	vmul.f32 v13, v2;
	v10 =	vmul.f32 v10, v2;
	v9 =	vld [tilespmem:s8+$0x2840]  }
0x17b: {  	v11 =	vadd.f32 v1, v12;
	v8 =	vmul.f32 v8, v2;
	v12 =	vmul.f32 v4, v2;
	v1 =	vld [tilespmem:s8+$0x2830]  }
0x17c: {  	v13 =	vmul.f32 v3, v2;
	v3 =	vmul.f32 v5, v2;
	v4 =	vld [tilespmem:s8+$0x2860];
	[tilespmem:s31+$0x40] =	vst v10  }
0x17d: {  	v7 =	vadd.f32 v14, v7;
	v5 =	vld [tilespmem:s8+$0x2870];
	[tilespmem:s31+$0x20] =	vst v6;
	v6 =	vmul.f32 v11, v2  }
0x17e: {  	v10 =	vld [tilespmem:s8+$0x40];
	[tilespmem:s31+$0x70] =	vst v3  }
0x17f: {  	v2 =	vmul.f32 v7, v2;
	v3 =	vld [tilespmem:s8+$0x2800];
	[tilespmem:s31+$0x60] =	vst v12  }
0x180: {  	v7 =	vld [tilespmem:s8+$0x2820];
	[tilespmem:s31+$0x30] =	vst v6  }
0x181: {  	v12 =	vld [tilespmem:s8+$0x20];
	[tilespmem:s31+$0x10] =	vst v2  }
0x182: {  	v11 =	vld [tilespmem:s8+$0x60];
	[tilespmem:s31+$0x50] =	vst v8  }
0x183: {  	v10 =	vadd.f32 v9, v10;
	v9 =	vld [tilespmem:s8+$0x70];
	[tilespmem:s31+$0x0] =	vst v13;
	s31 =	smov.u32 s8  }
.Ltmp6:
0x184: {  	v8 =	vld [tilespmem:s31+$0x50];
	(pc) =	sbr.rel @p1 .LBB2_9-.Ltmp6, $4  }
0x185: {  	v2 =	vld.msk [tilespmem:s1+$0x0 ss:$0x0], $0xffff  }
0x186: {  	v6 =	vld [tilespmem:s31+$0x0];
	v13 =	vadd.f32 v7, v12  }
0x187: {  	v12 =	vld [tilespmem:s31+$0x30]  }
0x188: {  	s0 =	smov.u32 s9;
	v7 =	vld [tilespmem:s31+$0x10]  }
.Ltmp7:
0x189: {  	_ = 	snop;
	(pc) =	sbr.rel .LBB2_10-.Ltmp7, $1  }
0x18a: {  	_ =	sdelay $0x3  }
.LBB2_12:
0x18b: {  	_ =	sfence.sel $0x180000  }
0x18c: {  	[bflag:$0x0] =	sbarrier.arrive $0xFFFF  }
0x18d: {  	_ =	strace $0x9000004A  }
0x18e: {  	s0 =	stileid.u32;
	[bflag:$0x2] =	sbarrier.arrive $0xFFFF  }
0x18f: {  	p0 =	sne.s32 s0, $0x0;
	s0 =	rddreg [dreg:$0x2]  }
0x190: {  	s0 =	sadd.s32 @!p0 $0x100000, s0  }
0x191: {  	[sflag:s0] =	ssyncadd.tile.s32 @!p0 $0x1;
	_ =	shalt  }
.Lfunc_end2:
_tile_overlayer_lowered:
.L_overlay_start_2:
0x192: {  	(tag) =	ssettag $0x2  }
0x193: {  	s0 =	rddreg [dreg:$0x0];
	s2 =	stileid.u32  }
0x194: {  	s1 =	rddreg [dreg:$0x1];
	p0 =	sne.s32 s2, $0x0  }
0x195: {  	s3 =	rddreg [dreg:$0x2];
	[bflag:$0x3] =	sbarrier.arrive $0xFFFF;
	s2 =	simm.s32 @!p0 $0x1C02  }
0x196: {  	[timem:s3], [sflag:s2] =	dma.local @!p0 [hbm:s0], s1  }
0x197: {  	s0 =	simm.s32 @!p0 $0x2  }
0x198: {  	_ =	swait.ge @!p0 [sflag:s0], s1  }
0x199: {  	s1 =	ssub.s32 @!p0 $0x0, s1;
	[sflag:s0] =	ssyncset.done @!p0 $0x0  }
0x19a: {  	[sflag:s0] =	ssyncadd.s32 @!p0 s1  }
0x19b: {  	[bflag:$0x3] =	sbarrier.arrive $0xFFFF  }
0x19c: {  	_ =	shalt  }

// kernel: kernel.7.cloned.1.call-start
scs
__scs_entry_jumppad:
0x0: {  	(pc) =	sbr.rel $0x88, $3  }
0x1: {  	(tag) =	ssettag $0x0;
	lr =	simm.s32 $0x1  }
0x2: {  	[smem:$0x3F99] =	sst lr;
	_ =	strace $0xD0000000  }
0x3: {  	_ = 	snop  }
0x4: {  	_ = 	snop  }
0x5: {  	_ = 	snop  }
0x6: {  	_ = 	snop  }
0x7: {  	_ = 	snop  }
__scs_overlays_trampoline_lowered:
0x8: {  	[smem:$0x3FA8] =	sst s0  }
0x9: {  	[smem:$0x3FA9] =	sst s1  }
0xa: {  	[smem:$0x3FAA] =	sst s2  }
0xb: {  	[smem:$0x3FAB] =	sst s3  }
0xc: {  	[smem:$0x3FAC] =	sst s4  }
0xd: {  	[smem:$0x3FAD] =	sst s5  }
0xe: {  	[smem:$0x3FAE] =	sst s6  }
0xf: {  	[smem:$0x3FAF] =	sst s7  }
0x10: {  	[smem:$0x3FB0] =	sst s8  }
0x11: {  	[smem:$0x3FB1] =	sst s9;
	s0 =	simm.s32 @!p0 $0x0  }
0x12: {  	s1 =	sld [smem:$0x3F97];
	s0 =	simm.s32 @p0 $0x1  }
0x13: {  	[smem:$0x3FB2] =	sst s0;
	s0 =	simm.s32 @!p1 $0x0  }
0x14: {  	s2 =	sld [smem:$0x3F96];
	s0 =	simm.s32 @p1 $0x1  }
0x15: {  	[smem:$0x3FB3] =	sst s0;
	s0 =	simm.s32 @!p2 $0x0  }
0x16: {  	s3 =	sld [smem:$0x3FDB];
	s0 =	simm.s32 @p2 $0x1  }
0x17: {  	s4 =	simm.s32 $0x1BF5;
	[smem:$0x3FB5] =	sst s0  }
0x18: {  	s0 =	sld [smem:$0x3F98];
	_ =	swait.ge [sflag:s4], $0x0  }
0x19: {  	s7 =	sld [smem:$0x3F99]  }
0x1a: {  	s8 =	sadd.s32 $0xFFFFE003, lr  }
0x1b: {  	s9 =	sadd.s32 $0xFFFFFEF7, lr;
	s5 =	simm.s32 $0xFFFFFFFF;
	p2 =	slt.u32 s8, $0xFFFFF086  }
0x1c: {  	p1 =	slt.u32 s9, $0xF7A;
	s5 =	simm.s32 @!p2 $0x0  }
0x1d: {  	s5 =	simm.s32 @p1 $0x1;
	p0 =	seq.s32 s7, s2  }
0x1e: {  	s7 =	smul.u32 @!p0 $0xF7A, s2;
	p2 =	seq.s32 @!p0 s5, $0x0  }
0x1f: {  	s9 =	smul.u32 $0xF7A, s1;
	s8 =	simm.s32 @!p0 $0x1BF5;
	p2 =	por !p2, p0  }
0x20: {  	[sflag:s8] =	ssyncset.s32 @!p0 $0xFFFFF086;
	s6 =	sadd.s32 @!p0 s3, s7;
	s7 =	simm.s32 @!p0 $0x108  }
0x21: {  	s3 =	sadd.s32 s3, s9;
	s6 =	sadd.s32 @!p0 $0x88, s6;
	s7 =	simm.s32 @p2 $0x1082  }
0x22: {  	[simem:s7], [sflag:s8] =	dma.local @!p0 [hbm:s6], $0xF7A  }
0x23: {  	s9 =	sor.u32 $0xD0000000, s2;
	s6 =	simm.s32 $0x108;
	_ =	swait.ge @!p0 [sflag:s8], $0x0  }
0x24: {  	s3 =	sadd.s32 $0x88, s3;
	s6 =	simm.s32 @!p1 $0x1082;
	[sflag:s4] =	ssyncset.s32 $0xFFFFF086  }
0x25: {  	[simem:s6], [sflag:s4] =	dma.local [hbm:s3], $0xF7A  }
0x26: {  	[smem:$0x3F99] =	sst s1;
	(tag) =	ssettag s2;
	_ =	strace s9  }
0x27: {  	s1 =	sld [smem:$0x3FA9]  }
0x28: {  	s2 =	sld [smem:$0x3FAA]  }
0x29: {  	s4 =	sld [smem:$0x3FAC]  }
0x2a: {  	p0 =	seq.s32 s5, $0x0;
	s5 =	sld [smem:$0x3FAD]  }
0x2b: {  	s6 =	sld [smem:$0x3FAE]  }
0x2c: {  	s7 =	sld [smem:$0x3FAF]  }
0x2d: {  	s3 =	simm.s32 $0x108;
	s8 =	sld [smem:$0x3FB0]  }
0x2e: {  	s3 =	simm.s32 @!p0 $0x1082;
	s9 =	sld [smem:$0x3FB1]  }
0x2f: {  	lr =	sadd.s32 s0, s3;
	s0 =	sld [smem:$0x3FA8]  }
0x30: {  	s3 =	sld [smem:$0x3FAB]  }
0x31: {  	[smem:$0x3FB4] =	sst s10  }
0x32: {  	s10 =	sld [smem:$0x3FB2];
	_ =	sdelay $0x3  }
0x33: {  	p0 =	seq.s32 s10, $0x1;
	s10 =	sld [smem:$0x3FB4];
	_ =	sdelay $0x3  }
0x34: {  	[smem:$0x3FB4] =	sst s10  }
0x35: {  	s10 =	sld [smem:$0x3FB3];
	_ =	sdelay $0x3  }
0x36: {  	p1 =	seq.s32 s10, $0x1;
	s10 =	sld [smem:$0x3FB4];
	_ =	sdelay $0x3  }
0x37: {  	[smem:$0x3FB4] =	sst s10  }
0x38: {  	s10 =	sld [smem:$0x3FB5]  }
0x39: {  	_ = 	snop;
	(pc) =	sbr.ind lr, $3  }
0x3a: {  	_ = 	snop  }
0x3b: {  	_ = 	snop  }
0x3c: {  	p2 =	seq.s32 s10, $0x1;
	s10 =	sld [smem:$0x3FB4]  }
0x3d: {  	_ =	shalt  }
0x3e: {  	_ =	shalt  }
0x3f: {  	_ =	shalt  }
0x40: {  	_ =	shalt  }
0x41: {  	_ =	shalt  }
0x42: {  	_ =	shalt  }
0x43: {  	_ =	shalt  }
0x44: {  	_ =	shalt  }
0x45: {  	_ =	shalt  }
0x46: {  	_ =	shalt  }
0x47: {  	_ =	shalt  }
0x48: {  	_ =	shalt  }
0x49: {  	_ =	shalt  }
0x4a: {  	_ =	shalt  }
0x4b: {  	_ =	shalt  }
0x4c: {  	_ =	shalt  }
0x4d: {  	_ =	shalt  }
0x4e: {  	_ =	shalt  }
0x4f: {  	_ =	shalt  }
0x50: {  	_ =	shalt  }
0x51: {  	_ =	shalt  }
0x52: {  	_ =	shalt  }
0x53: {  	_ =	shalt  }
0x54: {  	_ =	shalt  }
0x55: {  	_ =	shalt  }
0x56: {  	_ =	shalt  }
0x57: {  	_ =	shalt  }
0x58: {  	_ =	shalt  }
0x59: {  	_ =	shalt  }
0x5a: {  	_ =	shalt  }
0x5b: {  	_ =	shalt  }
0x5c: {  	_ =	shalt  }
0x5d: {  	_ =	shalt  }
0x5e: {  	_ =	shalt  }
0x5f: {  	_ =	shalt  }
0x60: {  	_ =	shalt  }
0x61: {  	_ =	shalt  }
0x62: {  	_ =	shalt  }
0x63: {  	_ =	shalt  }
0x64: {  	_ =	shalt  }
0x65: {  	_ =	shalt  }
0x66: {  	_ =	shalt  }
0x67: {  	_ =	shalt  }
0x68: {  	_ =	shalt  }
0x69: {  	_ =	shalt  }
0x6a: {  	_ =	shalt  }
0x6b: {  	_ =	shalt  }
0x6c: {  	_ =	shalt  }
0x6d: {  	_ =	shalt  }
0x6e: {  	_ =	shalt  }
0x6f: {  	_ =	shalt  }
0x70: {  	_ =	shalt  }
0x71: {  	_ =	shalt  }
0x72: {  	_ =	shalt  }
0x73: {  	_ =	shalt  }
0x74: {  	_ =	shalt  }
0x75: {  	_ =	shalt  }
0x76: {  	_ =	shalt  }
0x77: {  	_ =	shalt  }
0x78: {  	_ =	shalt  }
0x79: {  	_ =	shalt  }
0x7a: {  	_ =	shalt  }
0x7b: {  	_ =	shalt  }
0x7c: {  	_ =	shalt  }
0x7d: {  	_ =	shalt  }
0x7e: {  	_ =	shalt  }
0x7f: {  	_ =	shalt  }
0x80: {  	_ =	shalt  }
0x81: {  	_ =	shalt  }
0x82: {  	_ =	shalt  }
0x83: {  	_ =	shalt  }
0x84: {  	_ =	shalt  }
0x85: {  	_ =	shalt  }
0x86: {  	_ =	shalt  }
0x87: {  	_ =	shalt  }
.Lfunc_end0:
.L_simem_size_0:
called_computation_lowered:
.L_overlay_start_0:
0x88: {  	s2 =	sld [smem:$0x3FD9]  }
0x89: {  	s3 =	sld [smem:$0x3FFE];
	_ =	sdelay $0x1  }
0x8a: {  	s1 =	srdreg.scid  }
0x8b: {  	s0 =	sand.u32 $0x1, s1  }
0x8c: {  	s14 =	sshll.u32 s0, $0xA;
	s2 =	sadd.s32 s3, s2  }
0x8d: {  	s2 =	sadd.s32 s2, s14  }
0x8e: {  	[smem:$0x3FC0] =	sst s2  }
0x8f: {  	_ = 	snop  }
0x90: {  	s2 =	sld [smem:$0x3FD0];
	_ =	sdelay $0x2  }
0x91: {  	s15 =	simm.s32 $0xA;
	s4 =	simm.s32 $0x10  }
0x92: {  	[smem:s4], [sflag:s15] =	dma.local [hbm:s2], $0x1  }
0x93: {  	_ =	swait.eq [sflag:s15], $0x1  }
0x94: {  	[sflag:s15] =	ssyncset.done $0x0  }
0x95: {  	s16 =	sld [smem:$0x10];
	[sflag:s15] =	ssyncadd.s32 $0xFFFFFFFF  }
0x96: {  	s17 =	sld [smem:$0x11];
	(tm) =	ssettm $0x1  }
0x97: {  	s18 =	sld [smem:$0x3FFB];
	_ =	sdelay $0x3  }
0x98: {  	_ =	strace s18  }
0x99: {  	s4 =	sld [smem:$0x3FFC];
	_ =	sdelay $0x3  }
0x9a: {  	_ =	strace s4  }
0x9b: {  	s4 =	sld [smem:$0x3FFD];
	_ =	sdelay $0x3  }
0x9c: {  	_ =	strace s4  }
0x9d: {  	_ =	strace $0x8FFFFFFF  }
0x9e: {  	s19 =	sld [smem:$0x3FDB];
	_ =	sdelay $0x1  }
0x9f: {  	s5 =	simm.s32 $_scs_section_size  }
0xa0: {  	s6 =	simm.s32 $_size__tile_overlayer_lowered;
	s7 =	simm.s32 $_tile_overlayer_lowered  }
0xa1: {  	s22 =	simm.s32 $0x1BFF;
	s21 =	sshll.u32 s7, $0x1;
	s4 =	sadd.s32 s5, s19  }
0xa2: {  	s8 =	simm.s32 $0x0;
	s20 =	sshll.u32 s6, $0x1;
	s6 =	sadd.s32 s21, s4  }
0xa3: {  	[timem:s8], [sflag:s22] =	dma.local [hbm:s6], s20  }
0xa4: {  	_ =	swait.ge [sflag:s22], s20  }
0xa5: {  	s5 =	ssub.s32 $0x0, s20;
	[sflag:s22] =	ssyncset.done $0x0  }
0xa6: {  	[sflag:s22] =	ssyncadd.s32 s5;
	_ =	sdelay $0x1  }
0xa7: {  	s23 =	simm.s32 $0x1B8B  }
0xa8: {  	_ =	swait.ge [sflag:s23], $0x1  }
0xa9: {  	[sflag:s23] =	ssyncset.done $0x0  }
0xaa: {  	s25 =	simm.s32 $0x1B8E;
	s24 =	sld [smem:$0x3FFE];
	[sflag:s23] =	ssyncadd.s32 $0xFFFFFFFF  }
0xab: {  	s26 =	simm.s32 $execute0_lowered;
	[smem:$0x3FD2] =	sst s25  }
0xac: {  	s6 =	sshll.u32 s26, $0x1;
	_ =	strace $0x80000046;
	[dreg:$0x1] =	wrdreg $0xFFFFFFFF  }
0xad: {  	s28 =	simm.s32 $_size_execute0_lowered;
	s4 =	sadd.s32 s4, s6;
	[dreg:$0x0] =	wrdreg $0x0  }
0xae: {  	s6 =	sshll.u32 s28, $0x1;
	[dreg:$0x2] =	wrdreg s4  }
0xaf: {  	[dreg:$0x3] =	wrdreg s6  }
0xb0: {  	[dreg:$0x4] =	wrdreg $0xC0  }
0xb1: {  	_ =	task [dreg:s8], $0x5FFFF  }
0xb2: {  	[dreg:$0x1] =	wrdreg $0xFFFFFFFF  }
0xb3: {  	[dreg:$0x0] =	wrdreg $0x60  }
0xb4: {  	[dreg:$0x2] =	wrdreg s24  }
0xb5: {  	[dreg:$0x3] =	wrdreg s16  }
0xb6: {  	[dreg:$0x4] =	wrdreg s17  }
0xb7: {  	[dreg:$0x5] =	wrdreg $0xBF000  }
0xb8: {  	[dreg:$0x6] =	wrdreg $0xBC800  }
0xb9: {  	[dreg:$0x7] =	wrdreg $0x9  }
0xba: {  	_ =	task.clear_ibuf [dreg:s8], $0x8FFFF;
	_ =	strace $0x90000046  }
0xbb: {  	s29 =	simm.s32 $0x9;
	_ =	strace $0x80000048  }
0xbc: {  	_ =	swait.ge [sflag:s29], $0x1  }
0xbd: {  	[sflag:s29] =	ssyncadd.s32 $0xFFFFFFFF  }
0xbe: {  	_ =	strace $0x90000048  }
0xbf: {  	_ =	sfence  }
0xc0: {  	s30 =	sld [smem:$0x0];
	_ =	sdelay $0x2  }
0xc1: {  	s31 =	sshll.u32 s1, $0xD;
	s1 =	sshrl.u32 s1, $0x2  }
0xc2: {  	s3 =	sand.u32 $0x4000, s31;
	s1 =	sadd.s32 s1, s30  }
0xc3: {  	s0 =	sor.u32 s3, s0;
	s1 =	sshll.u32 s1, $0x11  }
0xc4: {  	s0 =	sor.u32 s1, s0  }
0xc5: {  	s0 =	sadd.s32 $0x8F2B, s0  }
0xc6: {  	[sflag:s0] =	ssyncadd.remote.s32 $0x1  }
0xc7: {  	_ =	sfence.sel $0xFFFF  }
0xc8: {  	[dreg:$0x0] =	wrdreg $0xFFFFFFFF;
	(pc) =	sbr.abs _section_cstart, $3  }
0xc9: {  	[dreg:$0x1] =	wrdreg $0xFFFFFFFF  }
0xca: {  	_ =	task.clear_ibuf [dreg:s8], $0x2FFFF;
	_ =	strace $0x9FFFFFFF  }
0xcb: {  	(tm) =	ssettm $0x7FFFFFFF  }
tec
execute0_lowered:
.L_overlay_start_1:
0x0: {  	(tag) =	ssettag $0x1  }
0x1: {  	s0 =	rddreg [dreg:$0x0]  }
0x2: {  	s4 =	rddreg [dreg:$0x2]  }
0x3: {  	s1 =	rddreg [dreg:$0x3]  }
0x4: {  	s19 =	rddreg [dreg:$0x4]  }
0x5: {  	s5 =	simm.s32 $0x0;
	s2 =	srdreg.scid;
	s20 =	stileid.u32  }
0x6: {  	[smem:$0x7FF] =	sst s5;
	s7 =	sadd.s32 $0xA800, s0;
	s8 =	sadd.s32 $0xA00, s0  }
0x7: {  	s2 =	sand.u32 $0x1, s2;
	s3 =	smul.u32 $0x280, s20;
	s9 =	sadd.s32 $0x63600, s0  }
0x8: {  	s10 =	sadd.s32 $0x3B800, s0;
	s11 =	sadd.s32 $0x14600, s0;
	s12 =	sadd.s32 $0x545600, s0  }
0x9: {  	s13 =	sadd.s32 $0x62A00, s0;
	s14 =	sadd.s32 $0x63000, s0;
	s15 =	sshll.u32 s20, $0x1  }
0xa: {  	s6 =	smul.u32 $0x2800, s2;
	s17 =	ssub.s32 $0x2, s2;
	s2 =	sor.u32 s2, s15  }
0xb: {  	_ =	strace $0x80000047;
	s18 =	sshrl.u32 s17, $0x1;
	s15 =	smul.u32 $0x2710, s2  }
0xc: {  	s19 =	sadd.s32 s3, s19;
	s2 =	smul.u32 $0x27100, s2;
	s6 =	sadd.s32 s3, s6  }
0xd: {  	[dreg:$0x6] =	wrdreg s19;
	s16 =	sshrl.u32 s6, $0x3;
	s6 =	sshll.u32 s6, $0x4  }
0xe: {  	s26 =	sshrl.u32 s15, $0x3;
	s22 =	sadd.s32 $0x28, s15;
	s2 =	sadd.s32 s9, s2  }
0xf: {  	s16 =	sadd.s32 s16, s0;
	s0 =	sadd.s32 s6, s0;
	[dreg:$0xa] =	wrdreg s2  }
0x10: {  	s6 =	ssub.s32 s17, s18;
	s18 =	sadd.s32 s7, s26;
	[dreg:$0x9] =	wrdreg s22  }
0x11: {  	s24 =	smul.u32 $0x50000, s20;
	s21 =	sadd.s32 s8, s26;
	[dreg:$0x7] =	wrdreg s18  }
0x12: {  	s23 =	sshll.u32 s22, $0x4;
	s3 =	sadd.s32 s12, s26;
	[dreg:$0x8] =	wrdreg s21  }
0x13: {  	s26 =	sshrl.u32 s24, $0x2;
	s24 =	sadd.s32 $0x78, s15;
	[dreg:$0xb] =	wrdreg s3  }
0x14: {  	s25 =	sshrl.u32 s22, $0x3;
	s2 =	sadd.s32 s9, s23;
	[dreg:$0x15] =	wrdreg s24  }
0x15: {  	s18 =	sadd.s32 s7, s25;
	[dreg:$0xc] =	wrdreg s2  }
0x16: {  	s20 =	sadd.s32 s8, s25;
	[dreg:$0xd] =	wrdreg s18  }
0x17: {  	s21 =	sadd.s32 $0x54F400, s16;
	[dreg:$0xe] =	wrdreg s20  }
0x18: {  	s0 =	sadd.s32 $0x54FE00, s0;
	[dreg:$0x10] =	wrdreg s21  }
0x19: {  	s22 =	smax.u32 s6, $0x1;
	[dreg:$0x12] =	wrdreg s0  }
0x1a: {  	s23 =	sadd.s32 $0x50, s15;
	[dreg:$0x13] =	wrdreg s22  }
0x1b: {  	s2 =	sadd.s32 s12, s25;
	[dreg:$0x14] =	wrdreg s23  }
0x1c: {  	s25 =	sadd.s32 s26, s1;
	[dreg:$0xf] =	wrdreg s2  }
0x1d: {  	s26 =	sadd.s32 $0x1400, s25;
	[dreg:$0x11] =	wrdreg s25  }
0x1e: {  	s1 =	sadd.s32 $0x2800, s25;
	[dreg:$0x16] =	wrdreg s26  }
0x1f: {  	s2 =	sadd.s32 $0x3C00, s25;
	[dreg:$0x17] =	wrdreg s1  }
0x20: {  	s3 =	sadd.s32 $0x5000, s25;
	[dreg:$0x18] =	wrdreg s2  }
0x21: {  	s6 =	sadd.s32 $0x6400, s25;
	[dreg:$0x19] =	wrdreg s3  }
0x22: {  	s31 =	smov.u32 s15;
	s15 =	sadd.s32 $0x7800, s25;
	[dreg:$0x1a] =	wrdreg s6  }
0x23: {  	s16 =	sadd.s32 $0x8C00, s25;
	[dreg:$0x1b] =	wrdreg s15  }
0x24: {  	s17 =	sadd.s32 $0xA000, s25;
	[dreg:$0x1c] =	wrdreg s16  }
0x25: {  	s18 =	sadd.s32 $0xB400, s25;
	[dreg:$0x1d] =	wrdreg s17  }
0x26: {  	s20 =	sadd.s32 $0xC800, s25;
	[dreg:$0x1e] =	wrdreg s18  }
0x27: {  	s29 =	simm.s32 $0x5380;
	s21 =	sadd.s32 $0xDC00, s25;
	[dreg:$0x1f] =	wrdreg s20  }
0x28: {  	s28 =	simm.s32 $0x5400;
	s22 =	sadd.s32 $0xF000, s25;
	[smem:$0x7F9] =	sst s21  }
0x29: {  	s30 =	simm.s32 $0x2;
	s23 =	sadd.s32 $0x10400, s25;
	[smem:$0x7FA] =	sst s22  }
.Ltmp0:
0x2a: {  	s24 =	sadd.s32 $0x11800, s25;
	[smem:$0x7FB] =	sst s23;
	(pc) =	sbr.rel .LBB2_1-.Ltmp0, $4  }
0x2b: {  	[smem:$0x7FC] =	sst s24;
	s26 =	sadd.s32 $0x12C00, s25;
	s20 =	simm.s32 $0x7  }
0x2c: {  	s22 =	simm.s32 $0x80;
	s23 =	simm.s32 $0x28;
	s17 =	simm.s32 $0x9000  }
0x2d: {  	s18 =	simm.s32 $0x5;
	s21 =	simm.s32 $0x6;
	s6 =	simm.s32 $0x4  }
0x2e: {  	v0 =	vimm.f32 $0.0e+00;
	s1 =	simm.s32 $0x0;
	[smem:$0x7FD] =	sst s26;
	s26 =	simm.s32 $0x5300  }
.LBB2_10:
0x2f: {  	s0 =	simm.s32 $0x3  }
0x30: {  	_ =	swait.ge [sflag:s0], $0x1400  }
0x31: {  	[sflag:s0] =	ssyncset.done $0x0  }
0x32: {  	[sflag:s0] =	ssyncadd.s32 $0xFFFFEC00  }
0x33: {  	_ =	swait.ge [sflag:s21], $0x1400  }
0x34: {  	[sflag:s21] =	ssyncset.done $0x0  }
0x35: {  	[sflag:s21] =	ssyncadd.s32 $0xFFFFEC00  }
0x36: {  	s2 =	stileid.u32;
	[bflag:$0x0] =	sbarrier.arrive $0xFFFF  }
0x37: {  	s0 =	sshll.u32 s2, $0x6;
	s19 =	rddreg [dreg:$0x6]  }
0x38: {  	s0 =	sor.u32 $0x1C07, s0;
	s2 =	rddreg [dreg:$0x10];
	s1 =	sshrl.u32 s19, $0x3  }
0x39: {  	[hbm:s2], [sflag:s0] =	dma.local [spmem:s1], $0x50  }
0x3a: {  	_ =	swait.ge [sflag:s20], $0x50  }
0x3b: {  	[sflag:s20] =	ssyncset.done $0x0;
	s25 =	rddreg [dreg:$0x11]  }
0x3c: {  	s15 =	rddreg [dreg:$0x12];
	[sflag:s20] =	ssyncadd.s32 $0xFFFFFFB0;
	s3 =	sshrl.u32 s25, $0x3  }
0x3d: {  	[hbm:s15], [sflag:s0] =	dma.local [spmem:s3], $0x2800  }
0x3e: {  	_ =	swait.ge [sflag:s20], $0x2800  }
0x3f: {  	s16 =	sld [smem:$0x7F8];
	_ =	sdelay $0x2  }
0x40: {  	s24 =	rddreg [dreg:$0x13];
	s1 =	sadd.s32 $0x1, s16  }
0x41: {  	p0 =	sne.s32 s1, s24  }
.Ltmp1:
0x42: {  	_ = 	snop;
	(pc) =	sbr.rel @!p0 .LBB2_11-.Ltmp1, $3  }
0x43: {  	_ =	sdelay $0x1  }
0x44: {  	[sflag:s20] =	ssyncset.done $0x0  }
0x45: {  	[sflag:s20] =	ssyncadd.s32 $0xFFFFD800  }
.LBB2_1:
0x46: {  	[tilespmem:$0xA600] =	vst v0  }
0x47: {  	[tilespmem:$0xA610] =	vst v0  }
0x48: {  	[tilespmem:$0xA620] =	vst v0  }
0x49: {  	[tilespmem:$0xA630] =	vst v0  }
0x4a: {  	[tilespmem:$0xA640] =	vst v0  }
0x4b: {  	[tilespmem:$0xA650] =	vst v0  }
0x4c: {  	[tilespmem:$0xA660] =	vst v0  }
0x4d: {  	[tilespmem:$0xA670] =	vst v0  }
0x4e: {  	[tilespmem:$0xA680] =	vst v0  }
0x4f: {  	[tilespmem:$0xA690] =	vst v0  }
0x50: {  	[tilespmem:$0xA6A0] =	vst v0  }
0x51: {  	[tilespmem:$0xA6B0] =	vst v0  }
0x52: {  	[tilespmem:$0xA6C0] =	vst v0  }
0x53: {  	[tilespmem:$0xA6D0] =	vst v0  }
0x54: {  	[tilespmem:$0xA6E0] =	vst v0  }
0x55: {  	[tilespmem:$0xA6F0] =	vst v0  }
0x56: {  	[tilespmem:$0xA700] =	vst v0  }
0x57: {  	[tilespmem:$0xA710] =	vst v0  }
0x58: {  	[tilespmem:$0xA720] =	vst v0  }
0x59: {  	[tilespmem:$0xA730] =	vst v0  }
0x5a: {  	[tilespmem:$0xA740] =	vst v0  }
0x5b: {  	[tilespmem:$0xA750] =	vst v0  }
0x5c: {  	[tilespmem:$0xA760] =	vst v0  }
0x5d: {  	[tilespmem:$0xA770] =	vst v0  }
0x5e: {  	[tilespmem:$0xA780] =	vst v0  }
0x5f: {  	[tilespmem:$0xA790] =	vst v0  }
0x60: {  	[tilespmem:$0xA7A0] =	vst v0  }
0x61: {  	[tilespmem:$0xA7B0] =	vst v0  }
0x62: {  	[tilespmem:$0xA7C0] =	vst v0  }
0x63: {  	[tilespmem:$0xA7D0] =	vst v0  }
0x64: {  	[tilespmem:$0xA7E0] =	vst v0  }
0x65: {  	[tilespmem:$0xA7F0] =	vst v0  }
0x66: {  	[tilespmem:$0xA800] =	vst v0  }
0x67: {  	[tilespmem:$0xA810] =	vst v0  }
0x68: {  	[tilespmem:$0xA820] =	vst v0  }
0x69: {  	[tilespmem:$0xA830] =	vst v0  }
0x6a: {  	[tilespmem:$0xA840] =	vst v0  }
0x6b: {  	[tilespmem:$0xA850] =	vst v0  }
0x6c: {  	[tilespmem:$0xA860] =	vst v0  }
0x6d: {  	[smem:$0x7F8] =	sst s1;
	[tilespmem:$0xA870] =	vst v0;
	s0 =	simm.s32 $0xA600  }
0x6e: {  	[spmem:s19] =	stream.linear.scatter [tilespmem:s0], [sflag:$0x7], $0x280, $0x38;
	[tilespmem:$0x1FF00] =	vst v63  }
0x6f: {  	s2 =	sand.u32 $0x7E00, s5;
	s3 =	sand.u32 $0x70, s5;
	_ =	swait.ge [sflag:s20], $0x280  }
0x70: {  	s16 =	sshrl.u32 s2, $0x2;
	s2 =	simm.s32 $0x40;
	[sflag:s20] =	ssyncset.done $0x0  }
0x71: {  	s16 =	sor.u32 s3, s16;
	s3 =	simm.s32 $0x0;
	[sflag:s20] =	ssyncadd.s32 $0xFFFFFD80  }
.LBB2_2:
0x72: {  	p0 =	sne.s32 s2, $0x4FC0  }
0x73: {  	[tilespmem:s16+$0xA880] =	vst v0;
	s3 =	sadd.s32 $0x10, s3;
	s16 =	smov.u32 s2;
	s2 =	sadd.s32 $0x40, s2  }
.Ltmp2:
0x74: {  	(pc) =	sbr.rel @p0 .LBB2_2-.Ltmp2, $4  }
0x75: {  	_ = 	snop  }
0x76: {  	s16 =	sand.u32 $0x7E00, s16  }
0x77: {  	s24 =	sand.u32 $0x70, s3;
	s16 =	sshrl.u32 s16, $0x2  }
0x78: {  	s16 =	sor.u32 s24, s16  }
0x79: {  	[tilespmem:s16+$0xA880] =	vst v0;
	s1 =	simm.s32 $0xA880  }
0x7a: {  	[spmem:s25] =	stream.linear.scatter [tilespmem:s1], [sflag:$0x7], $0x1400, $0x38;
	[tilespmem:$0x1FF00] =	vst v63  }
0x7b: {  	_ =	swait.ge [sflag:s20], $0x1400  }
0x7c: {  	[sflag:s20] =	ssyncset.done $0x0  }
0x7d: {  	s0 =	rddreg [dreg:$0x16];
	[sflag:s20] =	ssyncadd.s32 $0xFFFFEC00  }
0x7e: {  	[spmem:s0] =	stream.linear.scatter [tilespmem:s1], [sflag:$0x7], $0x1400, $0x38;
	[tilespmem:$0x1FF00] =	vst v63  }
0x7f: {  	_ =	swait.ge [sflag:s20], $0x1400  }
0x80: {  	[sflag:s20] =	ssyncset.done $0x0  }
0x81: {  	s25 =	rddreg [dreg:$0x17];
	[sflag:s20] =	ssyncadd.s32 $0xFFFFEC00  }
0x82: {  	[spmem:s25] =	stream.linear.scatter [tilespmem:s1], [sflag:$0x7], $0x1400, $0x38;
	[tilespmem:$0x1FF00] =	vst v63  }
0x83: {  	_ =	swait.ge [sflag:s20], $0x1400  }
0x84: {  	[sflag:s20] =	ssyncset.done $0x0  }
0x85: {  	s2 =	rddreg [dreg:$0x18];
	[sflag:s20] =	ssyncadd.s32 $0xFFFFEC00  }
0x86: {  	[spmem:s2] =	stream.linear.scatter [tilespmem:s1], [sflag:$0x7], $0x1400, $0x38;
	[tilespmem:$0x1FF00] =	vst v63  }
0x87: {  	_ =	swait.ge [sflag:s20], $0x1400  }
0x88: {  	[sflag:s20] =	ssyncset.done $0x0  }
0x89: {  	s3 =	rddreg [dreg:$0x19];
	[sflag:s20] =	ssyncadd.s32 $0xFFFFEC00  }
0x8a: {  	[spmem:s3] =	stream.linear.scatter [tilespmem:s1], [sflag:$0x7], $0x1400, $0x38;
	[tilespmem:$0x1FF00] =	vst v63  }
0x8b: {  	_ =	swait.ge [sflag:s20], $0x1400  }
0x8c: {  	[sflag:s20] =	ssyncset.done $0x0  }
0x8d: {  	s15 =	rddreg [dreg:$0x1a];
	[sflag:s20] =	ssyncadd.s32 $0xFFFFEC00  }
0x8e: {  	[spmem:s15] =	stream.linear.scatter [tilespmem:s1], [sflag:$0x7], $0x1400, $0x38;
	[tilespmem:$0x1FF00] =	vst v63  }
0x8f: {  	_ =	swait.ge [sflag:s20], $0x1400  }
0x90: {  	[sflag:s20] =	ssyncset.done $0x0  }
0x91: {  	s16 =	rddreg [dreg:$0x1b];
	[sflag:s20] =	ssyncadd.s32 $0xFFFFEC00  }
0x92: {  	[spmem:s16] =	stream.linear.scatter [tilespmem:s1], [sflag:$0x7], $0x1400, $0x38;
	[tilespmem:$0x1FF00] =	vst v63  }
0x93: {  	_ =	swait.ge [sflag:s20], $0x1400  }
0x94: {  	[sflag:s20] =	ssyncset.done $0x0  }
0x95: {  	s19 =	rddreg [dreg:$0x1c];
	[sflag:s20] =	ssyncadd.s32 $0xFFFFEC00  }
0x96: {  	[spmem:s19] =	stream.linear.scatter [tilespmem:s1], [sflag:$0x7], $0x1400, $0x38;
	[tilespmem:$0x1FF00] =	vst v63  }
0x97: {  	_ =	swait.ge [sflag:s20], $0x1400  }
0x98: {  	[sflag:s20] =	ssyncset.done $0x0  }
0x99: {  	s24 =	rddreg [dreg:$0x1d];
	[sflag:s20] =	ssyncadd.s32 $0xFFFFEC00  }
0x9a: {  	[spmem:s24] =	stream.linear.scatter [tilespmem:s1], [sflag:$0x7], $0x1400, $0x38;
	[tilespmem:$0x1FF00] =	vst v63  }
0x9b: {  	_ =	swait.ge [sflag:s20], $0x1400  }
0x9c: {  	[sflag:s20] =	ssyncset.done $0x0  }
0x9d: {  	s25 =	rddreg [dreg:$0x1e];
	[sflag:s20] =	ssyncadd.s32 $0xFFFFEC00  }
0x9e: {  	[spmem:s25] =	stream.linear.scatter [tilespmem:s1], [sflag:$0x7], $0x1400, $0x38;
	[tilespmem:$0x1FF00] =	vst v63  }
0x9f: {  	_ =	swait.ge [sflag:s20], $0x1400  }
0xa0: {  	[sflag:s20] =	ssyncset.done $0x0  }
0xa1: {  	s2 =	rddreg [dreg:$0x1f];
	[sflag:s20] =	ssyncadd.s32 $0xFFFFEC00  }
0xa2: {  	[spmem:s2] =	stream.linear.scatter [tilespmem:s1], [sflag:$0x7], $0x1400, $0x38;
	[tilespmem:$0x1FF00] =	vst v63  }
0xa3: {  	_ =	swait.ge [sflag:s20], $0x1400  }
0xa4: {  	s3 =	sld [smem:$0x7F9]  }
0xa5: {  	[sflag:s20] =	ssyncset.done $0x0  }
0xa6: {  	[sflag:s20] =	ssyncadd.s32 $0xFFFFEC00  }
0xa7: {  	[spmem:s3] =	stream.linear.scatter [tilespmem:s1], [sflag:$0x7], $0x1400, $0x38;
	[tilespmem:$0x1FF00] =	vst v63  }
0xa8: {  	_ =	swait.ge [sflag:s20], $0x1400  }
0xa9: {  	s15 =	sld [smem:$0x7FA]  }
0xaa: {  	[sflag:s20] =	ssyncset.done $0x0  }
0xab: {  	[sflag:s20] =	ssyncadd.s32 $0xFFFFEC00  }
0xac: {  	[spmem:s15] =	stream.linear.scatter [tilespmem:s1], [sflag:$0x7], $0x1400, $0x38;
	[tilespmem:$0x1FF00] =	vst v63  }
0xad: {  	_ =	swait.ge [sflag:s20], $0x1400  }
0xae: {  	s16 =	sld [smem:$0x7FB]  }
0xaf: {  	[sflag:s20] =	ssyncset.done $0x0  }
0xb0: {  	[sflag:s20] =	ssyncadd.s32 $0xFFFFEC00  }
0xb1: {  	[spmem:s16] =	stream.linear.scatter [tilespmem:s1], [sflag:$0x7], $0x1400, $0x38;
	[tilespmem:$0x1FF00] =	vst v63  }
0xb2: {  	_ =	swait.ge [sflag:s20], $0x1400  }
0xb3: {  	s19 =	sld [smem:$0x7FC]  }
0xb4: {  	[sflag:s20] =	ssyncset.done $0x0  }
0xb5: {  	[sflag:s20] =	ssyncadd.s32 $0xFFFFEC00  }
0xb6: {  	[spmem:s19] =	stream.linear.scatter [tilespmem:s1], [sflag:$0x7], $0x1400, $0x38;
	[tilespmem:$0x1FF00] =	vst v63  }
0xb7: {  	_ =	swait.ge [sflag:s20], $0x1400  }
0xb8: {  	s24 =	sld [smem:$0x7FD]  }
0xb9: {  	[sflag:s20] =	ssyncset.done $0x0  }
0xba: {  	[sflag:s20] =	ssyncadd.s32 $0xFFFFEC00  }
0xbb: {  	[spmem:s24] =	stream.linear.scatter [tilespmem:s1], [sflag:$0x7], $0x1400, $0x38;
	[tilespmem:$0x1FF00] =	vst v63  }
0xbc: {  	_ =	swait.ge [sflag:s20], $0x1400  }
0xbd: {  	[sflag:s20] =	ssyncset.done $0x0  }
0xbe: {  	[sflag:s20] =	ssyncadd.s32 $0xFFFFEC00  }
0xbf: {  	[bflag:$0x0] =	sbarrier.arrive $0xFFFF  }
0xc0: {  	s16 =	simm.s32 $0x0;
	s25 =	rddreg [dreg:$0x7]  }
0xc1: {  	[tilespmem:s16], [sflag:$0x7] =	stream.linear.gather [hbm4b:s25+s16], $0x28, $0x38;
	[tilespmem:$0x1FF00] =	vst v63  }
0xc2: {  	_ =	swait.ge [sflag:s20], $0x28  }
0xc3: {  	[sflag:s20] =	ssyncset.done $0x0  }
0xc4: {  	s1 =	rddreg [dreg:$0x8];
	[sflag:s20] =	ssyncadd.s32 $0xFFFFFFD8  }
0xc5: {  	[tilespmem:s22], [sflag:$0x7] =	stream.linear.gather [hbm4b:s1+s16], $0x28, $0x38;
	[tilespmem:$0x1FF00] =	vst v63  }
0xc6: {  	_ =	swait.ge [sflag:s20], $0x28  }
0xc7: {  	[sflag:s20] =	ssyncset.done $0x0  }
0xc8: {  	[sflag:s20] =	ssyncadd.s32 $0xFFFFFFD8  }
0xc9: {  	s2 =	simm.s32 $0x1500;
	s0 =	rddreg [dreg:$0x1]  }
0xca: {  	[tilespmem:s2], [sflag:$0x2] =	stream.indirect.gather [hbm4b:s0+s23], $0x80, s16, s23, $0xb8;
	[tilespmem:$0x1FF00] =	vst v63  }
0xcb: {  	s3 =	simm.s32 $0x2900  }
0xcc: {  	[tilespmem:s3], [sflag:$0x2] =	stream.indirect.gather [hbm4b:s10+s23], $0x80, s22, s23, $0xb8;
	[tilespmem:$0x1FF00] =	vst v63  }
0xcd: {  	s15 =	simm.s32 $0x3D00  }
0xce: {  	[tilespmem:s15], [sflag:$0x2] =	stream.indirect.gather [hbm4b:s11+s23], $0x80, s16, s23, $0xb8;
	[tilespmem:$0x1FF00] =	vst v63  }
0xcf: {  	s19 =	simm.s32 $0x5180  }
0xd0: {  	[tilespmem:s19], [sflag:$0x2] =	stream.indirect.gather [hbm4b:s13+s23], $0x1, s16, s23, $0xb8;
	[tilespmem:$0x1FF00] =	vst v63  }
0xd1: {  	s24 =	simm.s32 $0x5200  }
0xd2: {  	[tilespmem:s24], [sflag:$0x2] =	stream.indirect.gather [hbm4b:s14+s23], $0x1, s22, s23, $0xb8;
	[tilespmem:$0x1FF00] =	vst v63  }
0xd3: {  	s25 =	rddreg [dreg:$0xa];
	s2 =	simm.s32 $0x100  }
0xd4: {  	[tilespmem:s2], [sflag:$0x2] =	stream.linear.gather [hbm4b:s25+s16], $0x1400, $0x38;
	[tilespmem:$0x1FF00] =	vst v63  }
0xd5: {  	s3 =	rddreg [dreg:$0xb];
	s15 =	simm.s32 $0x5100  }
0xd6: {  	[tilespmem:s15], [sflag:$0x2] =	stream.linear.gather [hbm4b:s3+s16], $0x28, $0x38;
	[tilespmem:$0x1FF00] =	vst v63  }
0xd7: {  	s19 =	rddreg [dreg:$0xd]  }
0xd8: {  	[tilespmem:s26], [sflag:$0x7] =	stream.linear.gather [hbm4b:s19+s16], $0x28, $0x38;
	[tilespmem:$0x1FF00] =	vst v63  }
0xd9: {  	_ =	swait.ge [sflag:s20], $0x28  }
0xda: {  	[sflag:s20] =	ssyncset.done $0x0  }
0xdb: {  	s24 =	rddreg [dreg:$0xe];
	[sflag:s20] =	ssyncadd.s32 $0xFFFFFFD8  }
0xdc: {  	[tilespmem:s29], [sflag:$0x7] =	stream.linear.gather [hbm4b:s24+s16], $0x28, $0x38;
	[tilespmem:$0x1FF00] =	vst v63  }
0xdd: {  	_ =	swait.ge [sflag:s20], $0x28  }
0xde: {  	[sflag:s20] =	ssyncset.done $0x0  }
0xdf: {  	s25 =	simm.s32 $0x6800;
	[sflag:s20] =	ssyncadd.s32 $0xFFFFFFD8  }
0xe0: {  	[tilespmem:s25], [sflag:$0x5] =	stream.indirect.gather [hbm4b:s0+s23], $0x80, s26, s23, $0xb8;
	[tilespmem:$0x1FF00] =	vst v63  }
0xe1: {  	s2 =	simm.s32 $0x7C00  }
0xe2: {  	[tilespmem:s2], [sflag:$0x5] =	stream.indirect.gather [hbm4b:s10+s23], $0x80, s29, s23, $0xb8;
	[tilespmem:$0x1FF00] =	vst v63  }
0xe3: {  	_ = 	snop  }
0xe4: {  	[tilespmem:s17], [sflag:$0x5] =	stream.indirect.gather [hbm4b:s11+s23], $0x80, s26, s23, $0xb8;
	[tilespmem:$0x1FF00] =	vst v63  }
0xe5: {  	s3 =	simm.s32 $0xA480  }
0xe6: {  	[tilespmem:s3], [sflag:$0x5] =	stream.indirect.gather [hbm4b:s13+s23], $0x1, s26, s23, $0xb8;
	[tilespmem:$0x1FF00] =	vst v63  }
0xe7: {  	s15 =	simm.s32 $0xA500  }
0xe8: {  	[tilespmem:s15], [sflag:$0x5] =	stream.indirect.gather [hbm4b:s14+s23], $0x1, s29, s23, $0xb8;
	[tilespmem:$0x1FF00] =	vst v63  }
0xe9: {  	s19 =	rddreg [dreg:$0xc]  }
0xea: {  	[tilespmem:s28], [sflag:$0x5] =	stream.linear.gather [hbm4b:s19+s16], $0x1400, $0x38;
	[tilespmem:$0x1FF00] =	vst v63  }
0xeb: {  	s24 =	rddreg [dreg:$0xf];
	s25 =	simm.s32 $0xA400  }
0xec: {  	[tilespmem:s25], [sflag:$0x5] =	stream.linear.gather [hbm4b:s24+s16], $0x28, $0x38;
	[tilespmem:$0x1FF00] =	vst v63  }
.LBB2_4:
0xed: {  	_ =	swait.ge [sflag:s30], $0x1400  }
0xee: {  	[sflag:s30] =	ssyncset.done $0x0  }
0xef: {  	[sflag:s30] =	ssyncadd.s32 $0xFFFFEC00  }
0xf0: {  	_ =	swait.ge [sflag:s30], $0x1400  }
0xf1: {  	[sflag:s30] =	ssyncset.done $0x0  }
0xf2: {  	[sflag:s30] =	ssyncadd.s32 $0xFFFFEC00  }
0xf3: {  	_ =	swait.ge [sflag:s30], $0x1400  }
0xf4: {  	[sflag:s30] =	ssyncset.done $0x0  }
0xf5: {  	[sflag:s30] =	ssyncadd.s32 $0xFFFFEC00  }
0xf6: {  	_ =	swait.ge [sflag:s30], $0x28  }
0xf7: {  	[sflag:s30] =	ssyncset.done $0x0  }
0xf8: {  	[sflag:s30] =	ssyncadd.s32 $0xFFFFFFD8  }
0xf9: {  	_ =	swait.ge [sflag:s30], $0x28  }
0xfa: {  	[sflag:s30] =	ssyncset.done $0x0  }
0xfb: {  	[sflag:s30] =	ssyncadd.s32 $0xFFFFFFD8  }
0xfc: {  	_ =	swait.ge [sflag:s30], $0x1400  }
0xfd: {  	[sflag:s30] =	ssyncset.done $0x0  }
0xfe: {  	[sflag:s30] =	ssyncadd.s32 $0xFFFFEC00  }
0xff: {  	_ =	swait.ge [sflag:s30], $0x28  }
0x100: {  	[sflag:s30] =	ssyncset.done $0x0  }
0x101: {  	[sflag:s30] =	ssyncadd.s32 $0xFFFFFFD8  }
0x102: {  	v1 =	vld [tilespmem:$0x5100]  }
0x103: {  	v2 =	vld [tilespmem:$0x5180]  }
0x104: {  	v3 =	vld [tilespmem:$0x5200]  }
0x105: {  	v4 =	vld [tilespmem:$0x5110]  }
0x106: {  	v5 =	vld [tilespmem:$0x5190]  }
0x107: {  	v6 =	vld [tilespmem:$0x5120]  }
0x108: {  	v7 =	vld [tilespmem:$0x51A0]  }
0x109: {  	v8 =	vld [tilespmem:$0x5210]  }
0x10a: {  	v9 =	vld [tilespmem:$0x5220]  }
0x10b: {  	v1 =	vadd.f32 v2, v1  }
0x10c: {  	v2 =	vadd.f32 v5, v4  }
0x10d: {  	v1 =	vadd.f32 v3, v1;
	v3 =	vadd.f32 v7, v6  }
0x10e: {  	v2 =	vadd.f32 v8, v2  }
0x10f: {  	v1 =	vmul.f32 $1.442695020e+00, v1;
	v3 =	vadd.f32 v9, v3  }
0x110: {  	v2 =	vmul.f32 $1.442695020e+00, v2  }
0x111: {  	(erf) = vpow2.f32 v1;
	v1 =	vmul.f32 $1.442695020e+00, v3  }
0x112: {  	(erf) = vpow2.f32 v2  }
0x113: {  	(erf) = vpow2.f32 v1;
	_ =	sdelay $0x6  }
0x114: {  	v1 =	vpop (erf)  }
0x115: {  	v2 =	vpop (erf);
	[tilespmem:$0x5280] =	vst v1  }
0x116: {  	[tilespmem:$0x5290] =	vst v2;
	v1 =	vpop (erf)  }
0x117: {  	s25 =	simm.s32 $0x0;
	[tilespmem:$0x52A0] =	vst v1  }
0x118: {  	v3 =	vld [tilespmem:s25+$0x2900]  }
0x119: {  	v2 =	vld [tilespmem:s25+$0x2930]  }
0x11a: {  	v1 =	vld [tilespmem:s25+$0x2940]  }
0x11b: {  	v13 =	vld [tilespmem:s25+$0x3D70]  }
0x11c: {  	v11 =	vld [tilespmem:s25+$0x3D50]  }
0x11d: {  	v9 =	vld [tilespmem:s25+$0x3D30]  }
0x11e: {  	s24 =	simm.s32 $0x5280;
	v5 =	vld [tilespmem:s25+$0x3D10]  }
0x11f: {  	v14 =	vld.msk [tilespmem:s24+$0x0 ss:$0x0], $0xffff  }
0x120: {  	v7 =	vld [tilespmem:s25+$0x3D00]  }
0x121: {  	v10 =	vld [tilespmem:s25+$0x3D20]  }
0x122: {  	v12 =	vld [tilespmem:s25+$0x3D40]  }
0x123: {  	v15 =	vld [tilespmem:s25+$0x3D60]  }
0x124: {  	v4 =	vld [tilespmem:s25+$0x2950]  }
0x125: {  	v6 =	vld [tilespmem:s25+$0x2960]  }
0x126: {  	v8 =	vld [tilespmem:s25+$0x2970]  }
0x127: {  	v18 =	vld [tilespmem:s25+$0x1500]  }
0x128: {  	v20 =	vld [tilespmem:s25+$0x1570]  }
0x129: {  	v21 =	vld [tilespmem:s25+$0x170];
	v7 =	vmul.f32 v7, v14  }
0x12a: {  	v17 =	vld [tilespmem:s25+$0x160];
	v16 =	vmul.f32 v5, v14  }
0x12b: {  	v5 =	vld [tilespmem:s25+$0x1510];
	v10 =	vmul.f32 v10, v14;
	[tilespmem:s25+$0x3D00] =	vst v7  }
0x12c: {  	v12 =	vmul.f32 v12, v14;
	[tilespmem:s25+$0x3D10] =	vst v16;
	v7 =	vld [tilespmem:s25+$0x1520]  }
0x12d: {  	v13 =	vmul.f32 v13, v14;
	v16 =	vmul.f32 v9, v14;
	[tilespmem:s25+$0x3D20] =	vst v10;
	v9 =	vld [tilespmem:s25+$0x1530]  }
0x12e: {  	v10 =	vld [tilespmem:s25+$0x1540];
	[tilespmem:s25+$0x3D40] =	vst v12  }
0x12f: {  	[tilespmem:s25+$0x3D70] =	vst v13;
	v13 =	vld [tilespmem:s25+$0x100]  }
0x130: {  	v12 =	vld [tilespmem:s25+$0x1560];
	[tilespmem:s25+$0x3D30] =	vst v16;
	v16 =	vmul.f32 v11, v14  }
0x131: {  	v15 =	vmul.f32 v15, v14;
	v11 =	vld [tilespmem:s25+$0x1550]  }
0x132: {  	[tilespmem:s25+$0x3D50] =	vst v16;
	v16 =	vld [tilespmem:s25+$0x150]  }
0x133: {  	[tilespmem:s25+$0x3D60] =	vst v15;
	v15 =	vld [tilespmem:s25+$0x140]  }
0x134: {  	v14 =	vld [tilespmem:s25+$0x130];
	v19 =	vadd.f32 v18, v13  }
0x135: {  	s2 =	simm.s32 $0x200;
	v13 =	vld [tilespmem:s25+$0x120];
	v18 =	vadd.f32 v20, v21  }
.LBB2_5:
0x136: {  	p0 =	sne.s32 s2, $0x4E00;
	v3 =	vadd.f32 v3, v19;
	v19 =	vld [tilespmem:s25+$0x110];
	v12 =	vadd.f32 v12, v17  }
0x137: {  	v17 =	vld [tilespmem:s25+$0x2920];
	v11 =	vadd.f32 v11, v16;
	v8 =	vadd.f32 v8, v18  }
0x138: {  	s3 =	sshra.s32 s2, $0x2;
	[tilespmem:s25+$0x100] =	vst v3;
	v16 =	vld [tilespmem:s25+$0x2910];
	v10 =	vadd.f32 v10, v15;
	v6 =	vadd.f32 v6, v12  }
0x139: {  	v3 =	vld [tilespmem:s3+$0x2900];
	v9 =	vadd.f32 v9, v14;
	v4 =	vadd.f32 v4, v11;
	[tilespmem:s25+$0x170] =	vst v8  }
0x13a: {  	v8 =	vld [tilespmem:s3+$0x2930];
	v7 =	vadd.f32 v7, v13;
	v10 =	vadd.f32 v1, v10;
	[tilespmem:s25+$0x160] =	vst v6  }
0x13b: {  	v1 =	vld [tilespmem:s3+$0x2940];
	v5 =	vadd.f32 v5, v19;
	v2 =	vadd.f32 v2, v9;
	[tilespmem:s25+$0x150] =	vst v4  }
0x13c: {  	v9 =	vld [tilespmem:s3+$0x3D70];
	v4 =	vadd.f32 v17, v7;
	[tilespmem:s25+$0x140] =	vst v10  }
0x13d: {  	v7 =	vld [tilespmem:s3+$0x3D50];
	v5 =	vadd.f32 v16, v5;
	[tilespmem:s25+$0x130] =	vst v2  }
0x13e: {  	v10 =	vld [tilespmem:s3+$0x3D30];
	[tilespmem:s25+$0x120] =	vst v4  }
0x13f: {  	s24 =	sadd.s32 $0x1, s24;
	v6 =	vld [tilespmem:s3+$0x3D10];
	[tilespmem:s25+$0x110] =	vst v5;
	v2 =	vmov v8;
	s25 =	smov.u32 s3  }
0x140: {  	v11 =	vld.msk [tilespmem:s24+$0x0 ss:$0x0], $0xffff  }
0x141: {  	v5 =	vld [tilespmem:s25+$0x3D00]  }
0x142: {  	v8 =	vld [tilespmem:s25+$0x3D20]  }
0x143: {  	v12 =	vld [tilespmem:s25+$0x3D40]  }
0x144: {  	v13 =	vld [tilespmem:s25+$0x3D60]  }
0x145: {  	v4 =	vld [tilespmem:s25+$0x2950]  }
0x146: {  	v14 =	vmul.f32 v6, v11;
	v5 =	vmul.f32 v5, v11;
	v6 =	vld [tilespmem:s25+$0x2960]  }
0x147: {  	v10 =	vmul.f32 v10, v11;
	v15 =	vmul.f32 v8, v11;
	v8 =	vld [tilespmem:s25+$0x2970]  }
0x148: {  	v16 =	vmul.f32 v7, v11;
	v18 =	vld [tilespmem:s25+$0x1500];
	[tilespmem:s25+$0x3D00] =	vst v5;
	v12 =	vmul.f32 v12, v11  }
0x149: {  	v5 =	vld [tilespmem:s25+$0x1510];
	[tilespmem:s25+$0x3D10] =	vst v14;
	v13 =	vmul.f32 v13, v11;
	v14 =	vmul.f32 v9, v11  }
0x14a: {  	v7 =	vld [tilespmem:s25+$0x1520];
	[tilespmem:s25+$0x3D20] =	vst v15  }
0x14b: {  	v9 =	vld [tilespmem:s25+$0x1530];
	[tilespmem:s25+$0x3D30] =	vst v10  }
0x14c: {  	v10 =	vld [tilespmem:s25+$0x1540];
	[tilespmem:s25+$0x3D40] =	vst v12  }
0x14d: {  	v11 =	vld [tilespmem:s25+$0x1550];
	[tilespmem:s25+$0x3D50] =	vst v16  }
0x14e: {  	v12 =	vld [tilespmem:s25+$0x1560];
	[tilespmem:s25+$0x3D60] =	vst v13  }
0x14f: {  	v20 =	vld [tilespmem:s25+$0x1570];
	[tilespmem:s25+$0x3D70] =	vst v14  }
0x150: {  	v13 =	vld [tilespmem:s25+$0x100]  }
0x151: {  	v21 =	vld [tilespmem:s25+$0x170]  }
.Ltmp3:
0x152: {  	v17 =	vld [tilespmem:s25+$0x160];
	(pc) =	sbr.rel @p0 .LBB2_5-.Ltmp3, $4  }
0x153: {  	v16 =	vld [tilespmem:s25+$0x150]  }
0x154: {  	v15 =	vld [tilespmem:s25+$0x140]  }
0x155: {  	v19 =	vadd.f32 v18, v13;
	v14 =	vld [tilespmem:s25+$0x130]  }
0x156: {  	s2 =	sadd.s32 $0x200, s2;
	v13 =	vld [tilespmem:s25+$0x120];
	v18 =	vadd.f32 v20, v21  }
0x157: {  	v3 =	vadd.f32 v3, v19;
	v19 =	vld [tilespmem:s25+$0x110];
	v12 =	vadd.f32 v12, v17  }
0x158: {  	v17 =	vld [tilespmem:s25+$0x2920];
	v11 =	vadd.f32 v11, v16;
	v8 =	vadd.f32 v8, v18  }
0x159: {  	[tilespmem:s25+$0x100] =	vst v3;
	v3 =	vld [tilespmem:s25+$0x2910];
	v10 =	vadd.f32 v10, v15;
	v6 =	vadd.f32 v6, v12  }
0x15a: {  	v9 =	vadd.f32 v9, v14;
	v4 =	vadd.f32 v4, v11;
	[tilespmem:s25+$0x170] =	vst v8  }
0x15b: {  	v7 =	vadd.f32 v7, v13;
	v1 =	vadd.f32 v1, v10;
	[tilespmem:s25+$0x160] =	vst v6  }
0x15c: {  	s24 =	smul.u32 $0x50, s16;
	v5 =	vadd.f32 v5, v19;
	v2 =	vadd.f32 v2, v9;
	[tilespmem:s25+$0x150] =	vst v4  }
0x15d: {  	v4 =	vadd.f32 v17, v7;
	[tilespmem:s25+$0x140] =	vst v1  }
0x15e: {  	s2 =	sadd.s32 s31, s24;
	v1 =	vadd.f32 v3, v5;
	[tilespmem:s25+$0x130] =	vst v2  }
0x15f: {  	s2 =	sshll.u32 s2, $0x4;
	[tilespmem:s25+$0x120] =	vst v4  }
0x160: {  	s0 =	simm.s32 $0x100;
	s2 =	sadd.s32 s4, s2;
	[tilespmem:s25+$0x110] =	vst v1  }
0x161: {  	[hbm4b:s2+s5] =	stream.linear.scatter [tilespmem:s0], [sflag:$0x3], $0x1400, $0x38;
	[tilespmem:$0x1FF00] =	vst v63  }
0x162: {  	s19 =	smov.u32 s4;
	s1 =	simm.s32 $0x5280;
	s4 =	rddreg [dreg:$0x4]  }
0x163: {  	[spmem:s4] =	stream.indirect.scatter.add.f32 [tilespmem:s1], [sflag:$0x7], $0x1, s22, s23, $0xb8;
	[tilespmem:$0x1FF00] =	vst v63  }
0x164: {  	_ =	swait.ge [sflag:s20], $0x28  }
0x165: {  	[sflag:s20] =	ssyncset.done $0x0  }
0x166: {  	[sflag:s20] =	ssyncadd.s32 $0xFFFFFFD8  }
0x167: {  	s25 =	simm.s32 $0x3D00;
	s15 =	rddreg [dreg:$0x3]  }
0x168: {  	[spmem:s15] =	stream.indirect.scatter.add.f32 [tilespmem:s25], [sflag:$0x7], $0x80, s22, s23, $0xb8;
	[tilespmem:$0x1FF00] =	vst v63  }
0x169: {  	_ =	swait.ge [sflag:s20], $0x1400  }
0x16a: {  	p0 =	seq.s32 s16, $0x7C;
	s0 =	rddreg [dreg:$0x14]  }
0x16b: {  	s2 =	sadd.s32 @!p0 s24, s0  }
0x16c: {  	[sflag:s20] =	ssyncset.done $0x0;
	s3 =	sshrl.u32 @!p0 s2, $0x3  }
0x16d: {  	s4 =	simm.s32 @!p0 $0x0;
	[sflag:s20] =	ssyncadd.s32 $0xFFFFEC00;
	s25 =	sadd.s32 @!p0 s7, s3  }
0x16e: {  	[tilespmem:s4], [sflag:$0x1] =	stream.linear.gather @!p0 [hbm4b:s25+s4], $0x28, $0x38;
	[tilespmem:$0x1FF00] =	vst v63  }
0x16f: {  	s1 =	simm.s32 @!p0 $0x80;
	s25 =	sadd.s32 @!p0 s8, s3  }
0x170: {  	[tilespmem:s1], [sflag:$0x1] =	stream.linear.gather @!p0 [hbm4b:s25+s4], $0x28, $0x38;
	[tilespmem:$0x1FF00] =	vst v63  }
0x171: {  	_ =	swait.ge [sflag:s18], $0x1400  }
0x172: {  	[sflag:s18] =	ssyncset.done $0x0  }
0x173: {  	[sflag:s18] =	ssyncadd.s32 $0xFFFFEC00  }
0x174: {  	_ =	swait.ge [sflag:s18], $0x1400  }
0x175: {  	[sflag:s18] =	ssyncset.done $0x0  }
0x176: {  	[sflag:s18] =	ssyncadd.s32 $0xFFFFEC00  }
0x177: {  	_ =	swait.ge [sflag:s18], $0x1400  }
0x178: {  	[sflag:s18] =	ssyncset.done $0x0  }
0x179: {  	[sflag:s18] =	ssyncadd.s32 $0xFFFFEC00  }
0x17a: {  	_ =	swait.ge [sflag:s18], $0x28  }
0x17b: {  	[sflag:s18] =	ssyncset.done $0x0  }
0x17c: {  	[sflag:s18] =	ssyncadd.s32 $0xFFFFFFD8  }
0x17d: {  	_ =	swait.ge [sflag:s18], $0x28  }
0x17e: {  	[sflag:s18] =	ssyncset.done $0x0  }
0x17f: {  	[sflag:s18] =	ssyncadd.s32 $0xFFFFFFD8  }
0x180: {  	_ =	swait.ge [sflag:s18], $0x1400  }
0x181: {  	[sflag:s18] =	ssyncset.done $0x0  }
0x182: {  	[sflag:s18] =	ssyncadd.s32 $0xFFFFEC00  }
0x183: {  	_ =	swait.ge [sflag:s18], $0x28  }
0x184: {  	[sflag:s18] =	ssyncset.done $0x0  }
0x185: {  	s25 =	simm.s32 @!p0 $0x3;
	[sflag:s18] =	ssyncadd.s32 $0xFFFFFFD8  }
0x186: {  	_ =	swait.ge @!p0 [sflag:s25], $0x1400  }
0x187: {  	[sflag:s25] =	ssyncset.done @!p0 $0x0  }
0x188: {  	[sflag:s25] =	ssyncadd.s32 @!p0 $0xFFFFEC00;
	s25 =	simm.s32 @!p0 $0x1  }
0x189: {  	_ =	swait.ge @!p0 [sflag:s25], $0x28  }
0x18a: {  	[sflag:s25] =	ssyncset.done @!p0 $0x0  }
0x18b: {  	[sflag:s25] =	ssyncadd.s32 @!p0 $0xFFFFFFD8  }
0x18c: {  	_ =	swait.ge @!p0 [sflag:s25], $0x28  }
0x18d: {  	[sflag:s25] =	ssyncset.done @!p0 $0x0  }
0x18e: {  	[sflag:s25] =	ssyncadd.s32 @!p0 $0xFFFFFFD8  }
0x18f: {  	s0 =	simm.s32 @!p0 $0x1500;
	s25 =	simm.s32 @!p0 $0x28;
	s15 =	rddreg [dreg:$0x1]  }
0x190: {  	[tilespmem:s0], [sflag:$0x2] =	stream.indirect.gather @!p0 [hbm4b:s15+s25], $0x80, s4, s25, $0xb8;
	[tilespmem:$0x1FF00] =	vst v63  }
0x191: {  	s0 =	simm.s32 @!p0 $0x2900  }
0x192: {  	[tilespmem:s0], [sflag:$0x2] =	stream.indirect.gather @!p0 [hbm4b:s10+s25], $0x80, s1, s25, $0xb8;
	[tilespmem:$0x1FF00] =	vst v63  }
0x193: {  	s0 =	simm.s32 @!p0 $0x3D00  }
0x194: {  	[tilespmem:s0], [sflag:$0x2] =	stream.indirect.gather @!p0 [hbm4b:s11+s25], $0x80, s4, s25, $0xb8;
	[tilespmem:$0x1FF00] =	vst v63  }
0x195: {  	s0 =	simm.s32 @!p0 $0x5180  }
0x196: {  	[tilespmem:s0], [sflag:$0x2] =	stream.indirect.gather @!p0 [hbm4b:s13+s25], $0x1, s4, s25, $0xb8;
	[tilespmem:$0x1FF00] =	vst v63  }
0x197: {  	s0 =	simm.s32 @!p0 $0x5200  }
0x198: {  	[tilespmem:s0], [sflag:$0x2] =	stream.indirect.gather @!p0 [hbm4b:s14+s25], $0x1, s1, s25, $0xb8;
	[tilespmem:$0x1FF00] =	vst v63  }
0x199: {  	s0 =	sshll.u32 @!p0 s2, $0x4  }
0x19a: {  	s1 =	simm.s32 @!p0 $0x100;
	s0 =	sadd.s32 @!p0 s9, s0  }
0x19b: {  	[tilespmem:s1], [sflag:$0x2] =	stream.linear.gather @!p0 [hbm4b:s0+s4], $0x1400, $0x38;
	[tilespmem:$0x1FF00] =	vst v63  }
0x19c: {  	s0 =	sadd.s32 @!p0 s12, s3;
	s1 =	simm.s32 @!p0 $0x5100  }
0x19d: {  	[tilespmem:s1], [sflag:$0x2] =	stream.linear.gather @!p0 [hbm4b:s0+s4], $0x28, $0x38;
	[tilespmem:$0x1FF00] =	vst v63  }
0x19e: {  	v1 =	vld [tilespmem:$0xA400]  }
0x19f: {  	v2 =	vld [tilespmem:$0xA480]  }
0x1a0: {  	v3 =	vld [tilespmem:$0xA500]  }
0x1a1: {  	v4 =	vld [tilespmem:$0xA410]  }
0x1a2: {  	v5 =	vld [tilespmem:$0xA490]  }
0x1a3: {  	v6 =	vld [tilespmem:$0xA420]  }
0x1a4: {  	v7 =	vld [tilespmem:$0xA4A0]  }
0x1a5: {  	v8 =	vld [tilespmem:$0xA510]  }
0x1a6: {  	v9 =	vld [tilespmem:$0xA520]  }
0x1a7: {  	v1 =	vadd.f32 v2, v1  }
0x1a8: {  	v2 =	vadd.f32 v5, v4  }
0x1a9: {  	v1 =	vadd.f32 v3, v1;
	v3 =	vadd.f32 v7, v6  }
0x1aa: {  	v2 =	vadd.f32 v8, v2  }
0x1ab: {  	v1 =	vmul.f32 $1.442695020e+00, v1;
	v3 =	vadd.f32 v9, v3  }
0x1ac: {  	v2 =	vmul.f32 $1.442695020e+00, v2  }
0x1ad: {  	(erf) = vpow2.f32 v1;
	v1 =	vmul.f32 $1.442695020e+00, v3  }
0x1ae: {  	(erf) = vpow2.f32 v2  }
0x1af: {  	(erf) = vpow2.f32 v1;
	_ =	sdelay $0x6  }
0x1b0: {  	v1 =	vpop (erf)  }
0x1b1: {  	v2 =	vpop (erf);
	[tilespmem:$0xA580] =	vst v1  }
0x1b2: {  	[tilespmem:$0xA590] =	vst v2;
	v1 =	vpop (erf)  }
0x1b3: {  	s25 =	simm.s32 $0x0;
	[tilespmem:$0xA5A0] =	vst v1  }
0x1b4: {  	v3 =	vld [tilespmem:s25+$0x7C00]  }
0x1b5: {  	v2 =	vld [tilespmem:s25+$0x7C30]  }
0x1b6: {  	v1 =	vld [tilespmem:s25+$0x7C40]  }
0x1b7: {  	v13 =	vld [tilespmem:s25+$0x9070]  }
0x1b8: {  	v11 =	vld [tilespmem:s25+$0x9050]  }
0x1b9: {  	v9 =	vld [tilespmem:s25+$0x9030]  }
0x1ba: {  	s2 =	simm.s32 $0xA580;
	v5 =	vld [tilespmem:s25+$0x9010]  }
0x1bb: {  	v14 =	vld.msk [tilespmem:s2+$0x0 ss:$0x0], $0xffff  }
0x1bc: {  	v7 =	vld [tilespmem:s25+$0x9000]  }
0x1bd: {  	v10 =	vld [tilespmem:s25+$0x9020]  }
0x1be: {  	v12 =	vld [tilespmem:s25+$0x9040]  }
0x1bf: {  	v15 =	vld [tilespmem:s25+$0x9060]  }
0x1c0: {  	v4 =	vld [tilespmem:s25+$0x7C50]  }
0x1c1: {  	v6 =	vld [tilespmem:s25+$0x7C60]  }
0x1c2: {  	v8 =	vld [tilespmem:s25+$0x7C70]  }
0x1c3: {  	v18 =	vld [tilespmem:s25+$0x6800]  }
0x1c4: {  	v20 =	vld [tilespmem:s25+$0x6870]  }
0x1c5: {  	v21 =	vld [tilespmem:s25+$0x5470];
	v7 =	vmul.f32 v7, v14  }
0x1c6: {  	v17 =	vld [tilespmem:s25+$0x5460];
	v16 =	vmul.f32 v5, v14  }
0x1c7: {  	v5 =	vld [tilespmem:s25+$0x6810];
	v10 =	vmul.f32 v10, v14;
	[tilespmem:s25+$0x9000] =	vst v7  }
0x1c8: {  	v12 =	vmul.f32 v12, v14;
	[tilespmem:s25+$0x9010] =	vst v16;
	v7 =	vld [tilespmem:s25+$0x6820]  }
0x1c9: {  	v13 =	vmul.f32 v13, v14;
	v16 =	vmul.f32 v9, v14;
	[tilespmem:s25+$0x9020] =	vst v10;
	v9 =	vld [tilespmem:s25+$0x6830]  }
0x1ca: {  	v10 =	vld [tilespmem:s25+$0x6840];
	[tilespmem:s25+$0x9040] =	vst v12  }
0x1cb: {  	[tilespmem:s25+$0x9070] =	vst v13;
	v13 =	vld [tilespmem:s25+$0x5400]  }
0x1cc: {  	v12 =	vld [tilespmem:s25+$0x6860];
	[tilespmem:s25+$0x9030] =	vst v16;
	v16 =	vmul.f32 v11, v14  }
0x1cd: {  	v15 =	vmul.f32 v15, v14;
	v11 =	vld [tilespmem:s25+$0x6850]  }
0x1ce: {  	[tilespmem:s25+$0x9050] =	vst v16;
	v16 =	vld [tilespmem:s25+$0x5450]  }
0x1cf: {  	[tilespmem:s25+$0x9060] =	vst v15;
	v15 =	vld [tilespmem:s25+$0x5440]  }
0x1d0: {  	v14 =	vld [tilespmem:s25+$0x5430];
	v19 =	vadd.f32 v18, v13  }
0x1d1: {  	s3 =	simm.s32 $0x200;
	v13 =	vld [tilespmem:s25+$0x5420];
	v18 =	vadd.f32 v20, v21  }
.LBB2_7:
0x1d2: {  	p1 =	sne.s32 s3, $0x4E00;
	v3 =	vadd.f32 v3, v19;
	v19 =	vld [tilespmem:s25+$0x5410];
	v12 =	vadd.f32 v12, v17  }
0x1d3: {  	v17 =	vld [tilespmem:s25+$0x7C20];
	v11 =	vadd.f32 v11, v16;
	v8 =	vadd.f32 v8, v18  }
0x1d4: {  	s0 =	sshra.s32 s3, $0x2;
	[tilespmem:s25+$0x5400] =	vst v3;
	v16 =	vld [tilespmem:s25+$0x7C10];
	v10 =	vadd.f32 v10, v15;
	v6 =	vadd.f32 v6, v12  }
0x1d5: {  	v3 =	vld [tilespmem:s0+$0x7C00];
	v9 =	vadd.f32 v9, v14;
	v4 =	vadd.f32 v4, v11;
	[tilespmem:s25+$0x5470] =	vst v8  }
0x1d6: {  	v8 =	vld [tilespmem:s0+$0x7C30];
	v7 =	vadd.f32 v7, v13;
	v10 =	vadd.f32 v1, v10;
	[tilespmem:s25+$0x5460] =	vst v6  }
0x1d7: {  	v1 =	vld [tilespmem:s0+$0x7C40];
	v5 =	vadd.f32 v5, v19;
	v2 =	vadd.f32 v2, v9;
	[tilespmem:s25+$0x5450] =	vst v4  }
0x1d8: {  	v9 =	vld [tilespmem:s0+$0x9070];
	v4 =	vadd.f32 v17, v7;
	[tilespmem:s25+$0x5440] =	vst v10  }
0x1d9: {  	v7 =	vld [tilespmem:s0+$0x9050];
	v5 =	vadd.f32 v16, v5;
	[tilespmem:s25+$0x5430] =	vst v2  }
0x1da: {  	v10 =	vld [tilespmem:s0+$0x9030];
	[tilespmem:s25+$0x5420] =	vst v4  }
0x1db: {  	s2 =	sadd.s32 $0x1, s2;
	v6 =	vld [tilespmem:s0+$0x9010];
	[tilespmem:s25+$0x5410] =	vst v5;
	v2 =	vmov v8;
	s25 =	smov.u32 s0  }
0x1dc: {  	v11 =	vld.msk [tilespmem:s2+$0x0 ss:$0x0], $0xffff  }
0x1dd: {  	v5 =	vld [tilespmem:s25+$0x9000]  }
0x1de: {  	v8 =	vld [tilespmem:s25+$0x9020]  }
0x1df: {  	v12 =	vld [tilespmem:s25+$0x9040]  }
0x1e0: {  	v13 =	vld [tilespmem:s25+$0x9060]  }
0x1e1: {  	v4 =	vld [tilespmem:s25+$0x7C50]  }
0x1e2: {  	v14 =	vmul.f32 v6, v11;
	v5 =	vmul.f32 v5, v11;
	v6 =	vld [tilespmem:s25+$0x7C60]  }
0x1e3: {  	v10 =	vmul.f32 v10, v11;
	v15 =	vmul.f32 v8, v11;
	v8 =	vld [tilespmem:s25+$0x7C70]  }
0x1e4: {  	v16 =	vmul.f32 v7, v11;
	v18 =	vld [tilespmem:s25+$0x6800];
	[tilespmem:s25+$0x9000] =	vst v5;
	v12 =	vmul.f32 v12, v11  }
0x1e5: {  	v5 =	vld [tilespmem:s25+$0x6810];
	[tilespmem:s25+$0x9010] =	vst v14;
	v13 =	vmul.f32 v13, v11;
	v14 =	vmul.f32 v9, v11  }
0x1e6: {  	v7 =	vld [tilespmem:s25+$0x6820];
	[tilespmem:s25+$0x9020] =	vst v15  }
0x1e7: {  	v9 =	vld [tilespmem:s25+$0x6830];
	[tilespmem:s25+$0x9030] =	vst v10  }
0x1e8: {  	v10 =	vld [tilespmem:s25+$0x6840];
	[tilespmem:s25+$0x9040] =	vst v12  }
0x1e9: {  	v11 =	vld [tilespmem:s25+$0x6850];
	[tilespmem:s25+$0x9050] =	vst v16  }
0x1ea: {  	v12 =	vld [tilespmem:s25+$0x6860];
	[tilespmem:s25+$0x9060] =	vst v13  }
0x1eb: {  	v20 =	vld [tilespmem:s25+$0x6870];
	[tilespmem:s25+$0x9070] =	vst v14  }
0x1ec: {  	v13 =	vld [tilespmem:s25+$0x5400]  }
0x1ed: {  	v21 =	vld [tilespmem:s25+$0x5470]  }
.Ltmp4:
0x1ee: {  	v17 =	vld [tilespmem:s25+$0x5460];
	(pc) =	sbr.rel @p1 .LBB2_7-.Ltmp4, $4  }
0x1ef: {  	v16 =	vld [tilespmem:s25+$0x5450]  }
0x1f0: {  	v15 =	vld [tilespmem:s25+$0x5440]  }
0x1f1: {  	v19 =	vadd.f32 v18, v13;
	v14 =	vld [tilespmem:s25+$0x5430]  }
0x1f2: {  	s3 =	sadd.s32 $0x200, s3;
	v13 =	vld [tilespmem:s25+$0x5420];
	v18 =	vadd.f32 v20, v21  }
0x1f3: {  	v3 =	vadd.f32 v3, v19;
	v61 =	vld [tilespmem:s25+$0x5410];
	v12 =	vadd.f32 v12, v17  }
0x1f4: {  	v62 =	vld [tilespmem:s25+$0x7C20];
	v11 =	vadd.f32 v11, v16;
	v8 =	vadd.f32 v8, v18  }
0x1f5: {  	[tilespmem:s25+$0x5400] =	vst v3;
	v3 =	vld [tilespmem:s25+$0x7C10];
	v10 =	vadd.f32 v10, v15;
	v6 =	vadd.f32 v6, v12  }
0x1f6: {  	v9 =	vadd.f32 v9, v14;
	v4 =	vadd.f32 v4, v11;
	[tilespmem:s25+$0x5470] =	vst v8  }
0x1f7: {  	v7 =	vadd.f32 v7, v13;
	v1 =	vadd.f32 v1, v10;
	[tilespmem:s25+$0x5460] =	vst v6  }
0x1f8: {  	v5 =	vadd.f32 v5, v61;
	v2 =	vadd.f32 v2, v9;
	[tilespmem:s25+$0x5450] =	vst v4  }
0x1f9: {  	s0 =	rddreg [dreg:$0x9];
	v63 =	vadd.f32 v62, v7;
	[tilespmem:s25+$0x5440] =	vst v1  }
0x1fa: {  	s0 =	sadd.s32 s24, s0;
	v1 =	vadd.f32 v3, v5;
	[tilespmem:s25+$0x5430] =	vst v2  }
0x1fb: {  	s0 =	sshll.u32 s0, $0x4;
	[tilespmem:s25+$0x5420] =	vst v63  }
0x1fc: {  	s0 =	sadd.s32 s19, s0;
	[tilespmem:s25+$0x5410] =	vst v1  }
0x1fd: {  	[hbm4b:s0+s5] =	stream.linear.scatter [tilespmem:s28], [sflag:$0x6], $0x1400, $0x38;
	[tilespmem:$0x1FF00] =	vst v63  }
0x1fe: {  	s4 =	smov.u32 s19;
	s1 =	simm.s32 $0xA580;
	s19 =	rddreg [dreg:$0x4]  }
0x1ff: {  	[spmem:s19] =	stream.indirect.scatter.add.f32 [tilespmem:s1], [sflag:$0x7], $0x1, s29, s23, $0xb8;
	[tilespmem:$0x1FF00] =	vst v63  }
0x200: {  	_ =	swait.ge [sflag:s20], $0x28  }
0x201: {  	[sflag:s20] =	ssyncset.done $0x0  }
0x202: {  	[sflag:s20] =	ssyncadd.s32 $0xFFFFFFD8  }
.Ltmp5:
0x203: {  	s25 =	rddreg [dreg:$0x3];
	(pc) =	sbr.rel @p0 .LBB2_10-.Ltmp5, $4  }
0x204: {  	[spmem:s25] =	stream.indirect.scatter.add.f32 [tilespmem:s17], [sflag:$0x7], $0x80, s29, s23, $0xb8;
	[tilespmem:$0x1FF00] =	vst v63  }
0x205: {  	_ =	swait.ge [sflag:s20], $0x1400  }
0x206: {  	[sflag:s20] =	ssyncset.done $0x0  }
0x207: {  	[sflag:s20] =	ssyncadd.s32 $0xFFFFEC00  }
0x208: {  	s0 =	rddreg [dreg:$0x15]  }
0x209: {  	s0 =	sadd.s32 s24, s0  }
0x20a: {  	s1 =	sshrl.u32 s0, $0x3  }
0x20b: {  	s2 =	sadd.s32 s7, s1  }
0x20c: {  	[tilespmem:s26], [sflag:$0x4] =	stream.linear.gather [hbm4b:s2+s5], $0x28, $0x38;
	[tilespmem:$0x1FF00] =	vst v63  }
0x20d: {  	s24 =	sadd.s32 s8, s1  }
0x20e: {  	[tilespmem:s29], [sflag:$0x4] =	stream.linear.gather [hbm4b:s24+s5], $0x28, $0x38;
	[tilespmem:$0x1FF00] =	vst v63  }
0x20f: {  	_ =	swait.ge [sflag:s21], $0x1400  }
0x210: {  	[sflag:s21] =	ssyncset.done $0x0  }
0x211: {  	[sflag:s21] =	ssyncadd.s32 $0xFFFFEC00  }
0x212: {  	_ =	swait.ge [sflag:s6], $0x28  }
0x213: {  	[sflag:s6] =	ssyncset.done $0x0  }
0x214: {  	[sflag:s6] =	ssyncadd.s32 $0xFFFFFFD8  }
0x215: {  	_ =	swait.ge [sflag:s6], $0x28  }
0x216: {  	[sflag:s6] =	ssyncset.done $0x0  }
0x217: {  	[sflag:s6] =	ssyncadd.s32 $0xFFFFFFD8  }
0x218: {  	s3 =	simm.s32 $0x6800;
	s25 =	rddreg [dreg:$0x1]  }
0x219: {  	[tilespmem:s3], [sflag:$0x5] =	stream.indirect.gather [hbm4b:s25+s23], $0x80, s26, s23, $0xb8;
	[tilespmem:$0x1FF00] =	vst v63  }
0x21a: {  	s3 =	simm.s32 $0x7C00  }
0x21b: {  	[tilespmem:s3], [sflag:$0x5] =	stream.indirect.gather [hbm4b:s10+s23], $0x80, s29, s23, $0xb8;
	[tilespmem:$0x1FF00] =	vst v63  }
0x21c: {  	_ = 	snop  }
0x21d: {  	[tilespmem:s17], [sflag:$0x5] =	stream.indirect.gather [hbm4b:s11+s23], $0x80, s26, s23, $0xb8;
	[tilespmem:$0x1FF00] =	vst v63  }
0x21e: {  	s15 =	simm.s32 $0xA480  }
0x21f: {  	[tilespmem:s15], [sflag:$0x5] =	stream.indirect.gather [hbm4b:s13+s23], $0x1, s26, s23, $0xb8;
	[tilespmem:$0x1FF00] =	vst v63  }
0x220: {  	s19 =	simm.s32 $0xA500  }
0x221: {  	[tilespmem:s19], [sflag:$0x5] =	stream.indirect.gather [hbm4b:s14+s23], $0x1, s29, s23, $0xb8;
	[tilespmem:$0x1FF00] =	vst v63  }
.Ltmp6:
0x222: {  	s0 =	sshll.u32 s0, $0x4;
	(pc) =	sbr.rel .LBB2_4-.Ltmp6, $4  }
0x223: {  	s0 =	sadd.s32 s9, s0  }
0x224: {  	[tilespmem:s28], [sflag:$0x5] =	stream.linear.gather [hbm4b:s0+s5], $0x1400, $0x38;
	[tilespmem:$0x1FF00] =	vst v63  }
0x225: {  	s16 =	sadd.s32 $0x1, s16;
	s24 =	sadd.s32 s12, s1;
	s25 =	simm.s32 $0xA400  }
0x226: {  	[tilespmem:s25], [sflag:$0x5] =	stream.linear.gather [hbm4b:s24+s5], $0x28, $0x38;
	[tilespmem:$0x1FF00] =	vst v63  }
.LBB2_11:
0x227: {  	_ =	sfence.sel $0x180000  }
0x228: {  	[bflag:$0x0] =	sbarrier.arrive $0xFFFF  }
0x229: {  	_ =	strace $0x90000047  }
0x22a: {  	s0 =	stileid.u32;
	[bflag:$0x2] =	sbarrier.arrive $0xFFFF  }
0x22b: {  	p0 =	sne.s32 s0, $0x0;
	s0 =	rddreg [dreg:$0x5]  }
0x22c: {  	s0 =	sadd.s32 @!p0 $0x100000, s0  }
0x22d: {  	[sflag:s0] =	ssyncadd.tile.s32 @!p0 $0x1;
	_ =	shalt  }
.Lfunc_end2:
_tile_overlayer_lowered:
.L_overlay_start_2:
0x22e: {  	(tag) =	ssettag $0x2  }
0x22f: {  	s0 =	rddreg [dreg:$0x0];
	s2 =	stileid.u32  }
0x230: {  	s1 =	rddreg [dreg:$0x1];
	p0 =	sne.s32 s2, $0x0  }
0x231: {  	s3 =	rddreg [dreg:$0x2];
	[bflag:$0x3] =	sbarrier.arrive $0xFFFF;
	s2 =	simm.s32 @!p0 $0x1C07  }
0x232: {  	[timem:s3], [sflag:s2] =	dma.local @!p0 [hbm:s0], s1  }
0x233: {  	s0 =	simm.s32 @!p0 $0x7  }
0x234: {  	_ =	swait.ge @!p0 [sflag:s0], s1  }
0x235: {  	s1 =	ssub.s32 @!p0 $0x0, s1;
	[sflag:s0] =	ssyncset.done @!p0 $0x0  }
0x236: {  	[sflag:s0] =	ssyncadd.s32 @!p0 s1  }
0x237: {  	[bflag:$0x3] =	sbarrier.arrive $0xFFFF  }
0x238: {  	_ =	shalt  }

</sc_bundles>
